<compile_context>
chip_gen: v7x
topology: tpu7x:2x2x1
jax: 0.10.2.dev20260603
libtpu: 0.0.44.dev20260713+nightly
codegen_flags: <defaults>
</compile_context>

<pallas_src>
import functools

import jax
import jax.numpy as jnp
from jax import lax
from jax.experimental import pallas as pl
from jax.experimental.pallas import tpu as pltpu
from jax.experimental.pallas import tpu_sc as plsc

N = 10000
E = 320000
D = 128
H = 8

NC = 2
NS = 16
L = 16

NP = 10240
NB = NP // NS
EP = 327680
BLK = 128
NBLK = EP // BLK
BPT = NBLK // NS
CBLK = 32
NCHUNK = BPT // CBLK


def _leaky(x):
    return jnp.where(x >= 0, x, 0.01 * x)



def _mm_body(x_ref, w_ref, o_ref):
    o_ref[...] = jnp.dot(x_ref[...], w_ref[...],
                         preferred_element_type=jnp.float32)


def _vdot(a, b):
    acc = a[:, 0:1] * b[0:1, :]
    for k in range(1, a.shape[1]):
        acc = acc + a[:, k:k + 1] * b[k:k + 1, :]
    return acc


def _readout_body(ph_ref, w2_ref, b2_ref, g_ref, ones_scr):
    ones_scr[...] = jnp.ones((8, N), jnp.float32)
    for gi in range(NC):
        t = jnp.dot(ph_ref[gi], w2_ref[...],
                    preferred_element_type=jnp.float32) + b2_ref[...]
        t = _leaky(t)
        gsum = jnp.dot(ones_scr[...], t,
                       preferred_element_type=jnp.float32)
        gb = gsum[0:1, :].astype(jnp.bfloat16)
        g_ref[gi:gi + 1, :] = gb.astype(jnp.float32)


def _mlp_body(g_ref, wl1_ref, bl1_ref, wl2_ref, bl2_ref, o_ref):
    z = jnp.concatenate([g_ref[0:1, :], g_ref[1:2, :]], axis=1)
    r = _leaky(jnp.dot(z, wl1_ref[...],
                       preferred_element_type=jnp.float32) + bl1_ref[...])
    o_ref[...] = _vdot(r, wl2_ref[...]) + bl2_ref[...]



def _sc_body(rowH, colH, ewH, yH, zH, b1H, phH,
             row2d, col2d, ewf, urows, ul2d, sl2d, degl, dinvl, b1v,
             deg_sp, u_sp, s_sp, gsem, ssem):
    c = lax.axis_index("c")
    s = lax.axis_index("s")
    nb = s * NB
    bb0 = s * BPT

    iota = lax.iota(jnp.int32, L)
    io3 = jnp.right_shift(iota, 3)
    io_f = jnp.bitwise_and(iota, 7)
    e16m = [16 * i + iota for i in range(BLK // L)]
    f16v = [jnp.full((L,), f, dtype=jnp.int32) for f in range(H)]
    zero16 = jnp.zeros((L,), jnp.float32)

    pltpu.sync_copy(b1H, b1v)

    def _z_deg(i, _):
        degl[pl.ds(i * L, L)] = zero16
        return 0
    lax.fori_loop(0, NB // L, _z_deg, 0)
    pltpu.sync_copy(degl, deg_sp.at[pl.ds(nb, NB)])
    pltpu.sync_copy(zH.at[pl.ds(nb, NB)], s_sp.at[pl.ds(nb, NB)])
    plsc.subcore_barrier()

    def _deg_chunk(k, _):
        bb = bb0 + CBLK * k
        pltpu.sync_copy(colH.at[c].at[pl.ds(bb, CBLK)], col2d)
        pltpu.sync_copy(ewH.at[c].at[pl.ds(bb * BLK, CBLK * BLK)], ewf)

        def _deg_blk(j, _):
            pltpu.async_copy(ewf.at[pl.ds(j * BLK, BLK)],
                             deg_sp.at[col2d.at[j]], ssem, add=True)
            return 0
        lax.fori_loop(0, CBLK, _deg_blk, 0)

        def _deg_drain(j, _):
            pltpu.make_async_copy(ewf.at[pl.ds(0, BLK)],
                                  deg_sp.at[pl.ds(0, BLK)], ssem).wait()
            return 0
        lax.fori_loop(0, CBLK, _deg_drain, 0)
        return 0
    lax.fori_loop(0, NCHUNK, _deg_chunk, 0)
    plsc.subcore_barrier()

    pltpu.sync_copy(deg_sp.at[pl.ds(nb, NB)], degl)

    def _dinv(i, _):
        d = degl[pl.ds(i * L, L)] + 1.0
        half = 0.5 * d
        y = 1.0 / d

        def _newton(_, y):
            return y * (1.5 - half * y * y)
        y = lax.fori_loop(0, 22, _newton, y)
        dinvl[pl.ds(i * L, L)] = y
        return 0
    lax.fori_loop(0, NB // L, _dinv, 0)

    pltpu.sync_copy(yH.at[c].at[pl.ds(nb, NB)], ul2d)

    def _scale_u(i, _):
        r16 = io3 + 2 * i
        u = plsc.load_gather(ul2d, [r16, io_f])
        dv = plsc.load_gather(dinvl, [r16])
        plsc.store_scatter(ul2d, [r16, io_f], u * dv)
        return 0
    lax.fori_loop(0, (NB * H) // L, _scale_u, 0)
    pltpu.sync_copy(ul2d, u_sp.at[pl.ds(nb, NB)])
    plsc.subcore_barrier()

    def _propagate():
        def _chunk(k, _):
            bb = bb0 + CBLK * k
            pltpu.sync_copy(rowH.at[c].at[pl.ds(bb, CBLK)], row2d)
            pltpu.sync_copy(colH.at[c].at[pl.ds(bb, CBLK)], col2d)
            pltpu.sync_copy(ewH.at[c].at[pl.ds(bb * BLK, CBLK * BLK)], ewf)

            def _gfire(j, _):
                pltpu.async_copy(u_sp.at[row2d.at[j]], urows.at[j], gsem)
                return 0
            lax.fori_loop(0, CBLK, _gfire, 0)

            def _gdrain(j, _):
                pltpu.make_async_copy(u_sp.at[pl.ds(0, BLK)],
                                      urows.at[0], gsem).wait()
                return 0
            lax.fori_loop(0, CBLK, _gdrain, 0)

            def _mul_blk(j, _):
                j16 = jnp.full((L,), j, dtype=jnp.int32)
                for i in range(BLK // L):
                    ew16 = ewf[pl.ds(j * BLK + 16 * i, L)]
                    for f in range(H):
                        idx = [j16, e16m[i], f16v[f]]
                        uv = plsc.load_gather(urows, idx)
                        plsc.store_scatter(urows, idx, uv * ew16)
                pltpu.async_copy(urows.at[j], s_sp.at[col2d.at[j]],
                                 ssem, add=True)
                return 0
            lax.fori_loop(0, CBLK, _mul_blk, 0)

            def _sdrain(j, _):
                pltpu.make_async_copy(urows.at[0],
                                      s_sp.at[pl.ds(0, BLK)], ssem).wait()
                return 0
            lax.fori_loop(0, CBLK, _sdrain, 0)
            return 0
        lax.fori_loop(0, NCHUNK, _chunk, 0)

    _propagate()
    plsc.subcore_barrier()

    pltpu.sync_copy(s_sp.at[pl.ds(nb, NB)], sl2d)
    b1vec = b1v[...]

    def _inter(i, _):
        r16 = io3 + 2 * i
        sv = plsc.load_gather(sl2d, [r16, io_f])
        uv = plsc.load_gather(ul2d, [r16, io_f])
        dv = plsc.load_gather(dinvl, [r16])
        z = dv * (sv + uv) + b1vec
        h = jnp.where(z >= 0, z, 0.01 * z)
        plsc.store_scatter(ul2d, [r16, io_f], dv * h)
        return 0
    lax.fori_loop(0, (NB * H) // L, _inter, 0)
    pltpu.sync_copy(zH.at[pl.ds(nb, NB)], s_sp.at[pl.ds(nb, NB)])
    pltpu.sync_copy(ul2d, u_sp.at[pl.ds(nb, NB)])
    plsc.subcore_barrier()

    _propagate()
    plsc.subcore_barrier()

    pltpu.sync_copy(s_sp.at[pl.ds(nb, NB)], sl2d)

    def _out(i, _):
        r16 = io3 + 2 * i
        sv = plsc.load_gather(sl2d, [r16, io_f])
        uv = plsc.load_gather(ul2d, [r16, io_f])
        dv = plsc.load_gather(dinvl, [r16])
        plsc.store_scatter(sl2d, [r16, io_f], dv * (sv + uv))
        return 0
    lax.fori_loop(0, (NB * H) // L, _out, 0)
    pltpu.sync_copy(sl2d, phH.at[c].at[pl.ds(nb, NB)])


_sc_call = functools.partial(
    pl.kernel,
    out_type=jax.ShapeDtypeStruct((NC, NP, H), jnp.float32),
    mesh=plsc.VectorSubcoreMesh(core_axis_name="c", subcore_axis_name="s",
                                num_cores=NC, num_subcores=NS),
    compiler_params=pltpu.CompilerParams(needs_layout_passes=False,
                                         use_tc_tiling_on_sc=False),
    scratch_types=[
        pltpu.VMEM((CBLK, BLK), jnp.int32),
        pltpu.VMEM((CBLK, BLK), jnp.int32),
        pltpu.VMEM((CBLK * BLK,), jnp.float32),
        pltpu.VMEM((CBLK, BLK, H), jnp.float32),
        pltpu.VMEM((NB, H), jnp.float32),
        pltpu.VMEM((NB, H), jnp.float32),
        pltpu.VMEM((NB,), jnp.float32),
        pltpu.VMEM((NB,), jnp.float32),
        pltpu.VMEM((L,), jnp.float32),
        pltpu.VMEM_SHARED((NP,), jnp.float32),
        pltpu.VMEM_SHARED((NP, H), jnp.float32),
        pltpu.VMEM_SHARED((NP, H), jnp.float32),
        pltpu.SemaphoreType.DMA,
        pltpu.SemaphoreType.DMA,
    ],
)


def kernel(x1, edge_index1, edge_attr1, x2, edge_index2, edge_attr2,
           W1, b1, W2, b2, Wl1, bl1, Wl2, bl2):
    f32 = jnp.float32
    pad_n = EP - E
    pad_idx = (N + (jnp.arange(pad_n, dtype=jnp.int32) % (NP - N)))

    def prep(ei, ea):
        row = jnp.concatenate([ei[0].astype(jnp.int32), pad_idx])
        col = jnp.concatenate([ei[1].astype(jnp.int32), pad_idx])
        ew = jnp.concatenate([ea.astype(f32), jnp.zeros((pad_n,), f32)])
        return row, col, ew

    r1, c1, w1e = prep(edge_index1, edge_attr1)
    r2, c2, w2e = prep(edge_index2, edge_attr2)
    rowH = jnp.stack([r1, r2]).reshape(NC, NBLK, BLK)
    colH = jnp.stack([c1, c2]).reshape(NC, NBLK, BLK)
    ewH = jnp.stack([w1e, w2e])

    xp = jnp.zeros((NC, NP, D), f32).at[:, :N].set(jnp.stack([x1, x2]))
    MB = 2048
    y = pl.pallas_call(
        _mm_body,
        grid=(NC * NP // MB,),
        in_specs=[pl.BlockSpec((MB, D), lambda i: (i, 0)),
                  pl.BlockSpec((D, H), lambda i: (0, 0))],
        out_specs=pl.BlockSpec((MB, H), lambda i: (i, 0)),
        out_shape=jax.ShapeDtypeStruct((NC * NP, H), f32),
    )(xp.reshape(NC * NP, D), W1)
    yH = y.reshape(NC, NP, H)

    zH = jnp.zeros((NP, H), f32)
    b1t = jnp.concatenate([b1, b1]).astype(f32)

    ph = _sc_call(_sc_body)(rowH, colH, ewH, yH, zH, b1t)

    g = pl.pallas_call(
        _readout_body,
        out_shape=jax.ShapeDtypeStruct((NC, H), f32),
        scratch_shapes=[pltpu.VMEM((8, N), jnp.float32)],
    )(ph[:, :N], W2, b2.reshape(1, H))

    out = pl.pallas_call(
        _mlp_body,
        out_shape=jax.ShapeDtypeStruct((1, 1), f32),
    )(g, Wl1, bl1.reshape(1, 4), Wl2, bl2.reshape(1, 1))
    return out.reshape(1)

# --- scband reference (transcript-rebuilt; emitter-appended) ---
"""Pipeline reference for scband-net-63496796504133 (READ-ONLY COPY).

The authoritative reference and input builder live on the scoring server;
editing this copy changes nothing except your own understanding.
"""

import jax, jax.numpy as jnp
import numpy as np

N = 10000
E = 320000
D = 128
H = 8


def setup_inputs(seed: int = 0) -> dict:
    key = jax.random.key(seed)
    ks = jax.random.split(key, 16)
    inp = {}
    inp["x1"] = jax.random.normal(ks[0], (N, D), dtype=jnp.float32)
    inp["edge_index1"] = jax.random.randint(ks[1], (2, E), 0, N)
    inp["edge_attr1"] = jax.random.uniform(ks[2], (E,), dtype=jnp.float32)
    inp["x2"] = jax.random.normal(ks[3], (N, D), dtype=jnp.float32)
    inp["edge_index2"] = jax.random.randint(ks[4], (2, E), 0, N)
    inp["edge_attr2"] = jax.random.uniform(ks[5], (E,), dtype=jnp.float32)
    s1 = float(1.0 / np.sqrt(D))
    inp["W1"] = jax.random.uniform(ks[6], (D, H), jnp.float32, -s1, s1)
    inp["b1"] = jnp.zeros((H,), jnp.float32)
    s2 = float(1.0 / np.sqrt(H))
    inp["W2"] = jax.random.uniform(ks[7], (H, H), jnp.float32, -s2, s2)
    inp["b2"] = jnp.zeros((H,), jnp.float32)
    s3 = float(1.0 / np.sqrt(2 * H))
    inp["Wl1"] = jax.random.uniform(ks[8], (2 * H, 4), jnp.float32, -s3, s3)
    inp["bl1"] = jax.random.uniform(ks[9], (4,), jnp.float32, -s3, s3)
    inp["Wl2"] = jax.random.uniform(ks[10], (4, 1), jnp.float32, -0.5, 0.5)
    inp["bl2"] = jax.random.uniform(ks[11], (1,), jnp.float32, -0.5, 0.5)
    return inp


def _leaky(x):
    return jnp.where(x >= 0, x, 0.01 * x)


def _sgconv(x, edge_index, edge_weight, W, b):
    # PyG SGConv with K=1: gcn_norm (self-loops, symmetric norm) -> propagate -> linear
    n = x.shape[0]
    row = edge_index[0]
    col = edge_index[1]
    loop = jnp.arange(n, dtype=row.dtype)
    row = jnp.concatenate([row, loop])
    col = jnp.concatenate([col, loop])
    ew = jnp.concatenate([edge_weight, jnp.ones((n,), jnp.float32)])
    deg = jax.ops.segment_sum(ew, col, num_segments=n)
    dinv = jnp.where(deg > 0, deg ** -0.5, 0.0)
    norm = dinv[row] * ew * dinv[col]
    msg = x[row] * norm[:, None]
    out = jax.ops.segment_sum(msg, col, num_segments=n)
    return out @ W + b


def reference(x1, edge_index1, edge_attr1, x2, edge_index2, edge_attr2, W1, b1, W2, b2, Wl1, bl1, Wl2, bl2):
    h1 = _leaky(_sgconv(x1, edge_index1, edge_attr1, W1, b1))
    h1 = _leaky(_sgconv(h1, edge_index1, edge_attr1, W2, b2))
    g1 = h1.sum(axis=0)
    h2 = _leaky(_sgconv(x2, edge_index2, edge_attr2, W1, b1))
    h2 = _leaky(_sgconv(h2, edge_index2, edge_attr2, W2, b2))
    g2 = h2.sum(axis=0)
    z = jnp.concatenate([g1, g2], axis=0)
    z = _leaky(z @ Wl1 + bl1)
    return z @ Wl2 + bl2

if __name__ == "__main__":
    import jax
    _d = setup_inputs()
    print(jax.jit(kernel)(*tuple(_d.values())))

</pallas_src>

<mosaic_0001>
#map = affine_map<(d0, d1) -> (0, 0, 0)>
#map1 = affine_map<(d0, d1) -> (0, 0)>
#map2 = affine_map<(d0, d1) -> (0)>
module attributes {stable_mosaic.version = 14 : i64} {
  func.func @_sc_body(%arg0: i32, %arg1: i32, %arg2: memref<2x2560x128xi32, #tpu.memory_space<hbm>>, %arg3: memref<2x2560x128xi32, #tpu.memory_space<hbm>>, %arg4: memref<2x327680xf32, #tpu.memory_space<hbm>>, %arg5: memref<2x10240x8xf32, #tpu.memory_space<hbm>>, %arg6: memref<10240x8xf32, #tpu.memory_space<hbm>>, %arg7: memref<16xf32, #tpu.memory_space<hbm>>, %arg8: memref<2x10240x8xf32, #tpu.memory_space<hbm>>, %arg9: memref<32x128xi32, #tpu.memory_space<vmem>>, %arg10: memref<32x128xi32, #tpu.memory_space<vmem>>, %arg11: memref<4096xf32, #tpu.memory_space<vmem>>, %arg12: memref<32x128x8xf32, #tpu.memory_space<vmem>>, %arg13: memref<640x8xf32, #tpu.memory_space<vmem>>, %arg14: memref<640x8xf32, #tpu.memory_space<vmem>>, %arg15: memref<640xf32, #tpu.memory_space<vmem>>, %arg16: memref<640xf32, #tpu.memory_space<vmem>>, %arg17: memref<16xf32, #tpu.memory_space<vmem>>, %arg18: memref<10240xf32, #tpu.memory_space<vmem_shared>>, %arg19: memref<10240x8xf32, #tpu.memory_space<vmem_shared>>, %arg20: memref<10240x8xf32, #tpu.memory_space<vmem_shared>>, %arg21: memref<!tpu.dma_semaphore, #tpu.memory_space<semaphore_mem>>, %arg22: memref<!tpu.dma_semaphore, #tpu.memory_space<semaphore_mem>>) attributes {dimension_semantics = [#tpu.dimension_semantics<core_parallel>, #tpu.dimension_semantics<subcore_parallel>], iteration_bounds = array<i64: 2, 16>, scalar_prefetch = 0 : i64, scratch_operands = 14 : i64, tpu.core_type = #tpu.core_type<sc_vector_subcore>, window_params = [{transform_indices = #map}, {transform_indices = #map}, {transform_indices = #map1}, {transform_indices = #map}, {transform_indices = #map1}, {transform_indices = #map2}, {transform_indices = #map}]} {
    %mul3A = arith.constant 640 : i32
    %mul3A_0 = arith.muli %arg1, %mul3A : i32
    %mul3A_1 = arith.constant 160 : i32
    %mul3A_2 = arith.muli %arg1, %mul3A_1 : i32
    %iota3A = tpu.iota {dimensions = array<i32: 0>} : vector<16xi32>
    %shift_right_arithmetic3A = arith.constant 3 : i32
    %shift_right_arithmetic3A_3 = vector.broadcast %shift_right_arithmetic3A : i32 to vector<16xi32>
    %shift_right_arithmetic3A_4 = arith.shrsi %iota3A, %shift_right_arithmetic3A_3 : vector<16xi32>
    %and3A = arith.constant 7 : i32
    %and3A_5 = vector.broadcast %and3A : i32 to vector<16xi32>
    %and3A_6 = arith.andi %iota3A, %and3A_5 : vector<16xi32>
    %add3A = arith.constant 0 : i32
    %add3A_7 = vector.broadcast %add3A : i32 to vector<16xi32>
    %add3A_8 = arith.addi %add3A_7, %iota3A : vector<16xi32>
    %add3A_9 = arith.constant 16 : i32
    %add3A_10 = vector.broadcast %add3A_9 : i32 to vector<16xi32>
    %add3A_11 = arith.addi %add3A_10, %iota3A : vector<16xi32>
    %add3A_12 = arith.constant 32 : i32
    %add3A_13 = vector.broadcast %add3A_12 : i32 to vector<16xi32>
    %add3A_14 = arith.addi %add3A_13, %iota3A : vector<16xi32>
    %add3A_15 = arith.constant 48 : i32
    %add3A_16 = vector.broadcast %add3A_15 : i32 to vector<16xi32>
    %add3A_17 = arith.addi %add3A_16, %iota3A : vector<16xi32>
    %add3A_18 = arith.constant 64 : i32
    %add3A_19 = vector.broadcast %add3A_18 : i32 to vector<16xi32>
    %add3A_20 = arith.addi %add3A_19, %iota3A : vector<16xi32>
    %add3A_21 = arith.constant 80 : i32
    %add3A_22 = vector.broadcast %add3A_21 : i32 to vector<16xi32>
    %add3A_23 = arith.addi %add3A_22, %iota3A : vector<16xi32>
    %add3A_24 = arith.constant 96 : i32
    %add3A_25 = vector.broadcast %add3A_24 : i32 to vector<16xi32>
    %add3A_26 = arith.addi %add3A_25, %iota3A : vector<16xi32>
    %add3A_27 = arith.constant 112 : i32
    %add3A_28 = vector.broadcast %add3A_27 : i32 to vector<16xi32>
    %add3A_29 = arith.addi %add3A_28, %iota3A : vector<16xi32>
    %broadcast_in_dim3A = arith.constant 0 : i32
    %broadcast_in_dim3A_30 = vector.broadcast %broadcast_in_dim3A : i32 to vector<16xi32>
    %broadcast_in_dim3A_31 = arith.constant 1 : i32
    %broadcast_in_dim3A_32 = vector.broadcast %broadcast_in_dim3A_31 : i32 to vector<16xi32>
    %broadcast_in_dim3A_33 = arith.constant 2 : i32
    %broadcast_in_dim3A_34 = vector.broadcast %broadcast_in_dim3A_33 : i32 to vector<16xi32>
    %broadcast_in_dim3A_35 = arith.constant 3 : i32
    %broadcast_in_dim3A_36 = vector.broadcast %broadcast_in_dim3A_35 : i32 to vector<16xi32>
    %broadcast_in_dim3A_37 = arith.constant 4 : i32
    %broadcast_in_dim3A_38 = vector.broadcast %broadcast_in_dim3A_37 : i32 to vector<16xi32>
    %broadcast_in_dim3A_39 = arith.constant 5 : i32
    %broadcast_in_dim3A_40 = vector.broadcast %broadcast_in_dim3A_39 : i32 to vector<16xi32>
    %broadcast_in_dim3A_41 = arith.constant 6 : i32
    %broadcast_in_dim3A_42 = vector.broadcast %broadcast_in_dim3A_41 : i32 to vector<16xi32>
    %broadcast_in_dim3A_43 = arith.constant 7 : i32
    %broadcast_in_dim3A_44 = vector.broadcast %broadcast_in_dim3A_43 : i32 to vector<16xi32>
    %broadcast_in_dim3A_45 = arith.constant 0.000000e+00 : f32
    %broadcast_in_dim3A_46 = vector.broadcast %broadcast_in_dim3A_45 : f32 to vector<16xf32>
    "tpu.region"() ({
      %run_scoped3A = tpu.sem_alloc : memref<!tpu.dma_semaphore, #tpu.memory_space<semaphore_mem>>
      tpu.enqueue_dma source(%arg7 : memref<16xf32, #tpu.memory_space<hbm>>) target(%arg17 : memref<16xf32, #tpu.memory_space<vmem>>) target_semaphore(%run_scoped3A : memref<!tpu.dma_semaphore, #tpu.memory_space<semaphore_mem>>)
      tpu.wait_dma2 semaphore(%run_scoped3A : memref<!tpu.dma_semaphore, #tpu.memory_space<semaphore_mem>>) src(%arg7 : memref<16xf32, #tpu.memory_space<hbm>>) dst(%arg17 : memref<16xf32, #tpu.memory_space<vmem>>)
      tpu.yield
    }) : () -> ()
    %scan3A = arith.constant 0 : i32
    %scan3A_47 = arith.constant 0 : i32
    %scan3A_48 = arith.constant 40 : i32
    %scan3A_49 = arith.addi %scan3A_47, %scan3A_48 : i32
    %scan3A_50 = arith.constant 1 : i32
    %scan3A_51 = scf.for %scan3A_108 = %scan3A_47 to %scan3A_49 step %scan3A_50 iter_args(%scan3A_109 = %scan3A) -> (i32)  : i32 {
      %mul3A_110 = arith.constant 16 : i32
      %mul3A_111 = arith.muli %scan3A_108, %mul3A_110 : i32
      %swap3A = arith.index_cast %mul3A_111 : i32 to index
      %swap3A_112 = tpu.vector_load %arg15[%swap3A] {strides = array<i32>} : memref<640xf32, #tpu.memory_space<vmem>>, vector<16xf32>,
      tpu.vector_store %arg15[%swap3A], %broadcast_in_dim3A_46 {strides = array<i32>} : memref<640xf32, #tpu.memory_space<vmem>>, vector<16xf32>,
      %scan3A_113 = arith.constant 0 : i32
      scf.yield %scan3A_113 : i32
    }
    %scan3A_52 = arith.constant 40 : i32
    "tpu.region"() ({
      %run_scoped3A = tpu.sem_alloc : memref<!tpu.dma_semaphore, #tpu.memory_space<semaphore_mem>>
      %dma_start3A = tpu.memref_slice %arg18[%mul3A_0] : memref<10240xf32, #tpu.memory_space<vmem_shared>> -> memref<640xf32, #tpu.memory_space<vmem_shared>>
      %dma_start3A_108 = tpu.memref_slice %arg18[%mul3A_0] : memref<10240xf32, #tpu.memory_space<vmem_shared>> -> memref<640xf32, #tpu.memory_space<vmem_shared>>
      tpu.enqueue_dma source(%arg15 : memref<640xf32, #tpu.memory_space<vmem>>) target(%dma_start3A_108 : memref<640xf32, #tpu.memory_space<vmem_shared>>) target_semaphore(%run_scoped3A : memref<!tpu.dma_semaphore, #tpu.memory_space<semaphore_mem>>)
      %dma_wait3A = tpu.memref_slice %arg18[%mul3A_0] : memref<10240xf32, #tpu.memory_space<vmem_shared>> -> memref<640xf32, #tpu.memory_space<vmem_shared>>
      %dma_wait3A_109 = tpu.memref_slice %arg18[%mul3A_0] : memref<10240xf32, #tpu.memory_space<vmem_shared>> -> memref<640xf32, #tpu.memory_space<vmem_shared>>
      tpu.wait_dma2 semaphore(%run_scoped3A : memref<!tpu.dma_semaphore, #tpu.memory_space<semaphore_mem>>) src(%arg15 : memref<640xf32, #tpu.memory_space<vmem>>) dst(%dma_wait3A_109 : memref<640xf32, #tpu.memory_space<vmem_shared>>)
      tpu.yield
    }) : () -> ()
    "tpu.region"() ({
      %run_scoped3A = tpu.sem_alloc : memref<!tpu.dma_semaphore, #tpu.memory_space<semaphore_mem>>
      %dma_start3A = arith.constant 0 : i32
      %dma_start3A_108 = tpu.memref_slice %arg20[%mul3A_0, %dma_start3A] : memref<10240x8xf32, #tpu.memory_space<vmem_shared>> -> memref<640x8xf32, #tpu.memory_space<vmem_shared>>
      %dma_start3A_109 = arith.constant 0 : i32
      %dma_start3A_110 = tpu.memref_slice %arg6[%mul3A_0, %dma_start3A_109] : memref<10240x8xf32, #tpu.memory_space<hbm>> -> memref<640x8xf32, #tpu.memory_space<hbm>>
      tpu.enqueue_dma source(%dma_start3A_110 : memref<640x8xf32, #tpu.memory_space<hbm>>) target(%dma_start3A_108 : memref<640x8xf32, #tpu.memory_space<vmem_shared>>) target_semaphore(%run_scoped3A : memref<!tpu.dma_semaphore, #tpu.memory_space<semaphore_mem>>)
      %dma_wait3A = arith.constant 0 : i32
      %dma_wait3A_111 = tpu.memref_slice %arg20[%mul3A_0, %dma_wait3A] : memref<10240x8xf32, #tpu.memory_space<vmem_shared>> -> memref<640x8xf32, #tpu.memory_space<vmem_shared>>
      %dma_wait3A_112 = arith.constant 0 : i32
      %dma_wait3A_113 = tpu.memref_slice %arg6[%mul3A_0, %dma_wait3A_112] : memref<10240x8xf32, #tpu.memory_space<hbm>> -> memref<640x8xf32, #tpu.memory_space<hbm>>
      tpu.wait_dma2 semaphore(%run_scoped3A : memref<!tpu.dma_semaphore, #tpu.memory_space<semaphore_mem>>) src(%dma_wait3A_113 : memref<640x8xf32, #tpu.memory_space<hbm>>) dst(%dma_wait3A_111 : memref<640x8xf32, #tpu.memory_space<vmem_shared>>)
      tpu.yield
    }) : () -> ()
    %barrier3A = arith.constant 0 : index
    tpu.barrier barrier_id(%barrier3A)
    %scan3A_53 = arith.constant 0 : i32
    %scan3A_54 = arith.constant 0 : i32
    %scan3A_55 = arith.constant 5 : i32
    %scan3A_56 = arith.addi %scan3A_54, %scan3A_55 : i32
    %scan3A_57 = arith.constant 1 : i32
    %scan3A_58 = scf.for %scan3A_108 = %scan3A_54 to %scan3A_56 step %scan3A_57 iter_args(%scan3A_109 = %scan3A_53) -> (i32)  : i32 {
      %mul3A_110 = arith.constant 32 : i32
      %mul3A_111 = arith.muli %mul3A_110, %scan3A_108 : i32
      %add3A_112 = arith.addi %mul3A_2, %mul3A_111 : i32
      "tpu.region"() ({
        %run_scoped3A = tpu.sem_alloc : memref<!tpu.dma_semaphore, #tpu.memory_space<semaphore_mem>>
        %dma_start3A = arith.constant 0 : i32
        %dma_start3A_130 = arith.constant 0 : i32
        %dma_start3A_131 = tpu.memref_slice %arg3[%arg0, %dma_start3A, %dma_start3A_130] : memref<2x2560x128xi32, #tpu.memory_space<hbm>> -> memref<1x2560x128xi32, #tpu.memory_space<hbm>>
        %dma_start3A_132 = tpu.memref_squeeze %dma_start3A_131 : memref<1x2560x128xi32, #tpu.memory_space<hbm>> -> memref<2560x128xi32, #tpu.memory_space<hbm>>
        %dma_start3A_133 = arith.constant 0 : i32
        %dma_start3A_134 = tpu.memref_slice %dma_start3A_132[%add3A_112, %dma_start3A_133] : memref<2560x128xi32, #tpu.memory_space<hbm>> -> memref<32x128xi32, #tpu.memory_space<hbm>>
        %dma_start3A_135 = arith.constant 0 : i32
        %dma_start3A_136 = arith.constant 0 : i32
        %dma_start3A_137 = tpu.memref_slice %arg3[%arg0, %dma_start3A_135, %dma_start3A_136] : memref<2x2560x128xi32, #tpu.memory_space<hbm>> -> memref<1x2560x128xi32, #tpu.memory_space<hbm>>
        %dma_start3A_138 = tpu.memref_squeeze %dma_start3A_137 : memref<1x2560x128xi32, #tpu.memory_space<hbm>> -> memref<2560x128xi32, #tpu.memory_space<hbm>>
        %dma_start3A_139 = arith.constant 0 : i32
        %dma_start3A_140 = tpu.memref_slice %dma_start3A_138[%add3A_112, %dma_start3A_139] : memref<2560x128xi32, #tpu.memory_space<hbm>> -> memref<32x128xi32, #tpu.memory_space<hbm>>
        tpu.enqueue_dma source(%dma_start3A_140 : memref<32x128xi32, #tpu.memory_space<hbm>>) target(%arg10 : memref<32x128xi32, #tpu.memory_space<vmem>>) target_semaphore(%run_scoped3A : memref<!tpu.dma_semaphore, #tpu.memory_space<semaphore_mem>>)
        %dma_wait3A = arith.constant 0 : i32
        %dma_wait3A_141 = arith.constant 0 : i32
        %dma_wait3A_142 = tpu.memref_slice %arg3[%arg0, %dma_wait3A, %dma_wait3A_141] : memref<2x2560x128xi32, #tpu.memory_space<hbm>> -> memref<1x2560x128xi32, #tpu.memory_space<hbm>>
        %dma_wait3A_143 = tpu.memref_squeeze %dma_wait3A_142 : memref<1x2560x128xi32, #tpu.memory_space<hbm>> -> memref<2560x128xi32, #tpu.memory_space<hbm>>
        %dma_wait3A_144 = arith.constant 0 : i32
        %dma_wait3A_145 = tpu.memref_slice %dma_wait3A_143[%add3A_112, %dma_wait3A_144] : memref<2560x128xi32, #tpu.memory_space<hbm>> -> memref<32x128xi32, #tpu.memory_space<hbm>>
        %dma_wait3A_146 = arith.constant 0 : i32
        %dma_wait3A_147 = arith.constant 0 : i32
        %dma_wait3A_148 = tpu.memref_slice %arg3[%arg0, %dma_wait3A_146, %dma_wait3A_147] : memref<2x2560x128xi32, #tpu.memory_space<hbm>> -> memref<1x2560x128xi32, #tpu.memory_space<hbm>>
        %dma_wait3A_149 = tpu.memref_squeeze %dma_wait3A_148 : memref<1x2560x128xi32, #tpu.memory_space<hbm>> -> memref<2560x128xi32, #tpu.memory_space<hbm>>
        %dma_wait3A_150 = arith.constant 0 : i32
        %dma_wait3A_151 = tpu.memref_slice %dma_wait3A_149[%add3A_112, %dma_wait3A_150] : memref<2560x128xi32, #tpu.memory_space<hbm>> -> memref<32x128xi32, #tpu.memory_space<hbm>>
        tpu.wait_dma2 semaphore(%run_scoped3A : memref<!tpu.dma_semaphore, #tpu.memory_space<semaphore_mem>>) src(%dma_wait3A_151 : memref<32x128xi32, #tpu.memory_space<hbm>>) dst(%arg10 : memref<32x128xi32, #tpu.memory_space<vmem>>)
        tpu.yield
      }) : () -> ()
      %mul3A_113 = arith.constant 128 : i32
      %mul3A_114 = arith.muli %add3A_112, %mul3A_113 : i32
      "tpu.region"() ({
        %run_scoped3A = tpu.sem_alloc : memref<!tpu.dma_semaphore, #tpu.memory_space<semaphore_mem>>
        %dma_start3A = arith.constant 0 : i32
        %dma_start3A_130 = tpu.memref_slice %arg4[%arg0, %dma_start3A] : memref<2x327680xf32, #tpu.memory_space<hbm>> -> memref<1x327680xf32, #tpu.memory_space<hbm>>
        %dma_start3A_131 = tpu.memref_squeeze %dma_start3A_130 : memref<1x327680xf32, #tpu.memory_space<hbm>> -> memref<327680xf32, #tpu.memory_space<hbm>>
        %dma_start3A_132 = tpu.memref_slice %dma_start3A_131[%mul3A_114] : memref<327680xf32, #tpu.memory_space<hbm>> -> memref<4096xf32, #tpu.memory_space<hbm>>
        %dma_start3A_133 = arith.constant 0 : i32
        %dma_start3A_134 = tpu.memref_slice %arg4[%arg0, %dma_start3A_133] : memref<2x327680xf32, #tpu.memory_space<hbm>> -> memref<1x327680xf32, #tpu.memory_space<hbm>>
        %dma_start3A_135 = tpu.memref_squeeze %dma_start3A_134 : memref<1x327680xf32, #tpu.memory_space<hbm>> -> memref<327680xf32, #tpu.memory_space<hbm>>
        %dma_start3A_136 = tpu.memref_slice %dma_start3A_135[%mul3A_114] : memref<327680xf32, #tpu.memory_space<hbm>> -> memref<4096xf32, #tpu.memory_space<hbm>>
        tpu.enqueue_dma source(%dma_start3A_136 : memref<4096xf32, #tpu.memory_space<hbm>>) target(%arg11 : memref<4096xf32, #tpu.memory_space<vmem>>) target_semaphore(%run_scoped3A : memref<!tpu.dma_semaphore, #tpu.memory_space<semaphore_mem>>)
        %dma_wait3A = arith.constant 0 : i32
        %dma_wait3A_137 = tpu.memref_slice %arg4[%arg0, %dma_wait3A] : memref<2x327680xf32, #tpu.memory_space<hbm>> -> memref<1x327680xf32, #tpu.memory_space<hbm>>
        %dma_wait3A_138 = tpu.memref_squeeze %dma_wait3A_137 : memref<1x327680xf32, #tpu.memory_space<hbm>> -> memref<327680xf32, #tpu.memory_space<hbm>>
        %dma_wait3A_139 = tpu.memref_slice %dma_wait3A_138[%mul3A_114] : memref<327680xf32, #tpu.memory_space<hbm>> -> memref<4096xf32, #tpu.memory_space<hbm>>
        %dma_wait3A_140 = arith.constant 0 : i32
        %dma_wait3A_141 = tpu.memref_slice %arg4[%arg0, %dma_wait3A_140] : memref<2x327680xf32, #tpu.memory_space<hbm>> -> memref<1x327680xf32, #tpu.memory_space<hbm>>
        %dma_wait3A_142 = tpu.memref_squeeze %dma_wait3A_141 : memref<1x327680xf32, #tpu.memory_space<hbm>> -> memref<327680xf32, #tpu.memory_space<hbm>>
        %dma_wait3A_143 = tpu.memref_slice %dma_wait3A_142[%mul3A_114] : memref<327680xf32, #tpu.memory_space<hbm>> -> memref<4096xf32, #tpu.memory_space<hbm>>
        tpu.wait_dma2 semaphore(%run_scoped3A : memref<!tpu.dma_semaphore, #tpu.memory_space<semaphore_mem>>) src(%dma_wait3A_143 : memref<4096xf32, #tpu.memory_space<hbm>>) dst(%arg11 : memref<4096xf32, #tpu.memory_space<vmem>>)
        tpu.yield
      }) : () -> ()
      %scan3A_115 = arith.constant 0 : i32
      %scan3A_116 = arith.constant 0 : i32
      %scan3A_117 = arith.constant 32 : i32
      %scan3A_118 = arith.addi %scan3A_116, %scan3A_117 : i32
      %scan3A_119 = arith.constant 1 : i32
      %scan3A_120 = scf.for %scan3A_130 = %scan3A_116 to %scan3A_118 step %scan3A_119 iter_args(%scan3A_131 = %scan3A_115) -> (i32)  : i32 {
        %mul3A_132 = arith.constant 128 : i32
        %mul3A_133 = arith.muli %scan3A_130, %mul3A_132 : i32
        %dma_start3A = tpu.memref_slice %arg11[%mul3A_133] : memref<4096xf32, #tpu.memory_space<vmem>> -> memref<128xf32, #tpu.memory_space<vmem>>
        %dma_start3A_134 = arith.constant 0 : i32
        %dma_start3A_135 = tpu.memref_slice %arg10[%scan3A_130, %dma_start3A_134] : memref<32x128xi32, #tpu.memory_space<vmem>> -> memref<1x128xi32, #tpu.memory_space<vmem>>
        %dma_start3A_136 = tpu.memref_squeeze %dma_start3A_135 : memref<1x128xi32, #tpu.memory_space<vmem>> -> memref<128xi32, #tpu.memory_space<vmem>>
        %dma_start3A_137 = arith.constant 0 : i32
        %dma_start3A_138 = tpu.memref_slice %arg18[%dma_start3A_137] : memref<10240xf32, #tpu.memory_space<vmem_shared>> -> memref<10240xf32, #tpu.memory_space<vmem_shared>>
        tpu.enqueue_indirect_dma source(%dma_start3A : memref<128xf32, #tpu.memory_space<vmem>>) target(%dma_start3A_138 : memref<10240xf32, #tpu.memory_space<vmem_shared>>) offsets(%dma_start3A_136 : memref<128xi32, #tpu.memory_space<vmem>>) semaphore(%arg22 : memref<!tpu.dma_semaphore, #tpu.memory_space<semaphore_mem>>) {add = true}
        %scan3A_139 = arith.constant 0 : i32
        scf.yield %scan3A_139 : i32
      }
      %scan3A_121 = arith.constant 32 : i32
      %scan3A_122 = arith.constant 0 : i32
      %scan3A_123 = arith.constant 0 : i32
      %scan3A_124 = arith.constant 32 : i32
      %scan3A_125 = arith.addi %scan3A_123, %scan3A_124 : i32
      %scan3A_126 = arith.constant 1 : i32
      %scan3A_127 = scf.for %scan3A_130 = %scan3A_123 to %scan3A_125 step %scan3A_126 iter_args(%scan3A_131 = %scan3A_122) -> (i32)  : i32 {
        %dma_wait3A = arith.constant 0 : i32
        %dma_wait3A_132 = tpu.memref_slice %arg11[%dma_wait3A] : memref<4096xf32, #tpu.memory_space<vmem>> -> memref<128xf32, #tpu.memory_space<vmem>>
        %dma_wait3A_133 = arith.constant 0 : i32
        %dma_wait3A_134 = tpu.memref_slice %arg18[%dma_wait3A_133] : memref<10240xf32, #tpu.memory_space<vmem_shared>> -> memref<128xf32, #tpu.memory_space<vmem_shared>>
        %dma_wait3A_135 = arith.constant 0 : i32
        %dma_wait3A_136 = tpu.memref_slice %arg18[%dma_wait3A_135] : memref<10240xf32, #tpu.memory_space<vmem_shared>> -> memref<128xf32, #tpu.memory_space<vmem_shared>>
        %dma_wait3A_137 = arith.constant 0 : i32
        %dma_wait3A_138 = tpu.memref_slice %arg11[%dma_wait3A_137] : memref<4096xf32, #tpu.memory_space<vmem>> -> memref<128xf32, #tpu.memory_space<vmem>>
        tpu.wait_dma2 semaphore(%arg22 : memref<!tpu.dma_semaphore, #tpu.memory_space<semaphore_mem>>) src(%dma_wait3A_138 : memref<128xf32, #tpu.memory_space<vmem>>) dst(%dma_wait3A_136 : memref<128xf32, #tpu.memory_space<vmem_shared>>)
        %scan3A_139 = arith.constant 0 : i32
        scf.yield %scan3A_139 : i32
      }
      %scan3A_128 = arith.constant 32 : i32
      %scan3A_129 = arith.constant 0 : i32
      scf.yield %scan3A_129 : i32
    }
    %scan3A_59 = arith.constant 5 : i32
    %barrier3A_60 = arith.constant 0 : index
    tpu.barrier barrier_id(%barrier3A_60)
    "tpu.region"() ({
      %run_scoped3A = tpu.sem_alloc : memref<!tpu.dma_semaphore, #tpu.memory_space<semaphore_mem>>
      %dma_start3A = tpu.memref_slice %arg18[%mul3A_0] : memref<10240xf32, #tpu.memory_space<vmem_shared>> -> memref<640xf32, #tpu.memory_space<vmem_shared>>
      %dma_start3A_108 = tpu.memref_slice %arg18[%mul3A_0] : memref<10240xf32, #tpu.memory_space<vmem_shared>> -> memref<640xf32, #tpu.memory_space<vmem_shared>>
      tpu.enqueue_dma source(%dma_start3A_108 : memref<640xf32, #tpu.memory_space<vmem_shared>>) target(%arg15 : memref<640xf32, #tpu.memory_space<vmem>>) target_semaphore(%run_scoped3A : memref<!tpu.dma_semaphore, #tpu.memory_space<semaphore_mem>>)
      %dma_wait3A = tpu.memref_slice %arg18[%mul3A_0] : memref<10240xf32, #tpu.memory_space<vmem_shared>> -> memref<640xf32, #tpu.memory_space<vmem_shared>>
      %dma_wait3A_109 = tpu.memref_slice %arg18[%mul3A_0] : memref<10240xf32, #tpu.memory_space<vmem_shared>> -> memref<640xf32, #tpu.memory_space<vmem_shared>>
      tpu.wait_dma2 semaphore(%run_scoped3A : memref<!tpu.dma_semaphore, #tpu.memory_space<semaphore_mem>>) src(%dma_wait3A_109 : memref<640xf32, #tpu.memory_space<vmem_shared>>) dst(%arg15 : memref<640xf32, #tpu.memory_space<vmem>>)
      tpu.yield
    }) : () -> ()
    %scan3A_61 = arith.constant 0 : i32
    %scan3A_62 = arith.constant 0 : i32
    %scan3A_63 = arith.constant 40 : i32
    %scan3A_64 = arith.addi %scan3A_62, %scan3A_63 : i32
    %scan3A_65 = arith.constant 1 : i32
    %scan3A_66 = scf.for %scan3A_108 = %scan3A_62 to %scan3A_64 step %scan3A_65 iter_args(%scan3A_109 = %scan3A_61) -> (i32)  : i32 {
      %mul3A_110 = arith.constant 16 : i32
      %mul3A_111 = arith.muli %scan3A_108, %mul3A_110 : i32
      %get3A_112 = arith.index_cast %mul3A_111 : i32 to index
      %get3A_113 = tpu.vector_load %arg15[%get3A_112] {strides = array<i32>} : memref<640xf32, #tpu.memory_space<vmem>>, vector<16xf32>,
      %add3A_114 = arith.constant 1.000000e+00 : f32
      %add3A_115 = vector.broadcast %add3A_114 : f32 to vector<16xf32>
      %add3A_116 = arith.addf %get3A_113, %add3A_115 : vector<16xf32>
      %mul3A_117 = arith.constant 5.000000e-01 : f32
      %mul3A_118 = vector.broadcast %mul3A_117 : f32 to vector<16xf32>
      %mul3A_119 = arith.mulf %mul3A_118, %add3A_116 : vector<16xf32>
      %div3A = arith.constant 1.000000e+00 : f32
      %div3A_120 = vector.broadcast %div3A : f32 to vector<16xf32>
      %div3A_121 = arith.divf %div3A_120, %add3A_116 : vector<16xf32>
      %scan3A_122 = arith.constant 0 : i32
      %scan3A_123 = arith.constant 22 : i32
      %scan3A_124 = arith.addi %scan3A_122, %scan3A_123 : i32
      %scan3A_125 = arith.constant 1 : i32
      %scan3A_126 = scf.for %scan3A_132 = %scan3A_122 to %scan3A_124 step %scan3A_125 iter_args(%scan3A_133 = %div3A_121) -> (vector<16xf32>)  : i32 {
        %mul3A_134 = arith.mulf %mul3A_119, %scan3A_133 : vector<16xf32>
        %mul3A_135 = arith.mulf %mul3A_134, %scan3A_133 : vector<16xf32>
        %sub3A = arith.constant 1.500000e+00 : f32
        %sub3A_136 = vector.broadcast %sub3A : f32 to vector<16xf32>
        %sub3A_137 = arith.subf %sub3A_136, %mul3A_135 : vector<16xf32>
        %mul3A_138 = arith.mulf %scan3A_133, %sub3A_137 : vector<16xf32>
        scf.yield %mul3A_138 : vector<16xf32>
      }
      %scan3A_127 = arith.constant 22 : i32
      %mul3A_128 = arith.constant 16 : i32
      %mul3A_129 = arith.muli %scan3A_108, %mul3A_128 : i32
      %swap3A = arith.index_cast %mul3A_129 : i32 to index
      %swap3A_130 = tpu.vector_load %arg16[%swap3A] {strides = array<i32>} : memref<640xf32, #tpu.memory_space<vmem>>, vector<16xf32>,
      tpu.vector_store %arg16[%swap3A], %scan3A_126 {strides = array<i32>} : memref<640xf32, #tpu.memory_space<vmem>>, vector<16xf32>,
      %scan3A_131 = arith.constant 0 : i32
      scf.yield %scan3A_131 : i32
    }
    %scan3A_67 = arith.constant 40 : i32
    "tpu.region"() ({
      %run_scoped3A = tpu.sem_alloc : memref<!tpu.dma_semaphore, #tpu.memory_space<semaphore_mem>>
      %dma_start3A = arith.constant 0 : i32
      %dma_start3A_108 = arith.constant 0 : i32
      %dma_start3A_109 = tpu.memref_slice %arg5[%arg0, %dma_start3A, %dma_start3A_108] : memref<2x10240x8xf32, #tpu.memory_space<hbm>> -> memref<1x10240x8xf32, #tpu.memory_space<hbm>>
      %dma_start3A_110 = tpu.memref_squeeze %dma_start3A_109 : memref<1x10240x8xf32, #tpu.memory_space<hbm>> -> memref<10240x8xf32, #tpu.memory_space<hbm>>
      %dma_start3A_111 = arith.constant 0 : i32
      %dma_start3A_112 = tpu.memref_slice %dma_start3A_110[%mul3A_0, %dma_start3A_111] : memref<10240x8xf32, #tpu.memory_space<hbm>> -> memref<640x8xf32, #tpu.memory_space<hbm>>
      %dma_start3A_113 = arith.constant 0 : i32
      %dma_start3A_114 = arith.constant 0 : i32
      %dma_start3A_115 = tpu.memref_slice %arg5[%arg0, %dma_start3A_113, %dma_start3A_114] : memref<2x10240x8xf32, #tpu.memory_space<hbm>> -> memref<1x10240x8xf32, #tpu.memory_space<hbm>>
      %dma_start3A_116 = tpu.memref_squeeze %dma_start3A_115 : memref<1x10240x8xf32, #tpu.memory_space<hbm>> -> memref<10240x8xf32, #tpu.memory_space<hbm>>
      %dma_start3A_117 = arith.constant 0 : i32
      %dma_start3A_118 = tpu.memref_slice %dma_start3A_116[%mul3A_0, %dma_start3A_117] : memref<10240x8xf32, #tpu.memory_space<hbm>> -> memref<640x8xf32, #tpu.memory_space<hbm>>
      tpu.enqueue_dma source(%dma_start3A_118 : memref<640x8xf32, #tpu.memory_space<hbm>>) target(%arg13 : memref<640x8xf32, #tpu.memory_space<vmem>>) target_semaphore(%run_scoped3A : memref<!tpu.dma_semaphore, #tpu.memory_space<semaphore_mem>>)
      %dma_wait3A = arith.constant 0 : i32
      %dma_wait3A_119 = arith.constant 0 : i32
      %dma_wait3A_120 = tpu.memref_slice %arg5[%arg0, %dma_wait3A, %dma_wait3A_119] : memref<2x10240x8xf32, #tpu.memory_space<hbm>> -> memref<1x10240x8xf32, #tpu.memory_space<hbm>>
      %dma_wait3A_121 = tpu.memref_squeeze %dma_wait3A_120 : memref<1x10240x8xf32, #tpu.memory_space<hbm>> -> memref<10240x8xf32, #tpu.memory_space<hbm>>
      %dma_wait3A_122 = arith.constant 0 : i32
      %dma_wait3A_123 = tpu.memref_slice %dma_wait3A_121[%mul3A_0, %dma_wait3A_122] : memref<10240x8xf32, #tpu.memory_space<hbm>> -> memref<640x8xf32, #tpu.memory_space<hbm>>
      %dma_wait3A_124 = arith.constant 0 : i32
      %dma_wait3A_125 = arith.constant 0 : i32
      %dma_wait3A_126 = tpu.memref_slice %arg5[%arg0, %dma_wait3A_124, %dma_wait3A_125] : memref<2x10240x8xf32, #tpu.memory_space<hbm>> -> memref<1x10240x8xf32, #tpu.memory_space<hbm>>
      %dma_wait3A_127 = tpu.memref_squeeze %dma_wait3A_126 : memref<1x10240x8xf32, #tpu.memory_space<hbm>> -> memref<10240x8xf32, #tpu.memory_space<hbm>>
      %dma_wait3A_128 = arith.constant 0 : i32
      %dma_wait3A_129 = tpu.memref_slice %dma_wait3A_127[%mul3A_0, %dma_wait3A_128] : memref<10240x8xf32, #tpu.memory_space<hbm>> -> memref<640x8xf32, #tpu.memory_space<hbm>>
      tpu.wait_dma2 semaphore(%run_scoped3A : memref<!tpu.dma_semaphore, #tpu.memory_space<semaphore_mem>>) src(%dma_wait3A_129 : memref<640x8xf32, #tpu.memory_space<hbm>>) dst(%arg13 : memref<640x8xf32, #tpu.memory_space<vmem>>)
      tpu.yield
    }) : () -> ()
    %scan3A_68 = arith.constant 0 : i32
    %scan3A_69 = arith.constant 0 : i32
    %scan3A_70 = arith.constant 320 : i32
    %scan3A_71 = arith.addi %scan3A_69, %scan3A_70 : i32
    %scan3A_72 = arith.constant 1 : i32
    %scan3A_73 = scf.for %scan3A_108 = %scan3A_69 to %scan3A_71 step %scan3A_72 iter_args(%scan3A_109 = %scan3A_68) -> (i32)  : i32 {
      %mul3A_110 = arith.constant 2 : i32
      %mul3A_111 = arith.muli %mul3A_110, %scan3A_108 : i32
      %add3A_112 = vector.broadcast %mul3A_111 : i32 to vector<16xi32>
      %add3A_113 = arith.addi %shift_right_arithmetic3A_4, %add3A_112 : vector<16xi32>
      %gather3A = tpu.vector_load_idx %arg13[%add3A_113, %and3A_6] : memref<640x8xf32, #tpu.memory_space<vmem>>[vector<16xi32>, vector<16xi32>], vector<16xf32>,
      %gather3A_114 = tpu.vector_load_idx %arg16[%add3A_113] : memref<640xf32, #tpu.memory_space<vmem>>[vector<16xi32>], vector<16xf32>,
      %mul3A_115 = arith.mulf %gather3A, %gather3A_114 : vector<16xf32>
      tpu.vector_store_idx %arg13[%add3A_113, %and3A_6], %mul3A_115 : memref<640x8xf32, #tpu.memory_space<vmem>>[vector<16xi32>, vector<16xi32>], vector<16xf32>,
      %scan3A_116 = arith.constant 0 : i32
      scf.yield %scan3A_116 : i32
    }
    %scan3A_74 = arith.constant 320 : i32
    "tpu.region"() ({
      %run_scoped3A = tpu.sem_alloc : memref<!tpu.dma_semaphore, #tpu.memory_space<semaphore_mem>>
      %dma_start3A = arith.constant 0 : i32
      %dma_start3A_108 = tpu.memref_slice %arg19[%mul3A_0, %dma_start3A] : memref<10240x8xf32, #tpu.memory_space<vmem_shared>> -> memref<640x8xf32, #tpu.memory_space<vmem_shared>>
      %dma_start3A_109 = arith.constant 0 : i32
      %dma_start3A_110 = tpu.memref_slice %arg19[%mul3A_0, %dma_start3A_109] : memref<10240x8xf32, #tpu.memory_space<vmem_shared>> -> memref<640x8xf32, #tpu.memory_space<vmem_shared>>
      tpu.enqueue_dma source(%arg13 : memref<640x8xf32, #tpu.memory_space<vmem>>) target(%dma_start3A_110 : memref<640x8xf32, #tpu.memory_space<vmem_shared>>) target_semaphore(%run_scoped3A : memref<!tpu.dma_semaphore, #tpu.memory_space<semaphore_mem>>)
      %dma_wait3A = arith.constant 0 : i32
      %dma_wait3A_111 = tpu.memref_slice %arg19[%mul3A_0, %dma_wait3A] : memref<10240x8xf32, #tpu.memory_space<vmem_shared>> -> memref<640x8xf32, #tpu.memory_space<vmem_shared>>
      %dma_wait3A_112 = arith.constant 0 : i32
      %dma_wait3A_113 = tpu.memref_slice %arg19[%mul3A_0, %dma_wait3A_112] : memref<10240x8xf32, #tpu.memory_space<vmem_shared>> -> memref<640x8xf32, #tpu.memory_space<vmem_shared>>
      tpu.wait_dma2 semaphore(%run_scoped3A : memref<!tpu.dma_semaphore, #tpu.memory_space<semaphore_mem>>) src(%arg13 : memref<640x8xf32, #tpu.memory_space<vmem>>) dst(%dma_wait3A_113 : memref<640x8xf32, #tpu.memory_space<vmem_shared>>)
      tpu.yield
    }) : () -> ()
    %barrier3A_75 = arith.constant 0 : index
    tpu.barrier barrier_id(%barrier3A_75)
    %scan3A_76 = arith.constant 0 : i32
    %scan3A_77 = arith.constant 0 : i32
    %scan3A_78 = arith.constant 5 : i32
    %scan3A_79 = arith.addi %scan3A_77, %scan3A_78 : i32
    %scan3A_80 = arith.constant 1 : i32
    %scan3A_81 = scf.for %scan3A_108 = %scan3A_77 to %scan3A_79 step %scan3A_80 iter_args(%scan3A_109 = %scan3A_76) -> (i32)  : i32 {
      %mul3A_110 = arith.constant 32 : i32
      %mul3A_111 = arith.muli %mul3A_110, %scan3A_108 : i32
      %add3A_112 = arith.addi %mul3A_2, %mul3A_111 : i32
      "tpu.region"() ({
        %run_scoped3A = tpu.sem_alloc : memref<!tpu.dma_semaphore, #tpu.memory_space<semaphore_mem>>
        %dma_start3A = arith.constant 0 : i32
        %dma_start3A_144 = arith.constant 0 : i32
        %dma_start3A_145 = tpu.memref_slice %arg2[%arg0, %dma_start3A, %dma_start3A_144] : memref<2x2560x128xi32, #tpu.memory_space<hbm>> -> memref<1x2560x128xi32, #tpu.memory_space<hbm>>
        %dma_start3A_146 = tpu.memref_squeeze %dma_start3A_145 : memref<1x2560x128xi32, #tpu.memory_space<hbm>> -> memref<2560x128xi32, #tpu.memory_space<hbm>>
        %dma_start3A_147 = arith.constant 0 : i32
        %dma_start3A_148 = tpu.memref_slice %dma_start3A_146[%add3A_112, %dma_start3A_147] : memref<2560x128xi32, #tpu.memory_space<hbm>> -> memref<32x128xi32, #tpu.memory_space<hbm>>
        %dma_start3A_149 = arith.constant 0 : i32
        %dma_start3A_150 = arith.constant 0 : i32
        %dma_start3A_151 = tpu.memref_slice %arg2[%arg0, %dma_start3A_149, %dma_start3A_150] : memref<2x2560x128xi32, #tpu.memory_space<hbm>> -> memref<1x2560x128xi32, #tpu.memory_space<hbm>>
        %dma_start3A_152 = tpu.memref_squeeze %dma_start3A_151 : memref<1x2560x128xi32, #tpu.memory_space<hbm>> -> memref<2560x128xi32, #tpu.memory_space<hbm>>
        %dma_start3A_153 = arith.constant 0 : i32
        %dma_start3A_154 = tpu.memref_slice %dma_start3A_152[%add3A_112, %dma_start3A_153] : memref<2560x128xi32, #tpu.memory_space<hbm>> -> memref<32x128xi32, #tpu.memory_space<hbm>>
        tpu.enqueue_dma source(%dma_start3A_154 : memref<32x128xi32, #tpu.memory_space<hbm>>) target(%arg9 : memref<32x128xi32, #tpu.memory_space<vmem>>) target_semaphore(%run_scoped3A : memref<!tpu.dma_semaphore, #tpu.memory_space<semaphore_mem>>)
        %dma_wait3A = arith.constant 0 : i32
        %dma_wait3A_155 = arith.constant 0 : i32
        %dma_wait3A_156 = tpu.memref_slice %arg2[%arg0, %dma_wait3A, %dma_wait3A_155] : memref<2x2560x128xi32, #tpu.memory_space<hbm>> -> memref<1x2560x128xi32, #tpu.memory_space<hbm>>
        %dma_wait3A_157 = tpu.memref_squeeze %dma_wait3A_156 : memref<1x2560x128xi32, #tpu.memory_space<hbm>> -> memref<2560x128xi32, #tpu.memory_space<hbm>>
        %dma_wait3A_158 = arith.constant 0 : i32
        %dma_wait3A_159 = tpu.memref_slice %dma_wait3A_157[%add3A_112, %dma_wait3A_158] : memref<2560x128xi32, #tpu.memory_space<hbm>> -> memref<32x128xi32, #tpu.memory_space<hbm>>
        %dma_wait3A_160 = arith.constant 0 : i32
        %dma_wait3A_161 = arith.constant 0 : i32
        %dma_wait3A_162 = tpu.memref_slice %arg2[%arg0, %dma_wait3A_160, %dma_wait3A_161] : memref<2x2560x128xi32, #tpu.memory_space<hbm>> -> memref<1x2560x128xi32, #tpu.memory_space<hbm>>
        %dma_wait3A_163 = tpu.memref_squeeze %dma_wait3A_162 : memref<1x2560x128xi32, #tpu.memory_space<hbm>> -> memref<2560x128xi32, #tpu.memory_space<hbm>>
        %dma_wait3A_164 = arith.constant 0 : i32
        %dma_wait3A_165 = tpu.memref_slice %dma_wait3A_163[%add3A_112, %dma_wait3A_164] : memref<2560x128xi32, #tpu.memory_space<hbm>> -> memref<32x128xi32, #tpu.memory_space<hbm>>
        tpu.wait_dma2 semaphore(%run_scoped3A : memref<!tpu.dma_semaphore, #tpu.memory_space<semaphore_mem>>) src(%dma_wait3A_165 : memref<32x128xi32, #tpu.memory_space<hbm>>) dst(%arg9 : memref<32x128xi32, #tpu.memory_space<vmem>>)
        tpu.yield
      }) : () -> ()
      "tpu.region"() ({
        %run_scoped3A = tpu.sem_alloc : memref<!tpu.dma_semaphore, #tpu.memory_space<semaphore_mem>>
        %dma_start3A = arith.constant 0 : i32
        %dma_start3A_144 = arith.constant 0 : i32
        %dma_start3A_145 = tpu.memref_slice %arg3[%arg0, %dma_start3A, %dma_start3A_144] : memref<2x2560x128xi32, #tpu.memory_space<hbm>> -> memref<1x2560x128xi32, #tpu.memory_space<hbm>>
        %dma_start3A_146 = tpu.memref_squeeze %dma_start3A_145 : memref<1x2560x128xi32, #tpu.memory_space<hbm>> -> memref<2560x128xi32, #tpu.memory_space<hbm>>
        %dma_start3A_147 = arith.constant 0 : i32
        %dma_start3A_148 = tpu.memref_slice %dma_start3A_146[%add3A_112, %dma_start3A_147] : memref<2560x128xi32, #tpu.memory_space<hbm>> -> memref<32x128xi32, #tpu.memory_space<hbm>>
        %dma_start3A_149 = arith.constant 0 : i32
        %dma_start3A_150 = arith.constant 0 : i32
        %dma_start3A_151 = tpu.memref_slice %arg3[%arg0, %dma_start3A_149, %dma_start3A_150] : memref<2x2560x128xi32, #tpu.memory_space<hbm>> -> memref<1x2560x128xi32, #tpu.memory_space<hbm>>
        %dma_start3A_152 = tpu.memref_squeeze %dma_start3A_151 : memref<1x2560x128xi32, #tpu.memory_space<hbm>> -> memref<2560x128xi32, #tpu.memory_space<hbm>>
        %dma_start3A_153 = arith.constant 0 : i32
        %dma_start3A_154 = tpu.memref_slice %dma_start3A_152[%add3A_112, %dma_start3A_153] : memref<2560x128xi32, #tpu.memory_space<hbm>> -> memref<32x128xi32, #tpu.memory_space<hbm>>
        tpu.enqueue_dma source(%dma_start3A_154 : memref<32x128xi32, #tpu.memory_space<hbm>>) target(%arg10 : memref<32x128xi32, #tpu.memory_space<vmem>>) target_semaphore(%run_scoped3A : memref<!tpu.dma_semaphore, #tpu.memory_space<semaphore_mem>>)
        %dma_wait3A = arith.constant 0 : i32
        %dma_wait3A_155 = arith.constant 0 : i32
        %dma_wait3A_156 = tpu.memref_slice %arg3[%arg0, %dma_wait3A, %dma_wait3A_155] : memref<2x2560x128xi32, #tpu.memory_space<hbm>> -> memref<1x2560x128xi32, #tpu.memory_space<hbm>>
        %dma_wait3A_157 = tpu.memref_squeeze %dma_wait3A_156 : memref<1x2560x128xi32, #tpu.memory_space<hbm>> -> memref<2560x128xi32, #tpu.memory_space<hbm>>
        %dma_wait3A_158 = arith.constant 0 : i32
        %dma_wait3A_159 = tpu.memref_slice %dma_wait3A_157[%add3A_112, %dma_wait3A_158] : memref<2560x128xi32, #tpu.memory_space<hbm>> -> memref<32x128xi32, #tpu.memory_space<hbm>>
        %dma_wait3A_160 = arith.constant 0 : i32
        %dma_wait3A_161 = arith.constant 0 : i32
        %dma_wait3A_162 = tpu.memref_slice %arg3[%arg0, %dma_wait3A_160, %dma_wait3A_161] : memref<2x2560x128xi32, #tpu.memory_space<hbm>> -> memref<1x2560x128xi32, #tpu.memory_space<hbm>>
        %dma_wait3A_163 = tpu.memref_squeeze %dma_wait3A_162 : memref<1x2560x128xi32, #tpu.memory_space<hbm>> -> memref<2560x128xi32, #tpu.memory_space<hbm>>
        %dma_wait3A_164 = arith.constant 0 : i32
        %dma_wait3A_165 = tpu.memref_slice %dma_wait3A_163[%add3A_112, %dma_wait3A_164] : memref<2560x128xi32, #tpu.memory_space<hbm>> -> memref<32x128xi32, #tpu.memory_space<hbm>>
        tpu.wait_dma2 semaphore(%run_scoped3A : memref<!tpu.dma_semaphore, #tpu.memory_space<semaphore_mem>>) src(%dma_wait3A_165 : memref<32x128xi32, #tpu.memory_space<hbm>>) dst(%arg10 : memref<32x128xi32, #tpu.memory_space<vmem>>)
        tpu.yield
      }) : () -> ()
      %mul3A_113 = arith.constant 128 : i32
      %mul3A_114 = arith.muli %add3A_112, %mul3A_113 : i32
      "tpu.region"() ({
        %run_scoped3A = tpu.sem_alloc : memref<!tpu.dma_semaphore, #tpu.memory_space<semaphore_mem>>
        %dma_start3A = arith.constant 0 : i32
        %dma_start3A_144 = tpu.memref_slice %arg4[%arg0, %dma_start3A] : memref<2x327680xf32, #tpu.memory_space<hbm>> -> memref<1x327680xf32, #tpu.memory_space<hbm>>
        %dma_start3A_145 = tpu.memref_squeeze %dma_start3A_144 : memref<1x327680xf32, #tpu.memory_space<hbm>> -> memref<327680xf32, #tpu.memory_space<hbm>>
        %dma_start3A_146 = tpu.memref_slice %dma_start3A_145[%mul3A_114] : memref<327680xf32, #tpu.memory_space<hbm>> -> memref<4096xf32, #tpu.memory_space<hbm>>
        %dma_start3A_147 = arith.constant 0 : i32
        %dma_start3A_148 = tpu.memref_slice %arg4[%arg0, %dma_start3A_147] : memref<2x327680xf32, #tpu.memory_space<hbm>> -> memref<1x327680xf32, #tpu.memory_space<hbm>>
        %dma_start3A_149 = tpu.memref_squeeze %dma_start3A_148 : memref<1x327680xf32, #tpu.memory_space<hbm>> -> memref<327680xf32, #tpu.memory_space<hbm>>
        %dma_start3A_150 = tpu.memref_slice %dma_start3A_149[%mul3A_114] : memref<327680xf32, #tpu.memory_space<hbm>> -> memref<4096xf32, #tpu.memory_space<hbm>>
        tpu.enqueue_dma source(%dma_start3A_150 : memref<4096xf32, #tpu.memory_space<hbm>>) target(%arg11 : memref<4096xf32, #tpu.memory_space<vmem>>) target_semaphore(%run_scoped3A : memref<!tpu.dma_semaphore, #tpu.memory_space<semaphore_mem>>)
        %dma_wait3A = arith.constant 0 : i32
        %dma_wait3A_151 = tpu.memref_slice %arg4[%arg0, %dma_wait3A] : memref<2x327680xf32, #tpu.memory_space<hbm>> -> memref<1x327680xf32, #tpu.memory_space<hbm>>
        %dma_wait3A_152 = tpu.memref_squeeze %dma_wait3A_151 : memref<1x327680xf32, #tpu.memory_space<hbm>> -> memref<327680xf32, #tpu.memory_space<hbm>>
        %dma_wait3A_153 = tpu.memref_slice %dma_wait3A_152[%mul3A_114] : memref<327680xf32, #tpu.memory_space<hbm>> -> memref<4096xf32, #tpu.memory_space<hbm>>
        %dma_wait3A_154 = arith.constant 0 : i32
        %dma_wait3A_155 = tpu.memref_slice %arg4[%arg0, %dma_wait3A_154] : memref<2x327680xf32, #tpu.memory_space<hbm>> -> memref<1x327680xf32, #tpu.memory_space<hbm>>
        %dma_wait3A_156 = tpu.memref_squeeze %dma_wait3A_155 : memref<1x327680xf32, #tpu.memory_space<hbm>> -> memref<327680xf32, #tpu.memory_space<hbm>>
        %dma_wait3A_157 = tpu.memref_slice %dma_wait3A_156[%mul3A_114] : memref<327680xf32, #tpu.memory_space<hbm>> -> memref<4096xf32, #tpu.memory_space<hbm>>
        tpu.wait_dma2 semaphore(%run_scoped3A : memref<!tpu.dma_semaphore, #tpu.memory_space<semaphore_mem>>) src(%dma_wait3A_157 : memref<4096xf32, #tpu.memory_space<hbm>>) dst(%arg11 : memref<4096xf32, #tpu.memory_space<vmem>>)
        tpu.yield
      }) : () -> ()
      %scan3A_115 = arith.constant 0 : i32
      %scan3A_116 = arith.constant 0 : i32
      %scan3A_117 = arith.constant 32 : i32
      %scan3A_118 = arith.addi %scan3A_116, %scan3A_117 : i32
      %scan3A_119 = arith.constant 1 : i32
      %scan3A_120 = scf.for %scan3A_144 = %scan3A_116 to %scan3A_118 step %scan3A_119 iter_args(%scan3A_145 = %scan3A_115) -> (i32)  : i32 {
        %dma_start3A = arith.constant 0 : i32
        %dma_start3A_146 = arith.constant 0 : i32
        %dma_start3A_147 = tpu.memref_slice %arg12[%scan3A_144, %dma_start3A, %dma_start3A_146] : memref<32x128x8xf32, #tpu.memory_space<vmem>> -> memref<1x128x8xf32, #tpu.memory_space<vmem>>
        %dma_start3A_148 = tpu.memref_squeeze %dma_start3A_147 : memref<1x128x8xf32, #tpu.memory_space<vmem>> -> memref<128x8xf32, #tpu.memory_space<vmem>>
        %dma_start3A_149 = arith.constant 0 : i32
        %dma_start3A_150 = tpu.memref_slice %arg9[%scan3A_144, %dma_start3A_149] : memref<32x128xi32, #tpu.memory_space<vmem>> -> memref<1x128xi32, #tpu.memory_space<vmem>>
        %dma_start3A_151 = tpu.memref_squeeze %dma_start3A_150 : memref<1x128xi32, #tpu.memory_space<vmem>> -> memref<128xi32, #tpu.memory_space<vmem>>
        %dma_start3A_152 = arith.constant 0 : i32
        %dma_start3A_153 = arith.constant 0 : i32
        %dma_start3A_154 = tpu.memref_slice %arg19[%dma_start3A_152, %dma_start3A_153] : memref<10240x8xf32, #tpu.memory_space<vmem_shared>> -> memref<10240x8xf32, #tpu.memory_space<vmem_shared>>
        tpu.enqueue_indirect_dma source(%dma_start3A_154 : memref<10240x8xf32, #tpu.memory_space<vmem_shared>>) target(%dma_start3A_148 : memref<128x8xf32, #tpu.memory_space<vmem>>) offsets(%dma_start3A_151 : memref<128xi32, #tpu.memory_space<vmem>>) semaphore(%arg21 : memref<!tpu.dma_semaphore, #tpu.memory_space<semaphore_mem>>)
        %scan3A_155 = arith.constant 0 : i32
        scf.yield %scan3A_155 : i32
      }
      %scan3A_121 = arith.constant 32 : i32
      %scan3A_122 = arith.constant 0 : i32
      %scan3A_123 = arith.constant 0 : i32
      %scan3A_124 = arith.constant 32 : i32
      %scan3A_125 = arith.addi %scan3A_123, %scan3A_124 : i32
      %scan3A_126 = arith.constant 1 : i32
      %scan3A_127 = scf.for %scan3A_144 = %scan3A_123 to %scan3A_125 step %scan3A_126 iter_args(%scan3A_145 = %scan3A_122) -> (i32)  : i32 {
        %dma_wait3A = arith.constant 0 : i32
        %dma_wait3A_146 = arith.constant 0 : i32
        %dma_wait3A_147 = arith.constant 0 : i32
        %dma_wait3A_148 = tpu.memref_slice %arg12[%dma_wait3A, %dma_wait3A_146, %dma_wait3A_147] : memref<32x128x8xf32, #tpu.memory_space<vmem>> -> memref<1x128x8xf32, #tpu.memory_space<vmem>>
        %dma_wait3A_149 = tpu.memref_squeeze %dma_wait3A_148 : memref<1x128x8xf32, #tpu.memory_space<vmem>> -> memref<128x8xf32, #tpu.memory_space<vmem>>
        %dma_wait3A_150 = arith.constant 0 : i32
        %dma_wait3A_151 = arith.constant 0 : i32
        %dma_wait3A_152 = tpu.memref_slice %arg19[%dma_wait3A_150, %dma_wait3A_151] : memref<10240x8xf32, #tpu.memory_space<vmem_shared>> -> memref<128x8xf32, #tpu.memory_space<vmem_shared>>
        %dma_wait3A_153 = arith.constant 0 : i32
        %dma_wait3A_154 = arith.constant 0 : i32
        %dma_wait3A_155 = tpu.memref_slice %arg12[%dma_wait3A, %dma_wait3A_153, %dma_wait3A_154] : memref<32x128x8xf32, #tpu.memory_space<vmem>> -> memref<1x128x8xf32, #tpu.memory_space<vmem>>
        %dma_wait3A_156 = tpu.memref_squeeze %dma_wait3A_155 : memref<1x128x8xf32, #tpu.memory_space<vmem>> -> memref<128x8xf32, #tpu.memory_space<vmem>>
        %dma_wait3A_157 = arith.constant 0 : i32
        %dma_wait3A_158 = arith.constant 0 : i32
        %dma_wait3A_159 = tpu.memref_slice %arg19[%dma_wait3A_157, %dma_wait3A_158] : memref<10240x8xf32, #tpu.memory_space<vmem_shared>> -> memref<128x8xf32, #tpu.memory_space<vmem_shared>>
        tpu.wait_dma2 semaphore(%arg21 : memref<!tpu.dma_semaphore, #tpu.memory_space<semaphore_mem>>) src(%dma_wait3A_159 : memref<128x8xf32, #tpu.memory_space<vmem_shared>>) dst(%dma_wait3A_156 : memref<128x8xf32, #tpu.memory_space<vmem>>)
        %scan3A_160 = arith.constant 0 : i32
        scf.yield %scan3A_160 : i32
      }
      %scan3A_128 = arith.constant 32 : i32
      %scan3A_129 = arith.constant 0 : i32
      %scan3A_130 = arith.constant 0 : i32
      %scan3A_131 = arith.constant 32 : i32
      %scan3A_132 = arith.addi %scan3A_130, %scan3A_131 : i32
      %scan3A_133 = arith.constant 1 : i32
      %scan3A_134 = scf.for %scan3A_144 = %scan3A_130 to %scan3A_132 step %scan3A_133 iter_args(%scan3A_145 = %scan3A_129) -> (i32)  : i32 {
        %broadcast_in_dim3A_146 = vector.broadcast %scan3A_144 : i32 to vector<16xi32>
        %mul3A_147 = arith.constant 128 : i32
        %mul3A_148 = arith.muli %scan3A_144, %mul3A_147 : i32
        %add3A_149 = arith.constant 0 : i32
        %add3A_150 = arith.addi %mul3A_148, %add3A_149 : i32
        %get3A_151 = arith.index_cast %add3A_150 : i32 to index
        %get3A_152 = tpu.vector_load %arg11[%get3A_151] {strides = array<i32>} : memref<4096xf32, #tpu.memory_space<vmem>>, vector<16xf32>,
        %gather3A = tpu.vector_load_idx %arg12[%broadcast_in_dim3A_146, %add3A_8, %broadcast_in_dim3A_30] : memref<32x128x8xf32, #tpu.memory_space<vmem>>[vector<16xi32>, vector<16xi32>, vector<16xi32>], vector<16xf32>,
        %mul3A_153 = arith.mulf %gather3A, %get3A_152 : vector<16xf32>
        tpu.vector_store_idx %arg12[%broadcast_in_dim3A_146, %add3A_8, %broadcast_in_dim3A_30], %mul3A_153 : memref<32x128x8xf32, #tpu.memory_space<vmem>>[vector<16xi32>, vector<16xi32>, vector<16xi32>], vector<16xf32>,
        %gather3A_154 = tpu.vector_load_idx %arg12[%broadcast_in_dim3A_146, %add3A_8, %broadcast_in_dim3A_32] : memref<32x128x8xf32, #tpu.memory_space<vmem>>[vector<16xi32>, vector<16xi32>, vector<16xi32>], vector<16xf32>,
        %mul3A_155 = arith.mulf %gather3A_154, %get3A_152 : vector<16xf32>
        tpu.vector_store_idx %arg12[%broadcast_in_dim3A_146, %add3A_8, %broadcast_in_dim3A_32], %mul3A_155 : memref<32x128x8xf32, #tpu.memory_space<vmem>>[vector<16xi32>, vector<16xi32>, vector<16xi32>], vector<16xf32>,
        %gather3A_156 = tpu.vector_load_idx %arg12[%broadcast_in_dim3A_146, %add3A_8, %broadcast_in_dim3A_34] : memref<32x128x8xf32, #tpu.memory_space<vmem>>[vector<16xi32>, vector<16xi32>, vector<16xi32>], vector<16xf32>,
        %mul3A_157 = arith.mulf %gather3A_156, %get3A_152 : vector<16xf32>
        tpu.vector_store_idx %arg12[%broadcast_in_dim3A_146, %add3A_8, %broadcast_in_dim3A_34], %mul3A_157 : memref<32x128x8xf32, #tpu.memory_space<vmem>>[vector<16xi32>, vector<16xi32>, vector<16xi32>], vector<16xf32>,
        %gather3A_158 = tpu.vector_load_idx %arg12[%broadcast_in_dim3A_146, %add3A_8, %broadcast_in_dim3A_36] : memref<32x128x8xf32, #tpu.memory_space<vmem>>[vector<16xi32>, vector<16xi32>, vector<16xi32>], vector<16xf32>,
        %mul3A_159 = arith.mulf %gather3A_158, %get3A_152 : vector<16xf32>
        tpu.vector_store_idx %arg12[%broadcast_in_dim3A_146, %add3A_8, %broadcast_in_dim3A_36], %mul3A_159 : memref<32x128x8xf32, #tpu.memory_space<vmem>>[vector<16xi32>, vector<16xi32>, vector<16xi32>], vector<16xf32>,
        %gather3A_160 = tpu.vector_load_idx %arg12[%broadcast_in_dim3A_146, %add3A_8, %broadcast_in_dim3A_38] : memref<32x128x8xf32, #tpu.memory_space<vmem>>[vector<16xi32>, vector<16xi32>, vector<16xi32>], vector<16xf32>,
        %mul3A_161 = arith.mulf %gather3A_160, %get3A_152 : vector<16xf32>
        tpu.vector_store_idx %arg12[%broadcast_in_dim3A_146, %add3A_8, %broadcast_in_dim3A_38], %mul3A_161 : memref<32x128x8xf32, #tpu.memory_space<vmem>>[vector<16xi32>, vector<16xi32>, vector<16xi32>], vector<16xf32>,
        %gather3A_162 = tpu.vector_load_idx %arg12[%broadcast_in_dim3A_146, %add3A_8, %broadcast_in_dim3A_40] : memref<32x128x8xf32, #tpu.memory_space<vmem>>[vector<16xi32>, vector<16xi32>, vector<16xi32>], vector<16xf32>,
        %mul3A_163 = arith.mulf %gather3A_162, %get3A_152 : vector<16xf32>
        tpu.vector_store_idx %arg12[%broadcast_in_dim3A_146, %add3A_8, %broadcast_in_dim3A_40], %mul3A_163 : memref<32x128x8xf32, #tpu.memory_space<vmem>>[vector<16xi32>, vector<16xi32>, vector<16xi32>], vector<16xf32>,
        %gather3A_164 = tpu.vector_load_idx %arg12[%broadcast_in_dim3A_146, %add3A_8, %broadcast_in_dim3A_42] : memref<32x128x8xf32, #tpu.memory_space<vmem>>[vector<16xi32>, vector<16xi32>, vector<16xi32>], vector<16xf32>,
        %mul3A_165 = arith.mulf %gather3A_164, %get3A_152 : vector<16xf32>
        tpu.vector_store_idx %arg12[%broadcast_in_dim3A_146, %add3A_8, %broadcast_in_dim3A_42], %mul3A_165 : memref<32x128x8xf32, #tpu.memory_space<vmem>>[vector<16xi32>, vector<16xi32>, vector<16xi32>], vector<16xf32>,
        %gather3A_166 = tpu.vector_load_idx %arg12[%broadcast_in_dim3A_146, %add3A_8, %broadcast_in_dim3A_44] : memref<32x128x8xf32, #tpu.memory_space<vmem>>[vector<16xi32>, vector<16xi32>, vector<16xi32>], vector<16xf32>,
        %mul3A_167 = arith.mulf %gather3A_166, %get3A_152 : vector<16xf32>
        tpu.vector_store_idx %arg12[%broadcast_in_dim3A_146, %add3A_8, %broadcast_in_dim3A_44], %mul3A_167 : memref<32x128x8xf32, #tpu.memory_space<vmem>>[vector<16xi32>, vector<16xi32>, vector<16xi32>], vector<16xf32>,
        %mul3A_168 = arith.constant 128 : i32
        %mul3A_169 = arith.muli %scan3A_144, %mul3A_168 : i32
        %add3A_170 = arith.constant 16 : i32
        %add3A_171 = arith.addi %mul3A_169, %add3A_170 : i32
        %get3A_172 = arith.index_cast %add3A_171 : i32 to index
        %get3A_173 = tpu.vector_load %arg11[%get3A_172] {strides = array<i32>} : memref<4096xf32, #tpu.memory_space<vmem>>, vector<16xf32>,
        %gather3A_174 = tpu.vector_load_idx %arg12[%broadcast_in_dim3A_146, %add3A_11, %broadcast_in_dim3A_30] : memref<32x128x8xf32, #tpu.memory_space<vmem>>[vector<16xi32>, vector<16xi32>, vector<16xi32>], vector<16xf32>,
        %mul3A_175 = arith.mulf %gather3A_174, %get3A_173 : vector<16xf32>
        tpu.vector_store_idx %arg12[%broadcast_in_dim3A_146, %add3A_11, %broadcast_in_dim3A_30], %mul3A_175 : memref<32x128x8xf32, #tpu.memory_space<vmem>>[vector<16xi32>, vector<16xi32>, vector<16xi32>], vector<16xf32>,
        %gather3A_176 = tpu.vector_load_idx %arg12[%broadcast_in_dim3A_146, %add3A_11, %broadcast_in_dim3A_32] : memref<32x128x8xf32, #tpu.memory_space<vmem>>[vector<16xi32>, vector<16xi32>, vector<16xi32>], vector<16xf32>,
        %mul3A_177 = arith.mulf %gather3A_176, %get3A_173 : vector<16xf32>
        tpu.vector_store_idx %arg12[%broadcast_in_dim3A_146, %add3A_11, %broadcast_in_dim3A_32], %mul3A_177 : memref<32x128x8xf32, #tpu.memory_space<vmem>>[vector<16xi32>, vector<16xi32>, vector<16xi32>], vector<16xf32>,
        %gather3A_178 = tpu.vector_load_idx %arg12[%broadcast_in_dim3A_146, %add3A_11, %broadcast_in_dim3A_34] : memref<32x128x8xf32, #tpu.memory_space<vmem>>[vector<16xi32>, vector<16xi32>, vector<16xi32>], vector<16xf32>,
        %mul3A_179 = arith.mulf %gather3A_178, %get3A_173 : vector<16xf32>
        tpu.vector_store_idx %arg12[%broadcast_in_dim3A_146, %add3A_11, %broadcast_in_dim3A_34], %mul3A_179 : memref<32x128x8xf32, #tpu.memory_space<vmem>>[vector<16xi32>, vector<16xi32>, vector<16xi32>], vector<16xf32>,
        %gather3A_180 = tpu.vector_load_idx %arg12[%broadcast_in_dim3A_146, %add3A_11, %broadcast_in_dim3A_36] : memref<32x128x8xf32, #tpu.memory_space<vmem>>[vector<16xi32>, vector<16xi32>, vector<16xi32>], vector<16xf32>,
        %mul3A_181 = arith.mulf %gather3A_180, %get3A_173 : vector<16xf32>
        tpu.vector_store_idx %arg12[%broadcast_in_dim3A_146, %add3A_11, %broadcast_in_dim3A_36], %mul3A_181 : memref<32x128x8xf32, #tpu.memory_space<vmem>>[vector<16xi32>, vector<16xi32>, vector<16xi32>], vector<16xf32>,
        %gather3A_182 = tpu.vector_load_idx %arg12[%broadcast_in_dim3A_146, %add3A_11, %broadcast_in_dim3A_38] : memref<32x128x8xf32, #tpu.memory_space<vmem>>[vector<16xi32>, vector<16xi32>, vector<16xi32>], vector<16xf32>,
        %mul3A_183 = arith.mulf %gather3A_182, %get3A_173 : vector<16xf32>
        tpu.vector_store_idx %arg12[%broadcast_in_dim3A_146, %add3A_11, %broadcast_in_dim3A_38], %mul3A_183 : memref<32x128x8xf32, #tpu.memory_space<vmem>>[vector<16xi32>, vector<16xi32>, vector<16xi32>], vector<16xf32>,
        %gather3A_184 = tpu.vector_load_idx %arg12[%broadcast_in_dim3A_146, %add3A_11, %broadcast_in_dim3A_40] : memref<32x128x8xf32, #tpu.memory_space<vmem>>[vector<16xi32>, vector<16xi32>, vector<16xi32>], vector<16xf32>,
        %mul3A_185 = arith.mulf %gather3A_184, %get3A_173 : vector<16xf32>
        tpu.vector_store_idx %arg12[%broadcast_in_dim3A_146, %add3A_11, %broadcast_in_dim3A_40], %mul3A_185 : memref<32x128x8xf32, #tpu.memory_space<vmem>>[vector<16xi32>, vector<16xi32>, vector<16xi32>], vector<16xf32>,
        %gather3A_186 = tpu.vector_load_idx %arg12[%broadcast_in_dim3A_146, %add3A_11, %broadcast_in_dim3A_42] : memref<32x128x8xf32, #tpu.memory_space<vmem>>[vector<16xi32>, vector<16xi32>, vector<16xi32>], vector<16xf32>,
        %mul3A_187 = arith.mulf %gather3A_186, %get3A_173 : vector<16xf32>
        tpu.vector_store_idx %arg12[%broadcast_in_dim3A_146, %add3A_11, %broadcast_in_dim3A_42], %mul3A_187 : memref<32x128x8xf32, #tpu.memory_space<vmem>>[vector<16xi32>, vector<16xi32>, vector<16xi32>], vector<16xf32>,
        %gather3A_188 = tpu.vector_load_idx %arg12[%broadcast_in_dim3A_146, %add3A_11, %broadcast_in_dim3A_44] : memref<32x128x8xf32, #tpu.memory_space<vmem>>[vector<16xi32>, vector<16xi32>, vector<16xi32>], vector<16xf32>,
        %mul3A_189 = arith.mulf %gather3A_188, %get3A_173 : vector<16xf32>
        tpu.vector_store_idx %arg12[%broadcast_in_dim3A_146, %add3A_11, %broadcast_in_dim3A_44], %mul3A_189 : memref<32x128x8xf32, #tpu.memory_space<vmem>>[vector<16xi32>, vector<16xi32>, vector<16xi32>], vector<16xf32>,
        %mul3A_190 = arith.constant 128 : i32
        %mul3A_191 = arith.muli %scan3A_144, %mul3A_190 : i32
        %add3A_192 = arith.constant 32 : i32
        %add3A_193 = arith.addi %mul3A_191, %add3A_192 : i32
        %get3A_194 = arith.index_cast %add3A_193 : i32 to index
        %get3A_195 = tpu.vector_load %arg11[%get3A_194] {strides = array<i32>} : memref<4096xf32, #tpu.memory_space<vmem>>, vector<16xf32>,
        %gather3A_196 = tpu.vector_load_idx %arg12[%broadcast_in_dim3A_146, %add3A_14, %broadcast_in_dim3A_30] : memref<32x128x8xf32, #tpu.memory_space<vmem>>[vector<16xi32>, vector<16xi32>, vector<16xi32>], vector<16xf32>,
        %mul3A_197 = arith.mulf %gather3A_196, %get3A_195 : vector<16xf32>
        tpu.vector_store_idx %arg12[%broadcast_in_dim3A_146, %add3A_14, %broadcast_in_dim3A_30], %mul3A_197 : memref<32x128x8xf32, #tpu.memory_space<vmem>>[vector<16xi32>, vector<16xi32>, vector<16xi32>], vector<16xf32>,
        %gather3A_198 = tpu.vector_load_idx %arg12[%broadcast_in_dim3A_146, %add3A_14, %broadcast_in_dim3A_32] : memref<32x128x8xf32, #tpu.memory_space<vmem>>[vector<16xi32>, vector<16xi32>, vector<16xi32>], vector<16xf32>,
        %mul3A_199 = arith.mulf %gather3A_198, %get3A_195 : vector<16xf32>
        tpu.vector_store_idx %arg12[%broadcast_in_dim3A_146, %add3A_14, %broadcast_in_dim3A_32], %mul3A_199 : memref<32x128x8xf32, #tpu.memory_space<vmem>>[vector<16xi32>, vector<16xi32>, vector<16xi32>], vector<16xf32>,
        %gather3A_200 = tpu.vector_load_idx %arg12[%broadcast_in_dim3A_146, %add3A_14, %broadcast_in_dim3A_34] : memref<32x128x8xf32, #tpu.memory_space<vmem>>[vector<16xi32>, vector<16xi32>, vector<16xi32>], vector<16xf32>,
        %mul3A_201 = arith.mulf %gather3A_200, %get3A_195 : vector<16xf32>
        tpu.vector_store_idx %arg12[%broadcast_in_dim3A_146, %add3A_14, %broadcast_in_dim3A_34], %mul3A_201 : memref<32x128x8xf32, #tpu.memory_space<vmem>>[vector<16xi32>, vector<16xi32>, vector<16xi32>], vector<16xf32>,
        %gather3A_202 = tpu.vector_load_idx %arg12[%broadcast_in_dim3A_146, %add3A_14, %broadcast_in_dim3A_36] : memref<32x128x8xf32, #tpu.memory_space<vmem>>[vector<16xi32>, vector<16xi32>, vector<16xi32>], vector<16xf32>,
        %mul3A_203 = arith.mulf %gather3A_202, %get3A_195 : vector<16xf32>
        tpu.vector_store_idx %arg12[%broadcast_in_dim3A_146, %add3A_14, %broadcast_in_dim3A_36], %mul3A_203 : memref<32x128x8xf32, #tpu.memory_space<vmem>>[vector<16xi32>, vector<16xi32>, vector<16xi32>], vector<16xf32>,
        %gather3A_204 = tpu.vector_load_idx %arg12[%broadcast_in_dim3A_146, %add3A_14, %broadcast_in_dim3A_38] : memref<32x128x8xf32, #tpu.memory_space<vmem>>[vector<16xi32>, vector<16xi32>, vector<16xi32>], vector<16xf32>,
        %mul3A_205 = arith.mulf %gather3A_204, %get3A_195 : vector<16xf32>
        tpu.vector_store_idx %arg12[%broadcast_in_dim3A_146, %add3A_14, %broadcast_in_dim3A_38], %mul3A_205 : memref<32x128x8xf32, #tpu.memory_space<vmem>>[vector<16xi32>, vector<16xi32>, vector<16xi32>], vector<16xf32>,
        %gather3A_206 = tpu.vector_load_idx %arg12[%broadcast_in_dim3A_146, %add3A_14, %broadcast_in_dim3A_40] : memref<32x128x8xf32, #tpu.memory_space<vmem>>[vector<16xi32>, vector<16xi32>, vector<16xi32>], vector<16xf32>,
        %mul3A_207 = arith.mulf %gather3A_206, %get3A_195 : vector<16xf32>
        tpu.vector_store_idx %arg12[%broadcast_in_dim3A_146, %add3A_14, %broadcast_in_dim3A_40], %mul3A_207 : memref<32x128x8xf32, #tpu.memory_space<vmem>>[vector<16xi32>, vector<16xi32>, vector<16xi32>], vector<16xf32>,
        %gather3A_208 = tpu.vector_load_idx %arg12[%broadcast_in_dim3A_146, %add3A_14, %broadcast_in_dim3A_42] : memref<32x128x8xf32, #tpu.memory_space<vmem>>[vector<16xi32>, vector<16xi32>, vector<16xi32>], vector<16xf32>,
        %mul3A_209 = arith.mulf %gather3A_208, %get3A_195 : vector<16xf32>
        tpu.vector_store_idx %arg12[%broadcast_in_dim3A_146, %add3A_14, %broadcast_in_dim3A_42], %mul3A_209 : memref<32x128x8xf32, #tpu.memory_space<vmem>>[vector<16xi32>, vector<16xi32>, vector<16xi32>], vector<16xf32>,
        %gather3A_210 = tpu.vector_load_idx %arg12[%broadcast_in_dim3A_146, %add3A_14, %broadcast_in_dim3A_44] : memref<32x128x8xf32, #tpu.memory_space<vmem>>[vector<16xi32>, vector<16xi32>, vector<16xi32>], vector<16xf32>,
        %mul3A_211 = arith.mulf %gather3A_210, %get3A_195 : vector<16xf32>
        tpu.vector_store_idx %arg12[%broadcast_in_dim3A_146, %add3A_14, %broadcast_in_dim3A_44], %mul3A_211 : memref<32x128x8xf32, #tpu.memory_space<vmem>>[vector<16xi32>, vector<16xi32>, vector<16xi32>], vector<16xf32>,
        %mul3A_212 = arith.constant 128 : i32
        %mul3A_213 = arith.muli %scan3A_144, %mul3A_212 : i32
        %add3A_214 = arith.constant 48 : i32
        %add3A_215 = arith.addi %mul3A_213, %add3A_214 : i32
        %get3A_216 = arith.index_cast %add3A_215 : i32 to index
        %get3A_217 = tpu.vector_load %arg11[%get3A_216] {strides = array<i32>} : memref<4096xf32, #tpu.memory_space<vmem>>, vector<16xf32>,
        %gather3A_218 = tpu.vector_load_idx %arg12[%broadcast_in_dim3A_146, %add3A_17, %broadcast_in_dim3A_30] : memref<32x128x8xf32, #tpu.memory_space<vmem>>[vector<16xi32>, vector<16xi32>, vector<16xi32>], vector<16xf32>,
        %mul3A_219 = arith.mulf %gather3A_218, %get3A_217 : vector<16xf32>
        tpu.vector_store_idx %arg12[%broadcast_in_dim3A_146, %add3A_17, %broadcast_in_dim3A_30], %mul3A_219 : memref<32x128x8xf32, #tpu.memory_space<vmem>>[vector<16xi32>, vector<16xi32>, vector<16xi32>], vector<16xf32>,
        %gather3A_220 = tpu.vector_load_idx %arg12[%broadcast_in_dim3A_146, %add3A_17, %broadcast_in_dim3A_32] : memref<32x128x8xf32, #tpu.memory_space<vmem>>[vector<16xi32>, vector<16xi32>, vector<16xi32>], vector<16xf32>,
        %mul3A_221 = arith.mulf %gather3A_220, %get3A_217 : vector<16xf32>
        tpu.vector_store_idx %arg12[%broadcast_in_dim3A_146, %add3A_17, %broadcast_in_dim3A_32], %mul3A_221 : memref<32x128x8xf32, #tpu.memory_space<vmem>>[vector<16xi32>, vector<16xi32>, vector<16xi32>], vector<16xf32>,
        %gather3A_222 = tpu.vector_load_idx %arg12[%broadcast_in_dim3A_146, %add3A_17, %broadcast_in_dim3A_34] : memref<32x128x8xf32, #tpu.memory_space<vmem>>[vector<16xi32>, vector<16xi32>, vector<16xi32>], vector<16xf32>,
        %mul3A_223 = arith.mulf %gather3A_222, %get3A_217 : vector<16xf32>
        tpu.vector_store_idx %arg12[%broadcast_in_dim3A_146, %add3A_17, %broadcast_in_dim3A_34], %mul3A_223 : memref<32x128x8xf32, #tpu.memory_space<vmem>>[vector<16xi32>, vector<16xi32>, vector<16xi32>], vector<16xf32>,
        %gather3A_224 = tpu.vector_load_idx %arg12[%broadcast_in_dim3A_146, %add3A_17, %broadcast_in_dim3A_36] : memref<32x128x8xf32, #tpu.memory_space<vmem>>[vector<16xi32>, vector<16xi32>, vector<16xi32>], vector<16xf32>,
        %mul3A_225 = arith.mulf %gather3A_224, %get3A_217 : vector<16xf32>
        tpu.vector_store_idx %arg12[%broadcast_in_dim3A_146, %add3A_17, %broadcast_in_dim3A_36], %mul3A_225 : memref<32x128x8xf32, #tpu.memory_space<vmem>>[vector<16xi32>, vector<16xi32>, vector<16xi32>], vector<16xf32>,
        %gather3A_226 = tpu.vector_load_idx %arg12[%broadcast_in_dim3A_146, %add3A_17, %broadcast_in_dim3A_38] : memref<32x128x8xf32, #tpu.memory_space<vmem>>[vector<16xi32>, vector<16xi32>, vector<16xi32>], vector<16xf32>,
        %mul3A_227 = arith.mulf %gather3A_226, %get3A_217 : vector<16xf32>
        tpu.vector_store_idx %arg12[%broadcast_in_dim3A_146, %add3A_17, %broadcast_in_dim3A_38], %mul3A_227 : memref<32x128x8xf32, #tpu.memory_space<vmem>>[vector<16xi32>, vector<16xi32>, vector<16xi32>], vector<16xf32>,
        %gather3A_228 = tpu.vector_load_idx %arg12[%broadcast_in_dim3A_146, %add3A_17, %broadcast_in_dim3A_40] : memref<32x128x8xf32, #tpu.memory_space<vmem>>[vector<16xi32>, vector<16xi32>, vector<16xi32>], vector<16xf32>,
        %mul3A_229 = arith.mulf %gather3A_228, %get3A_217 : vector<16xf32>
        tpu.vector_store_idx %arg12[%broadcast_in_dim3A_146, %add3A_17, %broadcast_in_dim3A_40], %mul3A_229 : memref<32x128x8xf32, #tpu.memory_space<vmem>>[vector<16xi32>, vector<16xi32>, vector<16xi32>], vector<16xf32>,
        %gather3A_230 = tpu.vector_load_idx %arg12[%broadcast_in_dim3A_146, %add3A_17, %broadcast_in_dim3A_42] : memref<32x128x8xf32, #tpu.memory_space<vmem>>[vector<16xi32>, vector<16xi32>, vector<16xi32>], vector<16xf32>,
        %mul3A_231 = arith.mulf %gather3A_230, %get3A_217 : vector<16xf32>
        tpu.vector_store_idx %arg12[%broadcast_in_dim3A_146, %add3A_17, %broadcast_in_dim3A_42], %mul3A_231 : memref<32x128x8xf32, #tpu.memory_space<vmem>>[vector<16xi32>, vector<16xi32>, vector<16xi32>], vector<16xf32>,
        %gather3A_232 = tpu.vector_load_idx %arg12[%broadcast_in_dim3A_146, %add3A_17, %broadcast_in_dim3A_44] : memref<32x128x8xf32, #tpu.memory_space<vmem>>[vector<16xi32>, vector<16xi32>, vector<16xi32>], vector<16xf32>,
        %mul3A_233 = arith.mulf %gather3A_232, %get3A_217 : vector<16xf32>
        tpu.vector_store_idx %arg12[%broadcast_in_dim3A_146, %add3A_17, %broadcast_in_dim3A_44], %mul3A_233 : memref<32x128x8xf32, #tpu.memory_space<vmem>>[vector<16xi32>, vector<16xi32>, vector<16xi32>], vector<16xf32>,
        %mul3A_234 = arith.constant 128 : i32
        %mul3A_235 = arith.muli %scan3A_144, %mul3A_234 : i32
        %add3A_236 = arith.constant 64 : i32
        %add3A_237 = arith.addi %mul3A_235, %add3A_236 : i32
        %get3A_238 = arith.index_cast %add3A_237 : i32 to index
        %get3A_239 = tpu.vector_load %arg11[%get3A_238] {strides = array<i32>} : memref<4096xf32, #tpu.memory_space<vmem>>, vector<16xf32>,
        %gather3A_240 = tpu.vector_load_idx %arg12[%broadcast_in_dim3A_146, %add3A_20, %broadcast_in_dim3A_30] : memref<32x128x8xf32, #tpu.memory_space<vmem>>[vector<16xi32>, vector<16xi32>, vector<16xi32>], vector<16xf32>,
        %mul3A_241 = arith.mulf %gather3A_240, %get3A_239 : vector<16xf32>
        tpu.vector_store_idx %arg12[%broadcast_in_dim3A_146, %add3A_20, %broadcast_in_dim3A_30], %mul3A_241 : memref<32x128x8xf32, #tpu.memory_space<vmem>>[vector<16xi32>, vector<16xi32>, vector<16xi32>], vector<16xf32>,
        %gather3A_242 = tpu.vector_load_idx %arg12[%broadcast_in_dim3A_146, %add3A_20, %broadcast_in_dim3A_32] : memref<32x128x8xf32, #tpu.memory_space<vmem>>[vector<16xi32>, vector<16xi32>, vector<16xi32>], vector<16xf32>,
        %mul3A_243 = arith.mulf %gather3A_242, %get3A_239 : vector<16xf32>
        tpu.vector_store_idx %arg12[%broadcast_in_dim3A_146, %add3A_20, %broadcast_in_dim3A_32], %mul3A_243 : memref<32x128x8xf32, #tpu.memory_space<vmem>>[vector<16xi32>, vector<16xi32>, vector<16xi32>], vector<16xf32>,
        %gather3A_244 = tpu.vector_load_idx %arg12[%broadcast_in_dim3A_146, %add3A_20, %broadcast_in_dim3A_34] : memref<32x128x8xf32, #tpu.memory_space<vmem>>[vector<16xi32>, vector<16xi32>, vector<16xi32>], vector<16xf32>,
        %mul3A_245 = arith.mulf %gather3A_244, %get3A_239 : vector<16xf32>
        tpu.vector_store_idx %arg12[%broadcast_in_dim3A_146, %add3A_20, %broadcast_in_dim3A_34], %mul3A_245 : memref<32x128x8xf32, #tpu.memory_space<vmem>>[vector<16xi32>, vector<16xi32>, vector<16xi32>], vector<16xf32>,
        %gather3A_246 = tpu.vector_load_idx %arg12[%broadcast_in_dim3A_146, %add3A_20, %broadcast_in_dim3A_36] : memref<32x128x8xf32, #tpu.memory_space<vmem>>[vector<16xi32>, vector<16xi32>, vector<16xi32>], vector<16xf32>,
        %mul3A_247 = arith.mulf %gather3A_246, %get3A_239 : vector<16xf32>
        tpu.vector_store_idx %arg12[%broadcast_in_dim3A_146, %add3A_20, %broadcast_in_dim3A_36], %mul3A_247 : memref<32x128x8xf32, #tpu.memory_space<vmem>>[vector<16xi32>, vector<16xi32>, vector<16xi32>], vector<16xf32>,
        %gather3A_248 = tpu.vector_load_idx %arg12[%broadcast_in_dim3A_146, %add3A_20, %broadcast_in_dim3A_38] : memref<32x128x8xf32, #tpu.memory_space<vmem>>[vector<16xi32>, vector<16xi32>, vector<16xi32>], vector<16xf32>,
        %mul3A_249 = arith.mulf %gather3A_248, %get3A_239 : vector<16xf32>
        tpu.vector_store_idx %arg12[%broadcast_in_dim3A_146, %add3A_20, %broadcast_in_dim3A_38], %mul3A_249 : memref<32x128x8xf32, #tpu.memory_space<vmem>>[vector<16xi32>, vector<16xi32>, vector<16xi32>], vector<16xf32>,
        %gather3A_250 = tpu.vector_load_idx %arg12[%broadcast_in_dim3A_146, %add3A_20, %broadcast_in_dim3A_40] : memref<32x128x8xf32, #tpu.memory_space<vmem>>[vector<16xi32>, vector<16xi32>, vector<16xi32>], vector<16xf32>,
        %mul3A_251 = arith.mulf %gather3A_250, %get3A_239 : vector<16xf32>
        tpu.vector_store_idx %arg12[%broadcast_in_dim3A_146, %add3A_20, %broadcast_in_dim3A_40], %mul3A_251 : memref<32x128x8xf32, #tpu.memory_space<vmem>>[vector<16xi32>, vector<16xi32>, vector<16xi32>], vector<16xf32>,
        %gather3A_252 = tpu.vector_load_idx %arg12[%broadcast_in_dim3A_146, %add3A_20, %broadcast_in_dim3A_42] : memref<32x128x8xf32, #tpu.memory_space<vmem>>[vector<16xi32>, vector<16xi32>, vector<16xi32>], vector<16xf32>,
        %mul3A_253 = arith.mulf %gather3A_252, %get3A_239 : vector<16xf32>
        tpu.vector_store_idx %arg12[%broadcast_in_dim3A_146, %add3A_20, %broadcast_in_dim3A_42], %mul3A_253 : memref<32x128x8xf32, #tpu.memory_space<vmem>>[vector<16xi32>, vector<16xi32>, vector<16xi32>], vector<16xf32>,
        %gather3A_254 = tpu.vector_load_idx %arg12[%broadcast_in_dim3A_146, %add3A_20, %broadcast_in_dim3A_44] : memref<32x128x8xf32, #tpu.memory_space<vmem>>[vector<16xi32>, vector<16xi32>, vector<16xi32>], vector<16xf32>,
        %mul3A_255 = arith.mulf %gather3A_254, %get3A_239 : vector<16xf32>
        tpu.vector_store_idx %arg12[%broadcast_in_dim3A_146, %add3A_20, %broadcast_in_dim3A_44], %mul3A_255 : memref<32x128x8xf32, #tpu.memory_space<vmem>>[vector<16xi32>, vector<16xi32>, vector<16xi32>], vector<16xf32>,
        %mul3A_256 = arith.constant 128 : i32
        %mul3A_257 = arith.muli %scan3A_144, %mul3A_256 : i32
        %add3A_258 = arith.constant 80 : i32
        %add3A_259 = arith.addi %mul3A_257, %add3A_258 : i32
        %get3A_260 = arith.index_cast %add3A_259 : i32 to index
        %get3A_261 = tpu.vector_load %arg11[%get3A_260] {strides = array<i32>} : memref<4096xf32, #tpu.memory_space<vmem>>, vector<16xf32>,
        %gather3A_262 = tpu.vector_load_idx %arg12[%broadcast_in_dim3A_146, %add3A_23, %broadcast_in_dim3A_30] : memref<32x128x8xf32, #tpu.memory_space<vmem>>[vector<16xi32>, vector<16xi32>, vector<16xi32>], vector<16xf32>,
        %mul3A_263 = arith.mulf %gather3A_262, %get3A_261 : vector<16xf32>
        tpu.vector_store_idx %arg12[%broadcast_in_dim3A_146, %add3A_23, %broadcast_in_dim3A_30], %mul3A_263 : memref<32x128x8xf32, #tpu.memory_space<vmem>>[vector<16xi32>, vector<16xi32>, vector<16xi32>], vector<16xf32>,
        %gather3A_264 = tpu.vector_load_idx %arg12[%broadcast_in_dim3A_146, %add3A_23, %broadcast_in_dim3A_32] : memref<32x128x8xf32, #tpu.memory_space<vmem>>[vector<16xi32>, vector<16xi32>, vector<16xi32>], vector<16xf32>,
        %mul3A_265 = arith.mulf %gather3A_264, %get3A_261 : vector<16xf32>
        tpu.vector_store_idx %arg12[%broadcast_in_dim3A_146, %add3A_23, %broadcast_in_dim3A_32], %mul3A_265 : memref<32x128x8xf32, #tpu.memory_space<vmem>>[vector<16xi32>, vector<16xi32>, vector<16xi32>], vector<16xf32>,
        %gather3A_266 = tpu.vector_load_idx %arg12[%broadcast_in_dim3A_146, %add3A_23, %broadcast_in_dim3A_34] : memref<32x128x8xf32, #tpu.memory_space<vmem>>[vector<16xi32>, vector<16xi32>, vector<16xi32>], vector<16xf32>,
        %mul3A_267 = arith.mulf %gather3A_266, %get3A_261 : vector<16xf32>
        tpu.vector_store_idx %arg12[%broadcast_in_dim3A_146, %add3A_23, %broadcast_in_dim3A_34], %mul3A_267 : memref<32x128x8xf32, #tpu.memory_space<vmem>>[vector<16xi32>, vector<16xi32>, vector<16xi32>], vector<16xf32>,
        %gather3A_268 = tpu.vector_load_idx %arg12[%broadcast_in_dim3A_146, %add3A_23, %broadcast_in_dim3A_36] : memref<32x128x8xf32, #tpu.memory_space<vmem>>[vector<16xi32>, vector<16xi32>, vector<16xi32>], vector<16xf32>,
        %mul3A_269 = arith.mulf %gather3A_268, %get3A_261 : vector<16xf32>
        tpu.vector_store_idx %arg12[%broadcast_in_dim3A_146, %add3A_23, %broadcast_in_dim3A_36], %mul3A_269 : memref<32x128x8xf32, #tpu.memory_space<vmem>>[vector<16xi32>, vector<16xi32>, vector<16xi32>], vector<16xf32>,
        %gather3A_270 = tpu.vector_load_idx %arg12[%broadcast_in_dim3A_146, %add3A_23, %broadcast_in_dim3A_38] : memref<32x128x8xf32, #tpu.memory_space<vmem>>[vector<16xi32>, vector<16xi32>, vector<16xi32>], vector<16xf32>,
        %mul3A_271 = arith.mulf %gather3A_270, %get3A_261 : vector<16xf32>
        tpu.vector_store_idx %arg12[%broadcast_in_dim3A_146, %add3A_23, %broadcast_in_dim3A_38], %mul3A_271 : memref<32x128x8xf32, #tpu.memory_space<vmem>>[vector<16xi32>, vector<16xi32>, vector<16xi32>], vector<16xf32>,
        %gather3A_272 = tpu.vector_load_idx %arg12[%broadcast_in_dim3A_146, %add3A_23, %broadcast_in_dim3A_40] : memref<32x128x8xf32, #tpu.memory_space<vmem>>[vector<16xi32>, vector<16xi32>, vector<16xi32>], vector<16xf32>,
        %mul3A_273 = arith.mulf %gather3A_272, %get3A_261 : vector<16xf32>
        tpu.vector_store_idx %arg12[%broadcast_in_dim3A_146, %add3A_23, %broadcast_in_dim3A_40], %mul3A_273 : memref<32x128x8xf32, #tpu.memory_space<vmem>>[vector<16xi32>, vector<16xi32>, vector<16xi32>], vector<16xf32>,
        %gather3A_274 = tpu.vector_load_idx %arg12[%broadcast_in_dim3A_146, %add3A_23, %broadcast_in_dim3A_42] : memref<32x128x8xf32, #tpu.memory_space<vmem>>[vector<16xi32>, vector<16xi32>, vector<16xi32>], vector<16xf32>,
        %mul3A_275 = arith.mulf %gather3A_274, %get3A_261 : vector<16xf32>
        tpu.vector_store_idx %arg12[%broadcast_in_dim3A_146, %add3A_23, %broadcast_in_dim3A_42], %mul3A_275 : memref<32x128x8xf32, #tpu.memory_space<vmem>>[vector<16xi32>, vector<16xi32>, vector<16xi32>], vector<16xf32>,
        %gather3A_276 = tpu.vector_load_idx %arg12[%broadcast_in_dim3A_146, %add3A_23, %broadcast_in_dim3A_44] : memref<32x128x8xf32, #tpu.memory_space<vmem>>[vector<16xi32>, vector<16xi32>, vector<16xi32>], vector<16xf32>,
        %mul3A_277 = arith.mulf %gather3A_276, %get3A_261 : vector<16xf32>
        tpu.vector_store_idx %arg12[%broadcast_in_dim3A_146, %add3A_23, %broadcast_in_dim3A_44], %mul3A_277 : memref<32x128x8xf32, #tpu.memory_space<vmem>>[vector<16xi32>, vector<16xi32>, vector<16xi32>], vector<16xf32>,
        %mul3A_278 = arith.constant 128 : i32
        %mul3A_279 = arith.muli %scan3A_144, %mul3A_278 : i32
        %add3A_280 = arith.constant 96 : i32
        %add3A_281 = arith.addi %mul3A_279, %add3A_280 : i32
        %get3A_282 = arith.index_cast %add3A_281 : i32 to index
        %get3A_283 = tpu.vector_load %arg11[%get3A_282] {strides = array<i32>} : memref<4096xf32, #tpu.memory_space<vmem>>, vector<16xf32>,
        %gather3A_284 = tpu.vector_load_idx %arg12[%broadcast_in_dim3A_146, %add3A_26, %broadcast_in_dim3A_30] : memref<32x128x8xf32, #tpu.memory_space<vmem>>[vector<16xi32>, vector<16xi32>, vector<16xi32>], vector<16xf32>,
        %mul3A_285 = arith.mulf %gather3A_284, %get3A_283 : vector<16xf32>
        tpu.vector_store_idx %arg12[%broadcast_in_dim3A_146, %add3A_26, %broadcast_in_dim3A_30], %mul3A_285 : memref<32x128x8xf32, #tpu.memory_space<vmem>>[vector<16xi32>, vector<16xi32>, vector<16xi32>], vector<16xf32>,
        %gather3A_286 = tpu.vector_load_idx %arg12[%broadcast_in_dim3A_146, %add3A_26, %broadcast_in_dim3A_32] : memref<32x128x8xf32, #tpu.memory_space<vmem>>[vector<16xi32>, vector<16xi32>, vector<16xi32>], vector<16xf32>,
        %mul3A_287 = arith.mulf %gather3A_286, %get3A_283 : vector<16xf32>
        tpu.vector_store_idx %arg12[%broadcast_in_dim3A_146, %add3A_26, %broadcast_in_dim3A_32], %mul3A_287 : memref<32x128x8xf32, #tpu.memory_space<vmem>>[vector<16xi32>, vector<16xi32>, vector<16xi32>], vector<16xf32>,
        %gather3A_288 = tpu.vector_load_idx %arg12[%broadcast_in_dim3A_146, %add3A_26, %broadcast_in_dim3A_34] : memref<32x128x8xf32, #tpu.memory_space<vmem>>[vector<16xi32>, vector<16xi32>, vector<16xi32>], vector<16xf32>,
        %mul3A_289 = arith.mulf %gather3A_288, %get3A_283 : vector<16xf32>
        tpu.vector_store_idx %arg12[%broadcast_in_dim3A_146, %add3A_26, %broadcast_in_dim3A_34], %mul3A_289 : memref<32x128x8xf32, #tpu.memory_space<vmem>>[vector<16xi32>, vector<16xi32>, vector<16xi32>], vector<16xf32>,
        %gather3A_290 = tpu.vector_load_idx %arg12[%broadcast_in_dim3A_146, %add3A_26, %broadcast_in_dim3A_36] : memref<32x128x8xf32, #tpu.memory_space<vmem>>[vector<16xi32>, vector<16xi32>, vector<16xi32>], vector<16xf32>,
        %mul3A_291 = arith.mulf %gather3A_290, %get3A_283 : vector<16xf32>
        tpu.vector_store_idx %arg12[%broadcast_in_dim3A_146, %add3A_26, %broadcast_in_dim3A_36], %mul3A_291 : memref<32x128x8xf32, #tpu.memory_space<vmem>>[vector<16xi32>, vector<16xi32>, vector<16xi32>], vector<16xf32>,
        %gather3A_292 = tpu.vector_load_idx %arg12[%broadcast_in_dim3A_146, %add3A_26, %broadcast_in_dim3A_38] : memref<32x128x8xf32, #tpu.memory_space<vmem>>[vector<16xi32>, vector<16xi32>, vector<16xi32>], vector<16xf32>,
        %mul3A_293 = arith.mulf %gather3A_292, %get3A_283 : vector<16xf32>
        tpu.vector_store_idx %arg12[%broadcast_in_dim3A_146, %add3A_26, %broadcast_in_dim3A_38], %mul3A_293 : memref<32x128x8xf32, #tpu.memory_space<vmem>>[vector<16xi32>, vector<16xi32>, vector<16xi32>], vector<16xf32>,
        %gather3A_294 = tpu.vector_load_idx %arg12[%broadcast_in_dim3A_146, %add3A_26, %broadcast_in_dim3A_40] : memref<32x128x8xf32, #tpu.memory_space<vmem>>[vector<16xi32>, vector<16xi32>, vector<16xi32>], vector<16xf32>,
        %mul3A_295 = arith.mulf %gather3A_294, %get3A_283 : vector<16xf32>
        tpu.vector_store_idx %arg12[%broadcast_in_dim3A_146, %add3A_26, %broadcast_in_dim3A_40], %mul3A_295 : memref<32x128x8xf32, #tpu.memory_space<vmem>>[vector<16xi32>, vector<16xi32>, vector<16xi32>], vector<16xf32>,
        %gather3A_296 = tpu.vector_load_idx %arg12[%broadcast_in_dim3A_146, %add3A_26, %broadcast_in_dim3A_42] : memref<32x128x8xf32, #tpu.memory_space<vmem>>[vector<16xi32>, vector<16xi32>, vector<16xi32>], vector<16xf32>,
        %mul3A_297 = arith.mulf %gather3A_296, %get3A_283 : vector<16xf32>
        tpu.vector_store_idx %arg12[%broadcast_in_dim3A_146, %add3A_26, %broadcast_in_dim3A_42], %mul3A_297 : memref<32x128x8xf32, #tpu.memory_space<vmem>>[vector<16xi32>, vector<16xi32>, vector<16xi32>], vector<16xf32>,
        %gather3A_298 = tpu.vector_load_idx %arg12[%broadcast_in_dim3A_146, %add3A_26, %broadcast_in_dim3A_44] : memref<32x128x8xf32, #tpu.memory_space<vmem>>[vector<16xi32>, vector<16xi32>, vector<16xi32>], vector<16xf32>,
        %mul3A_299 = arith.mulf %gather3A_298, %get3A_283 : vector<16xf32>
        tpu.vector_store_idx %arg12[%broadcast_in_dim3A_146, %add3A_26, %broadcast_in_dim3A_44], %mul3A_299 : memref<32x128x8xf32, #tpu.memory_space<vmem>>[vector<16xi32>, vector<16xi32>, vector<16xi32>], vector<16xf32>,
        %mul3A_300 = arith.constant 128 : i32
        %mul3A_301 = arith.muli %scan3A_144, %mul3A_300 : i32
        %add3A_302 = arith.constant 112 : i32
        %add3A_303 = arith.addi %mul3A_301, %add3A_302 : i32
        %get3A_304 = arith.index_cast %add3A_303 : i32 to index
        %get3A_305 = tpu.vector_load %arg11[%get3A_304] {strides = array<i32>} : memref<4096xf32, #tpu.memory_space<vmem>>, vector<16xf32>,
        %gather3A_306 = tpu.vector_load_idx %arg12[%broadcast_in_dim3A_146, %add3A_29, %broadcast_in_dim3A_30] : memref<32x128x8xf32, #tpu.memory_space<vmem>>[vector<16xi32>, vector<16xi32>, vector<16xi32>], vector<16xf32>,
        %mul3A_307 = arith.mulf %gather3A_306, %get3A_305 : vector<16xf32>
        tpu.vector_store_idx %arg12[%broadcast_in_dim3A_146, %add3A_29, %broadcast_in_dim3A_30], %mul3A_307 : memref<32x128x8xf32, #tpu.memory_space<vmem>>[vector<16xi32>, vector<16xi32>, vector<16xi32>], vector<16xf32>,
        %gather3A_308 = tpu.vector_load_idx %arg12[%broadcast_in_dim3A_146, %add3A_29, %broadcast_in_dim3A_32] : memref<32x128x8xf32, #tpu.memory_space<vmem>>[vector<16xi32>, vector<16xi32>, vector<16xi32>], vector<16xf32>,
        %mul3A_309 = arith.mulf %gather3A_308, %get3A_305 : vector<16xf32>
        tpu.vector_store_idx %arg12[%broadcast_in_dim3A_146, %add3A_29, %broadcast_in_dim3A_32], %mul3A_309 : memref<32x128x8xf32, #tpu.memory_space<vmem>>[vector<16xi32>, vector<16xi32>, vector<16xi32>], vector<16xf32>,
        %gather3A_310 = tpu.vector_load_idx %arg12[%broadcast_in_dim3A_146, %add3A_29, %broadcast_in_dim3A_34] : memref<32x128x8xf32, #tpu.memory_space<vmem>>[vector<16xi32>, vector<16xi32>, vector<16xi32>], vector<16xf32>,
        %mul3A_311 = arith.mulf %gather3A_310, %get3A_305 : vector<16xf32>
        tpu.vector_store_idx %arg12[%broadcast_in_dim3A_146, %add3A_29, %broadcast_in_dim3A_34], %mul3A_311 : memref<32x128x8xf32, #tpu.memory_space<vmem>>[vector<16xi32>, vector<16xi32>, vector<16xi32>], vector<16xf32>,
        %gather3A_312 = tpu.vector_load_idx %arg12[%broadcast_in_dim3A_146, %add3A_29, %broadcast_in_dim3A_36] : memref<32x128x8xf32, #tpu.memory_space<vmem>>[vector<16xi32>, vector<16xi32>, vector<16xi32>], vector<16xf32>,
        %mul3A_313 = arith.mulf %gather3A_312, %get3A_305 : vector<16xf32>
        tpu.vector_store_idx %arg12[%broadcast_in_dim3A_146, %add3A_29, %broadcast_in_dim3A_36], %mul3A_313 : memref<32x128x8xf32, #tpu.memory_space<vmem>>[vector<16xi32>, vector<16xi32>, vector<16xi32>], vector<16xf32>,
        %gather3A_314 = tpu.vector_load_idx %arg12[%broadcast_in_dim3A_146, %add3A_29, %broadcast_in_dim3A_38] : memref<32x128x8xf32, #tpu.memory_space<vmem>>[vector<16xi32>, vector<16xi32>, vector<16xi32>], vector<16xf32>,
        %mul3A_315 = arith.mulf %gather3A_314, %get3A_305 : vector<16xf32>
        tpu.vector_store_idx %arg12[%broadcast_in_dim3A_146, %add3A_29, %broadcast_in_dim3A_38], %mul3A_315 : memref<32x128x8xf32, #tpu.memory_space<vmem>>[vector<16xi32>, vector<16xi32>, vector<16xi32>], vector<16xf32>,
        %gather3A_316 = tpu.vector_load_idx %arg12[%broadcast_in_dim3A_146, %add3A_29, %broadcast_in_dim3A_40] : memref<32x128x8xf32, #tpu.memory_space<vmem>>[vector<16xi32>, vector<16xi32>, vector<16xi32>], vector<16xf32>,
        %mul3A_317 = arith.mulf %gather3A_316, %get3A_305 : vector<16xf32>
        tpu.vector_store_idx %arg12[%broadcast_in_dim3A_146, %add3A_29, %broadcast_in_dim3A_40], %mul3A_317 : memref<32x128x8xf32, #tpu.memory_space<vmem>>[vector<16xi32>, vector<16xi32>, vector<16xi32>], vector<16xf32>,
        %gather3A_318 = tpu.vector_load_idx %arg12[%broadcast_in_dim3A_146, %add3A_29, %broadcast_in_dim3A_42] : memref<32x128x8xf32, #tpu.memory_space<vmem>>[vector<16xi32>, vector<16xi32>, vector<16xi32>], vector<16xf32>,
        %mul3A_319 = arith.mulf %gather3A_318, %get3A_305 : vector<16xf32>
        tpu.vector_store_idx %arg12[%broadcast_in_dim3A_146, %add3A_29, %broadcast_in_dim3A_42], %mul3A_319 : memref<32x128x8xf32, #tpu.memory_space<vmem>>[vector<16xi32>, vector<16xi32>, vector<16xi32>], vector<16xf32>,
        %gather3A_320 = tpu.vector_load_idx %arg12[%broadcast_in_dim3A_146, %add3A_29, %broadcast_in_dim3A_44] : memref<32x128x8xf32, #tpu.memory_space<vmem>>[vector<16xi32>, vector<16xi32>, vector<16xi32>], vector<16xf32>,
        %mul3A_321 = arith.mulf %gather3A_320, %get3A_305 : vector<16xf32>
        tpu.vector_store_idx %arg12[%broadcast_in_dim3A_146, %add3A_29, %broadcast_in_dim3A_44], %mul3A_321 : memref<32x128x8xf32, #tpu.memory_space<vmem>>[vector<16xi32>, vector<16xi32>, vector<16xi32>], vector<16xf32>,
        %dma_start3A = arith.constant 0 : i32
        %dma_start3A_322 = arith.constant 0 : i32
        %dma_start3A_323 = tpu.memref_slice %arg12[%scan3A_144, %dma_start3A, %dma_start3A_322] : memref<32x128x8xf32, #tpu.memory_space<vmem>> -> memref<1x128x8xf32, #tpu.memory_space<vmem>>
        %dma_start3A_324 = tpu.memref_squeeze %dma_start3A_323 : memref<1x128x8xf32, #tpu.memory_space<vmem>> -> memref<128x8xf32, #tpu.memory_space<vmem>>
        %dma_start3A_325 = arith.constant 0 : i32
        %dma_start3A_326 = tpu.memref_slice %arg10[%scan3A_144, %dma_start3A_325] : memref<32x128xi32, #tpu.memory_space<vmem>> -> memref<1x128xi32, #tpu.memory_space<vmem>>
        %dma_start3A_327 = tpu.memref_squeeze %dma_start3A_326 : memref<1x128xi32, #tpu.memory_space<vmem>> -> memref<128xi32, #tpu.memory_space<vmem>>
        %dma_start3A_328 = arith.constant 0 : i32
        %dma_start3A_329 = arith.constant 0 : i32
        %dma_start3A_330 = tpu.memref_slice %arg20[%dma_start3A_328, %dma_start3A_329] : memref<10240x8xf32, #tpu.memory_space<vmem_shared>> -> memref<10240x8xf32, #tpu.memory_space<vmem_shared>>
        tpu.enqueue_indirect_dma source(%dma_start3A_324 : memref<128x8xf32, #tpu.memory_space<vmem>>) target(%dma_start3A_330 : memref<10240x8xf32, #tpu.memory_space<vmem_shared>>) offsets(%dma_start3A_327 : memref<128xi32, #tpu.memory_space<vmem>>) semaphore(%arg22 : memref<!tpu.dma_semaphore, #tpu.memory_space<semaphore_mem>>) {add = true}
        %scan3A_331 = arith.constant 0 : i32
        scf.yield %scan3A_331 : i32
      }
      %scan3A_135 = arith.constant 32 : i32
      %scan3A_136 = arith.constant 0 : i32
      %scan3A_137 = arith.constant 0 : i32
      %scan3A_138 = arith.constant 32 : i32
      %scan3A_139 = arith.addi %scan3A_137, %scan3A_138 : i32
      %scan3A_140 = arith.constant 1 : i32
      %scan3A_141 = scf.for %scan3A_144 = %scan3A_137 to %scan3A_139 step %scan3A_140 iter_args(%scan3A_145 = %scan3A_136) -> (i32)  : i32 {
        %dma_wait3A = arith.constant 0 : i32
        %dma_wait3A_146 = arith.constant 0 : i32
        %dma_wait3A_147 = arith.constant 0 : i32
        %dma_wait3A_148 = tpu.memref_slice %arg12[%dma_wait3A, %dma_wait3A_146, %dma_wait3A_147] : memref<32x128x8xf32, #tpu.memory_space<vmem>> -> memref<1x128x8xf32, #tpu.memory_space<vmem>>
        %dma_wait3A_149 = tpu.memref_squeeze %dma_wait3A_148 : memref<1x128x8xf32, #tpu.memory_space<vmem>> -> memref<128x8xf32, #tpu.memory_space<vmem>>
        %dma_wait3A_150 = arith.constant 0 : i32
        %dma_wait3A_151 = arith.constant 0 : i32
        %dma_wait3A_152 = tpu.memref_slice %arg20[%dma_wait3A_150, %dma_wait3A_151] : memref<10240x8xf32, #tpu.memory_space<vmem_shared>> -> memref<128x8xf32, #tpu.memory_space<vmem_shared>>
        %dma_wait3A_153 = arith.constant 0 : i32
        %dma_wait3A_154 = arith.constant 0 : i32
        %dma_wait3A_155 = tpu.memref_slice %arg20[%dma_wait3A_153, %dma_wait3A_154] : memref<10240x8xf32, #tpu.memory_space<vmem_shared>> -> memref<128x8xf32, #tpu.memory_space<vmem_shared>>
        %dma_wait3A_156 = arith.constant 0 : i32
        %dma_wait3A_157 = arith.constant 0 : i32
        %dma_wait3A_158 = tpu.memref_slice %arg12[%dma_wait3A, %dma_wait3A_156, %dma_wait3A_157] : memref<32x128x8xf32, #tpu.memory_space<vmem>> -> memref<1x128x8xf32, #tpu.memory_space<vmem>>
        %dma_wait3A_159 = tpu.memref_squeeze %dma_wait3A_158 : memref<1x128x8xf32, #tpu.memory_space<vmem>> -> memref<128x8xf32, #tpu.memory_space<vmem>>
        tpu.wait_dma2 semaphore(%arg22 : memref<!tpu.dma_semaphore, #tpu.memory_space<semaphore_mem>>) src(%dma_wait3A_159 : memref<128x8xf32, #tpu.memory_space<vmem>>) dst(%dma_wait3A_155 : memref<128x8xf32, #tpu.memory_space<vmem_shared>>)
        %scan3A_160 = arith.constant 0 : i32
        scf.yield %scan3A_160 : i32
      }
      %scan3A_142 = arith.constant 32 : i32
      %scan3A_143 = arith.constant 0 : i32
      scf.yield %scan3A_143 : i32
    }
    %scan3A_82 = arith.constant 5 : i32
    %barrier3A_83 = arith.constant 0 : index
    tpu.barrier barrier_id(%barrier3A_83)
    "tpu.region"() ({
      %run_scoped3A = tpu.sem_alloc : memref<!tpu.dma_semaphore, #tpu.memory_space<semaphore_mem>>
      %dma_start3A = arith.constant 0 : i32
      %dma_start3A_108 = tpu.memref_slice %arg20[%mul3A_0, %dma_start3A] : memref<10240x8xf32, #tpu.memory_space<vmem_shared>> -> memref<640x8xf32, #tpu.memory_space<vmem_shared>>
      %dma_start3A_109 = arith.constant 0 : i32
      %dma_start3A_110 = tpu.memref_slice %arg20[%mul3A_0, %dma_start3A_109] : memref<10240x8xf32, #tpu.memory_space<vmem_shared>> -> memref<640x8xf32, #tpu.memory_space<vmem_shared>>
      tpu.enqueue_dma source(%dma_start3A_110 : memref<640x8xf32, #tpu.memory_space<vmem_shared>>) target(%arg14 : memref<640x8xf32, #tpu.memory_space<vmem>>) target_semaphore(%run_scoped3A : memref<!tpu.dma_semaphore, #tpu.memory_space<semaphore_mem>>)
      %dma_wait3A = arith.constant 0 : i32
      %dma_wait3A_111 = tpu.memref_slice %arg20[%mul3A_0, %dma_wait3A] : memref<10240x8xf32, #tpu.memory_space<vmem_shared>> -> memref<640x8xf32, #tpu.memory_space<vmem_shared>>
      %dma_wait3A_112 = arith.constant 0 : i32
      %dma_wait3A_113 = tpu.memref_slice %arg20[%mul3A_0, %dma_wait3A_112] : memref<10240x8xf32, #tpu.memory_space<vmem_shared>> -> memref<640x8xf32, #tpu.memory_space<vmem_shared>>
      tpu.wait_dma2 semaphore(%run_scoped3A : memref<!tpu.dma_semaphore, #tpu.memory_space<semaphore_mem>>) src(%dma_wait3A_113 : memref<640x8xf32, #tpu.memory_space<vmem_shared>>) dst(%arg14 : memref<640x8xf32, #tpu.memory_space<vmem>>)
      tpu.yield
    }) : () -> ()
    %get3A = arith.constant 0 : index
    %get3A_84 = tpu.vector_load %arg17[%get3A] {strides = array<i32>} : memref<16xf32, #tpu.memory_space<vmem>>, vector<16xf32>,
    %scan3A_85 = arith.constant 0 : i32
    %scan3A_86 = arith.constant 0 : i32
    %scan3A_87 = arith.constant 320 : i32
    %scan3A_88 = arith.addi %scan3A_86, %scan3A_87 : i32
    %scan3A_89 = arith.constant 1 : i32
    %scan3A_90 = scf.for %scan3A_108 = %scan3A_86 to %scan3A_88 step %scan3A_89 iter_args(%scan3A_109 = %scan3A_85) -> (i32)  : i32 {
      %mul3A_110 = arith.constant 2 : i32
      %mul3A_111 = arith.muli %mul3A_110, %scan3A_108 : i32
      %add3A_112 = vector.broadcast %mul3A_111 : i32 to vector<16xi32>
      %add3A_113 = arith.addi %shift_right_arithmetic3A_4, %add3A_112 : vector<16xi32>
      %gather3A = tpu.vector_load_idx %arg14[%add3A_113, %and3A_6] : memref<640x8xf32, #tpu.memory_space<vmem>>[vector<16xi32>, vector<16xi32>], vector<16xf32>,
      %gather3A_114 = tpu.vector_load_idx %arg13[%add3A_113, %and3A_6] : memref<640x8xf32, #tpu.memory_space<vmem>>[vector<16xi32>, vector<16xi32>], vector<16xf32>,
      %gather3A_115 = tpu.vector_load_idx %arg16[%add3A_113] : memref<640xf32, #tpu.memory_space<vmem>>[vector<16xi32>], vector<16xf32>,
      %add3A_116 = arith.addf %gather3A, %gather3A_114 : vector<16xf32>
      %mul3A_117 = arith.mulf %gather3A_115, %add3A_116 : vector<16xf32>
      %add3A_118 = arith.addf %mul3A_117, %get3A_84 : vector<16xf32>
      %ge3A = arith.constant 0.000000e+00 : f32
      %ge3A_119 = vector.broadcast %ge3A : f32 to vector<16xf32>
      %ge3A_120 = arith.cmpf oge, %add3A_118, %ge3A_119 : vector<16xf32>
      %mul3A_121 = arith.constant 0.00999999977 : f32
      %mul3A_122 = vector.broadcast %mul3A_121 : f32 to vector<16xf32>
      %mul3A_123 = arith.mulf %mul3A_122, %add3A_118 : vector<16xf32>
      %select_n3A = arith.select %ge3A_120, %add3A_118, %mul3A_123 : vector<16xi1>, vector<16xf32>
      %mul3A_124 = arith.mulf %gather3A_115, %select_n3A : vector<16xf32>
      tpu.vector_store_idx %arg13[%add3A_113, %and3A_6], %mul3A_124 : memref<640x8xf32, #tpu.memory_space<vmem>>[vector<16xi32>, vector<16xi32>], vector<16xf32>,
      %scan3A_125 = arith.constant 0 : i32
      scf.yield %scan3A_125 : i32
    }
    %scan3A_91 = arith.constant 320 : i32
    "tpu.region"() ({
      %run_scoped3A = tpu.sem_alloc : memref<!tpu.dma_semaphore, #tpu.memory_space<semaphore_mem>>
      %dma_start3A = arith.constant 0 : i32
      %dma_start3A_108 = tpu.memref_slice %arg20[%mul3A_0, %dma_start3A] : memref<10240x8xf32, #tpu.memory_space<vmem_shared>> -> memref<640x8xf32, #tpu.memory_space<vmem_shared>>
      %dma_start3A_109 = arith.constant 0 : i32
      %dma_start3A_110 = tpu.memref_slice %arg6[%mul3A_0, %dma_start3A_109] : memref<10240x8xf32, #tpu.memory_space<hbm>> -> memref<640x8xf32, #tpu.memory_space<hbm>>
      tpu.enqueue_dma source(%dma_start3A_110 : memref<640x8xf32, #tpu.memory_space<hbm>>) target(%dma_start3A_108 : memref<640x8xf32, #tpu.memory_space<vmem_shared>>) target_semaphore(%run_scoped3A : memref<!tpu.dma_semaphore, #tpu.memory_space<semaphore_mem>>)
      %dma_wait3A = arith.constant 0 : i32
      %dma_wait3A_111 = tpu.memref_slice %arg20[%mul3A_0, %dma_wait3A] : memref<10240x8xf32, #tpu.memory_space<vmem_shared>> -> memref<640x8xf32, #tpu.memory_space<vmem_shared>>
      %dma_wait3A_112 = arith.constant 0 : i32
      %dma_wait3A_113 = tpu.memref_slice %arg6[%mul3A_0, %dma_wait3A_112] : memref<10240x8xf32, #tpu.memory_space<hbm>> -> memref<640x8xf32, #tpu.memory_space<hbm>>
      tpu.wait_dma2 semaphore(%run_scoped3A : memref<!tpu.dma_semaphore, #tpu.memory_space<semaphore_mem>>) src(%dma_wait3A_113 : memref<640x8xf32, #tpu.memory_space<hbm>>) dst(%dma_wait3A_111 : memref<640x8xf32, #tpu.memory_space<vmem_shared>>)
      tpu.yield
    }) : () -> ()
    "tpu.region"() ({
      %run_scoped3A = tpu.sem_alloc : memref<!tpu.dma_semaphore, #tpu.memory_space<semaphore_mem>>
      %dma_start3A = arith.constant 0 : i32
      %dma_start3A_108 = tpu.memref_slice %arg19[%mul3A_0, %dma_start3A] : memref<10240x8xf32, #tpu.memory_space<vmem_shared>> -> memref<640x8xf32, #tpu.memory_space<vmem_shared>>
      %dma_start3A_109 = arith.constant 0 : i32
      %dma_start3A_110 = tpu.memref_slice %arg19[%mul3A_0, %dma_start3A_109] : memref<10240x8xf32, #tpu.memory_space<vmem_shared>> -> memref<640x8xf32, #tpu.memory_space<vmem_shared>>
      tpu.enqueue_dma source(%arg13 : memref<640x8xf32, #tpu.memory_space<vmem>>) target(%dma_start3A_110 : memref<640x8xf32, #tpu.memory_space<vmem_shared>>) target_semaphore(%run_scoped3A : memref<!tpu.dma_semaphore, #tpu.memory_space<semaphore_mem>>)
      %dma_wait3A = arith.constant 0 : i32
      %dma_wait3A_111 = tpu.memref_slice %arg19[%mul3A_0, %dma_wait3A] : memref<10240x8xf32, #tpu.memory_space<vmem_shared>> -> memref<640x8xf32, #tpu.memory_space<vmem_shared>>
      %dma_wait3A_112 = arith.constant 0 : i32
      %dma_wait3A_113 = tpu.memref_slice %arg19[%mul3A_0, %dma_wait3A_112] : memref<10240x8xf32, #tpu.memory_space<vmem_shared>> -> memref<640x8xf32, #tpu.memory_space<vmem_shared>>
      tpu.wait_dma2 semaphore(%run_scoped3A : memref<!tpu.dma_semaphore, #tpu.memory_space<semaphore_mem>>) src(%arg13 : memref<640x8xf32, #tpu.memory_space<vmem>>) dst(%dma_wait3A_113 : memref<640x8xf32, #tpu.memory_space<vmem_shared>>)
      tpu.yield
    }) : () -> ()
    %barrier3A_92 = arith.constant 0 : index
    tpu.barrier barrier_id(%barrier3A_92)
    %scan3A_93 = arith.constant 0 : i32
    %scan3A_94 = arith.constant 0 : i32
    %scan3A_95 = arith.constant 5 : i32
    %scan3A_96 = arith.addi %scan3A_94, %scan3A_95 : i32
    %scan3A_97 = arith.constant 1 : i32
    %scan3A_98 = scf.for %scan3A_108 = %scan3A_94 to %scan3A_96 step %scan3A_97 iter_args(%scan3A_109 = %scan3A_93) -> (i32)  : i32 {
      %mul3A_110 = arith.constant 32 : i32
      %mul3A_111 = arith.muli %mul3A_110, %scan3A_108 : i32
      %add3A_112 = arith.addi %mul3A_2, %mul3A_111 : i32
      "tpu.region"() ({
        %run_scoped3A = tpu.sem_alloc : memref<!tpu.dma_semaphore, #tpu.memory_space<semaphore_mem>>
        %dma_start3A = arith.constant 0 : i32
        %dma_start3A_144 = arith.constant 0 : i32
        %dma_start3A_145 = tpu.memref_slice %arg2[%arg0, %dma_start3A, %dma_start3A_144] : memref<2x2560x128xi32, #tpu.memory_space<hbm>> -> memref<1x2560x128xi32, #tpu.memory_space<hbm>>
        %dma_start3A_146 = tpu.memref_squeeze %dma_start3A_145 : memref<1x2560x128xi32, #tpu.memory_space<hbm>> -> memref<2560x128xi32, #tpu.memory_space<hbm>>
        %dma_start3A_147 = arith.constant 0 : i32
        %dma_start3A_148 = tpu.memref_slice %dma_start3A_146[%add3A_112, %dma_start3A_147] : memref<2560x128xi32, #tpu.memory_space<hbm>> -> memref<32x128xi32, #tpu.memory_space<hbm>>
        %dma_start3A_149 = arith.constant 0 : i32
        %dma_start3A_150 = arith.constant 0 : i32
        %dma_start3A_151 = tpu.memref_slice %arg2[%arg0, %dma_start3A_149, %dma_start3A_150] : memref<2x2560x128xi32, #tpu.memory_space<hbm>> -> memref<1x2560x128xi32, #tpu.memory_space<hbm>>
        %dma_start3A_152 = tpu.memref_squeeze %dma_start3A_151 : memref<1x2560x128xi32, #tpu.memory_space<hbm>> -> memref<2560x128xi32, #tpu.memory_space<hbm>>
        %dma_start3A_153 = arith.constant 0 : i32
        %dma_start3A_154 = tpu.memref_slice %dma_start3A_152[%add3A_112, %dma_start3A_153] : memref<2560x128xi32, #tpu.memory_space<hbm>> -> memref<32x128xi32, #tpu.memory_space<hbm>>
        tpu.enqueue_dma source(%dma_start3A_154 : memref<32x128xi32, #tpu.memory_space<hbm>>) target(%arg9 : memref<32x128xi32, #tpu.memory_space<vmem>>) target_semaphore(%run_scoped3A : memref<!tpu.dma_semaphore, #tpu.memory_space<semaphore_mem>>)
        %dma_wait3A = arith.constant 0 : i32
        %dma_wait3A_155 = arith.constant 0 : i32
        %dma_wait3A_156 = tpu.memref_slice %arg2[%arg0, %dma_wait3A, %dma_wait3A_155] : memref<2x2560x128xi32, #tpu.memory_space<hbm>> -> memref<1x2560x128xi32, #tpu.memory_space<hbm>>
        %dma_wait3A_157 = tpu.memref_squeeze %dma_wait3A_156 : memref<1x2560x128xi32, #tpu.memory_space<hbm>> -> memref<2560x128xi32, #tpu.memory_space<hbm>>
        %dma_wait3A_158 = arith.constant 0 : i32
        %dma_wait3A_159 = tpu.memref_slice %dma_wait3A_157[%add3A_112, %dma_wait3A_158] : memref<2560x128xi32, #tpu.memory_space<hbm>> -> memref<32x128xi32, #tpu.memory_space<hbm>>
        %dma_wait3A_160 = arith.constant 0 : i32
        %dma_wait3A_161 = arith.constant 0 : i32
        %dma_wait3A_162 = tpu.memref_slice %arg2[%arg0, %dma_wait3A_160, %dma_wait3A_161] : memref<2x2560x128xi32, #tpu.memory_space<hbm>> -> memref<1x2560x128xi32, #tpu.memory_space<hbm>>
        %dma_wait3A_163 = tpu.memref_squeeze %dma_wait3A_162 : memref<1x2560x128xi32, #tpu.memory_space<hbm>> -> memref<2560x128xi32, #tpu.memory_space<hbm>>
        %dma_wait3A_164 = arith.constant 0 : i32
        %dma_wait3A_165 = tpu.memref_slice %dma_wait3A_163[%add3A_112, %dma_wait3A_164] : memref<2560x128xi32, #tpu.memory_space<hbm>> -> memref<32x128xi32, #tpu.memory_space<hbm>>
        tpu.wait_dma2 semaphore(%run_scoped3A : memref<!tpu.dma_semaphore, #tpu.memory_space<semaphore_mem>>) src(%dma_wait3A_165 : memref<32x128xi32, #tpu.memory_space<hbm>>) dst(%arg9 : memref<32x128xi32, #tpu.memory_space<vmem>>)
        tpu.yield
      }) : () -> ()
      "tpu.region"() ({
        %run_scoped3A = tpu.sem_alloc : memref<!tpu.dma_semaphore, #tpu.memory_space<semaphore_mem>>
        %dma_start3A = arith.constant 0 : i32
        %dma_start3A_144 = arith.constant 0 : i32
        %dma_start3A_145 = tpu.memref_slice %arg3[%arg0, %dma_start3A, %dma_start3A_144] : memref<2x2560x128xi32, #tpu.memory_space<hbm>> -> memref<1x2560x128xi32, #tpu.memory_space<hbm>>
        %dma_start3A_146 = tpu.memref_squeeze %dma_start3A_145 : memref<1x2560x128xi32, #tpu.memory_space<hbm>> -> memref<2560x128xi32, #tpu.memory_space<hbm>>
        %dma_start3A_147 = arith.constant 0 : i32
        %dma_start3A_148 = tpu.memref_slice %dma_start3A_146[%add3A_112, %dma_start3A_147] : memref<2560x128xi32, #tpu.memory_space<hbm>> -> memref<32x128xi32, #tpu.memory_space<hbm>>
        %dma_start3A_149 = arith.constant 0 : i32
        %dma_start3A_150 = arith.constant 0 : i32
        %dma_start3A_151 = tpu.memref_slice %arg3[%arg0, %dma_start3A_149, %dma_start3A_150] : memref<2x2560x128xi32, #tpu.memory_space<hbm>> -> memref<1x2560x128xi32, #tpu.memory_space<hbm>>
        %dma_start3A_152 = tpu.memref_squeeze %dma_start3A_151 : memref<1x2560x128xi32, #tpu.memory_space<hbm>> -> memref<2560x128xi32, #tpu.memory_space<hbm>>
        %dma_start3A_153 = arith.constant 0 : i32
        %dma_start3A_154 = tpu.memref_slice %dma_start3A_152[%add3A_112, %dma_start3A_153] : memref<2560x128xi32, #tpu.memory_space<hbm>> -> memref<32x128xi32, #tpu.memory_space<hbm>>
        tpu.enqueue_dma source(%dma_start3A_154 : memref<32x128xi32, #tpu.memory_space<hbm>>) target(%arg10 : memref<32x128xi32, #tpu.memory_space<vmem>>) target_semaphore(%run_scoped3A : memref<!tpu.dma_semaphore, #tpu.memory_space<semaphore_mem>>)
        %dma_wait3A = arith.constant 0 : i32
        %dma_wait3A_155 = arith.constant 0 : i32
        %dma_wait3A_156 = tpu.memref_slice %arg3[%arg0, %dma_wait3A, %dma_wait3A_155] : memref<2x2560x128xi32, #tpu.memory_space<hbm>> -> memref<1x2560x128xi32, #tpu.memory_space<hbm>>
        %dma_wait3A_157 = tpu.memref_squeeze %dma_wait3A_156 : memref<1x2560x128xi32, #tpu.memory_space<hbm>> -> memref<2560x128xi32, #tpu.memory_space<hbm>>
        %dma_wait3A_158 = arith.constant 0 : i32
        %dma_wait3A_159 = tpu.memref_slice %dma_wait3A_157[%add3A_112, %dma_wait3A_158] : memref<2560x128xi32, #tpu.memory_space<hbm>> -> memref<32x128xi32, #tpu.memory_space<hbm>>
        %dma_wait3A_160 = arith.constant 0 : i32
        %dma_wait3A_161 = arith.constant 0 : i32
        %dma_wait3A_162 = tpu.memref_slice %arg3[%arg0, %dma_wait3A_160, %dma_wait3A_161] : memref<2x2560x128xi32, #tpu.memory_space<hbm>> -> memref<1x2560x128xi32, #tpu.memory_space<hbm>>
        %dma_wait3A_163 = tpu.memref_squeeze %dma_wait3A_162 : memref<1x2560x128xi32, #tpu.memory_space<hbm>> -> memref<2560x128xi32, #tpu.memory_space<hbm>>
        %dma_wait3A_164 = arith.constant 0 : i32
        %dma_wait3A_165 = tpu.memref_slice %dma_wait3A_163[%add3A_112, %dma_wait3A_164] : memref<2560x128xi32, #tpu.memory_space<hbm>> -> memref<32x128xi32, #tpu.memory_space<hbm>>
        tpu.wait_dma2 semaphore(%run_scoped3A : memref<!tpu.dma_semaphore, #tpu.memory_space<semaphore_mem>>) src(%dma_wait3A_165 : memref<32x128xi32, #tpu.memory_space<hbm>>) dst(%arg10 : memref<32x128xi32, #tpu.memory_space<vmem>>)
        tpu.yield
      }) : () -> ()
      %mul3A_113 = arith.constant 128 : i32
      %mul3A_114 = arith.muli %add3A_112, %mul3A_113 : i32
      "tpu.region"() ({
        %run_scoped3A = tpu.sem_alloc : memref<!tpu.dma_semaphore, #tpu.memory_space<semaphore_mem>>
        %dma_start3A = arith.constant 0 : i32
        %dma_start3A_144 = tpu.memref_slice %arg4[%arg0, %dma_start3A] : memref<2x327680xf32, #tpu.memory_space<hbm>> -> memref<1x327680xf32, #tpu.memory_space<hbm>>
        %dma_start3A_145 = tpu.memref_squeeze %dma_start3A_144 : memref<1x327680xf32, #tpu.memory_space<hbm>> -> memref<327680xf32, #tpu.memory_space<hbm>>
        %dma_start3A_146 = tpu.memref_slice %dma_start3A_145[%mul3A_114] : memref<327680xf32, #tpu.memory_space<hbm>> -> memref<4096xf32, #tpu.memory_space<hbm>>
        %dma_start3A_147 = arith.constant 0 : i32
        %dma_start3A_148 = tpu.memref_slice %arg4[%arg0, %dma_start3A_147] : memref<2x327680xf32, #tpu.memory_space<hbm>> -> memref<1x327680xf32, #tpu.memory_space<hbm>>
        %dma_start3A_149 = tpu.memref_squeeze %dma_start3A_148 : memref<1x327680xf32, #tpu.memory_space<hbm>> -> memref<327680xf32, #tpu.memory_space<hbm>>
        %dma_start3A_150 = tpu.memref_slice %dma_start3A_149[%mul3A_114] : memref<327680xf32, #tpu.memory_space<hbm>> -> memref<4096xf32, #tpu.memory_space<hbm>>
        tpu.enqueue_dma source(%dma_start3A_150 : memref<4096xf32, #tpu.memory_space<hbm>>) target(%arg11 : memref<4096xf32, #tpu.memory_space<vmem>>) target_semaphore(%run_scoped3A : memref<!tpu.dma_semaphore, #tpu.memory_space<semaphore_mem>>)
        %dma_wait3A = arith.constant 0 : i32
        %dma_wait3A_151 = tpu.memref_slice %arg4[%arg0, %dma_wait3A] : memref<2x327680xf32, #tpu.memory_space<hbm>> -> memref<1x327680xf32, #tpu.memory_space<hbm>>
        %dma_wait3A_152 = tpu.memref_squeeze %dma_wait3A_151 : memref<1x327680xf32, #tpu.memory_space<hbm>> -> memref<327680xf32, #tpu.memory_space<hbm>>
        %dma_wait3A_153 = tpu.memref_slice %dma_wait3A_152[%mul3A_114] : memref<327680xf32, #tpu.memory_space<hbm>> -> memref<4096xf32, #tpu.memory_space<hbm>>
        %dma_wait3A_154 = arith.constant 0 : i32
        %dma_wait3A_155 = tpu.memref_slice %arg4[%arg0, %dma_wait3A_154] : memref<2x327680xf32, #tpu.memory_space<hbm>> -> memref<1x327680xf32, #tpu.memory_space<hbm>>
        %dma_wait3A_156 = tpu.memref_squeeze %dma_wait3A_155 : memref<1x327680xf32, #tpu.memory_space<hbm>> -> memref<327680xf32, #tpu.memory_space<hbm>>
        %dma_wait3A_157 = tpu.memref_slice %dma_wait3A_156[%mul3A_114] : memref<327680xf32, #tpu.memory_space<hbm>> -> memref<4096xf32, #tpu.memory_space<hbm>>
        tpu.wait_dma2 semaphore(%run_scoped3A : memref<!tpu.dma_semaphore, #tpu.memory_space<semaphore_mem>>) src(%dma_wait3A_157 : memref<4096xf32, #tpu.memory_space<hbm>>) dst(%arg11 : memref<4096xf32, #tpu.memory_space<vmem>>)
        tpu.yield
      }) : () -> ()
      %scan3A_115 = arith.constant 0 : i32
      %scan3A_116 = arith.constant 0 : i32
      %scan3A_117 = arith.constant 32 : i32
      %scan3A_118 = arith.addi %scan3A_116, %scan3A_117 : i32
      %scan3A_119 = arith.constant 1 : i32
      %scan3A_120 = scf.for %scan3A_144 = %scan3A_116 to %scan3A_118 step %scan3A_119 iter_args(%scan3A_145 = %scan3A_115) -> (i32)  : i32 {
        %dma_start3A = arith.constant 0 : i32
        %dma_start3A_146 = arith.constant 0 : i32
        %dma_start3A_147 = tpu.memref_slice %arg12[%scan3A_144, %dma_start3A, %dma_start3A_146] : memref<32x128x8xf32, #tpu.memory_space<vmem>> -> memref<1x128x8xf32, #tpu.memory_space<vmem>>
        %dma_start3A_148 = tpu.memref_squeeze %dma_start3A_147 : memref<1x128x8xf32, #tpu.memory_space<vmem>> -> memref<128x8xf32, #tpu.memory_space<vmem>>
        %dma_start3A_149 = arith.constant 0 : i32
        %dma_start3A_150 = tpu.memref_slice %arg9[%scan3A_144, %dma_start3A_149] : memref<32x128xi32, #tpu.memory_space<vmem>> -> memref<1x128xi32, #tpu.memory_space<vmem>>
        %dma_start3A_151 = tpu.memref_squeeze %dma_start3A_150 : memref<1x128xi32, #tpu.memory_space<vmem>> -> memref<128xi32, #tpu.memory_space<vmem>>
        %dma_start3A_152 = arith.constant 0 : i32
        %dma_start3A_153 = arith.constant 0 : i32
        %dma_start3A_154 = tpu.memref_slice %arg19[%dma_start3A_152, %dma_start3A_153] : memref<10240x8xf32, #tpu.memory_space<vmem_shared>> -> memref<10240x8xf32, #tpu.memory_space<vmem_shared>>
        tpu.enqueue_indirect_dma source(%dma_start3A_154 : memref<10240x8xf32, #tpu.memory_space<vmem_shared>>) target(%dma_start3A_148 : memref<128x8xf32, #tpu.memory_space<vmem>>) offsets(%dma_start3A_151 : memref<128xi32, #tpu.memory_space<vmem>>) semaphore(%arg21 : memref<!tpu.dma_semaphore, #tpu.memory_space<semaphore_mem>>)
        %scan3A_155 = arith.constant 0 : i32
        scf.yield %scan3A_155 : i32
      }
      %scan3A_121 = arith.constant 32 : i32
      %scan3A_122 = arith.constant 0 : i32
      %scan3A_123 = arith.constant 0 : i32
      %scan3A_124 = arith.constant 32 : i32
      %scan3A_125 = arith.addi %scan3A_123, %scan3A_124 : i32
      %scan3A_126 = arith.constant 1 : i32
      %scan3A_127 = scf.for %scan3A_144 = %scan3A_123 to %scan3A_125 step %scan3A_126 iter_args(%scan3A_145 = %scan3A_122) -> (i32)  : i32 {
        %dma_wait3A = arith.constant 0 : i32
        %dma_wait3A_146 = arith.constant 0 : i32
        %dma_wait3A_147 = arith.constant 0 : i32
        %dma_wait3A_148 = tpu.memref_slice %arg12[%dma_wait3A, %dma_wait3A_146, %dma_wait3A_147] : memref<32x128x8xf32, #tpu.memory_space<vmem>> -> memref<1x128x8xf32, #tpu.memory_space<vmem>>
        %dma_wait3A_149 = tpu.memref_squeeze %dma_wait3A_148 : memref<1x128x8xf32, #tpu.memory_space<vmem>> -> memref<128x8xf32, #tpu.memory_space<vmem>>
        %dma_wait3A_150 = arith.constant 0 : i32
        %dma_wait3A_151 = arith.constant 0 : i32
        %dma_wait3A_152 = tpu.memref_slice %arg19[%dma_wait3A_150, %dma_wait3A_151] : memref<10240x8xf32, #tpu.memory_space<vmem_shared>> -> memref<128x8xf32, #tpu.memory_space<vmem_shared>>
        %dma_wait3A_153 = arith.constant 0 : i32
        %dma_wait3A_154 = arith.constant 0 : i32
        %dma_wait3A_155 = tpu.memref_slice %arg12[%dma_wait3A, %dma_wait3A_153, %dma_wait3A_154] : memref<32x128x8xf32, #tpu.memory_space<vmem>> -> memref<1x128x8xf32, #tpu.memory_space<vmem>>
        %dma_wait3A_156 = tpu.memref_squeeze %dma_wait3A_155 : memref<1x128x8xf32, #tpu.memory_space<vmem>> -> memref<128x8xf32, #tpu.memory_space<vmem>>
        %dma_wait3A_157 = arith.constant 0 : i32
        %dma_wait3A_158 = arith.constant 0 : i32
        %dma_wait3A_159 = tpu.memref_slice %arg19[%dma_wait3A_157, %dma_wait3A_158] : memref<10240x8xf32, #tpu.memory_space<vmem_shared>> -> memref<128x8xf32, #tpu.memory_space<vmem_shared>>
        tpu.wait_dma2 semaphore(%arg21 : memref<!tpu.dma_semaphore, #tpu.memory_space<semaphore_mem>>) src(%dma_wait3A_159 : memref<128x8xf32, #tpu.memory_space<vmem_shared>>) dst(%dma_wait3A_156 : memref<128x8xf32, #tpu.memory_space<vmem>>)
        %scan3A_160 = arith.constant 0 : i32
        scf.yield %scan3A_160 : i32
      }
      %scan3A_128 = arith.constant 32 : i32
      %scan3A_129 = arith.constant 0 : i32
      %scan3A_130 = arith.constant 0 : i32
      %scan3A_131 = arith.constant 32 : i32
      %scan3A_132 = arith.addi %scan3A_130, %scan3A_131 : i32
      %scan3A_133 = arith.constant 1 : i32
      %scan3A_134 = scf.for %scan3A_144 = %scan3A_130 to %scan3A_132 step %scan3A_133 iter_args(%scan3A_145 = %scan3A_129) -> (i32)  : i32 {
        %broadcast_in_dim3A_146 = vector.broadcast %scan3A_144 : i32 to vector<16xi32>
        %mul3A_147 = arith.constant 128 : i32
        %mul3A_148 = arith.muli %scan3A_144, %mul3A_147 : i32
        %add3A_149 = arith.constant 0 : i32
        %add3A_150 = arith.addi %mul3A_148, %add3A_149 : i32
        %get3A_151 = arith.index_cast %add3A_150 : i32 to index
        %get3A_152 = tpu.vector_load %arg11[%get3A_151] {strides = array<i32>} : memref<4096xf32, #tpu.memory_space<vmem>>, vector<16xf32>,
        %gather3A = tpu.vector_load_idx %arg12[%broadcast_in_dim3A_146, %add3A_8, %broadcast_in_dim3A_30] : memref<32x128x8xf32, #tpu.memory_space<vmem>>[vector<16xi32>, vector<16xi32>, vector<16xi32>], vector<16xf32>,
        %mul3A_153 = arith.mulf %gather3A, %get3A_152 : vector<16xf32>
        tpu.vector_store_idx %arg12[%broadcast_in_dim3A_146, %add3A_8, %broadcast_in_dim3A_30], %mul3A_153 : memref<32x128x8xf32, #tpu.memory_space<vmem>>[vector<16xi32>, vector<16xi32>, vector<16xi32>], vector<16xf32>,
        %gather3A_154 = tpu.vector_load_idx %arg12[%broadcast_in_dim3A_146, %add3A_8, %broadcast_in_dim3A_32] : memref<32x128x8xf32, #tpu.memory_space<vmem>>[vector<16xi32>, vector<16xi32>, vector<16xi32>], vector<16xf32>,
        %mul3A_155 = arith.mulf %gather3A_154, %get3A_152 : vector<16xf32>
        tpu.vector_store_idx %arg12[%broadcast_in_dim3A_146, %add3A_8, %broadcast_in_dim3A_32], %mul3A_155 : memref<32x128x8xf32, #tpu.memory_space<vmem>>[vector<16xi32>, vector<16xi32>, vector<16xi32>], vector<16xf32>,
        %gather3A_156 = tpu.vector_load_idx %arg12[%broadcast_in_dim3A_146, %add3A_8, %broadcast_in_dim3A_34] : memref<32x128x8xf32, #tpu.memory_space<vmem>>[vector<16xi32>, vector<16xi32>, vector<16xi32>], vector<16xf32>,
        %mul3A_157 = arith.mulf %gather3A_156, %get3A_152 : vector<16xf32>
        tpu.vector_store_idx %arg12[%broadcast_in_dim3A_146, %add3A_8, %broadcast_in_dim3A_34], %mul3A_157 : memref<32x128x8xf32, #tpu.memory_space<vmem>>[vector<16xi32>, vector<16xi32>, vector<16xi32>], vector<16xf32>,
        %gather3A_158 = tpu.vector_load_idx %arg12[%broadcast_in_dim3A_146, %add3A_8, %broadcast_in_dim3A_36] : memref<32x128x8xf32, #tpu.memory_space<vmem>>[vector<16xi32>, vector<16xi32>, vector<16xi32>], vector<16xf32>,
        %mul3A_159 = arith.mulf %gather3A_158, %get3A_152 : vector<16xf32>
        tpu.vector_store_idx %arg12[%broadcast_in_dim3A_146, %add3A_8, %broadcast_in_dim3A_36], %mul3A_159 : memref<32x128x8xf32, #tpu.memory_space<vmem>>[vector<16xi32>, vector<16xi32>, vector<16xi32>], vector<16xf32>,
        %gather3A_160 = tpu.vector_load_idx %arg12[%broadcast_in_dim3A_146, %add3A_8, %broadcast_in_dim3A_38] : memref<32x128x8xf32, #tpu.memory_space<vmem>>[vector<16xi32>, vector<16xi32>, vector<16xi32>], vector<16xf32>,
        %mul3A_161 = arith.mulf %gather3A_160, %get3A_152 : vector<16xf32>
        tpu.vector_store_idx %arg12[%broadcast_in_dim3A_146, %add3A_8, %broadcast_in_dim3A_38], %mul3A_161 : memref<32x128x8xf32, #tpu.memory_space<vmem>>[vector<16xi32>, vector<16xi32>, vector<16xi32>], vector<16xf32>,
        %gather3A_162 = tpu.vector_load_idx %arg12[%broadcast_in_dim3A_146, %add3A_8, %broadcast_in_dim3A_40] : memref<32x128x8xf32, #tpu.memory_space<vmem>>[vector<16xi32>, vector<16xi32>, vector<16xi32>], vector<16xf32>,
        %mul3A_163 = arith.mulf %gather3A_162, %get3A_152 : vector<16xf32>
        tpu.vector_store_idx %arg12[%broadcast_in_dim3A_146, %add3A_8, %broadcast_in_dim3A_40], %mul3A_163 : memref<32x128x8xf32, #tpu.memory_space<vmem>>[vector<16xi32>, vector<16xi32>, vector<16xi32>], vector<16xf32>,
        %gather3A_164 = tpu.vector_load_idx %arg12[%broadcast_in_dim3A_146, %add3A_8, %broadcast_in_dim3A_42] : memref<32x128x8xf32, #tpu.memory_space<vmem>>[vector<16xi32>, vector<16xi32>, vector<16xi32>], vector<16xf32>,
        %mul3A_165 = arith.mulf %gather3A_164, %get3A_152 : vector<16xf32>
        tpu.vector_store_idx %arg12[%broadcast_in_dim3A_146, %add3A_8, %broadcast_in_dim3A_42], %mul3A_165 : memref<32x128x8xf32, #tpu.memory_space<vmem>>[vector<16xi32>, vector<16xi32>, vector<16xi32>], vector<16xf32>,
        %gather3A_166 = tpu.vector_load_idx %arg12[%broadcast_in_dim3A_146, %add3A_8, %broadcast_in_dim3A_44] : memref<32x128x8xf32, #tpu.memory_space<vmem>>[vector<16xi32>, vector<16xi32>, vector<16xi32>], vector<16xf32>,
        %mul3A_167 = arith.mulf %gather3A_166, %get3A_152 : vector<16xf32>
        tpu.vector_store_idx %arg12[%broadcast_in_dim3A_146, %add3A_8, %broadcast_in_dim3A_44], %mul3A_167 : memref<32x128x8xf32, #tpu.memory_space<vmem>>[vector<16xi32>, vector<16xi32>, vector<16xi32>], vector<16xf32>,
        %mul3A_168 = arith.constant 128 : i32
        %mul3A_169 = arith.muli %scan3A_144, %mul3A_168 : i32
        %add3A_170 = arith.constant 16 : i32
        %add3A_171 = arith.addi %mul3A_169, %add3A_170 : i32
        %get3A_172 = arith.index_cast %add3A_171 : i32 to index
        %get3A_173 = tpu.vector_load %arg11[%get3A_172] {strides = array<i32>} : memref<4096xf32, #tpu.memory_space<vmem>>, vector<16xf32>,
        %gather3A_174 = tpu.vector_load_idx %arg12[%broadcast_in_dim3A_146, %add3A_11, %broadcast_in_dim3A_30] : memref<32x128x8xf32, #tpu.memory_space<vmem>>[vector<16xi32>, vector<16xi32>, vector<16xi32>], vector<16xf32>,
        %mul3A_175 = arith.mulf %gather3A_174, %get3A_173 : vector<16xf32>
        tpu.vector_store_idx %arg12[%broadcast_in_dim3A_146, %add3A_11, %broadcast_in_dim3A_30], %mul3A_175 : memref<32x128x8xf32, #tpu.memory_space<vmem>>[vector<16xi32>, vector<16xi32>, vector<16xi32>], vector<16xf32>,
        %gather3A_176 = tpu.vector_load_idx %arg12[%broadcast_in_dim3A_146, %add3A_11, %broadcast_in_dim3A_32] : memref<32x128x8xf32, #tpu.memory_space<vmem>>[vector<16xi32>, vector<16xi32>, vector<16xi32>], vector<16xf32>,
        %mul3A_177 = arith.mulf %gather3A_176, %get3A_173 : vector<16xf32>
        tpu.vector_store_idx %arg12[%broadcast_in_dim3A_146, %add3A_11, %broadcast_in_dim3A_32], %mul3A_177 : memref<32x128x8xf32, #tpu.memory_space<vmem>>[vector<16xi32>, vector<16xi32>, vector<16xi32>], vector<16xf32>,
        %gather3A_178 = tpu.vector_load_idx %arg12[%broadcast_in_dim3A_146, %add3A_11, %broadcast_in_dim3A_34] : memref<32x128x8xf32, #tpu.memory_space<vmem>>[vector<16xi32>, vector<16xi32>, vector<16xi32>], vector<16xf32>,
        %mul3A_179 = arith.mulf %gather3A_178, %get3A_173 : vector<16xf32>
        tpu.vector_store_idx %arg12[%broadcast_in_dim3A_146, %add3A_11, %broadcast_in_dim3A_34], %mul3A_179 : memref<32x128x8xf32, #tpu.memory_space<vmem>>[vector<16xi32>, vector<16xi32>, vector<16xi32>], vector<16xf32>,
        %gather3A_180 = tpu.vector_load_idx %arg12[%broadcast_in_dim3A_146, %add3A_11, %broadcast_in_dim3A_36] : memref<32x128x8xf32, #tpu.memory_space<vmem>>[vector<16xi32>, vector<16xi32>, vector<16xi32>], vector<16xf32>,
        %mul3A_181 = arith.mulf %gather3A_180, %get3A_173 : vector<16xf32>
        tpu.vector_store_idx %arg12[%broadcast_in_dim3A_146, %add3A_11, %broadcast_in_dim3A_36], %mul3A_181 : memref<32x128x8xf32, #tpu.memory_space<vmem>>[vector<16xi32>, vector<16xi32>, vector<16xi32>], vector<16xf32>,
        %gather3A_182 = tpu.vector_load_idx %arg12[%broadcast_in_dim3A_146, %add3A_11, %broadcast_in_dim3A_38] : memref<32x128x8xf32, #tpu.memory_space<vmem>>[vector<16xi32>, vector<16xi32>, vector<16xi32>], vector<16xf32>,
        %mul3A_183 = arith.mulf %gather3A_182, %get3A_173 : vector<16xf32>
        tpu.vector_store_idx %arg12[%broadcast_in_dim3A_146, %add3A_11, %broadcast_in_dim3A_38], %mul3A_183 : memref<32x128x8xf32, #tpu.memory_space<vmem>>[vector<16xi32>, vector<16xi32>, vector<16xi32>], vector<16xf32>,
        %gather3A_184 = tpu.vector_load_idx %arg12[%broadcast_in_dim3A_146, %add3A_11, %broadcast_in_dim3A_40] : memref<32x128x8xf32, #tpu.memory_space<vmem>>[vector<16xi32>, vector<16xi32>, vector<16xi32>], vector<16xf32>,
        %mul3A_185 = arith.mulf %gather3A_184, %get3A_173 : vector<16xf32>
        tpu.vector_store_idx %arg12[%broadcast_in_dim3A_146, %add3A_11, %broadcast_in_dim3A_40], %mul3A_185 : memref<32x128x8xf32, #tpu.memory_space<vmem>>[vector<16xi32>, vector<16xi32>, vector<16xi32>], vector<16xf32>,
        %gather3A_186 = tpu.vector_load_idx %arg12[%broadcast_in_dim3A_146, %add3A_11, %broadcast_in_dim3A_42] : memref<32x128x8xf32, #tpu.memory_space<vmem>>[vector<16xi32>, vector<16xi32>, vector<16xi32>], vector<16xf32>,
        %mul3A_187 = arith.mulf %gather3A_186, %get3A_173 : vector<16xf32>
        tpu.vector_store_idx %arg12[%broadcast_in_dim3A_146, %add3A_11, %broadcast_in_dim3A_42], %mul3A_187 : memref<32x128x8xf32, #tpu.memory_space<vmem>>[vector<16xi32>, vector<16xi32>, vector<16xi32>], vector<16xf32>,
        %gather3A_188 = tpu.vector_load_idx %arg12[%broadcast_in_dim3A_146, %add3A_11, %broadcast_in_dim3A_44] : memref<32x128x8xf32, #tpu.memory_space<vmem>>[vector<16xi32>, vector<16xi32>, vector<16xi32>], vector<16xf32>,
        %mul3A_189 = arith.mulf %gather3A_188, %get3A_173 : vector<16xf32>
        tpu.vector_store_idx %arg12[%broadcast_in_dim3A_146, %add3A_11, %broadcast_in_dim3A_44], %mul3A_189 : memref<32x128x8xf32, #tpu.memory_space<vmem>>[vector<16xi32>, vector<16xi32>, vector<16xi32>], vector<16xf32>,
        %mul3A_190 = arith.constant 128 : i32
        %mul3A_191 = arith.muli %scan3A_144, %mul3A_190 : i32
        %add3A_192 = arith.constant 32 : i32
        %add3A_193 = arith.addi %mul3A_191, %add3A_192 : i32
        %get3A_194 = arith.index_cast %add3A_193 : i32 to index
        %get3A_195 = tpu.vector_load %arg11[%get3A_194] {strides = array<i32>} : memref<4096xf32, #tpu.memory_space<vmem>>, vector<16xf32>,
        %gather3A_196 = tpu.vector_load_idx %arg12[%broadcast_in_dim3A_146, %add3A_14, %broadcast_in_dim3A_30] : memref<32x128x8xf32, #tpu.memory_space<vmem>>[vector<16xi32>, vector<16xi32>, vector<16xi32>], vector<16xf32>,
        %mul3A_197 = arith.mulf %gather3A_196, %get3A_195 : vector<16xf32>
        tpu.vector_store_idx %arg12[%broadcast_in_dim3A_146, %add3A_14, %broadcast_in_dim3A_30], %mul3A_197 : memref<32x128x8xf32, #tpu.memory_space<vmem>>[vector<16xi32>, vector<16xi32>, vector<16xi32>], vector<16xf32>,
        %gather3A_198 = tpu.vector_load_idx %arg12[%broadcast_in_dim3A_146, %add3A_14, %broadcast_in_dim3A_32] : memref<32x128x8xf32, #tpu.memory_space<vmem>>[vector<16xi32>, vector<16xi32>, vector<16xi32>], vector<16xf32>,
        %mul3A_199 = arith.mulf %gather3A_198, %get3A_195 : vector<16xf32>
        tpu.vector_store_idx %arg12[%broadcast_in_dim3A_146, %add3A_14, %broadcast_in_dim3A_32], %mul3A_199 : memref<32x128x8xf32, #tpu.memory_space<vmem>>[vector<16xi32>, vector<16xi32>, vector<16xi32>], vector<16xf32>,
        %gather3A_200 = tpu.vector_load_idx %arg12[%broadcast_in_dim3A_146, %add3A_14, %broadcast_in_dim3A_34] : memref<32x128x8xf32, #tpu.memory_space<vmem>>[vector<16xi32>, vector<16xi32>, vector<16xi32>], vector<16xf32>,
        %mul3A_201 = arith.mulf %gather3A_200, %get3A_195 : vector<16xf32>
        tpu.vector_store_idx %arg12[%broadcast_in_dim3A_146, %add3A_14, %broadcast_in_dim3A_34], %mul3A_201 : memref<32x128x8xf32, #tpu.memory_space<vmem>>[vector<16xi32>, vector<16xi32>, vector<16xi32>], vector<16xf32>,
        %gather3A_202 = tpu.vector_load_idx %arg12[%broadcast_in_dim3A_146, %add3A_14, %broadcast_in_dim3A_36] : memref<32x128x8xf32, #tpu.memory_space<vmem>>[vector<16xi32>, vector<16xi32>, vector<16xi32>], vector<16xf32>,
        %mul3A_203 = arith.mulf %gather3A_202, %get3A_195 : vector<16xf32>
        tpu.vector_store_idx %arg12[%broadcast_in_dim3A_146, %add3A_14, %broadcast_in_dim3A_36], %mul3A_203 : memref<32x128x8xf32, #tpu.memory_space<vmem>>[vector<16xi32>, vector<16xi32>, vector<16xi32>], vector<16xf32>,
        %gather3A_204 = tpu.vector_load_idx %arg12[%broadcast_in_dim3A_146, %add3A_14, %broadcast_in_dim3A_38] : memref<32x128x8xf32, #tpu.memory_space<vmem>>[vector<16xi32>, vector<16xi32>, vector<16xi32>], vector<16xf32>,
        %mul3A_205 = arith.mulf %gather3A_204, %get3A_195 : vector<16xf32>
        tpu.vector_store_idx %arg12[%broadcast_in_dim3A_146, %add3A_14, %broadcast_in_dim3A_38], %mul3A_205 : memref<32x128x8xf32, #tpu.memory_space<vmem>>[vector<16xi32>, vector<16xi32>, vector<16xi32>], vector<16xf32>,
        %gather3A_206 = tpu.vector_load_idx %arg12[%broadcast_in_dim3A_146, %add3A_14, %broadcast_in_dim3A_40] : memref<32x128x8xf32, #tpu.memory_space<vmem>>[vector<16xi32>, vector<16xi32>, vector<16xi32>], vector<16xf32>,
        %mul3A_207 = arith.mulf %gather3A_206, %get3A_195 : vector<16xf32>
        tpu.vector_store_idx %arg12[%broadcast_in_dim3A_146, %add3A_14, %broadcast_in_dim3A_40], %mul3A_207 : memref<32x128x8xf32, #tpu.memory_space<vmem>>[vector<16xi32>, vector<16xi32>, vector<16xi32>], vector<16xf32>,
        %gather3A_208 = tpu.vector_load_idx %arg12[%broadcast_in_dim3A_146, %add3A_14, %broadcast_in_dim3A_42] : memref<32x128x8xf32, #tpu.memory_space<vmem>>[vector<16xi32>, vector<16xi32>, vector<16xi32>], vector<16xf32>,
        %mul3A_209 = arith.mulf %gather3A_208, %get3A_195 : vector<16xf32>
        tpu.vector_store_idx %arg12[%broadcast_in_dim3A_146, %add3A_14, %broadcast_in_dim3A_42], %mul3A_209 : memref<32x128x8xf32, #tpu.memory_space<vmem>>[vector<16xi32>, vector<16xi32>, vector<16xi32>], vector<16xf32>,
        %gather3A_210 = tpu.vector_load_idx %arg12[%broadcast_in_dim3A_146, %add3A_14, %broadcast_in_dim3A_44] : memref<32x128x8xf32, #tpu.memory_space<vmem>>[vector<16xi32>, vector<16xi32>, vector<16xi32>], vector<16xf32>,
        %mul3A_211 = arith.mulf %gather3A_210, %get3A_195 : vector<16xf32>
        tpu.vector_store_idx %arg12[%broadcast_in_dim3A_146, %add3A_14, %broadcast_in_dim3A_44], %mul3A_211 : memref<32x128x8xf32, #tpu.memory_space<vmem>>[vector<16xi32>, vector<16xi32>, vector<16xi32>], vector<16xf32>,
        %mul3A_212 = arith.constant 128 : i32
        %mul3A_213 = arith.muli %scan3A_144, %mul3A_212 : i32
        %add3A_214 = arith.constant 48 : i32
        %add3A_215 = arith.addi %mul3A_213, %add3A_214 : i32
        %get3A_216 = arith.index_cast %add3A_215 : i32 to index
        %get3A_217 = tpu.vector_load %arg11[%get3A_216] {strides = array<i32>} : memref<4096xf32, #tpu.memory_space<vmem>>, vector<16xf32>,
        %gather3A_218 = tpu.vector_load_idx %arg12[%broadcast_in_dim3A_146, %add3A_17, %broadcast_in_dim3A_30] : memref<32x128x8xf32, #tpu.memory_space<vmem>>[vector<16xi32>, vector<16xi32>, vector<16xi32>], vector<16xf32>,
        %mul3A_219 = arith.mulf %gather3A_218, %get3A_217 : vector<16xf32>
        tpu.vector_store_idx %arg12[%broadcast_in_dim3A_146, %add3A_17, %broadcast_in_dim3A_30], %mul3A_219 : memref<32x128x8xf32, #tpu.memory_space<vmem>>[vector<16xi32>, vector<16xi32>, vector<16xi32>], vector<16xf32>,
        %gather3A_220 = tpu.vector_load_idx %arg12[%broadcast_in_dim3A_146, %add3A_17, %broadcast_in_dim3A_32] : memref<32x128x8xf32, #tpu.memory_space<vmem>>[vector<16xi32>, vector<16xi32>, vector<16xi32>], vector<16xf32>,
        %mul3A_221 = arith.mulf %gather3A_220, %get3A_217 : vector<16xf32>
        tpu.vector_store_idx %arg12[%broadcast_in_dim3A_146, %add3A_17, %broadcast_in_dim3A_32], %mul3A_221 : memref<32x128x8xf32, #tpu.memory_space<vmem>>[vector<16xi32>, vector<16xi32>, vector<16xi32>], vector<16xf32>,
        %gather3A_222 = tpu.vector_load_idx %arg12[%broadcast_in_dim3A_146, %add3A_17, %broadcast_in_dim3A_34] : memref<32x128x8xf32, #tpu.memory_space<vmem>>[vector<16xi32>, vector<16xi32>, vector<16xi32>], vector<16xf32>,
        %mul3A_223 = arith.mulf %gather3A_222, %get3A_217 : vector<16xf32>
        tpu.vector_store_idx %arg12[%broadcast_in_dim3A_146, %add3A_17, %broadcast_in_dim3A_34], %mul3A_223 : memref<32x128x8xf32, #tpu.memory_space<vmem>>[vector<16xi32>, vector<16xi32>, vector<16xi32>], vector<16xf32>,
        %gather3A_224 = tpu.vector_load_idx %arg12[%broadcast_in_dim3A_146, %add3A_17, %broadcast_in_dim3A_36] : memref<32x128x8xf32, #tpu.memory_space<vmem>>[vector<16xi32>, vector<16xi32>, vector<16xi32>], vector<16xf32>,
        %mul3A_225 = arith.mulf %gather3A_224, %get3A_217 : vector<16xf32>
        tpu.vector_store_idx %arg12[%broadcast_in_dim3A_146, %add3A_17, %broadcast_in_dim3A_36], %mul3A_225 : memref<32x128x8xf32, #tpu.memory_space<vmem>>[vector<16xi32>, vector<16xi32>, vector<16xi32>], vector<16xf32>,
        %gather3A_226 = tpu.vector_load_idx %arg12[%broadcast_in_dim3A_146, %add3A_17, %broadcast_in_dim3A_38] : memref<32x128x8xf32, #tpu.memory_space<vmem>>[vector<16xi32>, vector<16xi32>, vector<16xi32>], vector<16xf32>,
        %mul3A_227 = arith.mulf %gather3A_226, %get3A_217 : vector<16xf32>
        tpu.vector_store_idx %arg12[%broadcast_in_dim3A_146, %add3A_17, %broadcast_in_dim3A_38], %mul3A_227 : memref<32x128x8xf32, #tpu.memory_space<vmem>>[vector<16xi32>, vector<16xi32>, vector<16xi32>], vector<16xf32>,
        %gather3A_228 = tpu.vector_load_idx %arg12[%broadcast_in_dim3A_146, %add3A_17, %broadcast_in_dim3A_40] : memref<32x128x8xf32, #tpu.memory_space<vmem>>[vector<16xi32>, vector<16xi32>, vector<16xi32>], vector<16xf32>,
        %mul3A_229 = arith.mulf %gather3A_228, %get3A_217 : vector<16xf32>
        tpu.vector_store_idx %arg12[%broadcast_in_dim3A_146, %add3A_17, %broadcast_in_dim3A_40], %mul3A_229 : memref<32x128x8xf32, #tpu.memory_space<vmem>>[vector<16xi32>, vector<16xi32>, vector<16xi32>], vector<16xf32>,
        %gather3A_230 = tpu.vector_load_idx %arg12[%broadcast_in_dim3A_146, %add3A_17, %broadcast_in_dim3A_42] : memref<32x128x8xf32, #tpu.memory_space<vmem>>[vector<16xi32>, vector<16xi32>, vector<16xi32>], vector<16xf32>,
        %mul3A_231 = arith.mulf %gather3A_230, %get3A_217 : vector<16xf32>
        tpu.vector_store_idx %arg12[%broadcast_in_dim3A_146, %add3A_17, %broadcast_in_dim3A_42], %mul3A_231 : memref<32x128x8xf32, #tpu.memory_space<vmem>>[vector<16xi32>, vector<16xi32>, vector<16xi32>], vector<16xf32>,
        %gather3A_232 = tpu.vector_load_idx %arg12[%broadcast_in_dim3A_146, %add3A_17, %broadcast_in_dim3A_44] : memref<32x128x8xf32, #tpu.memory_space<vmem>>[vector<16xi32>, vector<16xi32>, vector<16xi32>], vector<16xf32>,
        %mul3A_233 = arith.mulf %gather3A_232, %get3A_217 : vector<16xf32>
        tpu.vector_store_idx %arg12[%broadcast_in_dim3A_146, %add3A_17, %broadcast_in_dim3A_44], %mul3A_233 : memref<32x128x8xf32, #tpu.memory_space<vmem>>[vector<16xi32>, vector<16xi32>, vector<16xi32>], vector<16xf32>,
        %mul3A_234 = arith.constant 128 : i32
        %mul3A_235 = arith.muli %scan3A_144, %mul3A_234 : i32
        %add3A_236 = arith.constant 64 : i32
        %add3A_237 = arith.addi %mul3A_235, %add3A_236 : i32
        %get3A_238 = arith.index_cast %add3A_237 : i32 to index
        %get3A_239 = tpu.vector_load %arg11[%get3A_238] {strides = array<i32>} : memref<4096xf32, #tpu.memory_space<vmem>>, vector<16xf32>,
        %gather3A_240 = tpu.vector_load_idx %arg12[%broadcast_in_dim3A_146, %add3A_20, %broadcast_in_dim3A_30] : memref<32x128x8xf32, #tpu.memory_space<vmem>>[vector<16xi32>, vector<16xi32>, vector<16xi32>], vector<16xf32>,
        %mul3A_241 = arith.mulf %gather3A_240, %get3A_239 : vector<16xf32>
        tpu.vector_store_idx %arg12[%broadcast_in_dim3A_146, %add3A_20, %broadcast_in_dim3A_30], %mul3A_241 : memref<32x128x8xf32, #tpu.memory_space<vmem>>[vector<16xi32>, vector<16xi32>, vector<16xi32>], vector<16xf32>,
        %gather3A_242 = tpu.vector_load_idx %arg12[%broadcast_in_dim3A_146, %add3A_20, %broadcast_in_dim3A_32] : memref<32x128x8xf32, #tpu.memory_space<vmem>>[vector<16xi32>, vector<16xi32>, vector<16xi32>], vector<16xf32>,
        %mul3A_243 = arith.mulf %gather3A_242, %get3A_239 : vector<16xf32>
        tpu.vector_store_idx %arg12[%broadcast_in_dim3A_146, %add3A_20, %broadcast_in_dim3A_32], %mul3A_243 : memref<32x128x8xf32, #tpu.memory_space<vmem>>[vector<16xi32>, vector<16xi32>, vector<16xi32>], vector<16xf32>,
        %gather3A_244 = tpu.vector_load_idx %arg12[%broadcast_in_dim3A_146, %add3A_20, %broadcast_in_dim3A_34] : memref<32x128x8xf32, #tpu.memory_space<vmem>>[vector<16xi32>, vector<16xi32>, vector<16xi32>], vector<16xf32>,
        %mul3A_245 = arith.mulf %gather3A_244, %get3A_239 : vector<16xf32>
        tpu.vector_store_idx %arg12[%broadcast_in_dim3A_146, %add3A_20, %broadcast_in_dim3A_34], %mul3A_245 : memref<32x128x8xf32, #tpu.memory_space<vmem>>[vector<16xi32>, vector<16xi32>, vector<16xi32>], vector<16xf32>,
        %gather3A_246 = tpu.vector_load_idx %arg12[%broadcast_in_dim3A_146, %add3A_20, %broadcast_in_dim3A_36] : memref<32x128x8xf32, #tpu.memory_space<vmem>>[vector<16xi32>, vector<16xi32>, vector<16xi32>], vector<16xf32>,
        %mul3A_247 = arith.mulf %gather3A_246, %get3A_239 : vector<16xf32>
        tpu.vector_store_idx %arg12[%broadcast_in_dim3A_146, %add3A_20, %broadcast_in_dim3A_36], %mul3A_247 : memref<32x128x8xf32, #tpu.memory_space<vmem>>[vector<16xi32>, vector<16xi32>, vector<16xi32>], vector<16xf32>,
        %gather3A_248 = tpu.vector_load_idx %arg12[%broadcast_in_dim3A_146, %add3A_20, %broadcast_in_dim3A_38] : memref<32x128x8xf32, #tpu.memory_space<vmem>>[vector<16xi32>, vector<16xi32>, vector<16xi32>], vector<16xf32>,
        %mul3A_249 = arith.mulf %gather3A_248, %get3A_239 : vector<16xf32>
        tpu.vector_store_idx %arg12[%broadcast_in_dim3A_146, %add3A_20, %broadcast_in_dim3A_38], %mul3A_249 : memref<32x128x8xf32, #tpu.memory_space<vmem>>[vector<16xi32>, vector<16xi32>, vector<16xi32>], vector<16xf32>,
        %gather3A_250 = tpu.vector_load_idx %arg12[%broadcast_in_dim3A_146, %add3A_20, %broadcast_in_dim3A_40] : memref<32x128x8xf32, #tpu.memory_space<vmem>>[vector<16xi32>, vector<16xi32>, vector<16xi32>], vector<16xf32>,
        %mul3A_251 = arith.mulf %gather3A_250, %get3A_239 : vector<16xf32>
        tpu.vector_store_idx %arg12[%broadcast_in_dim3A_146, %add3A_20, %broadcast_in_dim3A_40], %mul3A_251 : memref<32x128x8xf32, #tpu.memory_space<vmem>>[vector<16xi32>, vector<16xi32>, vector<16xi32>], vector<16xf32>,
        %gather3A_252 = tpu.vector_load_idx %arg12[%broadcast_in_dim3A_146, %add3A_20, %broadcast_in_dim3A_42] : memref<32x128x8xf32, #tpu.memory_space<vmem>>[vector<16xi32>, vector<16xi32>, vector<16xi32>], vector<16xf32>,
        %mul3A_253 = arith.mulf %gather3A_252, %get3A_239 : vector<16xf32>
        tpu.vector_store_idx %arg12[%broadcast_in_dim3A_146, %add3A_20, %broadcast_in_dim3A_42], %mul3A_253 : memref<32x128x8xf32, #tpu.memory_space<vmem>>[vector<16xi32>, vector<16xi32>, vector<16xi32>], vector<16xf32>,
        %gather3A_254 = tpu.vector_load_idx %arg12[%broadcast_in_dim3A_146, %add3A_20, %broadcast_in_dim3A_44] : memref<32x128x8xf32, #tpu.memory_space<vmem>>[vector<16xi32>, vector<16xi32>, vector<16xi32>], vector<16xf32>,
        %mul3A_255 = arith.mulf %gather3A_254, %get3A_239 : vector<16xf32>
        tpu.vector_store_idx %arg12[%broadcast_in_dim3A_146, %add3A_20, %broadcast_in_dim3A_44], %mul3A_255 : memref<32x128x8xf32, #tpu.memory_space<vmem>>[vector<16xi32>, vector<16xi32>, vector<16xi32>], vector<16xf32>,
        %mul3A_256 = arith.constant 128 : i32
        %mul3A_257 = arith.muli %scan3A_144, %mul3A_256 : i32
        %add3A_258 = arith.constant 80 : i32
        %add3A_259 = arith.addi %mul3A_257, %add3A_258 : i32
        %get3A_260 = arith.index_cast %add3A_259 : i32 to index
        %get3A_261 = tpu.vector_load %arg11[%get3A_260] {strides = array<i32>} : memref<4096xf32, #tpu.memory_space<vmem>>, vector<16xf32>,
        %gather3A_262 = tpu.vector_load_idx %arg12[%broadcast_in_dim3A_146, %add3A_23, %broadcast_in_dim3A_30] : memref<32x128x8xf32, #tpu.memory_space<vmem>>[vector<16xi32>, vector<16xi32>, vector<16xi32>], vector<16xf32>,
        %mul3A_263 = arith.mulf %gather3A_262, %get3A_261 : vector<16xf32>
        tpu.vector_store_idx %arg12[%broadcast_in_dim3A_146, %add3A_23, %broadcast_in_dim3A_30], %mul3A_263 : memref<32x128x8xf32, #tpu.memory_space<vmem>>[vector<16xi32>, vector<16xi32>, vector<16xi32>], vector<16xf32>,
        %gather3A_264 = tpu.vector_load_idx %arg12[%broadcast_in_dim3A_146, %add3A_23, %broadcast_in_dim3A_32] : memref<32x128x8xf32, #tpu.memory_space<vmem>>[vector<16xi32>, vector<16xi32>, vector<16xi32>], vector<16xf32>,
        %mul3A_265 = arith.mulf %gather3A_264, %get3A_261 : vector<16xf32>
        tpu.vector_store_idx %arg12[%broadcast_in_dim3A_146, %add3A_23, %broadcast_in_dim3A_32], %mul3A_265 : memref<32x128x8xf32, #tpu.memory_space<vmem>>[vector<16xi32>, vector<16xi32>, vector<16xi32>], vector<16xf32>,
        %gather3A_266 = tpu.vector_load_idx %arg12[%broadcast_in_dim3A_146, %add3A_23, %broadcast_in_dim3A_34] : memref<32x128x8xf32, #tpu.memory_space<vmem>>[vector<16xi32>, vector<16xi32>, vector<16xi32>], vector<16xf32>,
        %mul3A_267 = arith.mulf %gather3A_266, %get3A_261 : vector<16xf32>
        tpu.vector_store_idx %arg12[%broadcast_in_dim3A_146, %add3A_23, %broadcast_in_dim3A_34], %mul3A_267 : memref<32x128x8xf32, #tpu.memory_space<vmem>>[vector<16xi32>, vector<16xi32>, vector<16xi32>], vector<16xf32>,
        %gather3A_268 = tpu.vector_load_idx %arg12[%broadcast_in_dim3A_146, %add3A_23, %broadcast_in_dim3A_36] : memref<32x128x8xf32, #tpu.memory_space<vmem>>[vector<16xi32>, vector<16xi32>, vector<16xi32>], vector<16xf32>,
        %mul3A_269 = arith.mulf %gather3A_268, %get3A_261 : vector<16xf32>
        tpu.vector_store_idx %arg12[%broadcast_in_dim3A_146, %add3A_23, %broadcast_in_dim3A_36], %mul3A_269 : memref<32x128x8xf32, #tpu.memory_space<vmem>>[vector<16xi32>, vector<16xi32>, vector<16xi32>], vector<16xf32>,
        %gather3A_270 = tpu.vector_load_idx %arg12[%broadcast_in_dim3A_146, %add3A_23, %broadcast_in_dim3A_38] : memref<32x128x8xf32, #tpu.memory_space<vmem>>[vector<16xi32>, vector<16xi32>, vector<16xi32>], vector<16xf32>,
        %mul3A_271 = arith.mulf %gather3A_270, %get3A_261 : vector<16xf32>
        tpu.vector_store_idx %arg12[%broadcast_in_dim3A_146, %add3A_23, %broadcast_in_dim3A_38], %mul3A_271 : memref<32x128x8xf32, #tpu.memory_space<vmem>>[vector<16xi32>, vector<16xi32>, vector<16xi32>], vector<16xf32>,
        %gather3A_272 = tpu.vector_load_idx %arg12[%broadcast_in_dim3A_146, %add3A_23, %broadcast_in_dim3A_40] : memref<32x128x8xf32, #tpu.memory_space<vmem>>[vector<16xi32>, vector<16xi32>, vector<16xi32>], vector<16xf32>,
        %mul3A_273 = arith.mulf %gather3A_272, %get3A_261 : vector<16xf32>
        tpu.vector_store_idx %arg12[%broadcast_in_dim3A_146, %add3A_23, %broadcast_in_dim3A_40], %mul3A_273 : memref<32x128x8xf32, #tpu.memory_space<vmem>>[vector<16xi32>, vector<16xi32>, vector<16xi32>], vector<16xf32>,
        %gather3A_274 = tpu.vector_load_idx %arg12[%broadcast_in_dim3A_146, %add3A_23, %broadcast_in_dim3A_42] : memref<32x128x8xf32, #tpu.memory_space<vmem>>[vector<16xi32>, vector<16xi32>, vector<16xi32>], vector<16xf32>,
        %mul3A_275 = arith.mulf %gather3A_274, %get3A_261 : vector<16xf32>
        tpu.vector_store_idx %arg12[%broadcast_in_dim3A_146, %add3A_23, %broadcast_in_dim3A_42], %mul3A_275 : memref<32x128x8xf32, #tpu.memory_space<vmem>>[vector<16xi32>, vector<16xi32>, vector<16xi32>], vector<16xf32>,
        %gather3A_276 = tpu.vector_load_idx %arg12[%broadcast_in_dim3A_146, %add3A_23, %broadcast_in_dim3A_44] : memref<32x128x8xf32, #tpu.memory_space<vmem>>[vector<16xi32>, vector<16xi32>, vector<16xi32>], vector<16xf32>,
        %mul3A_277 = arith.mulf %gather3A_276, %get3A_261 : vector<16xf32>
        tpu.vector_store_idx %arg12[%broadcast_in_dim3A_146, %add3A_23, %broadcast_in_dim3A_44], %mul3A_277 : memref<32x128x8xf32, #tpu.memory_space<vmem>>[vector<16xi32>, vector<16xi32>, vector<16xi32>], vector<16xf32>,
        %mul3A_278 = arith.constant 128 : i32
        %mul3A_279 = arith.muli %scan3A_144, %mul3A_278 : i32
        %add3A_280 = arith.constant 96 : i32
        %add3A_281 = arith.addi %mul3A_279, %add3A_280 : i32
        %get3A_282 = arith.index_cast %add3A_281 : i32 to index
        %get3A_283 = tpu.vector_load %arg11[%get3A_282] {strides = array<i32>} : memref<4096xf32, #tpu.memory_space<vmem>>, vector<16xf32>,
        %gather3A_284 = tpu.vector_load_idx %arg12[%broadcast_in_dim3A_146, %add3A_26, %broadcast_in_dim3A_30] : memref<32x128x8xf32, #tpu.memory_space<vmem>>[vector<16xi32>, vector<16xi32>, vector<16xi32>], vector<16xf32>,
        %mul3A_285 = arith.mulf %gather3A_284, %get3A_283 : vector<16xf32>
        tpu.vector_store_idx %arg12[%broadcast_in_dim3A_146, %add3A_26, %broadcast_in_dim3A_30], %mul3A_285 : memref<32x128x8xf32, #tpu.memory_space<vmem>>[vector<16xi32>, vector<16xi32>, vector<16xi32>], vector<16xf32>,
        %gather3A_286 = tpu.vector_load_idx %arg12[%broadcast_in_dim3A_146, %add3A_26, %broadcast_in_dim3A_32] : memref<32x128x8xf32, #tpu.memory_space<vmem>>[vector<16xi32>, vector<16xi32>, vector<16xi32>], vector<16xf32>,
        %mul3A_287 = arith.mulf %gather3A_286, %get3A_283 : vector<16xf32>
        tpu.vector_store_idx %arg12[%broadcast_in_dim3A_146, %add3A_26, %broadcast_in_dim3A_32], %mul3A_287 : memref<32x128x8xf32, #tpu.memory_space<vmem>>[vector<16xi32>, vector<16xi32>, vector<16xi32>], vector<16xf32>,
        %gather3A_288 = tpu.vector_load_idx %arg12[%broadcast_in_dim3A_146, %add3A_26, %broadcast_in_dim3A_34] : memref<32x128x8xf32, #tpu.memory_space<vmem>>[vector<16xi32>, vector<16xi32>, vector<16xi32>], vector<16xf32>,
        %mul3A_289 = arith.mulf %gather3A_288, %get3A_283 : vector<16xf32>
        tpu.vector_store_idx %arg12[%broadcast_in_dim3A_146, %add3A_26, %broadcast_in_dim3A_34], %mul3A_289 : memref<32x128x8xf32, #tpu.memory_space<vmem>>[vector<16xi32>, vector<16xi32>, vector<16xi32>], vector<16xf32>,
        %gather3A_290 = tpu.vector_load_idx %arg12[%broadcast_in_dim3A_146, %add3A_26, %broadcast_in_dim3A_36] : memref<32x128x8xf32, #tpu.memory_space<vmem>>[vector<16xi32>, vector<16xi32>, vector<16xi32>], vector<16xf32>,
        %mul3A_291 = arith.mulf %gather3A_290, %get3A_283 : vector<16xf32>
        tpu.vector_store_idx %arg12[%broadcast_in_dim3A_146, %add3A_26, %broadcast_in_dim3A_36], %mul3A_291 : memref<32x128x8xf32, #tpu.memory_space<vmem>>[vector<16xi32>, vector<16xi32>, vector<16xi32>], vector<16xf32>,
        %gather3A_292 = tpu.vector_load_idx %arg12[%broadcast_in_dim3A_146, %add3A_26, %broadcast_in_dim3A_38] : memref<32x128x8xf32, #tpu.memory_space<vmem>>[vector<16xi32>, vector<16xi32>, vector<16xi32>], vector<16xf32>,
        %mul3A_293 = arith.mulf %gather3A_292, %get3A_283 : vector<16xf32>
        tpu.vector_store_idx %arg12[%broadcast_in_dim3A_146, %add3A_26, %broadcast_in_dim3A_38], %mul3A_293 : memref<32x128x8xf32, #tpu.memory_space<vmem>>[vector<16xi32>, vector<16xi32>, vector<16xi32>], vector<16xf32>,
        %gather3A_294 = tpu.vector_load_idx %arg12[%broadcast_in_dim3A_146, %add3A_26, %broadcast_in_dim3A_40] : memref<32x128x8xf32, #tpu.memory_space<vmem>>[vector<16xi32>, vector<16xi32>, vector<16xi32>], vector<16xf32>,
        %mul3A_295 = arith.mulf %gather3A_294, %get3A_283 : vector<16xf32>
        tpu.vector_store_idx %arg12[%broadcast_in_dim3A_146, %add3A_26, %broadcast_in_dim3A_40], %mul3A_295 : memref<32x128x8xf32, #tpu.memory_space<vmem>>[vector<16xi32>, vector<16xi32>, vector<16xi32>], vector<16xf32>,
        %gather3A_296 = tpu.vector_load_idx %arg12[%broadcast_in_dim3A_146, %add3A_26, %broadcast_in_dim3A_42] : memref<32x128x8xf32, #tpu.memory_space<vmem>>[vector<16xi32>, vector<16xi32>, vector<16xi32>], vector<16xf32>,
        %mul3A_297 = arith.mulf %gather3A_296, %get3A_283 : vector<16xf32>
        tpu.vector_store_idx %arg12[%broadcast_in_dim3A_146, %add3A_26, %broadcast_in_dim3A_42], %mul3A_297 : memref<32x128x8xf32, #tpu.memory_space<vmem>>[vector<16xi32>, vector<16xi32>, vector<16xi32>], vector<16xf32>,
        %gather3A_298 = tpu.vector_load_idx %arg12[%broadcast_in_dim3A_146, %add3A_26, %broadcast_in_dim3A_44] : memref<32x128x8xf32, #tpu.memory_space<vmem>>[vector<16xi32>, vector<16xi32>, vector<16xi32>], vector<16xf32>,
        %mul3A_299 = arith.mulf %gather3A_298, %get3A_283 : vector<16xf32>
        tpu.vector_store_idx %arg12[%broadcast_in_dim3A_146, %add3A_26, %broadcast_in_dim3A_44], %mul3A_299 : memref<32x128x8xf32, #tpu.memory_space<vmem>>[vector<16xi32>, vector<16xi32>, vector<16xi32>], vector<16xf32>,
        %mul3A_300 = arith.constant 128 : i32
        %mul3A_301 = arith.muli %scan3A_144, %mul3A_300 : i32
        %add3A_302 = arith.constant 112 : i32
        %add3A_303 = arith.addi %mul3A_301, %add3A_302 : i32
        %get3A_304 = arith.index_cast %add3A_303 : i32 to index
        %get3A_305 = tpu.vector_load %arg11[%get3A_304] {strides = array<i32>} : memref<4096xf32, #tpu.memory_space<vmem>>, vector<16xf32>,
        %gather3A_306 = tpu.vector_load_idx %arg12[%broadcast_in_dim3A_146, %add3A_29, %broadcast_in_dim3A_30] : memref<32x128x8xf32, #tpu.memory_space<vmem>>[vector<16xi32>, vector<16xi32>, vector<16xi32>], vector<16xf32>,
        %mul3A_307 = arith.mulf %gather3A_306, %get3A_305 : vector<16xf32>
        tpu.vector_store_idx %arg12[%broadcast_in_dim3A_146, %add3A_29, %broadcast_in_dim3A_30], %mul3A_307 : memref<32x128x8xf32, #tpu.memory_space<vmem>>[vector<16xi32>, vector<16xi32>, vector<16xi32>], vector<16xf32>,
        %gather3A_308 = tpu.vector_load_idx %arg12[%broadcast_in_dim3A_146, %add3A_29, %broadcast_in_dim3A_32] : memref<32x128x8xf32, #tpu.memory_space<vmem>>[vector<16xi32>, vector<16xi32>, vector<16xi32>], vector<16xf32>,
        %mul3A_309 = arith.mulf %gather3A_308, %get3A_305 : vector<16xf32>
        tpu.vector_store_idx %arg12[%broadcast_in_dim3A_146, %add3A_29, %broadcast_in_dim3A_32], %mul3A_309 : memref<32x128x8xf32, #tpu.memory_space<vmem>>[vector<16xi32>, vector<16xi32>, vector<16xi32>], vector<16xf32>,
        %gather3A_310 = tpu.vector_load_idx %arg12[%broadcast_in_dim3A_146, %add3A_29, %broadcast_in_dim3A_34] : memref<32x128x8xf32, #tpu.memory_space<vmem>>[vector<16xi32>, vector<16xi32>, vector<16xi32>], vector<16xf32>,
        %mul3A_311 = arith.mulf %gather3A_310, %get3A_305 : vector<16xf32>
        tpu.vector_store_idx %arg12[%broadcast_in_dim3A_146, %add3A_29, %broadcast_in_dim3A_34], %mul3A_311 : memref<32x128x8xf32, #tpu.memory_space<vmem>>[vector<16xi32>, vector<16xi32>, vector<16xi32>], vector<16xf32>,
        %gather3A_312 = tpu.vector_load_idx %arg12[%broadcast_in_dim3A_146, %add3A_29, %broadcast_in_dim3A_36] : memref<32x128x8xf32, #tpu.memory_space<vmem>>[vector<16xi32>, vector<16xi32>, vector<16xi32>], vector<16xf32>,
        %mul3A_313 = arith.mulf %gather3A_312, %get3A_305 : vector<16xf32>
        tpu.vector_store_idx %arg12[%broadcast_in_dim3A_146, %add3A_29, %broadcast_in_dim3A_36], %mul3A_313 : memref<32x128x8xf32, #tpu.memory_space<vmem>>[vector<16xi32>, vector<16xi32>, vector<16xi32>], vector<16xf32>,
        %gather3A_314 = tpu.vector_load_idx %arg12[%broadcast_in_dim3A_146, %add3A_29, %broadcast_in_dim3A_38] : memref<32x128x8xf32, #tpu.memory_space<vmem>>[vector<16xi32>, vector<16xi32>, vector<16xi32>], vector<16xf32>,
        %mul3A_315 = arith.mulf %gather3A_314, %get3A_305 : vector<16xf32>
        tpu.vector_store_idx %arg12[%broadcast_in_dim3A_146, %add3A_29, %broadcast_in_dim3A_38], %mul3A_315 : memref<32x128x8xf32, #tpu.memory_space<vmem>>[vector<16xi32>, vector<16xi32>, vector<16xi32>], vector<16xf32>,
        %gather3A_316 = tpu.vector_load_idx %arg12[%broadcast_in_dim3A_146, %add3A_29, %broadcast_in_dim3A_40] : memref<32x128x8xf32, #tpu.memory_space<vmem>>[vector<16xi32>, vector<16xi32>, vector<16xi32>], vector<16xf32>,
        %mul3A_317 = arith.mulf %gather3A_316, %get3A_305 : vector<16xf32>
        tpu.vector_store_idx %arg12[%broadcast_in_dim3A_146, %add3A_29, %broadcast_in_dim3A_40], %mul3A_317 : memref<32x128x8xf32, #tpu.memory_space<vmem>>[vector<16xi32>, vector<16xi32>, vector<16xi32>], vector<16xf32>,
        %gather3A_318 = tpu.vector_load_idx %arg12[%broadcast_in_dim3A_146, %add3A_29, %broadcast_in_dim3A_42] : memref<32x128x8xf32, #tpu.memory_space<vmem>>[vector<16xi32>, vector<16xi32>, vector<16xi32>], vector<16xf32>,
        %mul3A_319 = arith.mulf %gather3A_318, %get3A_305 : vector<16xf32>
        tpu.vector_store_idx %arg12[%broadcast_in_dim3A_146, %add3A_29, %broadcast_in_dim3A_42], %mul3A_319 : memref<32x128x8xf32, #tpu.memory_space<vmem>>[vector<16xi32>, vector<16xi32>, vector<16xi32>], vector<16xf32>,
        %gather3A_320 = tpu.vector_load_idx %arg12[%broadcast_in_dim3A_146, %add3A_29, %broadcast_in_dim3A_44] : memref<32x128x8xf32, #tpu.memory_space<vmem>>[vector<16xi32>, vector<16xi32>, vector<16xi32>], vector<16xf32>,
        %mul3A_321 = arith.mulf %gather3A_320, %get3A_305 : vector<16xf32>
        tpu.vector_store_idx %arg12[%broadcast_in_dim3A_146, %add3A_29, %broadcast_in_dim3A_44], %mul3A_321 : memref<32x128x8xf32, #tpu.memory_space<vmem>>[vector<16xi32>, vector<16xi32>, vector<16xi32>], vector<16xf32>,
        %dma_start3A = arith.constant 0 : i32
        %dma_start3A_322 = arith.constant 0 : i32
        %dma_start3A_323 = tpu.memref_slice %arg12[%scan3A_144, %dma_start3A, %dma_start3A_322] : memref<32x128x8xf32, #tpu.memory_space<vmem>> -> memref<1x128x8xf32, #tpu.memory_space<vmem>>
        %dma_start3A_324 = tpu.memref_squeeze %dma_start3A_323 : memref<1x128x8xf32, #tpu.memory_space<vmem>> -> memref<128x8xf32, #tpu.memory_space<vmem>>
        %dma_start3A_325 = arith.constant 0 : i32
        %dma_start3A_326 = tpu.memref_slice %arg10[%scan3A_144, %dma_start3A_325] : memref<32x128xi32, #tpu.memory_space<vmem>> -> memref<1x128xi32, #tpu.memory_space<vmem>>
        %dma_start3A_327 = tpu.memref_squeeze %dma_start3A_326 : memref<1x128xi32, #tpu.memory_space<vmem>> -> memref<128xi32, #tpu.memory_space<vmem>>
        %dma_start3A_328 = arith.constant 0 : i32
        %dma_start3A_329 = arith.constant 0 : i32
        %dma_start3A_330 = tpu.memref_slice %arg20[%dma_start3A_328, %dma_start3A_329] : memref<10240x8xf32, #tpu.memory_space<vmem_shared>> -> memref<10240x8xf32, #tpu.memory_space<vmem_shared>>
        tpu.enqueue_indirect_dma source(%dma_start3A_324 : memref<128x8xf32, #tpu.memory_space<vmem>>) target(%dma_start3A_330 : memref<10240x8xf32, #tpu.memory_space<vmem_shared>>) offsets(%dma_start3A_327 : memref<128xi32, #tpu.memory_space<vmem>>) semaphore(%arg22 : memref<!tpu.dma_semaphore, #tpu.memory_space<semaphore_mem>>) {add = true}
        %scan3A_331 = arith.constant 0 : i32
        scf.yield %scan3A_331 : i32
      }
      %scan3A_135 = arith.constant 32 : i32
      %scan3A_136 = arith.constant 0 : i32
      %scan3A_137 = arith.constant 0 : i32
      %scan3A_138 = arith.constant 32 : i32
      %scan3A_139 = arith.addi %scan3A_137, %scan3A_138 : i32
      %scan3A_140 = arith.constant 1 : i32
      %scan3A_141 = scf.for %scan3A_144 = %scan3A_137 to %scan3A_139 step %scan3A_140 iter_args(%scan3A_145 = %scan3A_136) -> (i32)  : i32 {
        %dma_wait3A = arith.constant 0 : i32
        %dma_wait3A_146 = arith.constant 0 : i32
        %dma_wait3A_147 = arith.constant 0 : i32
        %dma_wait3A_148 = tpu.memref_slice %arg12[%dma_wait3A, %dma_wait3A_146, %dma_wait3A_147] : memref<32x128x8xf32, #tpu.memory_space<vmem>> -> memref<1x128x8xf32, #tpu.memory_space<vmem>>
        %dma_wait3A_149 = tpu.memref_squeeze %dma_wait3A_148 : memref<1x128x8xf32, #tpu.memory_space<vmem>> -> memref<128x8xf32, #tpu.memory_space<vmem>>
        %dma_wait3A_150 = arith.constant 0 : i32
        %dma_wait3A_151 = arith.constant 0 : i32
        %dma_wait3A_152 = tpu.memref_slice %arg20[%dma_wait3A_150, %dma_wait3A_151] : memref<10240x8xf32, #tpu.memory_space<vmem_shared>> -> memref<128x8xf32, #tpu.memory_space<vmem_shared>>
        %dma_wait3A_153 = arith.constant 0 : i32
        %dma_wait3A_154 = arith.constant 0 : i32
        %dma_wait3A_155 = tpu.memref_slice %arg20[%dma_wait3A_153, %dma_wait3A_154] : memref<10240x8xf32, #tpu.memory_space<vmem_shared>> -> memref<128x8xf32, #tpu.memory_space<vmem_shared>>
        %dma_wait3A_156 = arith.constant 0 : i32
        %dma_wait3A_157 = arith.constant 0 : i32
        %dma_wait3A_158 = tpu.memref_slice %arg12[%dma_wait3A, %dma_wait3A_156, %dma_wait3A_157] : memref<32x128x8xf32, #tpu.memory_space<vmem>> -> memref<1x128x8xf32, #tpu.memory_space<vmem>>
        %dma_wait3A_159 = tpu.memref_squeeze %dma_wait3A_158 : memref<1x128x8xf32, #tpu.memory_space<vmem>> -> memref<128x8xf32, #tpu.memory_space<vmem>>
        tpu.wait_dma2 semaphore(%arg22 : memref<!tpu.dma_semaphore, #tpu.memory_space<semaphore_mem>>) src(%dma_wait3A_159 : memref<128x8xf32, #tpu.memory_space<vmem>>) dst(%dma_wait3A_155 : memref<128x8xf32, #tpu.memory_space<vmem_shared>>)
        %scan3A_160 = arith.constant 0 : i32
        scf.yield %scan3A_160 : i32
      }
      %scan3A_142 = arith.constant 32 : i32
      %scan3A_143 = arith.constant 0 : i32
      scf.yield %scan3A_143 : i32
    }
    %scan3A_99 = arith.constant 5 : i32
    %barrier3A_100 = arith.constant 0 : index
    tpu.barrier barrier_id(%barrier3A_100)
    "tpu.region"() ({
      %run_scoped3A = tpu.sem_alloc : memref<!tpu.dma_semaphore, #tpu.memory_space<semaphore_mem>>
      %dma_start3A = arith.constant 0 : i32
      %dma_start3A_108 = tpu.memref_slice %arg20[%mul3A_0, %dma_start3A] : memref<10240x8xf32, #tpu.memory_space<vmem_shared>> -> memref<640x8xf32, #tpu.memory_space<vmem_shared>>
      %dma_start3A_109 = arith.constant 0 : i32
      %dma_start3A_110 = tpu.memref_slice %arg20[%mul3A_0, %dma_start3A_109] : memref<10240x8xf32, #tpu.memory_space<vmem_shared>> -> memref<640x8xf32, #tpu.memory_space<vmem_shared>>
      tpu.enqueue_dma source(%dma_start3A_110 : memref<640x8xf32, #tpu.memory_space<vmem_shared>>) target(%arg14 : memref<640x8xf32, #tpu.memory_space<vmem>>) target_semaphore(%run_scoped3A : memref<!tpu.dma_semaphore, #tpu.memory_space<semaphore_mem>>)
      %dma_wait3A = arith.constant 0 : i32
      %dma_wait3A_111 = tpu.memref_slice %arg20[%mul3A_0, %dma_wait3A] : memref<10240x8xf32, #tpu.memory_space<vmem_shared>> -> memref<640x8xf32, #tpu.memory_space<vmem_shared>>
      %dma_wait3A_112 = arith.constant 0 : i32
      %dma_wait3A_113 = tpu.memref_slice %arg20[%mul3A_0, %dma_wait3A_112] : memref<10240x8xf32, #tpu.memory_space<vmem_shared>> -> memref<640x8xf32, #tpu.memory_space<vmem_shared>>
      tpu.wait_dma2 semaphore(%run_scoped3A : memref<!tpu.dma_semaphore, #tpu.memory_space<semaphore_mem>>) src(%dma_wait3A_113 : memref<640x8xf32, #tpu.memory_space<vmem_shared>>) dst(%arg14 : memref<640x8xf32, #tpu.memory_space<vmem>>)
      tpu.yield
    }) : () -> ()
    %scan3A_101 = arith.constant 0 : i32
    %scan3A_102 = arith.constant 0 : i32
    %scan3A_103 = arith.constant 320 : i32
    %scan3A_104 = arith.addi %scan3A_102, %scan3A_103 : i32
    %scan3A_105 = arith.constant 1 : i32
    %scan3A_106 = scf.for %scan3A_108 = %scan3A_102 to %scan3A_104 step %scan3A_105 iter_args(%scan3A_109 = %scan3A_101) -> (i32)  : i32 {
      %mul3A_110 = arith.constant 2 : i32
      %mul3A_111 = arith.muli %mul3A_110, %scan3A_108 : i32
      %add3A_112 = vector.broadcast %mul3A_111 : i32 to vector<16xi32>
      %add3A_113 = arith.addi %shift_right_arithmetic3A_4, %add3A_112 : vector<16xi32>
      %gather3A = tpu.vector_load_idx %arg14[%add3A_113, %and3A_6] : memref<640x8xf32, #tpu.memory_space<vmem>>[vector<16xi32>, vector<16xi32>], vector<16xf32>,
      %gather3A_114 = tpu.vector_load_idx %arg13[%add3A_113, %and3A_6] : memref<640x8xf32, #tpu.memory_space<vmem>>[vector<16xi32>, vector<16xi32>], vector<16xf32>,
      %gather3A_115 = tpu.vector_load_idx %arg16[%add3A_113] : memref<640xf32, #tpu.memory_space<vmem>>[vector<16xi32>], vector<16xf32>,
      %add3A_116 = arith.addf %gather3A, %gather3A_114 : vector<16xf32>
      %mul3A_117 = arith.mulf %gather3A_115, %add3A_116 : vector<16xf32>
      tpu.vector_store_idx %arg14[%add3A_113, %and3A_6], %mul3A_117 : memref<640x8xf32, #tpu.memory_space<vmem>>[vector<16xi32>, vector<16xi32>], vector<16xf32>,
      %scan3A_118 = arith.constant 0 : i32
      scf.yield %scan3A_118 : i32
    }
    %scan3A_107 = arith.constant 320 : i32
    "tpu.region"() ({
      %run_scoped3A = tpu.sem_alloc : memref<!tpu.dma_semaphore, #tpu.memory_space<semaphore_mem>>
      %dma_start3A = arith.constant 0 : i32
      %dma_start3A_108 = arith.constant 0 : i32
      %dma_start3A_109 = tpu.memref_slice %arg8[%arg0, %dma_start3A, %dma_start3A_108] : memref<2x10240x8xf32, #tpu.memory_space<hbm>> -> memref<1x10240x8xf32, #tpu.memory_space<hbm>>
      %dma_start3A_110 = tpu.memref_squeeze %dma_start3A_109 : memref<1x10240x8xf32, #tpu.memory_space<hbm>> -> memref<10240x8xf32, #tpu.memory_space<hbm>>
      %dma_start3A_111 = arith.constant 0 : i32
      %dma_start3A_112 = tpu.memref_slice %dma_start3A_110[%mul3A_0, %dma_start3A_111] : memref<10240x8xf32, #tpu.memory_space<hbm>> -> memref<640x8xf32, #tpu.memory_space<hbm>>
      %dma_start3A_113 = arith.constant 0 : i32
      %dma_start3A_114 = arith.constant 0 : i32
      %dma_start3A_115 = tpu.memref_slice %arg8[%arg0, %dma_start3A_113, %dma_start3A_114] : memref<2x10240x8xf32, #tpu.memory_space<hbm>> -> memref<1x10240x8xf32, #tpu.memory_space<hbm>>
      %dma_start3A_116 = tpu.memref_squeeze %dma_start3A_115 : memref<1x10240x8xf32, #tpu.memory_space<hbm>> -> memref<10240x8xf32, #tpu.memory_space<hbm>>
      %dma_start3A_117 = arith.constant 0 : i32
      %dma_start3A_118 = tpu.memref_slice %dma_start3A_116[%mul3A_0, %dma_start3A_117] : memref<10240x8xf32, #tpu.memory_space<hbm>> -> memref<640x8xf32, #tpu.memory_space<hbm>>
      tpu.enqueue_dma source(%arg14 : memref<640x8xf32, #tpu.memory_space<vmem>>) target(%dma_start3A_118 : memref<640x8xf32, #tpu.memory_space<hbm>>) target_semaphore(%run_scoped3A : memref<!tpu.dma_semaphore, #tpu.memory_space<semaphore_mem>>)
      %dma_wait3A = arith.constant 0 : i32
      %dma_wait3A_119 = arith.constant 0 : i32
      %dma_wait3A_120 = tpu.memref_slice %arg8[%arg0, %dma_wait3A, %dma_wait3A_119] : memref<2x10240x8xf32, #tpu.memory_space<hbm>> -> memref<1x10240x8xf32, #tpu.memory_space<hbm>>
      %dma_wait3A_121 = tpu.memref_squeeze %dma_wait3A_120 : memref<1x10240x8xf32, #tpu.memory_space<hbm>> -> memref<10240x8xf32, #tpu.memory_space<hbm>>
      %dma_wait3A_122 = arith.constant 0 : i32
      %dma_wait3A_123 = tpu.memref_slice %dma_wait3A_121[%mul3A_0, %dma_wait3A_122] : memref<10240x8xf32, #tpu.memory_space<hbm>> -> memref<640x8xf32, #tpu.memory_space<hbm>>
      %dma_wait3A_124 = arith.constant 0 : i32
      %dma_wait3A_125 = arith.constant 0 : i32
      %dma_wait3A_126 = tpu.memref_slice %arg8[%arg0, %dma_wait3A_124, %dma_wait3A_125] : memref<2x10240x8xf32, #tpu.memory_space<hbm>> -> memref<1x10240x8xf32, #tpu.memory_space<hbm>>
      %dma_wait3A_127 = tpu.memref_squeeze %dma_wait3A_126 : memref<1x10240x8xf32, #tpu.memory_space<hbm>> -> memref<10240x8xf32, #tpu.memory_space<hbm>>
      %dma_wait3A_128 = arith.constant 0 : i32
      %dma_wait3A_129 = tpu.memref_slice %dma_wait3A_127[%mul3A_0, %dma_wait3A_128] : memref<10240x8xf32, #tpu.memory_space<hbm>> -> memref<640x8xf32, #tpu.memory_space<hbm>>
      tpu.wait_dma2 semaphore(%run_scoped3A : memref<!tpu.dma_semaphore, #tpu.memory_space<semaphore_mem>>) src(%arg14 : memref<640x8xf32, #tpu.memory_space<vmem>>) dst(%dma_wait3A_129 : memref<640x8xf32, #tpu.memory_space<hbm>>)
      tpu.yield
    }) : () -> ()
    return
  }
}

module attributes {stable_mosaic.version = 14 : i64} {
  func.func @_mm_body(%arg0: i32, %arg1: memref<2048x128xf32, #tpu.memory_space<vmem>>, %arg2: memref<128x8xf32, #tpu.memory_space<vmem>>, %arg3: memref<2048x8xf32, #tpu.memory_space<vmem>>) attributes {dimension_semantics = [#tpu.dimension_semantics<arbitrary>], iteration_bounds = array<i64: 10>, scalar_prefetch = 0 : i64, scratch_operands = 0 : i64, tpu.core_type = #tpu.core_type<tc>, window_params = [{transform_indices = @transform_0, window_bounds = array<i64: 2048, 128>}, {pipeline_mode = #tpu.pipeline_mode<synchronous>, transform_indices = @transform_1, window_bounds = array<i64: 128, 8>}, {transform_indices = @transform_2, window_bounds = array<i64: 2048, 8>}]} {
    %get3A = arith.constant 0 : index
    %get3A_0 = arith.constant 0 : index
    %get3A_1 = vector.load %arg1[%get3A, %get3A_0] : memref<2048x128xf32, #tpu.memory_space<vmem>>, vector<2048x128xf32>
    %get3A_2 = arith.constant 0 : index
    %get3A_3 = arith.constant 0 : index
    %get3A_4 = vector.load %arg2[%get3A_2, %get3A_3] : memref<128x8xf32, #tpu.memory_space<vmem>>, vector<128x8xf32>
    %dot_general3A = arith.constant dense<0.000000e+00> : vector<2048x8xf32>
    %dot_general3A_5 = tpu.matmul %get3A_1, %get3A_4, %dot_general3A {dimension_numbers = #tpu.dot_dimension_numbers<[1], [0], [0], [1], [0, 0, 1, 1], [], []>, transpose_lhs_hint = false} : vector<2048x128xf32>, vector<128x8xf32>, vector<2048x8xf32> -> vector<2048x8xf32>
    %swap3A = arith.constant 0 : index
    %swap3A_6 = arith.constant 0 : index
    %swap3A_7 = vector.load %arg3[%swap3A, %swap3A_6] : memref<2048x8xf32, #tpu.memory_space<vmem>>, vector<2048x8xf32>
    tpu.vector_store %arg3[%swap3A, %swap3A_6], %dot_general3A_5 {strides = array<i32>} : memref<2048x8xf32, #tpu.memory_space<vmem>>, vector<2048x8xf32>,
    return
  }
  func.func @transform_0(%arg0: i32) -> (i32, i32) {
    %c0_i32 = arith.constant 0 : i32
    %c0_i32_0 = arith.constant 0 : i32
    return %arg0, %c0_i32 : i32, i32
  }
  func.func @transform_1(%arg0: i32) -> (i32, i32) {
    %c0_i32 = arith.constant 0 : i32
    %c0_i32_0 = arith.constant 0 : i32
    %c0_i32_1 = arith.constant 0 : i32
    return %c0_i32, %c0_i32_0 : i32, i32
  }
  func.func @transform_2(%arg0: i32) -> (i32, i32) {
    %c0_i32 = arith.constant 0 : i32
    %c0_i32_0 = arith.constant 0 : i32
    return %arg0, %c0_i32 : i32, i32
  }
}

module attributes {stable_mosaic.version = 14 : i64} {
  func.func @_readout_body(%arg0: memref<2x10000x8xf32, #tpu.memory_space<vmem>>, %arg1: memref<8x8xf32, #tpu.memory_space<vmem>>, %arg2: memref<1x8xf32, #tpu.memory_space<vmem>>, %arg3: memref<2x8xf32, #tpu.memory_space<vmem>>, %arg4: memref<8x10000xf32, #tpu.memory_space<vmem>>) attributes {dimension_semantics = [], scalar_prefetch = 0 : i64, scratch_operands = 1 : i64, tpu.core_type = #tpu.core_type<tc>} {
    %broadcast_in_dim3A = arith.constant 1.000000e+00 : f32
    %broadcast_in_dim3A_0 = vector.broadcast %broadcast_in_dim3A : f32 to vector<8x10000xf32>
    %swap3A = arith.constant 0 : index
    %swap3A_1 = arith.constant 0 : index
    %swap3A_2 = vector.load %arg4[%swap3A, %swap3A_1] : memref<8x10000xf32, #tpu.memory_space<vmem>>, vector<8x10000xf32>
    tpu.vector_store %arg4[%swap3A, %swap3A_1], %broadcast_in_dim3A_0 {strides = array<i32>} : memref<8x10000xf32, #tpu.memory_space<vmem>>, vector<8x10000xf32>,
    %get3A = arith.constant 0 : index
    %get3A_3 = arith.constant 0 : index
    %get3A_4 = arith.constant 0 : index
    %get3A_5 = vector.load %arg0[%get3A, %get3A_3, %get3A_4] : memref<2x10000x8xf32, #tpu.memory_space<vmem>>, vector<1x10000x8xf32>
    %get3A_6 = vector.shape_cast %get3A_5 : vector<1x10000x8xf32> to vector<10000x8xf32>
    %get3A_7 = arith.constant 0 : index
    %get3A_8 = arith.constant 0 : index
    %get3A_9 = vector.load %arg1[%get3A_7, %get3A_8] : memref<8x8xf32, #tpu.memory_space<vmem>>, vector<8x8xf32>
    %dot_general3A = arith.constant dense<0.000000e+00> : vector<10000x8xf32>
    %dot_general3A_10 = tpu.matmul %get3A_6, %get3A_9, %dot_general3A {dimension_numbers = #tpu.dot_dimension_numbers<[1], [0], [0], [1], [0, 0, 1, 1], [], []>, transpose_lhs_hint = false} : vector<10000x8xf32>, vector<8x8xf32>, vector<10000x8xf32> -> vector<10000x8xf32>
    %get3A_11 = arith.constant 0 : index
    %get3A_12 = arith.constant 0 : index
    %get3A_13 = vector.load %arg2[%get3A_11, %get3A_12] : memref<1x8xf32, #tpu.memory_space<vmem>>, vector<1x8xf32>
    %add3A = vector.broadcast %get3A_13 : vector<1x8xf32> to vector<10000x8xf32>
    %add3A_14 = arith.addf %dot_general3A_10, %add3A : vector<10000x8xf32>
    %ge3A = arith.constant 0.000000e+00 : f32
    %ge3A_15 = vector.broadcast %ge3A : f32 to vector<10000x8xf32>
    %ge3A_16 = arith.cmpf oge, %add3A_14, %ge3A_15 : vector<10000x8xf32>
    %mul3A = arith.constant 0.00999999977 : f32
    %mul3A_17 = vector.broadcast %mul3A : f32 to vector<10000x8xf32>
    %mul3A_18 = arith.mulf %mul3A_17, %add3A_14 : vector<10000x8xf32>
    %select_n3A = arith.select %ge3A_16, %add3A_14, %mul3A_18 : vector<10000x8xi1>, vector<10000x8xf32>
    %get3A_19 = arith.constant 0 : index
    %get3A_20 = arith.constant 0 : index
    %get3A_21 = vector.load %arg4[%get3A_19, %get3A_20] : memref<8x10000xf32, #tpu.memory_space<vmem>>, vector<8x10000xf32>
    %dot_general3A_22 = arith.constant dense<0.000000e+00> : vector<8x8xf32>
    %dot_general3A_23 = tpu.matmul %get3A_21, %select_n3A, %dot_general3A_22 {dimension_numbers = #tpu.dot_dimension_numbers<[1], [0], [0], [1], [0, 0, 1, 1], [], []>, transpose_lhs_hint = false} : vector<8x10000xf32>, vector<10000x8xf32>, vector<8x8xf32> -> vector<8x8xf32>
    %slice3A = vector.extract_strided_slice %dot_general3A_23 {offsets = [0, 0], sizes = [1, 8], strides = [1, 1]} : vector<8x8xf32> to vector<1x8xf32>
    %convert_element_type3A = arith.truncf %slice3A : vector<1x8xf32> to vector<1x8xbf16>
    %convert_element_type3A_24 = arith.extf %convert_element_type3A : vector<1x8xbf16> to vector<1x8xf32>
    %swap3A_25 = arith.constant 0 : index
    %swap3A_26 = arith.constant 0 : index
    %swap3A_27 = vector.load %arg3[%swap3A_25, %swap3A_26] : memref<2x8xf32, #tpu.memory_space<vmem>>, vector<1x8xf32>
    tpu.vector_store %arg3[%swap3A_25, %swap3A_26], %convert_element_type3A_24 {strides = array<i32>} : memref<2x8xf32, #tpu.memory_space<vmem>>, vector<1x8xf32>,
    %get3A_28 = arith.constant 1 : index
    %get3A_29 = arith.constant 0 : index
    %get3A_30 = arith.constant 0 : index
    %get3A_31 = vector.load %arg0[%get3A_28, %get3A_29, %get3A_30] : memref<2x10000x8xf32, #tpu.memory_space<vmem>>, vector<1x10000x8xf32>
    %get3A_32 = vector.shape_cast %get3A_31 : vector<1x10000x8xf32> to vector<10000x8xf32>
    %get3A_33 = arith.constant 0 : index
    %get3A_34 = arith.constant 0 : index
    %get3A_35 = vector.load %arg1[%get3A_33, %get3A_34] : memref<8x8xf32, #tpu.memory_space<vmem>>, vector<8x8xf32>
    %dot_general3A_36 = arith.constant dense<0.000000e+00> : vector<10000x8xf32>
    %dot_general3A_37 = tpu.matmul %get3A_32, %get3A_35, %dot_general3A_36 {dimension_numbers = #tpu.dot_dimension_numbers<[1], [0], [0], [1], [0, 0, 1, 1], [], []>, transpose_lhs_hint = false} : vector<10000x8xf32>, vector<8x8xf32>, vector<10000x8xf32> -> vector<10000x8xf32>
    %get3A_38 = arith.constant 0 : index
    %get3A_39 = arith.constant 0 : index
    %get3A_40 = vector.load %arg2[%get3A_38, %get3A_39] : memref<1x8xf32, #tpu.memory_space<vmem>>, vector<1x8xf32>
    %add3A_41 = vector.broadcast %get3A_40 : vector<1x8xf32> to vector<10000x8xf32>
    %add3A_42 = arith.addf %dot_general3A_37, %add3A_41 : vector<10000x8xf32>
    %ge3A_43 = arith.constant 0.000000e+00 : f32
    %ge3A_44 = vector.broadcast %ge3A_43 : f32 to vector<10000x8xf32>
    %ge3A_45 = arith.cmpf oge, %add3A_42, %ge3A_44 : vector<10000x8xf32>
    %mul3A_46 = arith.constant 0.00999999977 : f32
    %mul3A_47 = vector.broadcast %mul3A_46 : f32 to vector<10000x8xf32>
    %mul3A_48 = arith.mulf %mul3A_47, %add3A_42 : vector<10000x8xf32>
    %select_n3A_49 = arith.select %ge3A_45, %add3A_42, %mul3A_48 : vector<10000x8xi1>, vector<10000x8xf32>
    %get3A_50 = arith.constant 0 : index
    %get3A_51 = arith.constant 0 : index
    %get3A_52 = vector.load %arg4[%get3A_50, %get3A_51] : memref<8x10000xf32, #tpu.memory_space<vmem>>, vector<8x10000xf32>
    %dot_general3A_53 = arith.constant dense<0.000000e+00> : vector<8x8xf32>
    %dot_general3A_54 = tpu.matmul %get3A_52, %select_n3A_49, %dot_general3A_53 {dimension_numbers = #tpu.dot_dimension_numbers<[1], [0], [0], [1], [0, 0, 1, 1], [], []>, transpose_lhs_hint = false} : vector<8x10000xf32>, vector<10000x8xf32>, vector<8x8xf32> -> vector<8x8xf32>
    %slice3A_55 = vector.extract_strided_slice %dot_general3A_54 {offsets = [0, 0], sizes = [1, 8], strides = [1, 1]} : vector<8x8xf32> to vector<1x8xf32>
    %convert_element_type3A_56 = arith.truncf %slice3A_55 : vector<1x8xf32> to vector<1x8xbf16>
    %convert_element_type3A_57 = arith.extf %convert_element_type3A_56 : vector<1x8xbf16> to vector<1x8xf32>
    %swap3A_58 = arith.constant 1 : index
    %swap3A_59 = arith.constant 0 : index
    %swap3A_60 = vector.load %arg3[%swap3A_58, %swap3A_59] : memref<2x8xf32, #tpu.memory_space<vmem>>, vector<1x8xf32>
    tpu.vector_store %arg3[%swap3A_58, %swap3A_59], %convert_element_type3A_57 {strides = array<i32>} : memref<2x8xf32, #tpu.memory_space<vmem>>, vector<1x8xf32>,
    return
  }
}

module attributes {stable_mosaic.version = 14 : i64} {
  func.func @_mlp_body(%arg0: memref<2x8xf32, #tpu.memory_space<vmem>>, %arg1: memref<16x4xf32, #tpu.memory_space<vmem>>, %arg2: memref<1x4xf32, #tpu.memory_space<vmem>>, %arg3: memref<4x1xf32, #tpu.memory_space<vmem>>, %arg4: memref<1x1xf32, #tpu.memory_space<vmem>>, %arg5: memref<1x1xf32, #tpu.memory_space<vmem>>) attributes {dimension_semantics = [], scalar_prefetch = 0 : i64, scratch_operands = 0 : i64, tpu.core_type = #tpu.core_type<tc>} {
    %get3A = arith.constant 0 : index
    %get3A_0 = arith.constant 0 : index
    %get3A_1 = vector.load %arg0[%get3A, %get3A_0] : memref<2x8xf32, #tpu.memory_space<vmem>>, vector<1x8xf32>
    %get3A_2 = arith.constant 1 : index
    %get3A_3 = arith.constant 0 : index
    %get3A_4 = vector.load %arg0[%get3A_2, %get3A_3] : memref<2x8xf32, #tpu.memory_space<vmem>>, vector<1x8xf32>
    %concatenate3A = tpu.concatenate %get3A_1, %get3A_4 in 1 : vector<1x8xf32>, vector<1x8xf32> -> vector<1x16xf32>
    %get3A_5 = arith.constant 0 : index
    %get3A_6 = arith.constant 0 : index
    %get3A_7 = vector.load %arg1[%get3A_5, %get3A_6] : memref<16x4xf32, #tpu.memory_space<vmem>>, vector<16x4xf32>
    %dot_general3A = arith.constant dense<0.000000e+00> : vector<1x4xf32>
    %dot_general3A_8 = tpu.matmul %concatenate3A, %get3A_7, %dot_general3A {dimension_numbers = #tpu.dot_dimension_numbers<[1], [0], [0], [1], [0, 0, 1, 1], [], []>, transpose_lhs_hint = false} : vector<1x16xf32>, vector<16x4xf32>, vector<1x4xf32> -> vector<1x4xf32>
    %get3A_9 = arith.constant 0 : index
    %get3A_10 = arith.constant 0 : index
    %get3A_11 = vector.load %arg2[%get3A_9, %get3A_10] : memref<1x4xf32, #tpu.memory_space<vmem>>, vector<1x4xf32>
    %add3A = arith.addf %dot_general3A_8, %get3A_11 : vector<1x4xf32>
    %ge3A = arith.constant 0.000000e+00 : f32
    %ge3A_12 = vector.broadcast %ge3A : f32 to vector<1x4xf32>
    %ge3A_13 = arith.cmpf oge, %add3A, %ge3A_12 : vector<1x4xf32>
    %mul3A = arith.constant 0.00999999977 : f32
    %mul3A_14 = vector.broadcast %mul3A : f32 to vector<1x4xf32>
    %mul3A_15 = arith.mulf %mul3A_14, %add3A : vector<1x4xf32>
    %select_n3A = arith.select %ge3A_13, %add3A, %mul3A_15 : vector<1x4xi1>, vector<1x4xf32>
    %get3A_16 = arith.constant 0 : index
    %get3A_17 = arith.constant 0 : index
    %get3A_18 = vector.load %arg3[%get3A_16, %get3A_17] : memref<4x1xf32, #tpu.memory_space<vmem>>, vector<4x1xf32>
    %slice3A = vector.extract_strided_slice %select_n3A {offsets = [0, 0], sizes = [1, 1], strides = [1, 1]} : vector<1x4xf32> to vector<1x1xf32>
    %slice3A_19 = vector.extract_strided_slice %get3A_18 {offsets = [0, 0], sizes = [1, 1], strides = [1, 1]} : vector<4x1xf32> to vector<1x1xf32>
    %mul3A_20 = arith.mulf %slice3A, %slice3A_19 : vector<1x1xf32>
    %slice3A_21 = vector.extract_strided_slice %select_n3A {offsets = [0, 1], sizes = [1, 1], strides = [1, 1]} : vector<1x4xf32> to vector<1x1xf32>
    %slice3A_22 = vector.extract_strided_slice %get3A_18 {offsets = [1, 0], sizes = [1, 1], strides = [1, 1]} : vector<4x1xf32> to vector<1x1xf32>
    %mul3A_23 = arith.mulf %slice3A_21, %slice3A_22 : vector<1x1xf32>
    %add3A_24 = arith.addf %mul3A_20, %mul3A_23 : vector<1x1xf32>
    %slice3A_25 = vector.extract_strided_slice %select_n3A {offsets = [0, 2], sizes = [1, 1], strides = [1, 1]} : vector<1x4xf32> to vector<1x1xf32>
    %slice3A_26 = vector.extract_strided_slice %get3A_18 {offsets = [2, 0], sizes = [1, 1], strides = [1, 1]} : vector<4x1xf32> to vector<1x1xf32>
    %mul3A_27 = arith.mulf %slice3A_25, %slice3A_26 : vector<1x1xf32>
    %add3A_28 = arith.addf %add3A_24, %mul3A_27 : vector<1x1xf32>
    %slice3A_29 = vector.extract_strided_slice %select_n3A {offsets = [0, 3], sizes = [1, 1], strides = [1, 1]} : vector<1x4xf32> to vector<1x1xf32>
    %slice3A_30 = vector.extract_strided_slice %get3A_18 {offsets = [3, 0], sizes = [1, 1], strides = [1, 1]} : vector<4x1xf32> to vector<1x1xf32>
    %mul3A_31 = arith.mulf %slice3A_29, %slice3A_30 : vector<1x1xf32>
    %add3A_32 = arith.addf %add3A_28, %mul3A_31 : vector<1x1xf32>
    %get3A_33 = arith.constant 0 : index
    %get3A_34 = arith.constant 0 : index
    %get3A_35 = vector.load %arg4[%get3A_33, %get3A_34] : memref<1x1xf32, #tpu.memory_space<vmem>>, vector<1x1xf32>
    %add3A_36 = arith.addf %add3A_32, %get3A_35 : vector<1x1xf32>
    %swap3A = arith.constant 0 : index
    %swap3A_37 = arith.constant 0 : index
    %swap3A_38 = vector.load %arg5[%swap3A, %swap3A_37] : memref<1x1xf32, #tpu.memory_space<vmem>>, vector<1x1xf32>
    tpu.vector_store %arg5[%swap3A, %swap3A_37], %add3A_36 {strides = array<i32>} : memref<1x1xf32, #tpu.memory_space<vmem>>, vector<1x1xf32>,
    return
  }
}

</mosaic_0001>

<sc_bundles>
// kernel: kernel.6.cloned.1.call-start
scs
__scs_entry_jumppad:
0x0: {  	(pc) =	sbr.rel $0x88, $3  }
0x1: {  	(tag) =	ssettag $0x0;
	lr =	simm.s32 $0x1  }
0x2: {  	[smem:$0x3F93] =	sst lr;
	_ =	strace $0xD0000000  }
0x3: {  	_ = 	snop  }
0x4: {  	_ = 	snop  }
0x5: {  	_ = 	snop  }
0x6: {  	_ = 	snop  }
0x7: {  	_ = 	snop  }
__scs_overlays_trampoline_lowered:
0x8: {  	[smem:$0x3FA2] =	sst s0  }
0x9: {  	[smem:$0x3FA3] =	sst s1  }
0xa: {  	[smem:$0x3FA4] =	sst s2  }
0xb: {  	[smem:$0x3FA5] =	sst s3  }
0xc: {  	[smem:$0x3FA6] =	sst s4  }
0xd: {  	[smem:$0x3FA7] =	sst s5  }
0xe: {  	[smem:$0x3FA8] =	sst s6  }
0xf: {  	[smem:$0x3FA9] =	sst s7  }
0x10: {  	[smem:$0x3FAA] =	sst s8  }
0x11: {  	[smem:$0x3FAB] =	sst s9;
	s0 =	simm.s32 @!p0 $0x0  }
0x12: {  	s1 =	sld [smem:$0x3F91];
	s0 =	simm.s32 @p0 $0x1  }
0x13: {  	[smem:$0x3FAC] =	sst s0;
	s0 =	simm.s32 @!p1 $0x0  }
0x14: {  	s2 =	sld [smem:$0x3F90];
	s0 =	simm.s32 @p1 $0x1  }
0x15: {  	[smem:$0x3FAD] =	sst s0;
	s0 =	simm.s32 @!p2 $0x0  }
0x16: {  	s3 =	sld [smem:$0x3FDB];
	s0 =	simm.s32 @p2 $0x1  }
0x17: {  	s4 =	simm.s32 $0x1BF5;
	[smem:$0x3FAF] =	sst s0  }
0x18: {  	s0 =	sld [smem:$0x3F92];
	_ =	swait.ge [sflag:s4], $0x0  }
0x19: {  	s7 =	sld [smem:$0x3F93]  }
0x1a: {  	s8 =	sadd.s32 $0xFFFFE003, lr  }
0x1b: {  	s9 =	sadd.s32 $0xFFFFFEF7, lr;
	s5 =	simm.s32 $0xFFFFFFFF;
	p2 =	slt.u32 s8, $0xFFFFF086  }
0x1c: {  	p1 =	slt.u32 s9, $0xF7A;
	s5 =	simm.s32 @!p2 $0x0  }
0x1d: {  	s5 =	simm.s32 @p1 $0x1;
	p0 =	seq.s32 s7, s2  }
0x1e: {  	s7 =	smul.u32 @!p0 $0xF7A, s2;
	p2 =	seq.s32 @!p0 s5, $0x0  }
0x1f: {  	s9 =	smul.u32 $0xF7A, s1;
	s8 =	simm.s32 @!p0 $0x1BF5;
	p2 =	por !p2, p0  }
0x20: {  	[sflag:s8] =	ssyncset.s32 @!p0 $0xFFFFF086;
	s6 =	sadd.s32 @!p0 s3, s7;
	s7 =	simm.s32 @!p0 $0x108  }
0x21: {  	s3 =	sadd.s32 s3, s9;
	s6 =	sadd.s32 @!p0 $0x88, s6;
	s7 =	simm.s32 @p2 $0x1082  }
0x22: {  	[simem:s7], [sflag:s8] =	dma.local @!p0 [hbm:s6], $0xF7A  }
0x23: {  	s9 =	sor.u32 $0xD0000000, s2;
	s6 =	simm.s32 $0x108;
	_ =	swait.ge @!p0 [sflag:s8], $0x0  }
0x24: {  	s3 =	sadd.s32 $0x88, s3;
	s6 =	simm.s32 @!p1 $0x1082;
	[sflag:s4] =	ssyncset.s32 $0xFFFFF086  }
0x25: {  	[simem:s6], [sflag:s4] =	dma.local [hbm:s3], $0xF7A  }
0x26: {  	[smem:$0x3F93] =	sst s1;
	(tag) =	ssettag s2;
	_ =	strace s9  }
0x27: {  	s1 =	sld [smem:$0x3FA3]  }
0x28: {  	s2 =	sld [smem:$0x3FA4]  }
0x29: {  	s4 =	sld [smem:$0x3FA6]  }
0x2a: {  	p0 =	seq.s32 s5, $0x0;
	s5 =	sld [smem:$0x3FA7]  }
0x2b: {  	s6 =	sld [smem:$0x3FA8]  }
0x2c: {  	s7 =	sld [smem:$0x3FA9]  }
0x2d: {  	s3 =	simm.s32 $0x108;
	s8 =	sld [smem:$0x3FAA]  }
0x2e: {  	s3 =	simm.s32 @!p0 $0x1082;
	s9 =	sld [smem:$0x3FAB]  }
0x2f: {  	lr =	sadd.s32 s0, s3;
	s0 =	sld [smem:$0x3FA2]  }
0x30: {  	s3 =	sld [smem:$0x3FA5]  }
0x31: {  	[smem:$0x3FAE] =	sst s10  }
0x32: {  	s10 =	sld [smem:$0x3FAC];
	_ =	sdelay $0x3  }
0x33: {  	p0 =	seq.s32 s10, $0x1;
	s10 =	sld [smem:$0x3FAE];
	_ =	sdelay $0x3  }
0x34: {  	[smem:$0x3FAE] =	sst s10  }
0x35: {  	s10 =	sld [smem:$0x3FAD];
	_ =	sdelay $0x3  }
0x36: {  	p1 =	seq.s32 s10, $0x1;
	s10 =	sld [smem:$0x3FAE];
	_ =	sdelay $0x3  }
0x37: {  	[smem:$0x3FAE] =	sst s10  }
0x38: {  	s10 =	sld [smem:$0x3FAF]  }
0x39: {  	_ = 	snop;
	(pc) =	sbr.ind lr, $3  }
0x3a: {  	_ = 	snop  }
0x3b: {  	_ = 	snop  }
0x3c: {  	p2 =	seq.s32 s10, $0x1;
	s10 =	sld [smem:$0x3FAE]  }
0x3d: {  	_ =	shalt  }
0x3e: {  	_ =	shalt  }
0x3f: {  	_ =	shalt  }
0x40: {  	_ =	shalt  }
0x41: {  	_ =	shalt  }
0x42: {  	_ =	shalt  }
0x43: {  	_ =	shalt  }
0x44: {  	_ =	shalt  }
0x45: {  	_ =	shalt  }
0x46: {  	_ =	shalt  }
0x47: {  	_ =	shalt  }
0x48: {  	_ =	shalt  }
0x49: {  	_ =	shalt  }
0x4a: {  	_ =	shalt  }
0x4b: {  	_ =	shalt  }
0x4c: {  	_ =	shalt  }
0x4d: {  	_ =	shalt  }
0x4e: {  	_ =	shalt  }
0x4f: {  	_ =	shalt  }
0x50: {  	_ =	shalt  }
0x51: {  	_ =	shalt  }
0x52: {  	_ =	shalt  }
0x53: {  	_ =	shalt  }
0x54: {  	_ =	shalt  }
0x55: {  	_ =	shalt  }
0x56: {  	_ =	shalt  }
0x57: {  	_ =	shalt  }
0x58: {  	_ =	shalt  }
0x59: {  	_ =	shalt  }
0x5a: {  	_ =	shalt  }
0x5b: {  	_ =	shalt  }
0x5c: {  	_ =	shalt  }
0x5d: {  	_ =	shalt  }
0x5e: {  	_ =	shalt  }
0x5f: {  	_ =	shalt  }
0x60: {  	_ =	shalt  }
0x61: {  	_ =	shalt  }
0x62: {  	_ =	shalt  }
0x63: {  	_ =	shalt  }
0x64: {  	_ =	shalt  }
0x65: {  	_ =	shalt  }
0x66: {  	_ =	shalt  }
0x67: {  	_ =	shalt  }
0x68: {  	_ =	shalt  }
0x69: {  	_ =	shalt  }
0x6a: {  	_ =	shalt  }
0x6b: {  	_ =	shalt  }
0x6c: {  	_ =	shalt  }
0x6d: {  	_ =	shalt  }
0x6e: {  	_ =	shalt  }
0x6f: {  	_ =	shalt  }
0x70: {  	_ =	shalt  }
0x71: {  	_ =	shalt  }
0x72: {  	_ =	shalt  }
0x73: {  	_ =	shalt  }
0x74: {  	_ =	shalt  }
0x75: {  	_ =	shalt  }
0x76: {  	_ =	shalt  }
0x77: {  	_ =	shalt  }
0x78: {  	_ =	shalt  }
0x79: {  	_ =	shalt  }
0x7a: {  	_ =	shalt  }
0x7b: {  	_ =	shalt  }
0x7c: {  	_ =	shalt  }
0x7d: {  	_ =	shalt  }
0x7e: {  	_ =	shalt  }
0x7f: {  	_ =	shalt  }
0x80: {  	_ =	shalt  }
0x81: {  	_ =	shalt  }
0x82: {  	_ =	shalt  }
0x83: {  	_ =	shalt  }
0x84: {  	_ =	shalt  }
0x85: {  	_ =	shalt  }
0x86: {  	_ =	shalt  }
0x87: {  	_ =	shalt  }
.Lfunc_end0:
.L_simem_size_0:
called_computation_lowered:
.L_overlay_start_0:
0x88: {  	s2 =	sld [smem:$0x3FD9]  }
0x89: {  	s3 =	sld [smem:$0x3FFE];
	_ =	sdelay $0x1  }
0x8a: {  	s1 =	srdreg.scid  }
0x8b: {  	s0 =	sand.u32 $0x1, s1  }
0x8c: {  	s17 =	sshll.u32 s0, $0xA;
	s2 =	sadd.s32 s3, s2  }
0x8d: {  	s2 =	sadd.s32 s2, s17  }
0x8e: {  	[smem:$0x3FBA] =	sst s2  }
0x8f: {  	_ = 	snop  }
0x90: {  	s2 =	sld [smem:$0x3FD0];
	(tm) =	ssettm $0x1  }
0x91: {  	s18 =	sld [smem:$0x3FFB];
	_ =	sdelay $0x3  }
0x92: {  	_ =	strace s18  }
0x93: {  	s3 =	sld [smem:$0x3FFC];
	_ =	sdelay $0x3  }
0x94: {  	_ =	strace s3  }
0x95: {  	s3 =	sld [smem:$0x3FFD];
	_ =	sdelay $0x3  }
0x96: {  	_ =	strace s3  }
0x97: {  	_ =	strace $0x8FFFFFFF  }
0x98: {  	s19 =	sld [smem:$0x3FDB];
	_ =	sdelay $0x1  }
0x99: {  	s4 =	simm.s32 $_scs_section_size  }
0x9a: {  	s5 =	simm.s32 $_size__tile_overlayer_lowered;
	s6 =	simm.s32 $_tile_overlayer_lowered  }
0x9b: {  	s22 =	simm.s32 $0x1BFF;
	s21 =	sshll.u32 s6, $0x1;
	s3 =	sadd.s32 s4, s19  }
0x9c: {  	s7 =	simm.s32 $0x0;
	s20 =	sshll.u32 s5, $0x1;
	s5 =	sadd.s32 s21, s3  }
0x9d: {  	[timem:s7], [sflag:s22] =	dma.local [hbm:s5], s20  }
0x9e: {  	_ =	swait.ge [sflag:s22], s20  }
0x9f: {  	s4 =	ssub.s32 $0x0, s20;
	[sflag:s22] =	ssyncset.done $0x0  }
0xa0: {  	[sflag:s22] =	ssyncadd.s32 s4;
	_ =	sdelay $0x1  }
0xa1: {  	s23 =	simm.s32 $0x1B8B  }
0xa2: {  	_ =	swait.ge [sflag:s23], $0x1  }
0xa3: {  	[sflag:s23] =	ssyncset.done $0x0  }
0xa4: {  	s25 =	simm.s32 $0x1B8E;
	s24 =	sld [smem:$0x3FFE];
	[sflag:s23] =	ssyncadd.s32 $0xFFFFFFFF  }
0xa5: {  	s26 =	simm.s32 $execute0_lowered;
	[smem:$0x3FD2] =	sst s25  }
0xa6: {  	s5 =	sshll.u32 s26, $0x1;
	_ =	strace $0x80000046;
	[dreg:$0x1] =	wrdreg $0xFFFFFFFF  }
0xa7: {  	s28 =	simm.s32 $_size_execute0_lowered;
	s3 =	sadd.s32 s3, s5;
	[dreg:$0x0] =	wrdreg $0x0  }
0xa8: {  	s5 =	sshll.u32 s28, $0x1;
	[dreg:$0x2] =	wrdreg s3  }
0xa9: {  	[dreg:$0x3] =	wrdreg s5  }
0xaa: {  	[dreg:$0x4] =	wrdreg $0xC0  }
0xab: {  	_ =	task [dreg:s7], $0x5FFFF  }
0xac: {  	[dreg:$0x1] =	wrdreg $0xFFFFFFFF  }
0xad: {  	[dreg:$0x0] =	wrdreg $0x60  }
0xae: {  	[dreg:$0x2] =	wrdreg s24  }
0xaf: {  	[dreg:$0x3] =	wrdreg s2  }
0xb0: {  	[dreg:$0x4] =	wrdreg $0xDD100  }
0xb1: {  	[dreg:$0x5] =	wrdreg $0xF3900  }
0xb2: {  	[dreg:$0x6] =	wrdreg $0xDF900  }
0xb3: {  	[dreg:$0x7] =	wrdreg $0x9  }
0xb4: {  	_ =	task.clear_ibuf [dreg:s7], $0x8FFFF;
	_ =	strace $0x90000046  }
0xb5: {  	s29 =	simm.s32 $0x9;
	_ =	strace $0x80000048  }
0xb6: {  	_ =	swait.ge [sflag:s29], $0x1  }
0xb7: {  	[sflag:s29] =	ssyncadd.s32 $0xFFFFFFFF  }
0xb8: {  	_ =	strace $0x90000048  }
0xb9: {  	_ =	sfence  }
0xba: {  	s30 =	sld [smem:$0x0];
	_ =	sdelay $0x2  }
0xbb: {  	s31 =	sshll.u32 s1, $0xD;
	s1 =	sshrl.u32 s1, $0x2  }
0xbc: {  	s3 =	sand.u32 $0x4000, s31;
	s1 =	sadd.s32 s1, s30  }
0xbd: {  	s0 =	sor.u32 s3, s0;
	s1 =	sshll.u32 s1, $0x11  }
0xbe: {  	s0 =	sor.u32 s1, s0  }
0xbf: {  	s0 =	sadd.s32 $0x8F2B, s0  }
0xc0: {  	[sflag:s0] =	ssyncadd.remote.s32 $0x1  }
0xc1: {  	_ =	sfence.sel $0xFFFF  }
0xc2: {  	[dreg:$0x0] =	wrdreg $0xFFFFFFFF;
	(pc) =	sbr.abs _section_cstart, $3  }
0xc3: {  	[dreg:$0x1] =	wrdreg $0xFFFFFFFF  }
0xc4: {  	_ =	task.clear_ibuf [dreg:s7], $0x2FFFF;
	_ =	strace $0x9FFFFFFF  }
0xc5: {  	(tm) =	ssettm $0x7FFFFFFF  }
tec
execute0_lowered:
.L_overlay_start_1:
0x0: {  	(tag) =	ssettag $0x1  }
0x1: {  	s0 =	rddreg [dreg:$0x0]  }
0x2: {  	s2 =	rddreg [dreg:$0x2]  }
0x3: {  	s3 =	rddreg [dreg:$0x3];
	s19 =	simm.s32 $0x0;
	v1 =	vlaneseq.u32  }
0x4: {  	[smem:$0x7FF] =	sst s19;
	v0 =	vmul.u32 $0x8, v1;
	v2 =	vshrl.u32 v1, $0x3  }
0x5: {  	s4 =	rddreg [dreg:$0x4];
	v3 =	vand.u32 $0x7, v1;
	_ =	strace $0x80000047;
	[tilespmem:$0x1FF90] =	vst v2  }
0x6: {  	[tilespmem:$0x1FFB0] =	vst v3;
	v36 =	vor.u32 $0x1, v0  }
0x7: {  	v37 =	vor.u32 $0x2, v0;
	[tilespmem:$0x1FDB0] =	vst v36  }
0x8: {  	v38 =	vor.u32 $0x3, v0;
	[tilespmem:$0x1FDC0] =	vst v37  }
0x9: {  	v4 =	vor.u32 $0x4, v0;
	[tilespmem:$0x1FDD0] =	vst v38  }
0xa: {  	v5 =	vor.u32 $0x5, v0;
	[tilespmem:$0x1FDE0] =	vst v4  }
0xb: {  	v6 =	vor.u32 $0x6, v0;
	[tilespmem:$0x1FDF0] =	vst v5  }
0xc: {  	v7 =	vor.u32 $0x7, v0;
	[tilespmem:$0x1FE00] =	vst v6  }
0xd: {  	v8 =	vor.u32 $0x80, v0;
	[tilespmem:$0x1FE10] =	vst v7  }
0xe: {  	v9 =	vor.u32 $0x81, v0;
	[tilespmem:$0x1FE20] =	vst v8  }
0xf: {  	v13 =	vor.u32 $0x82, v0;
	[tilespmem:$0x1FE30] =	vst v9  }
0x10: {  	v14 =	vor.u32 $0x83, v0;
	[tilespmem:$0x1FE40] =	vst v13  }
0x11: {  	v15 =	vor.u32 $0x84, v0;
	[tilespmem:$0x1FE50] =	vst v14  }
0x12: {  	v16 =	vor.u32 $0x85, v0;
	[tilespmem:$0x1FE60] =	vst v15  }
0x13: {  	v17 =	vor.u32 $0x86, v0;
	[tilespmem:$0x1FE70] =	vst v16  }
0x14: {  	v18 =	vor.u32 $0x87, v0;
	[tilespmem:$0x1FE80] =	vst v17  }
0x15: {  	v19 =	vor.u32 $0x100, v0;
	[tilespmem:$0x1FE90] =	vst v18  }
0x16: {  	s1 =	srdreg.scid;
	v20 =	vor.u32 $0x101, v0;
	[tilespmem:$0x1FEA0] =	vst v19  }
0x17: {  	s13 =	stileid.u32;
	s24 =	simm.s32 $0xD800;
	s22 =	simm.s32 $0x2000;
	v21 =	vor.u32 $0x102, v0;
	[tilespmem:$0x1FEB0] =	vst v20  }
0x18: {  	s28 =	simm.s32 $0xB000;
	s29 =	simm.s32 $0xDA80;
	s6 =	smul.u32 $0x1400, s13;
	v22 =	vor.u32 $0x103, v0;
	[tilespmem:$0x1FEC0] =	vst v21  }
0x19: {  	s30 =	simm.s32 $0xA000;
	s1 =	sand.u32 $0x1, s1;
	s9 =	smul.u32 $0xA00, s13;
	v23 =	vor.u32 $0x104, v0;
	[tilespmem:$0x1FED0] =	vst v22  }
0x1a: {  	s31 =	simm.s32 $0xE80;
	s15 =	simm.s32 $0x3000;
	s5 =	smul.u32 $0xA000, s1;
	v24 =	vor.u32 $0x105, v0;
	[tilespmem:$0x1FEE0] =	vst v23  }
0x1b: {  	s23 =	sshll.u32 s13, $0x6;
	s7 =	smul.u32 $0x2800, s1;
	s1 =	ssub.s32 $0x2, s1;
	v25 =	vor.u32 $0x106, v0;
	[tilespmem:$0x1FEF0] =	vst v24  }
0x1c: {  	s8 =	sshrl.u32 s6, $0x3;
	s11 =	sshrl.u32 s1, $0x1;
	s16 =	sshrl.u32 s9, $0x2;
	v26 =	vor.u32 $0x107, v0;
	[tilespmem:$0x1FF00] =	vst v25  }
0x1d: {  	s21 =	sadd.s32 s6, s3;
	s6 =	sadd.s32 s6, s4;
	v27 =	vor.u32 $0x180, v0;
	s5 =	sadd.s32 s5, s0;
	[tilespmem:$0x1FF10] =	vst v26  }
0x1e: {  	v28 =	vor.u32 $0x181, v0;
	s10 =	sadd.s32 s8, s0;
	s0 =	sadd.s32 s7, s0;
	s1 =	ssub.s32 s1, s11;
	[tilespmem:$0x1FF20] =	vst v27  }
0x1f: {  	v29 =	vor.u32 $0x182, v0;
	s20 =	sadd.s32 s16, s2;
	s11 =	smul.u32 $0x5000, s13;
	[dreg:$0x9] =	wrdreg s6;
	[tilespmem:$0x1FF30] =	vst v28  }
0x20: {  	v30 =	vor.u32 $0x183, v0;
	s25 =	sshrl.u32 s21, $0x3;
	s16 =	simm.s32 $0xF80;
	s6 =	simm.s32 $0x1;
	[tilespmem:$0x1FF40] =	vst v29  }
0x21: {  	v31 =	vor.u32 $0x184, v0;
	[dreg:$0x7] =	wrdreg s21;
	[tilespmem:$0x1FF50] =	vst v30;
	s17 =	sadd.s32 $0x41C00, s10;
	s10 =	sadd.s32 $0x2DC00, s5  }
0x22: {  	v32 =	vor.u32 $0x185, v0;
	[tilespmem:$0x1FF60] =	vst v31;
	s12 =	sadd.s32 $0x5C00, s5;
	s18 =	sadd.s32 $0xC00, s0;
	[dreg:$0xc] =	wrdreg s25  }
0x23: {  	v33 =	vor.u32 $0x186, v0;
	[tilespmem:$0x1FF70] =	vst v32;
	s14 =	sadd.s32 $0x19C00, s5;
	s0 =	sadd.s32 $0x44400, s0;
	[dreg:$0x6] =	wrdreg s20  }
0x24: {  	v34 =	vor.u32 $0x187, v0;
	[tilespmem:$0x1FF80] =	vst v33;
	s1 =	smax.u32 s1, $0x1;
	s25 =	simm.s32 $0x80;
	[dreg:$0x8] =	wrdreg s17  }
0x25: {  	v35 =	vor.u32 $0x200, v0;
	[tilespmem:$0x1FFA0] =	vst v34;
	s5 =	simm.s32 $0xF00;
	[dreg:$0xa] =	wrdreg s1;
	s1 =	sor.u32 $0x1C03, s23  }
0x26: {  	v10 =	vor.u32 $0x201, v0;
	[tilespmem:$0x1FFC0] =	vst v35;
	s17 =	simm.s32 $0x3;
	s26 =	sadd.s32 s8, s18;
	[dreg:$0xb] =	wrdreg s1  }
0x27: {  	v11 =	vor.u32 $0x202, v0;
	[tilespmem:$0x1FFD0] =	vst v10;
	s0 =	sadd.s32 s8, s0;
	s18 =	simm.s32 $0xAC00;
	[dreg:$0xd] =	wrdreg s26  }
0x28: {  	v12 =	vor.u32 $0x203, v0;
	[tilespmem:$0x1FFE0] =	vst v11;
	s23 =	simm.s32 $0xC400;
	s8 =	simm.s32 $0x0;
	[dreg:$0xe] =	wrdreg s0  }
0x29: {  	[tilespmem:$0x1FFF0] =	vst v12;
	s26 =	simm.s32 $0x2;
	s0 =	simm.s32 $0xA400;
	s1 =	simm.s32 $0xA800  }
.LBB2_1:
0x2a: {  	[dreg:$0xf] =	wrdreg s8  }
0x2b: {  	s7 =	rddreg [dreg:$0x1];
	s13 =	simm.s32 $0xDD00  }
0x2c: {  	[tilespmem:s13], [sflag:$0x3] =	stream.linear.gather [hbm4b:s7+s19], $0x10, $0x38;
	[tilespmem:$0x10790] =	vst v63  }
0x2d: {  	_ =	swait.ge [sflag:s17], $0x10  }
0x2e: {  	[sflag:s17] =	ssyncset.done $0x0  }
0x2f: {  	v1 =	vimm.f32 $0.0e+00;
	[sflag:s17] =	ssyncadd.s32 $0xFFFFFFF0  }
0x30: {  	[tilespmem:$0xD800] =	vst v1  }
0x31: {  	[tilespmem:$0xD810] =	vst v1  }
0x32: {  	[tilespmem:$0xD820] =	vst v1  }
0x33: {  	[tilespmem:$0xD830] =	vst v1  }
0x34: {  	[tilespmem:$0xD840] =	vst v1  }
0x35: {  	[tilespmem:$0xD850] =	vst v1  }
0x36: {  	[tilespmem:$0xD860] =	vst v1  }
0x37: {  	[tilespmem:$0xD870] =	vst v1  }
0x38: {  	[tilespmem:$0xD880] =	vst v1  }
0x39: {  	[tilespmem:$0xD890] =	vst v1  }
0x3a: {  	[tilespmem:$0xD8A0] =	vst v1  }
0x3b: {  	[tilespmem:$0xD8B0] =	vst v1  }
0x3c: {  	[tilespmem:$0xD8C0] =	vst v1  }
0x3d: {  	[tilespmem:$0xD8D0] =	vst v1  }
0x3e: {  	[tilespmem:$0xD8E0] =	vst v1  }
0x3f: {  	[tilespmem:$0xD8F0] =	vst v1  }
0x40: {  	[tilespmem:$0xD900] =	vst v1  }
0x41: {  	[tilespmem:$0xD910] =	vst v1  }
0x42: {  	[tilespmem:$0xD920] =	vst v1  }
0x43: {  	[tilespmem:$0xD930] =	vst v1  }
0x44: {  	[tilespmem:$0xD940] =	vst v1  }
0x45: {  	[tilespmem:$0xD950] =	vst v1  }
0x46: {  	[tilespmem:$0xD960] =	vst v1  }
0x47: {  	[tilespmem:$0xD970] =	vst v1  }
0x48: {  	[tilespmem:$0xD980] =	vst v1  }
0x49: {  	[tilespmem:$0xD990] =	vst v1  }
0x4a: {  	[tilespmem:$0xD9A0] =	vst v1  }
0x4b: {  	[tilespmem:$0xD9B0] =	vst v1  }
0x4c: {  	[tilespmem:$0xD9C0] =	vst v1  }
0x4d: {  	[tilespmem:$0xD9D0] =	vst v1  }
0x4e: {  	[tilespmem:$0xD9E0] =	vst v1  }
0x4f: {  	[tilespmem:$0xD9F0] =	vst v1  }
0x50: {  	[tilespmem:$0xDA00] =	vst v1  }
0x51: {  	[tilespmem:$0xDA10] =	vst v1  }
0x52: {  	[tilespmem:$0xDA20] =	vst v1  }
0x53: {  	[tilespmem:$0xDA30] =	vst v1  }
0x54: {  	[tilespmem:$0xDA40] =	vst v1  }
0x55: {  	[tilespmem:$0xDA50] =	vst v1  }
0x56: {  	[tilespmem:$0xDA60] =	vst v1  }
0x57: {  	[tilespmem:$0xDA70] =	vst v1  }
0x58: {  	[spmem:s20] =	stream.linear.scatter [tilespmem:s24], [sflag:$0x3], $0x280, $0x38;
	[tilespmem:$0x10790] =	vst v63  }
0x59: {  	_ =	swait.ge [sflag:s17], $0x280  }
0x5a: {  	s19 =	rddreg [dreg:$0x8]  }
0x5b: {  	[sflag:s17] =	ssyncset.done $0x0;
	s21 =	rddreg [dreg:$0xb]  }
0x5c: {  	s9 =	rddreg [dreg:$0xc];
	[sflag:s17] =	ssyncadd.s32 $0xFFFFFD80  }
0x5d: {  	[spmem:s9], [sflag:s21] =	dma.local [hbm:s19], $0x280  }
0x5e: {  	_ =	swait.ge [sflag:s17], $0x280  }
0x5f: {  	[sflag:s17] =	ssyncset.done $0x0  }
0x60: {  	[sflag:s17] =	ssyncadd.s32 $0xFFFFFD80  }
0x61: {  	s7 =	simm.s32 $0x0;
	s19 =	simm.s32 $0x1000;
	[bflag:$0x0] =	sbarrier.arrive $0xFFFF  }
.LBB2_2:
0x62: {  	s8 =	sshll.u32 s7, $0xC  }
0x63: {  	s8 =	sadd.s32 s11, s8  }
0x64: {  	s8 =	sshrl.u32 s8, $0x3  }
0x65: {  	s13 =	simm.s32 $0x0;
	s9 =	sadd.s32 s8, s10  }
0x66: {  	[tilespmem:s19], [sflag:$0x3] =	stream.linear.gather [hbm4b:s9+s13], $0x1000, $0x38;
	[tilespmem:$0x10790] =	vst v63  }
0x67: {  	_ =	swait.ge [sflag:s17], $0x1000  }
0x68: {  	[sflag:s17] =	ssyncset.done $0x0  }
0x69: {  	s8 =	sadd.s32 s8, s12;
	[sflag:s17] =	ssyncadd.s32 $0xFFFFF000  }
0x6a: {  	[tilespmem:s22], [sflag:$0x3] =	stream.linear.gather [hbm4b:s8+s13], $0x1000, $0x38;
	[tilespmem:$0x10790] =	vst v63  }
0x6b: {  	_ =	swait.ge [sflag:s17], $0x1000  }
0x6c: {  	s9 =	simm.s32 $0x2000;
	[sflag:s17] =	ssyncset.done $0x0  }
0x6d: {  	s8 =	simm.s32 $0x200;
	s13 =	simm.s32 $0x1000;
	[sflag:s17] =	ssyncadd.s32 $0xFFFFF000  }
.LBB2_3:
0x6e: {  	[spmem:s2] =	stream.indirect.scatter.add.f32 [tilespmem:s9], [sflag:$0x2], $0x1, s13, s25, $0xb8;
	[tilespmem:$0x10790] =	vst v63  }
0x6f: {  	s9 =	smov.u32 s8;
	p0 =	sne.s32 s8, $0x3E00  }
.Ltmp0:
0x70: {  	s8 =	sadd.s32 $0x200, s8;
	(pc) =	sbr.rel @p0 .LBB2_3-.Ltmp0, $3  }
0x71: {  	_ =	sdelay $0x1  }
0x72: {  	s13 =	sshra.s32 s9, $0x2  }
0x73: {  	s9 =	sadd.s32 $0x2000, s13;
	s13 =	sadd.s32 $0x1000, s13  }
0x74: {  	[spmem:s2] =	stream.indirect.scatter.add.f32 [tilespmem:s9], [sflag:$0x2], $0x1, s13, s25, $0xb8;
	[tilespmem:$0x10790] =	vst v63  }
0x75: {  	_ =	swait.ge [sflag:s26], $0x80  }
0x76: {  	[sflag:s26] =	ssyncset.done $0x0  }
0x77: {  	[sflag:s26] =	ssyncadd.s32 $0xFFFFFF80  }
0x78: {  	_ =	swait.ge [sflag:s26], $0x80  }
0x79: {  	[sflag:s26] =	ssyncset.done $0x0  }
0x7a: {  	[sflag:s26] =	ssyncadd.s32 $0xFFFFFF80  }
0x7b: {  	_ =	swait.ge [sflag:s26], $0x80  }
0x7c: {  	[sflag:s26] =	ssyncset.done $0x0  }
0x7d: {  	[sflag:s26] =	ssyncadd.s32 $0xFFFFFF80  }
0x7e: {  	_ =	swait.ge [sflag:s26], $0x80  }
0x7f: {  	[sflag:s26] =	ssyncset.done $0x0  }
0x80: {  	[sflag:s26] =	ssyncadd.s32 $0xFFFFFF80  }
0x81: {  	_ =	swait.ge [sflag:s26], $0x80  }
0x82: {  	[sflag:s26] =	ssyncset.done $0x0  }
0x83: {  	[sflag:s26] =	ssyncadd.s32 $0xFFFFFF80  }
0x84: {  	_ =	swait.ge [sflag:s26], $0x80  }
0x85: {  	[sflag:s26] =	ssyncset.done $0x0  }
0x86: {  	[sflag:s26] =	ssyncadd.s32 $0xFFFFFF80  }
0x87: {  	_ =	swait.ge [sflag:s26], $0x80  }
0x88: {  	[sflag:s26] =	ssyncset.done $0x0  }
0x89: {  	[sflag:s26] =	ssyncadd.s32 $0xFFFFFF80  }
0x8a: {  	_ =	swait.ge [sflag:s26], $0x80  }
0x8b: {  	[sflag:s26] =	ssyncset.done $0x0  }
0x8c: {  	[sflag:s26] =	ssyncadd.s32 $0xFFFFFF80  }
0x8d: {  	_ =	swait.ge [sflag:s26], $0x80  }
0x8e: {  	[sflag:s26] =	ssyncset.done $0x0  }
0x8f: {  	[sflag:s26] =	ssyncadd.s32 $0xFFFFFF80  }
0x90: {  	_ =	swait.ge [sflag:s26], $0x80  }
0x91: {  	[sflag:s26] =	ssyncset.done $0x0  }
0x92: {  	[sflag:s26] =	ssyncadd.s32 $0xFFFFFF80  }
0x93: {  	_ =	swait.ge [sflag:s26], $0x80  }
0x94: {  	[sflag:s26] =	ssyncset.done $0x0  }
0x95: {  	[sflag:s26] =	ssyncadd.s32 $0xFFFFFF80  }
0x96: {  	_ =	swait.ge [sflag:s26], $0x80  }
0x97: {  	[sflag:s26] =	ssyncset.done $0x0  }
0x98: {  	[sflag:s26] =	ssyncadd.s32 $0xFFFFFF80  }
0x99: {  	_ =	swait.ge [sflag:s26], $0x80  }
0x9a: {  	[sflag:s26] =	ssyncset.done $0x0  }
0x9b: {  	[sflag:s26] =	ssyncadd.s32 $0xFFFFFF80  }
0x9c: {  	_ =	swait.ge [sflag:s26], $0x80  }
0x9d: {  	[sflag:s26] =	ssyncset.done $0x0  }
0x9e: {  	[sflag:s26] =	ssyncadd.s32 $0xFFFFFF80  }
0x9f: {  	_ =	swait.ge [sflag:s26], $0x80  }
0xa0: {  	[sflag:s26] =	ssyncset.done $0x0  }
0xa1: {  	[sflag:s26] =	ssyncadd.s32 $0xFFFFFF80  }
0xa2: {  	_ =	swait.ge [sflag:s26], $0x80  }
0xa3: {  	[sflag:s26] =	ssyncset.done $0x0  }
0xa4: {  	[sflag:s26] =	ssyncadd.s32 $0xFFFFFF80  }
0xa5: {  	_ =	swait.ge [sflag:s26], $0x80  }
0xa6: {  	[sflag:s26] =	ssyncset.done $0x0  }
0xa7: {  	[sflag:s26] =	ssyncadd.s32 $0xFFFFFF80  }
0xa8: {  	_ =	swait.ge [sflag:s26], $0x80  }
0xa9: {  	[sflag:s26] =	ssyncset.done $0x0  }
0xaa: {  	[sflag:s26] =	ssyncadd.s32 $0xFFFFFF80  }
0xab: {  	_ =	swait.ge [sflag:s26], $0x80  }
0xac: {  	[sflag:s26] =	ssyncset.done $0x0  }
0xad: {  	[sflag:s26] =	ssyncadd.s32 $0xFFFFFF80  }
0xae: {  	_ =	swait.ge [sflag:s26], $0x80  }
0xaf: {  	[sflag:s26] =	ssyncset.done $0x0  }
0xb0: {  	[sflag:s26] =	ssyncadd.s32 $0xFFFFFF80  }
0xb1: {  	_ =	swait.ge [sflag:s26], $0x80  }
0xb2: {  	[sflag:s26] =	ssyncset.done $0x0  }
0xb3: {  	[sflag:s26] =	ssyncadd.s32 $0xFFFFFF80  }
0xb4: {  	_ =	swait.ge [sflag:s26], $0x80  }
0xb5: {  	[sflag:s26] =	ssyncset.done $0x0  }
0xb6: {  	[sflag:s26] =	ssyncadd.s32 $0xFFFFFF80  }
0xb7: {  	_ =	swait.ge [sflag:s26], $0x80  }
0xb8: {  	[sflag:s26] =	ssyncset.done $0x0  }
0xb9: {  	[sflag:s26] =	ssyncadd.s32 $0xFFFFFF80  }
0xba: {  	_ =	swait.ge [sflag:s26], $0x80  }
0xbb: {  	[sflag:s26] =	ssyncset.done $0x0  }
0xbc: {  	[sflag:s26] =	ssyncadd.s32 $0xFFFFFF80  }
0xbd: {  	_ =	swait.ge [sflag:s26], $0x80  }
0xbe: {  	[sflag:s26] =	ssyncset.done $0x0  }
0xbf: {  	[sflag:s26] =	ssyncadd.s32 $0xFFFFFF80  }
0xc0: {  	_ =	swait.ge [sflag:s26], $0x80  }
0xc1: {  	[sflag:s26] =	ssyncset.done $0x0  }
0xc2: {  	[sflag:s26] =	ssyncadd.s32 $0xFFFFFF80  }
0xc3: {  	_ =	swait.ge [sflag:s26], $0x80  }
0xc4: {  	[sflag:s26] =	ssyncset.done $0x0  }
0xc5: {  	[sflag:s26] =	ssyncadd.s32 $0xFFFFFF80  }
0xc6: {  	_ =	swait.ge [sflag:s26], $0x80  }
0xc7: {  	[sflag:s26] =	ssyncset.done $0x0  }
0xc8: {  	[sflag:s26] =	ssyncadd.s32 $0xFFFFFF80  }
0xc9: {  	_ =	swait.ge [sflag:s26], $0x80  }
0xca: {  	[sflag:s26] =	ssyncset.done $0x0  }
0xcb: {  	[sflag:s26] =	ssyncadd.s32 $0xFFFFFF80  }
0xcc: {  	_ =	swait.ge [sflag:s26], $0x80  }
0xcd: {  	[sflag:s26] =	ssyncset.done $0x0  }
0xce: {  	s7 =	sadd.s32 $0x1, s7;
	[sflag:s26] =	ssyncadd.s32 $0xFFFFFF80  }
0xcf: {  	p0 =	sne.s32 s7, $0x5;
	_ =	swait.ge [sflag:s26], $0x80  }
.Ltmp1:
0xd0: {  	[sflag:s26] =	ssyncset.done $0x0;
	(pc) =	sbr.rel @p0 .LBB2_2-.Ltmp1, $4  }
0xd1: {  	[sflag:s26] =	ssyncadd.s32 $0xFFFFFF80  }
0xd2: {  	_ =	swait.ge [sflag:s26], $0x80  }
0xd3: {  	[sflag:s26] =	ssyncset.done $0x0  }
0xd4: {  	[sflag:s26] =	ssyncadd.s32 $0xFFFFFF80  }
0xd5: {  	[bflag:$0x0] =	sbarrier.arrive $0xFFFF  }
0xd6: {  	[tilespmem:s24], [sflag:$0x3] =	stream.linear.gather [spmem:s20], $0x280, $0x38;
	[tilespmem:$0x10790] =	vst v63  }
0xd7: {  	_ =	swait.ge [sflag:s17], $0x280  }
0xd8: {  	[sflag:s17] =	ssyncset.done $0x0  }
0xd9: {  	s24 =	simm.s32 $0x0;
	[sflag:s17] =	ssyncadd.s32 $0xFFFFFD80  }
0xda: {  	v1 =	vld [tilespmem:s24+$0xD800];
	_ =	sdelay $0x4  }
0xdb: {  	v1 =	vadd.f32 $1.000000000e+00, v1;
	_ =	sdelay $0x1  }
0xdc: {  	(erf) = vrcp.f32 v1;
	_ =	sdelay $0x7  }
0xdd: {  	v1 =	vmul.f32 $5.000000000e-01, v1  }
0xde: {  	v4 =	vpop (erf)  }
0xdf: {  	v5 =	vmul.f32 v4, v1;
	_ =	sdelay $0x1  }
0xe0: {  	v5 =	vmul.f32 v5, v4;
	_ =	sdelay $0x1  }
0xe1: {  	v5 =	vsub.f32 $1.500000000e+00, v5;
	_ =	sdelay $0x1  }
0xe2: {  	v4 =	vmul.f32 v5, v4;
	_ =	sdelay $0x1  }
0xe3: {  	v5 =	vmul.f32 v4, v1;
	_ =	sdelay $0x1  }
0xe4: {  	v5 =	vmul.f32 v5, v4;
	_ =	sdelay $0x1  }
0xe5: {  	v5 =	vsub.f32 $1.500000000e+00, v5;
	_ =	sdelay $0x1  }
0xe6: {  	v4 =	vmul.f32 v5, v4;
	_ =	sdelay $0x1  }
0xe7: {  	v5 =	vmul.f32 v4, v1;
	_ =	sdelay $0x1  }
0xe8: {  	s7 =	simm.s32 $0x10;
	v5 =	vmul.f32 v5, v4  }
0xe9: {  	v6 =	vld [tilespmem:s7+$0xD800]  }
0xea: {  	v5 =	vsub.f32 $1.500000000e+00, v5;
	_ =	sdelay $0x1  }
0xeb: {  	v4 =	vmul.f32 v5, v4;
	_ =	sdelay $0x1  }
0xec: {  	v5 =	vadd.f32 $1.000000000e+00, v6;
	v6 =	vmul.f32 v4, v1;
	_ =	sdelay $0x1  }
0xed: {  	(erf) = vrcp.f32 v5;
	v6 =	vmul.f32 v6, v4;
	_ =	sdelay $0x1  }
0xee: {  	v6 =	vsub.f32 $1.500000000e+00, v6;
	_ =	sdelay $0x1  }
0xef: {  	v6 =	vmul.f32 v6, v4;
	_ =	sdelay $0x1  }
0xf0: {  	v7 =	vmul.f32 v6, v1;
	_ =	sdelay $0x1  }
0xf1: {  	v4 =	vmul.f32 $5.000000000e-01, v5;
	v7 =	vmul.f32 v7, v6  }
0xf2: {  	v5 =	vpop (erf)  }
0xf3: {  	v8 =	vmul.f32 v5, v4;
	v7 =	vsub.f32 $1.500000000e+00, v7;
	_ =	sdelay $0x1  }
0xf4: {  	v8 =	vmul.f32 v8, v5;
	v6 =	vmul.f32 v7, v6;
	_ =	sdelay $0x1  }
0xf5: {  	v7 =	vsub.f32 $1.500000000e+00, v8;
	v8 =	vmul.f32 v6, v1;
	_ =	sdelay $0x1  }
0xf6: {  	v5 =	vmul.f32 v7, v5;
	v7 =	vmul.f32 v8, v6;
	_ =	sdelay $0x1  }
0xf7: {  	v8 =	vmul.f32 v5, v4;
	v7 =	vsub.f32 $1.500000000e+00, v7;
	_ =	sdelay $0x1  }
0xf8: {  	v8 =	vmul.f32 v8, v5;
	v6 =	vmul.f32 v7, v6;
	_ =	sdelay $0x1  }
0xf9: {  	v7 =	vsub.f32 $1.500000000e+00, v8;
	v8 =	vmul.f32 v6, v1;
	_ =	sdelay $0x1  }
0xfa: {  	v5 =	vmul.f32 v7, v5;
	v7 =	vmul.f32 v8, v6;
	_ =	sdelay $0x1  }
0xfb: {  	v8 =	vmul.f32 v5, v4;
	v7 =	vsub.f32 $1.500000000e+00, v7  }
0xfc: {  	s9 =	simm.s32 $0x20  }
0xfd: {  	v9 =	vld [tilespmem:s9+$0xD800];
	v8 =	vmul.f32 v8, v5;
	v6 =	vmul.f32 v7, v6;
	_ =	sdelay $0x1  }
0xfe: {  	v7 =	vsub.f32 $1.500000000e+00, v8;
	v8 =	vmul.f32 v6, v1;
	_ =	sdelay $0x1  }
0xff: {  	v5 =	vmul.f32 v7, v5;
	v8 =	vmul.f32 v8, v6  }
0x100: {  	v7 =	vadd.f32 $1.000000000e+00, v9  }
0x101: {  	v9 =	vmul.f32 v5, v4;
	v8 =	vsub.f32 $1.500000000e+00, v8  }
0x102: {  	(erf) = vrcp.f32 v7  }
0x103: {  	v9 =	vmul.f32 v9, v5;
	v6 =	vmul.f32 v8, v6;
	_ =	sdelay $0x1  }
0x104: {  	v8 =	vsub.f32 $1.500000000e+00, v9;
	v9 =	vmul.f32 v6, v1;
	_ =	sdelay $0x1  }
0x105: {  	v8 =	vmul.f32 v8, v5;
	v9 =	vmul.f32 v9, v6;
	_ =	sdelay $0x1  }
0x106: {  	v10 =	vmul.f32 v8, v4  }
0x107: {  	v5 =	vmul.f32 $5.000000000e-01, v7;
	v7 =	vsub.f32 $1.500000000e+00, v9  }
0x108: {  	v10 =	vmul.f32 v10, v8;
	v9 =	vpop (erf)  }
0x109: {  	v6 =	vmul.f32 v7, v6;
	v11 =	vmul.f32 v9, v5  }
0x10a: {  	v7 =	vsub.f32 $1.500000000e+00, v10  }
0x10b: {  	v10 =	vmul.f32 v11, v9;
	v11 =	vmul.f32 v6, v1  }
0x10c: {  	v7 =	vmul.f32 v7, v8  }
0x10d: {  	v8 =	vsub.f32 $1.500000000e+00, v10;
	v10 =	vmul.f32 v11, v6  }
0x10e: {  	v11 =	vmul.f32 v7, v4  }
0x10f: {  	v8 =	vmul.f32 v8, v9;
	v9 =	vsub.f32 $1.500000000e+00, v10  }
0x110: {  	v10 =	vmul.f32 v11, v7  }
0x111: {  	v11 =	vmul.f32 v8, v5;
	v6 =	vmul.f32 v9, v6  }
0x112: {  	v9 =	vsub.f32 $1.500000000e+00, v10  }
0x113: {  	v10 =	vmul.f32 v11, v8;
	v11 =	vmul.f32 v6, v1  }
0x114: {  	v7 =	vmul.f32 v9, v7  }
0x115: {  	v9 =	vsub.f32 $1.500000000e+00, v10;
	v10 =	vmul.f32 v11, v6  }
0x116: {  	v11 =	vmul.f32 v7, v4  }
0x117: {  	v8 =	vmul.f32 v9, v8;
	v9 =	vsub.f32 $1.500000000e+00, v10  }
0x118: {  	v10 =	vmul.f32 v11, v7  }
0x119: {  	v11 =	vmul.f32 v8, v5;
	v6 =	vmul.f32 v9, v6  }
0x11a: {  	s13 =	simm.s32 $0x30;
	v9 =	vsub.f32 $1.500000000e+00, v10  }
0x11b: {  	v10 =	vld [tilespmem:s13+$0xD800];
	v11 =	vmul.f32 v11, v8;
	v12 =	vmul.f32 v6, v1  }
0x11c: {  	v7 =	vmul.f32 v9, v7  }
0x11d: {  	v9 =	vsub.f32 $1.500000000e+00, v11;
	v11 =	vmul.f32 v12, v6  }
0x11e: {  	v57 =	vmul.f32 v7, v4  }
0x11f: {  	v8 =	vmul.f32 v9, v8;
	v9 =	vsub.f32 $1.500000000e+00, v11  }
0x120: {  	v10 =	vadd.f32 $1.000000000e+00, v10;
	v11 =	vmul.f32 v57, v7  }
0x121: {  	v58 =	vmul.f32 v8, v5;
	v6 =	vmul.f32 v9, v6  }
0x122: {  	(erf) = vrcp.f32 v10;
	v9 =	vsub.f32 $1.500000000e+00, v11  }
0x123: {  	v11 =	vmul.f32 v58, v8;
	v59 =	vmul.f32 v6, v1  }
0x124: {  	v7 =	vmul.f32 v9, v7  }
0x125: {  	v9 =	vsub.f32 $1.500000000e+00, v11;
	v11 =	vmul.f32 v59, v6  }
0x126: {  	v60 =	vmul.f32 v7, v4  }
0x127: {  	v8 =	vmul.f32 v9, v8;
	v9 =	vsub.f32 $1.500000000e+00, v11  }
0x128: {  	v11 =	vmul.f32 v60, v7  }
0x129: {  	v61 =	vmul.f32 v8, v5;
	v6 =	vmul.f32 v9, v6  }
0x12a: {  	v39 =	vmul.f32 $5.000000000e-01, v10;
	v9 =	vsub.f32 $1.500000000e+00, v11  }
0x12b: {  	v10 =	vpop (erf);
	v11 =	vmul.f32 v61, v8;
	v62 =	vmul.f32 v6, v1  }
0x12c: {  	v40 =	vmul.f32 v10, v39;
	v7 =	vmul.f32 v9, v7  }
0x12d: {  	v9 =	vsub.f32 $1.500000000e+00, v11;
	v11 =	vmul.f32 v62, v6  }
0x12e: {  	v63 =	vmul.f32 v40, v10;
	v16 =	vmul.f32 v7, v4  }
0x12f: {  	v8 =	vmul.f32 v9, v8;
	v9 =	vsub.f32 $1.500000000e+00, v11  }
0x130: {  	s19 =	simm.s32 $0x40;
	v11 =	vsub.f32 $1.500000000e+00, v63;
	v17 =	vmul.f32 v16, v7  }
0x131: {  	v18 =	vld [tilespmem:s19+$0xD800];
	v41 =	vmul.f32 v8, v5;
	v6 =	vmul.f32 v9, v6  }
0x132: {  	v9 =	vmul.f32 v11, v10;
	v10 =	vsub.f32 $1.500000000e+00, v17  }
0x133: {  	v11 =	vmul.f32 v41, v8;
	v19 =	vmul.f32 v6, v1  }
0x134: {  	v20 =	vmul.f32 v9, v39;
	v7 =	vmul.f32 v10, v7  }
0x135: {  	v10 =	vsub.f32 $1.500000000e+00, v11;
	v11 =	vmul.f32 v19, v6  }
0x136: {  	v21 =	vadd.f32 $1.000000000e+00, v18;
	v22 =	vmul.f32 v20, v9;
	v23 =	vmul.f32 v7, v4  }
0x137: {  	v8 =	vmul.f32 v10, v8;
	v10 =	vsub.f32 $1.500000000e+00, v11  }
0x138: {  	(erf) = vrcp.f32 v21;
	v11 =	vsub.f32 $1.500000000e+00, v22;
	v24 =	vmul.f32 v23, v7  }
0x139: {  	v25 =	vmul.f32 v8, v5;
	v6 =	vmul.f32 v10, v6  }
0x13a: {  	v9 =	vmul.f32 v11, v9;
	v10 =	vsub.f32 $1.500000000e+00, v24  }
0x13b: {  	v11 =	vmul.f32 v25, v8;
	v26 =	vmul.f32 v6, v1  }
0x13c: {  	v27 =	vmul.f32 v9, v39;
	v7 =	vmul.f32 v10, v7  }
0x13d: {  	v10 =	vsub.f32 $1.500000000e+00, v11;
	v11 =	vmul.f32 v26, v6  }
0x13e: {  	v41 =	vmul.f32 v27, v9;
	v42 =	vmul.f32 v7, v4  }
0x13f: {  	v8 =	vmul.f32 v10, v8;
	v10 =	vsub.f32 $1.500000000e+00, v11  }
0x140: {  	v40 =	vmul.f32 $5.000000000e-01, v21;
	v11 =	vsub.f32 $1.500000000e+00, v41;
	v28 =	vmul.f32 v42, v7  }
0x141: {  	v29 =	vpop (erf);
	v30 =	vmul.f32 v8, v5;
	v6 =	vmul.f32 v10, v6  }
0x142: {  	v10 =	vmul.f32 v29, v40;
	v9 =	vmul.f32 v11, v9;
	v11 =	vsub.f32 $1.500000000e+00, v28  }
0x143: {  	v31 =	vmul.f32 v30, v8;
	v32 =	vmul.f32 v6, v1  }
0x144: {  	v43 =	vmul.f32 v9, v39;
	v7 =	vmul.f32 v11, v7  }
0x145: {  	v10 =	vmul.f32 v10, v29;
	v11 =	vsub.f32 $1.500000000e+00, v31;
	v33 =	vmul.f32 v32, v6  }
0x146: {  	v34 =	vmul.f32 v43, v9;
	v35 =	vmul.f32 v7, v4  }
0x147: {  	v8 =	vmul.f32 v11, v8;
	v11 =	vsub.f32 $1.500000000e+00, v33  }
0x148: {  	v10 =	vsub.f32 $1.500000000e+00, v10;
	v36 =	vsub.f32 $1.500000000e+00, v34;
	v37 =	vmul.f32 v35, v7  }
0x149: {  	v38 =	vmul.f32 v8, v5;
	v6 =	vmul.f32 v11, v6  }
0x14a: {  	s20 =	simm.s32 $0x50;
	v10 =	vmul.f32 v10, v29;
	v9 =	vmul.f32 v36, v9;
	v45 =	vsub.f32 $1.500000000e+00, v37  }
0x14b: {  	v11 =	vld [tilespmem:s20+$0xD800];
	v46 =	vmul.f32 v38, v8;
	v47 =	vmul.f32 v6, v1  }
0x14c: {  	v48 =	vmul.f32 v9, v39;
	v7 =	vmul.f32 v45, v7  }
0x14d: {  	v49 =	vmul.f32 v10, v40;
	v41 =	vsub.f32 $1.500000000e+00, v46;
	v42 =	vmul.f32 v47, v6  }
0x14e: {  	v43 =	vmul.f32 v48, v9;
	v44 =	vmul.f32 v7, v4  }
0x14f: {  	v12 =	vmul.f32 v49, v10;
	v8 =	vmul.f32 v41, v8;
	v50 =	vsub.f32 $1.500000000e+00, v42  }
0x150: {  	v11 =	vadd.f32 $1.000000000e+00, v11;
	v51 =	vsub.f32 $1.500000000e+00, v43;
	v52 =	vmul.f32 v44, v7  }
0x151: {  	v53 =	vmul.f32 v8, v5;
	v6 =	vmul.f32 v50, v6  }
0x152: {  	(erf) = vrcp.f32 v11;
	v9 =	vmul.f32 v51, v9;
	v54 =	vsub.f32 $1.500000000e+00, v52  }
0x153: {  	v12 =	vsub.f32 $1.500000000e+00, v12;
	v55 =	vmul.f32 v53, v8;
	v56 =	vmul.f32 v6, v1  }
0x154: {  	v57 =	vmul.f32 v9, v39;
	v7 =	vmul.f32 v54, v7  }
0x155: {  	v10 =	vmul.f32 v12, v10;
	v58 =	vsub.f32 $1.500000000e+00, v55;
	v59 =	vmul.f32 v56, v6  }
0x156: {  	v60 =	vmul.f32 v57, v9;
	v61 =	vmul.f32 v7, v4  }
0x157: {  	v41 =	vmul.f32 $5.000000000e-01, v11;
	v11 =	vmul.f32 v58, v8;
	v8 =	vsub.f32 $1.500000000e+00, v59  }
0x158: {  	v62 =	vmul.f32 v10, v40;
	v43 =	vsub.f32 $1.500000000e+00, v60;
	v44 =	vmul.f32 v61, v7  }
0x159: {  	v45 =	vmul.f32 v11, v5;
	v42 =	vmul.f32 v8, v6  }
0x15a: {  	v6 =	vmul.f32 v62, v10;
	v47 =	vmul.f32 v43, v9;
	v8 =	vsub.f32 $1.500000000e+00, v44  }
0x15b: {  	v9 =	vmul.f32 v45, v11;
	v63 =	vmul.f32 v42, v1  }
0x15c: {  	v48 =	vpop (erf);
	v43 =	vmul.f32 v47, v39;
	v45 =	vmul.f32 v8, v7  }
0x15d: {  	v7 =	vmul.f32 v48, v41;
	v9 =	vsub.f32 $1.500000000e+00, v9;
	v12 =	vmul.f32 v63, v42  }
0x15e: {  	v6 =	vsub.f32 $1.500000000e+00, v6;
	v46 =	vmul.f32 v43, v47;
	v49 =	vmul.f32 v45, v4  }
0x15f: {  	v8 =	vmul.f32 v7, v48;
	v44 =	vmul.f32 v9, v11;
	v43 =	vsub.f32 $1.500000000e+00, v12  }
0x160: {  	s8 =	simm.s32 $0x180;
	v6 =	vmul.f32 v6, v10;
	v7 =	vsub.f32 $1.500000000e+00, v46;
	v46 =	vmul.f32 v49, v45  }
.LBB2_6:
0x161: {  	p0 =	sne.s32 s8, $0x9C0;
	v9 =	vmul.f32 v44, v5;
	v10 =	vmul.f32 v43, v42  }
0x162: {  	v11 =	vmul.f32 v6, v40;
	v7 =	vmul.f32 v7, v47;
	v12 =	vsub.f32 $1.500000000e+00, v46  }
0x163: {  	v9 =	vmul.f32 v9, v44;
	v42 =	vmul.f32 v10, v1  }
0x164: {  	v8 =	vsub.f32 $1.500000000e+00, v8;
	v43 =	vmul.f32 v7, v39;
	v12 =	vmul.f32 v12, v45  }
0x165: {  	v11 =	vmul.f32 v11, v6;
	v9 =	vsub.f32 $1.500000000e+00, v9;
	v42 =	vmul.f32 v42, v10  }
0x166: {  	v43 =	vmul.f32 v43, v7;
	v45 =	vmul.f32 v12, v4  }
0x167: {  	v8 =	vmul.f32 v8, v48;
	v9 =	vmul.f32 v9, v44;
	v42 =	vsub.f32 $1.500000000e+00, v42  }
0x168: {  	v11 =	vsub.f32 $1.500000000e+00, v11;
	v43 =	vsub.f32 $1.500000000e+00, v43;
	v44 =	vmul.f32 v45, v12  }
0x169: {  	v45 =	vmul.f32 v9, v5;
	v10 =	vmul.f32 v42, v10  }
0x16a: {  	v6 =	vmul.f32 v11, v6;
	v7 =	vmul.f32 v43, v7;
	v11 =	vsub.f32 $1.500000000e+00, v44  }
0x16b: {  	v42 =	vmul.f32 v45, v9;
	v43 =	vmul.f32 v10, v1;
	v1 =	vmovc v4;
	v4 =	vmovc v5;
	v5 =	vmov v39  }
0x16c: {  	s21 =	sshra.s32 s8, $0x2;
	v39 =	vmovc v40;
	v40 =	vmov v41;
	v44 =	vmul.f32 v7, v5;
	v11 =	vmul.f32 v11, v12  }
0x16d: {  	v41 =	vmul.f32 v6, v39;
	v12 =	vld [tilespmem:s21+$0xD800];
	v42 =	vsub.f32 $1.500000000e+00, v42;
	v43 =	vmul.f32 v43, v10  }
0x16e: {  	v44 =	vmul.f32 v44, v7;
	v45 =	vmul.f32 v11, v1  }
0x16f: {  	v46 =	vmul.f32 v8, v40;
	v9 =	vmul.f32 v42, v9;
	v42 =	vsub.f32 $1.500000000e+00, v43  }
0x170: {  	v41 =	vmul.f32 v41, v6;
	v43 =	vsub.f32 $1.500000000e+00, v44;
	v44 =	vmul.f32 v45, v11  }
0x171: {  	v45 =	vmul.f32 v9, v4;
	v10 =	vmul.f32 v42, v10  }
0x172: {  	v12 =	vadd.f32 $1.000000000e+00, v12;
	v7 =	vmul.f32 v43, v7;
	v42 =	vsub.f32 $1.500000000e+00, v44  }
0x173: {  	v41 =	vsub.f32 $1.500000000e+00, v41;
	v43 =	vmul.f32 v46, v8;
	v44 =	vmul.f32 v45, v9;
	[tilespmem:s24+$0xDA80] =	vst v10;
	s24 =	smov.u32 s7;
	s7 =	smov.u32 s9;
	s9 =	smov.u32 s13  }
0x174: {  	s13 =	smov.u32 s19;
	s19 =	smov.u32 s20;
	s20 =	smov.u32 s21;
	v10 =	vmul.f32 v7, v5;
	v11 =	vmul.f32 v42, v11  }
0x175: {  	v6 =	vmul.f32 v41, v6;
	(erf) = vrcp.f32 v12;
	v41 =	vsub.f32 $1.500000000e+00, v44  }
0x176: {  	v42 =	vsub.f32 $1.500000000e+00, v43;
	v10 =	vmul.f32 v10, v7;
	v43 =	vmul.f32 v11, v1  }
0x177: {  	v44 =	vmul.f32 v6, v39;
	v9 =	vmul.f32 v41, v9  }
0x178: {  	v46 =	vmul.f32 v42, v8;
	v8 =	vsub.f32 $1.500000000e+00, v10;
	v10 =	vmul.f32 v43, v11  }
0x179: {  	v42 =	vmul.f32 v44, v6;
	v43 =	vmul.f32 v9, v4  }
0x17a: {  	v41 =	vmul.f32 $5.000000000e-01, v12;
	v7 =	vmul.f32 v8, v7;
	v8 =	vsub.f32 $1.500000000e+00, v10  }
0x17b: {  	v12 =	vsub.f32 $1.500000000e+00, v42;
	v10 =	vmul.f32 v46, v40;
	v43 =	vmul.f32 v43, v9  }
0x17c: {  	v44 =	vmul.f32 v7, v5;
	v42 =	vmul.f32 v8, v11  }
0x17d: {  	v47 =	vmul.f32 v12, v6;
	v8 =	vmul.f32 v10, v46;
	v6 =	vsub.f32 $1.500000000e+00, v43  }
0x17e: {  	v48 =	vpop (erf);
	v10 =	vmul.f32 v44, v7;
	v11 =	vmul.f32 v42, v1  }
.Ltmp2:
0x17f: {  	v12 =	vmul.f32 v47, v39;
	v45 =	vmul.f32 v6, v9;
	(pc) =	sbr.rel @p0 .LBB2_6-.Ltmp2, $4  }
0x180: {  	v6 =	vmul.f32 v48, v41;
	v9 =	vsub.f32 $1.500000000e+00, v10;
	v10 =	vmul.f32 v11, v42  }
0x181: {  	v12 =	vmul.f32 v12, v47;
	v11 =	vsub.f32 $1.500000000e+00, v8;
	v49 =	vmul.f32 v45, v4  }
0x182: {  	v8 =	vmul.f32 v6, v48;
	v44 =	vmul.f32 v9, v7;
	v43 =	vsub.f32 $1.500000000e+00, v10  }
0x183: {  	s8 =	sadd.s32 $0x40, s8;
	v6 =	vmul.f32 v11, v46;
	v7 =	vsub.f32 $1.500000000e+00, v12;
	v46 =	vmul.f32 v49, v45  }
0x184: {  	v8 =	vsub.f32 $1.500000000e+00, v8;
	_ =	sdelay $0x1  }
0x185: {  	v8 =	vmul.f32 v8, v48;
	_ =	sdelay $0x1  }
0x186: {  	v9 =	vmul.f32 v8, v41;
	_ =	sdelay $0x1  }
0x187: {  	v9 =	vmul.f32 v9, v8;
	_ =	sdelay $0x1  }
0x188: {  	v9 =	vsub.f32 $1.500000000e+00, v9;
	_ =	sdelay $0x1  }
0x189: {  	v8 =	vmul.f32 v9, v8;
	_ =	sdelay $0x1  }
0x18a: {  	v9 =	vmul.f32 v8, v41;
	_ =	sdelay $0x1  }
0x18b: {  	v9 =	vmul.f32 v9, v8;
	_ =	sdelay $0x1  }
0x18c: {  	v9 =	vsub.f32 $1.500000000e+00, v9;
	_ =	sdelay $0x1  }
0x18d: {  	v8 =	vmul.f32 v9, v8  }
0x18e: {  	v31 =	vmul.f32 v6, v40  }
0x18f: {  	v10 =	vmul.f32 v8, v41  }
0x190: {  	v9 =	vmul.f32 v31, v6  }
0x191: {  	v10 =	vmul.f32 v10, v8  }
0x192: {  	v9 =	vsub.f32 $1.500000000e+00, v9  }
0x193: {  	v10 =	vsub.f32 $1.500000000e+00, v10  }
0x194: {  	v6 =	vmul.f32 v9, v6  }
0x195: {  	v8 =	vmul.f32 v10, v8  }
0x196: {  	v9 =	vmul.f32 v6, v40  }
0x197: {  	v10 =	vmul.f32 v8, v41  }
0x198: {  	v9 =	vmul.f32 v9, v6  }
0x199: {  	v10 =	vmul.f32 v10, v8  }
0x19a: {  	v9 =	vsub.f32 $1.500000000e+00, v9  }
0x19b: {  	v10 =	vsub.f32 $1.500000000e+00, v10  }
0x19c: {  	v6 =	vmul.f32 v9, v6  }
0x19d: {  	v8 =	vmul.f32 v10, v8  }
0x19e: {  	v9 =	vmul.f32 v6, v40  }
0x19f: {  	v10 =	vmul.f32 v8, v41  }
0x1a0: {  	v9 =	vmul.f32 v9, v6  }
0x1a1: {  	v10 =	vmul.f32 v10, v8  }
0x1a2: {  	v9 =	vsub.f32 $1.500000000e+00, v9  }
0x1a3: {  	v10 =	vsub.f32 $1.500000000e+00, v10  }
0x1a4: {  	v6 =	vmul.f32 v9, v6  }
0x1a5: {  	v8 =	vmul.f32 v10, v8  }
0x1a6: {  	v9 =	vmul.f32 v6, v40  }
0x1a7: {  	v10 =	vmul.f32 v8, v41  }
0x1a8: {  	v9 =	vmul.f32 v9, v6  }
0x1a9: {  	v10 =	vmul.f32 v10, v8  }
0x1aa: {  	v9 =	vsub.f32 $1.500000000e+00, v9  }
0x1ab: {  	v7 =	vmul.f32 v7, v47;
	v10 =	vsub.f32 $1.500000000e+00, v10  }
0x1ac: {  	v6 =	vmul.f32 v9, v6  }
0x1ad: {  	v32 =	vmul.f32 v7, v39;
	v8 =	vmul.f32 v10, v8  }
0x1ae: {  	v33 =	vmul.f32 v6, v40  }
0x1af: {  	v9 =	vmul.f32 v32, v7;
	v11 =	vmul.f32 v8, v41  }
0x1b0: {  	v10 =	vmul.f32 v33, v6  }
0x1b1: {  	v9 =	vsub.f32 $1.500000000e+00, v9;
	v11 =	vmul.f32 v11, v8  }
0x1b2: {  	v10 =	vsub.f32 $1.500000000e+00, v10  }
0x1b3: {  	v7 =	vmul.f32 v9, v7;
	v34 =	vsub.f32 $1.500000000e+00, v11  }
0x1b4: {  	v6 =	vmul.f32 v10, v6  }
0x1b5: {  	v35 =	vmul.f32 v7, v39;
	v8 =	vmul.f32 v34, v8  }
0x1b6: {  	v36 =	vmul.f32 v6, v40  }
0x1b7: {  	v10 =	vmul.f32 v35, v7;
	v37 =	vmul.f32 v8, v41  }
0x1b8: {  	v9 =	vmul.f32 v36, v6  }
0x1b9: {  	v10 =	vsub.f32 $1.500000000e+00, v10;
	v11 =	vmul.f32 v37, v8  }
0x1ba: {  	v9 =	vsub.f32 $1.500000000e+00, v9  }
0x1bb: {  	v7 =	vmul.f32 v10, v7;
	v38 =	vsub.f32 $1.500000000e+00, v11  }
0x1bc: {  	v6 =	vmul.f32 v9, v6  }
0x1bd: {  	v47 =	vmul.f32 v7, v39;
	v8 =	vmul.f32 v38, v8  }
0x1be: {  	v48 =	vmul.f32 v6, v40  }
0x1bf: {  	v9 =	vmul.f32 v47, v7;
	v49 =	vmul.f32 v8, v41  }
0x1c0: {  	v10 =	vmul.f32 v48, v6  }
0x1c1: {  	v9 =	vsub.f32 $1.500000000e+00, v9;
	v11 =	vmul.f32 v49, v8  }
0x1c2: {  	v10 =	vsub.f32 $1.500000000e+00, v10  }
0x1c3: {  	v7 =	vmul.f32 v9, v7;
	v50 =	vsub.f32 $1.500000000e+00, v11  }
0x1c4: {  	v6 =	vmul.f32 v10, v6  }
0x1c5: {  	v51 =	vmul.f32 v7, v39;
	v8 =	vmul.f32 v50, v8  }
0x1c6: {  	v52 =	vmul.f32 v6, v40  }
0x1c7: {  	v10 =	vmul.f32 v51, v7;
	v53 =	vmul.f32 v8, v41  }
0x1c8: {  	v46 =	vsub.f32 $1.500000000e+00, v46;
	v9 =	vmul.f32 v52, v6  }
0x1c9: {  	v12 =	vmul.f32 v44, v5;
	v10 =	vsub.f32 $1.500000000e+00, v10;
	v11 =	vmul.f32 v53, v8  }
0x1ca: {  	v55 =	vmul.f32 v46, v45;
	v9 =	vsub.f32 $1.500000000e+00, v9  }
0x1cb: {  	v12 =	vmul.f32 v12, v44;
	v7 =	vmul.f32 v10, v7;
	v54 =	vsub.f32 $1.500000000e+00, v11  }
0x1cc: {  	v58 =	vmul.f32 v55, v4;
	v6 =	vmul.f32 v9, v6  }
0x1cd: {  	v56 =	vmul.f32 v7, v39;
	v8 =	vmul.f32 v54, v8  }
0x1ce: {  	v57 =	vsub.f32 $1.500000000e+00, v12;
	v12 =	vmul.f32 v58, v55;
	v59 =	vmul.f32 v6, v40  }
0x1cf: {  	v9 =	vmul.f32 v56, v7;
	v60 =	vmul.f32 v8, v41  }
0x1d0: {  	v61 =	vmul.f32 v59, v6  }
0x1d1: {  	v12 =	vsub.f32 $1.500000000e+00, v12;
	v9 =	vsub.f32 $1.500000000e+00, v9;
	v62 =	vmul.f32 v60, v8  }
0x1d2: {  	v10 =	vmul.f32 v57, v44;
	v44 =	vsub.f32 $1.500000000e+00, v61  }
0x1d3: {  	v19 =	vmul.f32 v12, v55;
	v7 =	vmul.f32 v9, v7;
	v16 =	vsub.f32 $1.500000000e+00, v62  }
0x1d4: {  	v63 =	vmul.f32 v10, v5;
	v6 =	vmul.f32 v44, v6  }
0x1d5: {  	v18 =	vmul.f32 v7, v39;
	v8 =	vmul.f32 v16, v8  }
0x1d6: {  	v17 =	vmul.f32 v63, v10;
	v20 =	vmul.f32 v6, v40  }
0x1d7: {  	v21 =	vmul.f32 v18, v7;
	v22 =	vmul.f32 v8, v41  }
0x1d8: {  	v45 =	vsub.f32 $1.500000000e+00, v17;
	v11 =	vmul.f32 v20, v6  }
0x1d9: {  	v23 =	vmul.f32 v19, v4;
	v12 =	vsub.f32 $1.500000000e+00, v21;
	v44 =	vmul.f32 v22, v8  }
0x1da: {  	v10 =	vmul.f32 v45, v10;
	v11 =	vsub.f32 $1.500000000e+00, v11  }
0x1db: {  	v24 =	vmul.f32 v23, v19;
	v7 =	vmul.f32 v12, v7;
	v25 =	vsub.f32 $1.500000000e+00, v44  }
0x1dc: {  	v26 =	vmul.f32 v10, v5;
	v6 =	vmul.f32 v11, v6  }
0x1dd: {  	v27 =	vmul.f32 v7, v39;
	v8 =	vmul.f32 v25, v8  }
0x1de: {  	v28 =	vmul.f32 v26, v10;
	v29 =	vmul.f32 v6, v40  }
0x1df: {  	v11 =	vmul.f32 v27, v7;
	v30 =	vmul.f32 v8, v41  }
0x1e0: {  	v12 =	vsub.f32 $1.500000000e+00, v28;
	v44 =	vmul.f32 v29, v6  }
0x1e1: {  	v45 =	vsub.f32 $1.500000000e+00, v24;
	v11 =	vsub.f32 $1.500000000e+00, v11;
	v46 =	vmul.f32 v30, v8  }
0x1e2: {  	v10 =	vmul.f32 v12, v10;
	v31 =	vsub.f32 $1.500000000e+00, v44  }
0x1e3: {  	v9 =	vmul.f32 v45, v19;
	v7 =	vmul.f32 v11, v7;
	v32 =	vsub.f32 $1.500000000e+00, v46  }
0x1e4: {  	v33 =	vmul.f32 v10, v5;
	v6 =	vmul.f32 v31, v6  }
0x1e5: {  	v34 =	vmul.f32 v7, v39;
	v8 =	vmul.f32 v32, v8  }
0x1e6: {  	v35 =	vmul.f32 v33, v10;
	v36 =	vmul.f32 v6, v40  }
0x1e7: {  	v12 =	vmul.f32 v34, v7;
	v37 =	vmul.f32 v8, v41  }
0x1e8: {  	v11 =	vsub.f32 $1.500000000e+00, v35;
	v44 =	vmul.f32 v36, v6  }
0x1e9: {  	v38 =	vmul.f32 v9, v4;
	v12 =	vsub.f32 $1.500000000e+00, v12;
	v45 =	vmul.f32 v37, v8  }
0x1ea: {  	v10 =	vmul.f32 v11, v10;
	v48 =	vsub.f32 $1.500000000e+00, v44  }
0x1eb: {  	v49 =	vmul.f32 v38, v9;
	v7 =	vmul.f32 v12, v7;
	v50 =	vsub.f32 $1.500000000e+00, v45  }
0x1ec: {  	v51 =	vmul.f32 v10, v5;
	v6 =	vmul.f32 v48, v6  }
0x1ed: {  	v52 =	vmul.f32 v7, v39;
	v8 =	vmul.f32 v50, v8  }
0x1ee: {  	v53 =	vmul.f32 v51, v10;
	v54 =	vmul.f32 v6, v40  }
0x1ef: {  	v11 =	vmul.f32 v52, v7;
	v55 =	vmul.f32 v8, v41  }
0x1f0: {  	v12 =	vsub.f32 $1.500000000e+00, v53;
	v45 =	vmul.f32 v54, v6  }
0x1f1: {  	v44 =	vsub.f32 $1.500000000e+00, v49;
	v11 =	vsub.f32 $1.500000000e+00, v11;
	v46 =	vmul.f32 v55, v8  }
0x1f2: {  	v10 =	vmul.f32 v12, v10;
	v56 =	vsub.f32 $1.500000000e+00, v45  }
0x1f3: {  	v9 =	vmul.f32 v44, v9;
	v7 =	vmul.f32 v11, v7;
	v57 =	vsub.f32 $1.500000000e+00, v46  }
0x1f4: {  	v58 =	vmul.f32 v10, v5;
	v6 =	vmul.f32 v56, v6  }
0x1f5: {  	v59 =	vmul.f32 v7, v39;
	v8 =	vmul.f32 v57, v8  }
0x1f6: {  	v60 =	vmul.f32 v58, v10;
	v61 =	vmul.f32 v6, v40  }
0x1f7: {  	v12 =	vmul.f32 v59, v7;
	v62 =	vmul.f32 v8, v41  }
0x1f8: {  	v11 =	vsub.f32 $1.500000000e+00, v60;
	v44 =	vmul.f32 v61, v6  }
0x1f9: {  	v63 =	vmul.f32 v9, v4;
	v12 =	vsub.f32 $1.500000000e+00, v12;
	v45 =	vmul.f32 v62, v8  }
0x1fa: {  	v10 =	vmul.f32 v11, v10;
	v16 =	vsub.f32 $1.500000000e+00, v44  }
0x1fb: {  	v17 =	vmul.f32 v63, v9;
	v7 =	vmul.f32 v12, v7;
	v18 =	vsub.f32 $1.500000000e+00, v45  }
0x1fc: {  	v19 =	vmul.f32 v10, v5;
	v6 =	vmul.f32 v16, v6  }
0x1fd: {  	v20 =	vmul.f32 v7, v39;
	v8 =	vmul.f32 v18, v8  }
0x1fe: {  	v21 =	vmul.f32 v19, v10;
	v22 =	vmul.f32 v6, v40  }
0x1ff: {  	v11 =	vmul.f32 v20, v7;
	v23 =	vmul.f32 v8, v41  }
0x200: {  	v12 =	vsub.f32 $1.500000000e+00, v21;
	v45 =	vmul.f32 v22, v6  }
0x201: {  	v44 =	vsub.f32 $1.500000000e+00, v17;
	v11 =	vsub.f32 $1.500000000e+00, v11;
	v46 =	vmul.f32 v23, v8  }
0x202: {  	v42 =	vmul.f32 v43, v42;
	v10 =	vmul.f32 v12, v10;
	v24 =	vsub.f32 $1.500000000e+00, v45  }
0x203: {  	v9 =	vmul.f32 v44, v9;
	v7 =	vmul.f32 v11, v7;
	v25 =	vsub.f32 $1.500000000e+00, v46  }
0x204: {  	v26 =	vmul.f32 v10, v5;
	v6 =	vmul.f32 v24, v6  }
0x205: {  	v27 =	vmul.f32 v7, v39;
	v8 =	vmul.f32 v25, v8  }
0x206: {  	v28 =	vmul.f32 v26, v10;
	v29 =	vmul.f32 v6, v40  }
0x207: {  	v12 =	vmul.f32 v27, v7;
	v30 =	vmul.f32 v8, v41  }
0x208: {  	v32 =	vmul.f32 v9, v4;
	v11 =	vsub.f32 $1.500000000e+00, v28;
	v43 =	vmul.f32 v29, v6  }
0x209: {  	v31 =	vmul.f32 v42, v1;
	v12 =	vsub.f32 $1.500000000e+00, v12;
	v44 =	vmul.f32 v30, v8  }
0x20a: {  	v34 =	vmul.f32 v32, v9;
	v10 =	vmul.f32 v11, v10;
	v33 =	vsub.f32 $1.500000000e+00, v43  }
0x20b: {  	v45 =	vmul.f32 v31, v42;
	v7 =	vmul.f32 v12, v7;
	v35 =	vsub.f32 $1.500000000e+00, v44  }
0x20c: {  	v36 =	vmul.f32 v10, v5;
	v6 =	vmul.f32 v33, v6  }
0x20d: {  	v37 =	vmul.f32 v7, v39;
	v8 =	vmul.f32 v35, v8  }
0x20e: {  	v38 =	vmul.f32 v36, v10;
	v48 =	vmul.f32 v6, v40  }
0x20f: {  	v11 =	vmul.f32 v37, v7;
	v49 =	vmul.f32 v8, v41  }
0x210: {  	v45 =	vsub.f32 $1.500000000e+00, v45;
	v12 =	vsub.f32 $1.500000000e+00, v38;
	v44 =	vmul.f32 v48, v6  }
0x211: {  	v43 =	vsub.f32 $1.500000000e+00, v34;
	v11 =	vsub.f32 $1.500000000e+00, v11;
	v46 =	vmul.f32 v49, v8  }
0x212: {  	v42 =	vmul.f32 v45, v42;
	v10 =	vmul.f32 v12, v10;
	v50 =	vsub.f32 $1.500000000e+00, v44  }
0x213: {  	v9 =	vmul.f32 v43, v9;
	v7 =	vmul.f32 v11, v7;
	v51 =	vsub.f32 $1.500000000e+00, v46  }
0x214: {  	v52 =	vmul.f32 v10, v5;
	v6 =	vmul.f32 v50, v6  }
0x215: {  	v53 =	vmul.f32 v7, v39;
	v8 =	vmul.f32 v51, v8  }
0x216: {  	v54 =	vmul.f32 v52, v10;
	v55 =	vmul.f32 v6, v40  }
0x217: {  	v12 =	vmul.f32 v53, v7;
	v56 =	vmul.f32 v8, v41  }
0x218: {  	v1 =	vmul.f32 v42, v1;
	v11 =	vsub.f32 $1.500000000e+00, v54;
	v43 =	vmul.f32 v55, v6  }
0x219: {  	v4 =	vmul.f32 v9, v4;
	v12 =	vsub.f32 $1.500000000e+00, v12;
	v44 =	vmul.f32 v56, v8  }
0x21a: {  	v1 =	vmul.f32 v1, v42;
	v10 =	vmul.f32 v11, v10;
	v57 =	vsub.f32 $1.500000000e+00, v43  }
0x21b: {  	v4 =	vmul.f32 v4, v9;
	v7 =	vmul.f32 v12, v7;
	v58 =	vsub.f32 $1.500000000e+00, v44  }
0x21c: {  	v5 =	vmul.f32 v10, v5;
	v6 =	vmul.f32 v57, v6  }
0x21d: {  	v59 =	vmul.f32 v7, v39;
	v8 =	vmul.f32 v58, v8  }
0x21e: {  	v1 =	vsub.f32 $1.500000000e+00, v1;
	v5 =	vmul.f32 v5, v10;
	v60 =	vmul.f32 v6, v40  }
0x21f: {  	v4 =	vsub.f32 $1.500000000e+00, v4;
	v11 =	vmul.f32 v59, v7;
	v61 =	vmul.f32 v8, v41  }
0x220: {  	v1 =	vmul.f32 v1, v42;
	v5 =	vsub.f32 $1.500000000e+00, v5;
	v12 =	vmul.f32 v60, v6  }
0x221: {  	v4 =	vmul.f32 v4, v9;
	v62 =	vsub.f32 $1.500000000e+00, v11;
	v63 =	vmul.f32 v61, v8  }
0x222: {  	[tilespmem:s24+$0xDA80] =	vst v1;
	v1 =	vmul.f32 v5, v10;
	v5 =	vsub.f32 $1.500000000e+00, v12  }
0x223: {  	[tilespmem:s7+$0xDA80] =	vst v4;
	v4 =	vmul.f32 v62, v7;
	v7 =	vsub.f32 $1.500000000e+00, v63  }
0x224: {  	[tilespmem:s9+$0xDA80] =	vst v1;
	v1 =	vmul.f32 v5, v6  }
0x225: {  	s21 =	simm.s32 $0x0;
	[tilespmem:s13+$0xDA80] =	vst v4;
	v4 =	vmul.f32 v7, v8  }
0x226: {  	v5 =	vor.u32 s21, v2;
	[tilespmem:s19+$0xDA80] =	vst v1  }
0x227: {  	s8 =	rddreg [dreg:$0xd];
	v1 =	vshll.u32 v5, $0x3;
	[tilespmem:s20+$0xDA80] =	vst v4  }
0x228: {  	v1 =	vor.u32 v3, v1;
	[tilespmem:s28], [sflag:$0x3] =	stream.linear.gather [hbm4b:s8+s21], $0x1400, $0x38;
	[tilespmem:$0x10790] =	vst v63  }
0x229: {  	_ =	swait.ge [sflag:s17], $0x1400  }
0x22a: {  	[sflag:s17] =	ssyncset.done $0x0  }
0x22b: {  	[sflag:s17] =	ssyncadd.s32 $0xFFFFEC00  }
0x22c: {  	v5 =	vld.idx.msk [tilespmem:v5+s29+$0x0], $0xffff  }
0x22d: {  	v6 =	vld.idx.msk [tilespmem:v1+s28+$0x0], $0xffff  }
0x22e: {  	s24 =	simm.s32 $0x2  }
0x22f: {  	s7 =	simm.s32 $0x4;
	v4 =	vor.u32 s24, v2  }
.LBB2_8:
0x230: {  	p0 =	sne.s32 s7, $0x27E;
	v7 =	vshll.u32 v4, $0x3  }
0x231: {  	v7 =	vor.u32 v3, v7  }
0x232: {  	v5 =	vmul.f32 v5, v6;
	_ =	sdelay $0x1  }
0x233: {  	[tilespmem:v1+s28+$0x0] =	vst.idx.msk $0xffff, v5;
	v1 =	vmov v7  }
.Ltmp3:
0x234: {  	v5 =	vld.idx.msk [tilespmem:v4+s29+$0x0], $0xffff;
	(pc) =	sbr.rel @p0 .LBB2_8-.Ltmp3, $2  }
0x235: {  	v6 =	vld.idx.msk [tilespmem:v7+s28+$0x0], $0xffff;
	_ =	sdelay $0x2  }
0x236: {  	v4 =	vor.u32 s7, v2;
	s7 =	sadd.s32 $0x2, s7  }
0x237: {  	v7 =	vshll.u32 v4, $0x3  }
0x238: {  	v7 =	vor.u32 v3, v7  }
0x239: {  	v5 =	vmul.f32 v5, v6;
	_ =	sdelay $0x1  }
0x23a: {  	[tilespmem:v1+s28+$0x0] =	vst.idx.msk $0xffff, v5  }
0x23b: {  	v1 =	vld.idx.msk [tilespmem:v4+s29+$0x0], $0xffff  }
0x23c: {  	v63 =	vld.idx.msk [tilespmem:v7+s28+$0x0], $0xffff;
	_ =	sdelay $0x4  }
0x23d: {  	v1 =	vmul.f32 v1, v63;
	_ =	sdelay $0x1  }
0x23e: {  	s7 =	rddreg [dreg:$0x9];
	[tilespmem:v7+s28+$0x0] =	vst.idx.msk $0xffff, v1  }
0x23f: {  	[spmem:s7] =	stream.linear.scatter [tilespmem:s28], [sflag:$0x3], $0x1400, $0x38;
	[tilespmem:$0x10790] =	vst v63  }
0x240: {  	_ =	swait.ge [sflag:s17], $0x1400  }
0x241: {  	[sflag:s17] =	ssyncset.done $0x0  }
0x242: {  	[sflag:s17] =	ssyncadd.s32 $0xFFFFEC00  }
0x243: {  	[bflag:$0x0] =	sbarrier.arrive $0xFFFF  }
0x244: {  	v14 =	vld [tilespmem:$0x1FDB0]  }
0x245: {  	v15 =	vld [tilespmem:$0x1FDC0]  }
0x246: {  	s9 =	simm.s32 $0x0;
	s7 =	simm.s32 $0x0;
	s21 =	rddreg [dreg:$0x7];
	v16 =	vld [tilespmem:$0x1FDD0]  }
.LBB2_10:
0x247: {  	s8 =	sshll.u32 s9, $0xC  }
0x248: {  	s8 =	sadd.s32 s11, s8  }
0x249: {  	s8 =	sshrl.u32 s8, $0x3  }
0x24a: {  	s13 =	sadd.s32 s8, s14  }
0x24b: {  	[tilespmem:s7], [sflag:$0x3] =	stream.linear.gather [hbm4b:s13+s7], $0x1000, $0x38;
	[tilespmem:$0x10790] =	vst v63  }
0x24c: {  	_ =	swait.ge [sflag:s17], $0x1000  }
0x24d: {  	[sflag:s17] =	ssyncset.done $0x0  }
0x24e: {  	s19 =	sadd.s32 s8, s10;
	s13 =	simm.s32 $0x1000;
	[sflag:s17] =	ssyncadd.s32 $0xFFFFF000  }
0x24f: {  	[tilespmem:s13], [sflag:$0x3] =	stream.linear.gather [hbm4b:s19+s7], $0x1000, $0x38;
	[tilespmem:$0x10790] =	vst v63  }
0x250: {  	_ =	swait.ge [sflag:s17], $0x1000  }
0x251: {  	[sflag:s17] =	ssyncset.done $0x0  }
0x252: {  	s8 =	sadd.s32 s8, s12;
	[sflag:s17] =	ssyncadd.s32 $0xFFFFF000  }
0x253: {  	[tilespmem:s22], [sflag:$0x3] =	stream.linear.gather [hbm4b:s8+s7], $0x1000, $0x38;
	[tilespmem:$0x10790] =	vst v63  }
0x254: {  	_ =	swait.ge [sflag:s17], $0x1000  }
0x255: {  	[sflag:s17] =	ssyncset.done $0x0  }
0x256: {  	s19 =	simm.s32 $0x3000;
	[sflag:s17] =	ssyncadd.s32 $0xFFFFF000  }
0x257: {  	[tilespmem:s19], [sflag:$0x1] =	stream.indirect.gather [spmem:s4], $0x8, s7, s25, $0xb8;
	[tilespmem:$0x10790] =	vst v63  }
0x258: {  	s20 =	simm.s32 $0x3400  }
0x259: {  	[tilespmem:s20], [sflag:$0x1] =	stream.indirect.gather [spmem:s4], $0x8, s25, s25, $0xb8;
	[tilespmem:$0x10790] =	vst v63  }
0x25a: {  	s24 =	simm.s32 $0x100;
	s20 =	simm.s32 $0x3800  }
0x25b: {  	[tilespmem:s20], [sflag:$0x1] =	stream.indirect.gather [spmem:s4], $0x8, s24, s25, $0xb8;
	[tilespmem:$0x10790] =	vst v63  }
0x25c: {  	s20 =	simm.s32 $0x180;
	s24 =	simm.s32 $0x3C00  }
0x25d: {  	[tilespmem:s24], [sflag:$0x1] =	stream.indirect.gather [spmem:s4], $0x8, s20, s25, $0xb8;
	[tilespmem:$0x10790] =	vst v63  }
0x25e: {  	s20 =	simm.s32 $0x200;
	s24 =	simm.s32 $0x4000  }
0x25f: {  	[tilespmem:s24], [sflag:$0x1] =	stream.indirect.gather [spmem:s4], $0x8, s20, s25, $0xb8;
	[tilespmem:$0x10790] =	vst v63  }
0x260: {  	s20 =	simm.s32 $0x280;
	s24 =	simm.s32 $0x4400  }
0x261: {  	[tilespmem:s24], [sflag:$0x1] =	stream.indirect.gather [spmem:s4], $0x8, s20, s25, $0xb8;
	[tilespmem:$0x10790] =	vst v63  }
0x262: {  	s20 =	simm.s32 $0x300;
	s24 =	simm.s32 $0x4800  }
0x263: {  	[tilespmem:s24], [sflag:$0x1] =	stream.indirect.gather [spmem:s4], $0x8, s20, s25, $0xb8;
	[tilespmem:$0x10790] =	vst v63  }
0x264: {  	s20 =	simm.s32 $0x380;
	s24 =	simm.s32 $0x4C00  }
0x265: {  	[tilespmem:s24], [sflag:$0x1] =	stream.indirect.gather [spmem:s4], $0x8, s20, s25, $0xb8;
	[tilespmem:$0x10790] =	vst v63  }
0x266: {  	s20 =	simm.s32 $0x400;
	s24 =	simm.s32 $0x5000  }
0x267: {  	[tilespmem:s24], [sflag:$0x1] =	stream.indirect.gather [spmem:s4], $0x8, s20, s25, $0xb8;
	[tilespmem:$0x10790] =	vst v63  }
0x268: {  	s20 =	simm.s32 $0x480;
	s24 =	simm.s32 $0x5400  }
0x269: {  	[tilespmem:s24], [sflag:$0x1] =	stream.indirect.gather [spmem:s4], $0x8, s20, s25, $0xb8;
	[tilespmem:$0x10790] =	vst v63  }
0x26a: {  	s20 =	simm.s32 $0x500;
	s24 =	simm.s32 $0x5800  }
0x26b: {  	[tilespmem:s24], [sflag:$0x1] =	stream.indirect.gather [spmem:s4], $0x8, s20, s25, $0xb8;
	[tilespmem:$0x10790] =	vst v63  }
0x26c: {  	s20 =	simm.s32 $0x580;
	s24 =	simm.s32 $0x5C00  }
0x26d: {  	[tilespmem:s24], [sflag:$0x1] =	stream.indirect.gather [spmem:s4], $0x8, s20, s25, $0xb8;
	[tilespmem:$0x10790] =	vst v63  }
0x26e: {  	s20 =	simm.s32 $0x600;
	s24 =	simm.s32 $0x6000  }
0x26f: {  	[tilespmem:s24], [sflag:$0x1] =	stream.indirect.gather [spmem:s4], $0x8, s20, s25, $0xb8;
	[tilespmem:$0x10790] =	vst v63  }
0x270: {  	s20 =	simm.s32 $0x680;
	s24 =	simm.s32 $0x6400  }
0x271: {  	[tilespmem:s24], [sflag:$0x1] =	stream.indirect.gather [spmem:s4], $0x8, s20, s25, $0xb8;
	[tilespmem:$0x10790] =	vst v63  }
0x272: {  	s20 =	simm.s32 $0x700;
	s24 =	simm.s32 $0x6800  }
0x273: {  	[tilespmem:s24], [sflag:$0x1] =	stream.indirect.gather [spmem:s4], $0x8, s20, s25, $0xb8;
	[tilespmem:$0x10790] =	vst v63  }
0x274: {  	s20 =	simm.s32 $0x780;
	s24 =	simm.s32 $0x6C00  }
0x275: {  	[tilespmem:s24], [sflag:$0x1] =	stream.indirect.gather [spmem:s4], $0x8, s20, s25, $0xb8;
	[tilespmem:$0x10790] =	vst v63  }
0x276: {  	s20 =	simm.s32 $0x800;
	s24 =	simm.s32 $0x7000  }
0x277: {  	[tilespmem:s24], [sflag:$0x1] =	stream.indirect.gather [spmem:s4], $0x8, s20, s25, $0xb8;
	[tilespmem:$0x10790] =	vst v63  }
0x278: {  	s20 =	simm.s32 $0x880;
	s24 =	simm.s32 $0x7400  }
0x279: {  	[tilespmem:s24], [sflag:$0x1] =	stream.indirect.gather [spmem:s4], $0x8, s20, s25, $0xb8;
	[tilespmem:$0x10790] =	vst v63  }
0x27a: {  	s20 =	simm.s32 $0x900;
	s24 =	simm.s32 $0x7800  }
0x27b: {  	[tilespmem:s24], [sflag:$0x1] =	stream.indirect.gather [spmem:s4], $0x8, s20, s25, $0xb8;
	[tilespmem:$0x10790] =	vst v63  }
0x27c: {  	s20 =	simm.s32 $0x980;
	s24 =	simm.s32 $0x7C00  }
0x27d: {  	[tilespmem:s24], [sflag:$0x1] =	stream.indirect.gather [spmem:s4], $0x8, s20, s25, $0xb8;
	[tilespmem:$0x10790] =	vst v63  }
0x27e: {  	s20 =	simm.s32 $0xA00;
	s24 =	simm.s32 $0x8000  }
0x27f: {  	[tilespmem:s24], [sflag:$0x1] =	stream.indirect.gather [spmem:s4], $0x8, s20, s25, $0xb8;
	[tilespmem:$0x10790] =	vst v63  }
0x280: {  	s20 =	simm.s32 $0xA80;
	s24 =	simm.s32 $0x8400  }
0x281: {  	[tilespmem:s24], [sflag:$0x1] =	stream.indirect.gather [spmem:s4], $0x8, s20, s25, $0xb8;
	[tilespmem:$0x10790] =	vst v63  }
0x282: {  	s20 =	simm.s32 $0xB00;
	s24 =	simm.s32 $0x8800  }
0x283: {  	[tilespmem:s24], [sflag:$0x1] =	stream.indirect.gather [spmem:s4], $0x8, s20, s25, $0xb8;
	[tilespmem:$0x10790] =	vst v63  }
0x284: {  	s20 =	simm.s32 $0xB80;
	s24 =	simm.s32 $0x8C00  }
0x285: {  	[tilespmem:s24], [sflag:$0x1] =	stream.indirect.gather [spmem:s4], $0x8, s20, s25, $0xb8;
	[tilespmem:$0x10790] =	vst v63  }
0x286: {  	s20 =	simm.s32 $0xC00;
	s24 =	simm.s32 $0x9000  }
0x287: {  	[tilespmem:s24], [sflag:$0x1] =	stream.indirect.gather [spmem:s4], $0x8, s20, s25, $0xb8;
	[tilespmem:$0x10790] =	vst v63  }
0x288: {  	s20 =	simm.s32 $0xC80;
	s24 =	simm.s32 $0x9400  }
0x289: {  	[tilespmem:s24], [sflag:$0x1] =	stream.indirect.gather [spmem:s4], $0x8, s20, s25, $0xb8;
	[tilespmem:$0x10790] =	vst v63  }
0x28a: {  	s20 =	simm.s32 $0xD00;
	s24 =	simm.s32 $0x9800  }
0x28b: {  	[tilespmem:s24], [sflag:$0x1] =	stream.indirect.gather [spmem:s4], $0x8, s20, s25, $0xb8;
	[tilespmem:$0x10790] =	vst v63  }
0x28c: {  	s20 =	simm.s32 $0xD80;
	s24 =	simm.s32 $0x9C00  }
0x28d: {  	[tilespmem:s24], [sflag:$0x1] =	stream.indirect.gather [spmem:s4], $0x8, s20, s25, $0xb8;
	[tilespmem:$0x10790] =	vst v63  }
0x28e: {  	s24 =	simm.s32 $0xE00  }
0x28f: {  	[tilespmem:s30], [sflag:$0x1] =	stream.indirect.gather [spmem:s4], $0x8, s24, s25, $0xb8;
	[tilespmem:$0x10790] =	vst v63  }
0x290: {  	_ = 	snop  }
0x291: {  	[tilespmem:s0], [sflag:$0x1] =	stream.indirect.gather [spmem:s4], $0x8, s31, s25, $0xb8;
	[tilespmem:$0x10790] =	vst v63  }
0x292: {  	_ = 	snop  }
0x293: {  	[tilespmem:s1], [sflag:$0x1] =	stream.indirect.gather [spmem:s4], $0x8, s5, s25, $0xb8;
	[tilespmem:$0x10790] =	vst v63  }
0x294: {  	_ = 	snop  }
0x295: {  	[tilespmem:s18], [sflag:$0x1] =	stream.indirect.gather [spmem:s4], $0x8, s16, s25, $0xb8;
	[tilespmem:$0x10790] =	vst v63  }
0x296: {  	_ =	swait.ge [sflag:s6], $0x400  }
0x297: {  	[sflag:s6] =	ssyncset.done $0x0  }
0x298: {  	[sflag:s6] =	ssyncadd.s32 $0xFFFFFC00  }
0x299: {  	_ =	swait.ge [sflag:s6], $0x400  }
0x29a: {  	[sflag:s6] =	ssyncset.done $0x0  }
0x29b: {  	[sflag:s6] =	ssyncadd.s32 $0xFFFFFC00  }
0x29c: {  	_ =	swait.ge [sflag:s6], $0x400  }
0x29d: {  	[sflag:s6] =	ssyncset.done $0x0  }
0x29e: {  	[sflag:s6] =	ssyncadd.s32 $0xFFFFFC00  }
0x29f: {  	_ =	swait.ge [sflag:s6], $0x400  }
0x2a0: {  	[sflag:s6] =	ssyncset.done $0x0  }
0x2a1: {  	[sflag:s6] =	ssyncadd.s32 $0xFFFFFC00  }
0x2a2: {  	_ =	swait.ge [sflag:s6], $0x400  }
0x2a3: {  	[sflag:s6] =	ssyncset.done $0x0  }
0x2a4: {  	[sflag:s6] =	ssyncadd.s32 $0xFFFFFC00  }
0x2a5: {  	_ =	swait.ge [sflag:s6], $0x400  }
0x2a6: {  	[sflag:s6] =	ssyncset.done $0x0  }
0x2a7: {  	[sflag:s6] =	ssyncadd.s32 $0xFFFFFC00  }
0x2a8: {  	_ =	swait.ge [sflag:s6], $0x400  }
0x2a9: {  	[sflag:s6] =	ssyncset.done $0x0  }
0x2aa: {  	[sflag:s6] =	ssyncadd.s32 $0xFFFFFC00  }
0x2ab: {  	_ =	swait.ge [sflag:s6], $0x400  }
0x2ac: {  	[sflag:s6] =	ssyncset.done $0x0  }
0x2ad: {  	[sflag:s6] =	ssyncadd.s32 $0xFFFFFC00  }
0x2ae: {  	_ =	swait.ge [sflag:s6], $0x400  }
0x2af: {  	[sflag:s6] =	ssyncset.done $0x0  }
0x2b0: {  	[sflag:s6] =	ssyncadd.s32 $0xFFFFFC00  }
0x2b1: {  	_ =	swait.ge [sflag:s6], $0x400  }
0x2b2: {  	[sflag:s6] =	ssyncset.done $0x0  }
0x2b3: {  	[sflag:s6] =	ssyncadd.s32 $0xFFFFFC00  }
0x2b4: {  	_ =	swait.ge [sflag:s6], $0x400  }
0x2b5: {  	[sflag:s6] =	ssyncset.done $0x0  }
0x2b6: {  	[sflag:s6] =	ssyncadd.s32 $0xFFFFFC00  }
0x2b7: {  	_ =	swait.ge [sflag:s6], $0x400  }
0x2b8: {  	[sflag:s6] =	ssyncset.done $0x0  }
0x2b9: {  	[sflag:s6] =	ssyncadd.s32 $0xFFFFFC00  }
0x2ba: {  	_ =	swait.ge [sflag:s6], $0x400  }
0x2bb: {  	[sflag:s6] =	ssyncset.done $0x0  }
0x2bc: {  	[sflag:s6] =	ssyncadd.s32 $0xFFFFFC00  }
0x2bd: {  	_ =	swait.ge [sflag:s6], $0x400  }
0x2be: {  	[sflag:s6] =	ssyncset.done $0x0  }
0x2bf: {  	[sflag:s6] =	ssyncadd.s32 $0xFFFFFC00  }
0x2c0: {  	_ =	swait.ge [sflag:s6], $0x400  }
0x2c1: {  	[sflag:s6] =	ssyncset.done $0x0  }
0x2c2: {  	[sflag:s6] =	ssyncadd.s32 $0xFFFFFC00  }
0x2c3: {  	_ =	swait.ge [sflag:s6], $0x400  }
0x2c4: {  	[sflag:s6] =	ssyncset.done $0x0  }
0x2c5: {  	[sflag:s6] =	ssyncadd.s32 $0xFFFFFC00  }
0x2c6: {  	_ =	swait.ge [sflag:s6], $0x400  }
0x2c7: {  	[sflag:s6] =	ssyncset.done $0x0  }
0x2c8: {  	[sflag:s6] =	ssyncadd.s32 $0xFFFFFC00  }
0x2c9: {  	_ =	swait.ge [sflag:s6], $0x400  }
0x2ca: {  	[sflag:s6] =	ssyncset.done $0x0  }
0x2cb: {  	[sflag:s6] =	ssyncadd.s32 $0xFFFFFC00  }
0x2cc: {  	_ =	swait.ge [sflag:s6], $0x400  }
0x2cd: {  	[sflag:s6] =	ssyncset.done $0x0  }
0x2ce: {  	[sflag:s6] =	ssyncadd.s32 $0xFFFFFC00  }
0x2cf: {  	_ =	swait.ge [sflag:s6], $0x400  }
0x2d0: {  	[sflag:s6] =	ssyncset.done $0x0  }
0x2d1: {  	[sflag:s6] =	ssyncadd.s32 $0xFFFFFC00  }
0x2d2: {  	_ =	swait.ge [sflag:s6], $0x400  }
0x2d3: {  	[sflag:s6] =	ssyncset.done $0x0  }
0x2d4: {  	[sflag:s6] =	ssyncadd.s32 $0xFFFFFC00  }
0x2d5: {  	_ =	swait.ge [sflag:s6], $0x400  }
0x2d6: {  	[sflag:s6] =	ssyncset.done $0x0  }
0x2d7: {  	[sflag:s6] =	ssyncadd.s32 $0xFFFFFC00  }
0x2d8: {  	_ =	swait.ge [sflag:s6], $0x400  }
0x2d9: {  	[sflag:s6] =	ssyncset.done $0x0  }
0x2da: {  	[sflag:s6] =	ssyncadd.s32 $0xFFFFFC00  }
0x2db: {  	_ =	swait.ge [sflag:s6], $0x400  }
0x2dc: {  	[sflag:s6] =	ssyncset.done $0x0  }
0x2dd: {  	[sflag:s6] =	ssyncadd.s32 $0xFFFFFC00  }
0x2de: {  	_ =	swait.ge [sflag:s6], $0x400  }
0x2df: {  	[sflag:s6] =	ssyncset.done $0x0  }
0x2e0: {  	[sflag:s6] =	ssyncadd.s32 $0xFFFFFC00  }
0x2e1: {  	_ =	swait.ge [sflag:s6], $0x400  }
0x2e2: {  	[sflag:s6] =	ssyncset.done $0x0  }
0x2e3: {  	[sflag:s6] =	ssyncadd.s32 $0xFFFFFC00  }
0x2e4: {  	_ =	swait.ge [sflag:s6], $0x400  }
0x2e5: {  	[sflag:s6] =	ssyncset.done $0x0  }
0x2e6: {  	[sflag:s6] =	ssyncadd.s32 $0xFFFFFC00  }
0x2e7: {  	_ =	swait.ge [sflag:s6], $0x400  }
0x2e8: {  	[sflag:s6] =	ssyncset.done $0x0  }
0x2e9: {  	[sflag:s6] =	ssyncadd.s32 $0xFFFFFC00  }
0x2ea: {  	_ =	swait.ge [sflag:s6], $0x400  }
0x2eb: {  	[sflag:s6] =	ssyncset.done $0x0  }
0x2ec: {  	[sflag:s6] =	ssyncadd.s32 $0xFFFFFC00  }
0x2ed: {  	_ =	swait.ge [sflag:s6], $0x400  }
0x2ee: {  	[sflag:s6] =	ssyncset.done $0x0  }
0x2ef: {  	[sflag:s6] =	ssyncadd.s32 $0xFFFFFC00  }
0x2f0: {  	_ =	swait.ge [sflag:s6], $0x400  }
0x2f1: {  	[sflag:s6] =	ssyncset.done $0x0  }
0x2f2: {  	[sflag:s6] =	ssyncadd.s32 $0xFFFFFC00  }
0x2f3: {  	_ =	swait.ge [sflag:s6], $0x400  }
0x2f4: {  	v17 =	vld [tilespmem:$0x1FE20]  }
0x2f5: {  	v18 =	vld [tilespmem:$0x1FE30]  }
0x2f6: {  	v19 =	vld [tilespmem:$0x1FE40]  }
0x2f7: {  	v20 =	vld [tilespmem:$0x1FE50]  }
0x2f8: {  	v21 =	vld [tilespmem:$0x1FE60]  }
0x2f9: {  	v22 =	vld [tilespmem:$0x1FE70]  }
0x2fa: {  	v23 =	vld [tilespmem:$0x1FE80]  }
0x2fb: {  	v24 =	vld [tilespmem:$0x1FE90]  }
0x2fc: {  	v25 =	vld [tilespmem:$0x1FEA0]  }
0x2fd: {  	v26 =	vld [tilespmem:$0x1FEB0]  }
0x2fe: {  	v27 =	vld [tilespmem:$0x1FEC0]  }
0x2ff: {  	v28 =	vld [tilespmem:$0x1FED0]  }
0x300: {  	v29 =	vld [tilespmem:$0x1FEE0]  }
0x301: {  	v30 =	vld [tilespmem:$0x1FEF0]  }
0x302: {  	v31 =	vld [tilespmem:$0x1FF00]  }
0x303: {  	v32 =	vld [tilespmem:$0x1FF10]  }
0x304: {  	v33 =	vld [tilespmem:$0x1FF20]  }
0x305: {  	v34 =	vld [tilespmem:$0x1FF30]  }
0x306: {  	v35 =	vld [tilespmem:$0x1FF40]  }
0x307: {  	v36 =	vld [tilespmem:$0x1FF50]  }
0x308: {  	v37 =	vld [tilespmem:$0x1FF60]  }
0x309: {  	v38 =	vld [tilespmem:$0x1FF70]  }
0x30a: {  	v2 =	vld [tilespmem:$0x1FF80]  }
0x30b: {  	v3 =	vld [tilespmem:$0x1FFA0]  }
0x30c: {  	v10 =	vld [tilespmem:$0x1FFC0]  }
0x30d: {  	v11 =	vld [tilespmem:$0x1FFD0]  }
0x30e: {  	[sflag:s6] =	ssyncset.done $0x0;
	v12 =	vld [tilespmem:$0x1FFE0]  }
0x30f: {  	s20 =	simm.s32 $0x2040;
	s24 =	simm.s32 $0x0;
	v13 =	vld [tilespmem:$0x1FFF0];
	[sflag:s6] =	ssyncadd.s32 $0xFFFFFC00  }
.LBB2_11:
0x310: {  	s8 =	sshll.u32 s24, $0xA  }
0x311: {  	v1 =	vor.u32 s8, v0;
	_ =	sdelay $0x3  }
0x312: {  	v4 =	vld [tilespmem:s20+$0xFFFFFFC0]  }
0x313: {  	v5 =	vld.idx.msk [tilespmem:v1+s15+$0x0], $0xffff;
	_ =	sdelay $0x2  }
0x314: {  	v6 =	vor.u32 s8, v14;
	_ =	sdelay $0x1  }
0x315: {  	v5 =	vmul.f32 v5, v4;
	_ =	sdelay $0x1  }
0x316: {  	[tilespmem:v1+s15+$0x0] =	vst.idx.msk $0xffff, v5  }
0x317: {  	v1 =	vld.idx.msk [tilespmem:v6+s15+$0x0], $0xffff;
	_ =	sdelay $0x2  }
0x318: {  	v5 =	vor.u32 s8, v15;
	_ =	sdelay $0x1  }
0x319: {  	v1 =	vmul.f32 v1, v4;
	_ =	sdelay $0x1  }
0x31a: {  	[tilespmem:v6+s15+$0x0] =	vst.idx.msk $0xffff, v1  }
0x31b: {  	v1 =	vld.idx.msk [tilespmem:v5+s15+$0x0], $0xffff;
	_ =	sdelay $0x2  }
0x31c: {  	v6 =	vor.u32 s8, v16;
	_ =	sdelay $0x1  }
0x31d: {  	v1 =	vmul.f32 v1, v4;
	_ =	sdelay $0x1  }
0x31e: {  	[tilespmem:v5+s15+$0x0] =	vst.idx.msk $0xffff, v1;
	v5 =	vld [tilespmem:$0x1FDE0]  }
0x31f: {  	v1 =	vld.idx.msk [tilespmem:v6+s15+$0x0], $0xffff;
	_ =	sdelay $0x3  }
0x320: {  	v5 =	vor.u32 s8, v5  }
0x321: {  	v1 =	vmul.f32 v1, v4;
	_ =	sdelay $0x1  }
0x322: {  	[tilespmem:v6+s15+$0x0] =	vst.idx.msk $0xffff, v1;
	v6 =	vld [tilespmem:$0x1FDF0];
	_ =	sdelay $0x1  }
0x323: {  	v1 =	vld.idx.msk [tilespmem:v5+s15+$0x0], $0xffff;
	_ =	sdelay $0x2  }
0x324: {  	v6 =	vor.u32 s8, v6;
	_ =	sdelay $0x1  }
0x325: {  	v1 =	vmul.f32 v1, v4;
	_ =	sdelay $0x1  }
0x326: {  	[tilespmem:v5+s15+$0x0] =	vst.idx.msk $0xffff, v1;
	v5 =	vld [tilespmem:$0x1FE00]  }
0x327: {  	v1 =	vld.idx.msk [tilespmem:v6+s15+$0x0], $0xffff;
	_ =	sdelay $0x3  }
0x328: {  	v5 =	vor.u32 s8, v5  }
0x329: {  	v1 =	vmul.f32 v1, v4;
	_ =	sdelay $0x1  }
0x32a: {  	[tilespmem:v6+s15+$0x0] =	vst.idx.msk $0xffff, v1;
	v6 =	vld [tilespmem:$0x1FE10];
	_ =	sdelay $0x1  }
0x32b: {  	v1 =	vld.idx.msk [tilespmem:v5+s15+$0x0], $0xffff;
	_ =	sdelay $0x2  }
0x32c: {  	v6 =	vor.u32 s8, v6;
	_ =	sdelay $0x1  }
0x32d: {  	v1 =	vmul.f32 v1, v4;
	_ =	sdelay $0x1  }
0x32e: {  	[tilespmem:v5+s15+$0x0] =	vst.idx.msk $0xffff, v1  }
0x32f: {  	v1 =	vld.idx.msk [tilespmem:v6+s15+$0x0], $0xffff;
	_ =	sdelay $0x3  }
0x330: {  	v5 =	vor.u32 s8, v17  }
0x331: {  	v1 =	vmul.f32 v1, v4;
	_ =	sdelay $0x1  }
0x332: {  	[tilespmem:v6+s15+$0x0] =	vst.idx.msk $0xffff, v1  }
0x333: {  	v1 =	vld [tilespmem:s20+$0xFFFFFFD0]  }
0x334: {  	v4 =	vld.idx.msk [tilespmem:v5+s15+$0x0], $0xffff;
	_ =	sdelay $0x2  }
0x335: {  	v6 =	vor.u32 s8, v18;
	_ =	sdelay $0x1  }
0x336: {  	v4 =	vmul.f32 v4, v1;
	_ =	sdelay $0x1  }
0x337: {  	[tilespmem:v5+s15+$0x0] =	vst.idx.msk $0xffff, v4  }
0x338: {  	v4 =	vld.idx.msk [tilespmem:v6+s15+$0x0], $0xffff;
	_ =	sdelay $0x2  }
0x339: {  	v5 =	vor.u32 s8, v19;
	_ =	sdelay $0x1  }
0x33a: {  	v4 =	vmul.f32 v4, v1;
	_ =	sdelay $0x1  }
0x33b: {  	[tilespmem:v6+s15+$0x0] =	vst.idx.msk $0xffff, v4  }
0x33c: {  	v4 =	vld.idx.msk [tilespmem:v5+s15+$0x0], $0xffff;
	_ =	sdelay $0x2  }
0x33d: {  	v6 =	vor.u32 s8, v20;
	_ =	sdelay $0x1  }
0x33e: {  	v4 =	vmul.f32 v4, v1;
	_ =	sdelay $0x1  }
0x33f: {  	[tilespmem:v5+s15+$0x0] =	vst.idx.msk $0xffff, v4  }
0x340: {  	v4 =	vld.idx.msk [tilespmem:v6+s15+$0x0], $0xffff;
	_ =	sdelay $0x2  }
0x341: {  	v5 =	vor.u32 s8, v21;
	_ =	sdelay $0x1  }
0x342: {  	v4 =	vmul.f32 v4, v1;
	_ =	sdelay $0x1  }
0x343: {  	[tilespmem:v6+s15+$0x0] =	vst.idx.msk $0xffff, v4  }
0x344: {  	v4 =	vld.idx.msk [tilespmem:v5+s15+$0x0], $0xffff;
	_ =	sdelay $0x2  }
0x345: {  	v6 =	vor.u32 s8, v22;
	_ =	sdelay $0x1  }
0x346: {  	v4 =	vmul.f32 v4, v1;
	_ =	sdelay $0x1  }
0x347: {  	[tilespmem:v5+s15+$0x0] =	vst.idx.msk $0xffff, v4  }
0x348: {  	v4 =	vld.idx.msk [tilespmem:v6+s15+$0x0], $0xffff;
	_ =	sdelay $0x2  }
0x349: {  	v5 =	vor.u32 s8, v23;
	_ =	sdelay $0x1  }
0x34a: {  	v4 =	vmul.f32 v4, v1;
	_ =	sdelay $0x1  }
0x34b: {  	[tilespmem:v6+s15+$0x0] =	vst.idx.msk $0xffff, v4  }
0x34c: {  	v4 =	vld.idx.msk [tilespmem:v5+s15+$0x0], $0xffff;
	_ =	sdelay $0x2  }
0x34d: {  	v6 =	vor.u32 s8, v24;
	_ =	sdelay $0x1  }
0x34e: {  	v4 =	vmul.f32 v4, v1;
	_ =	sdelay $0x1  }
0x34f: {  	[tilespmem:v5+s15+$0x0] =	vst.idx.msk $0xffff, v4  }
0x350: {  	v4 =	vld.idx.msk [tilespmem:v6+s15+$0x0], $0xffff;
	_ =	sdelay $0x3  }
0x351: {  	v5 =	vor.u32 s8, v25  }
0x352: {  	v1 =	vmul.f32 v4, v1;
	_ =	sdelay $0x1  }
0x353: {  	[tilespmem:v6+s15+$0x0] =	vst.idx.msk $0xffff, v1  }
0x354: {  	v1 =	vld [tilespmem:s20+$0xFFFFFFE0]  }
0x355: {  	v4 =	vld.idx.msk [tilespmem:v5+s15+$0x0], $0xffff;
	_ =	sdelay $0x2  }
0x356: {  	v6 =	vor.u32 s8, v26;
	_ =	sdelay $0x1  }
0x357: {  	v4 =	vmul.f32 v4, v1;
	_ =	sdelay $0x1  }
0x358: {  	[tilespmem:v5+s15+$0x0] =	vst.idx.msk $0xffff, v4  }
0x359: {  	v4 =	vld.idx.msk [tilespmem:v6+s15+$0x0], $0xffff;
	_ =	sdelay $0x2  }
0x35a: {  	v5 =	vor.u32 s8, v27;
	_ =	sdelay $0x1  }
0x35b: {  	v4 =	vmul.f32 v4, v1;
	_ =	sdelay $0x1  }
0x35c: {  	[tilespmem:v6+s15+$0x0] =	vst.idx.msk $0xffff, v4  }
0x35d: {  	v4 =	vld.idx.msk [tilespmem:v5+s15+$0x0], $0xffff;
	_ =	sdelay $0x2  }
0x35e: {  	v6 =	vor.u32 s8, v28;
	_ =	sdelay $0x1  }
0x35f: {  	v4 =	vmul.f32 v4, v1;
	_ =	sdelay $0x1  }
0x360: {  	[tilespmem:v5+s15+$0x0] =	vst.idx.msk $0xffff, v4  }
0x361: {  	v4 =	vld.idx.msk [tilespmem:v6+s15+$0x0], $0xffff;
	_ =	sdelay $0x2  }
0x362: {  	v5 =	vor.u32 s8, v29;
	_ =	sdelay $0x1  }
0x363: {  	v4 =	vmul.f32 v4, v1;
	_ =	sdelay $0x1  }
0x364: {  	[tilespmem:v6+s15+$0x0] =	vst.idx.msk $0xffff, v4  }
0x365: {  	v4 =	vld.idx.msk [tilespmem:v5+s15+$0x0], $0xffff;
	_ =	sdelay $0x2  }
0x366: {  	v6 =	vor.u32 s8, v30;
	_ =	sdelay $0x1  }
0x367: {  	v4 =	vmul.f32 v4, v1;
	_ =	sdelay $0x1  }
0x368: {  	[tilespmem:v5+s15+$0x0] =	vst.idx.msk $0xffff, v4  }
0x369: {  	v4 =	vld.idx.msk [tilespmem:v6+s15+$0x0], $0xffff;
	_ =	sdelay $0x2  }
0x36a: {  	v5 =	vor.u32 s8, v31;
	_ =	sdelay $0x1  }
0x36b: {  	v4 =	vmul.f32 v4, v1;
	_ =	sdelay $0x1  }
0x36c: {  	[tilespmem:v6+s15+$0x0] =	vst.idx.msk $0xffff, v4  }
0x36d: {  	v4 =	vld.idx.msk [tilespmem:v5+s15+$0x0], $0xffff;
	_ =	sdelay $0x2  }
0x36e: {  	v6 =	vor.u32 s8, v32;
	_ =	sdelay $0x1  }
0x36f: {  	v4 =	vmul.f32 v4, v1;
	_ =	sdelay $0x1  }
0x370: {  	[tilespmem:v5+s15+$0x0] =	vst.idx.msk $0xffff, v4  }
0x371: {  	v4 =	vld.idx.msk [tilespmem:v6+s15+$0x0], $0xffff;
	_ =	sdelay $0x3  }
0x372: {  	v5 =	vor.u32 s8, v33  }
0x373: {  	v1 =	vmul.f32 v4, v1;
	_ =	sdelay $0x1  }
0x374: {  	[tilespmem:v6+s15+$0x0] =	vst.idx.msk $0xffff, v1  }
0x375: {  	v1 =	vld [tilespmem:s20+$0xFFFFFFF0]  }
0x376: {  	v4 =	vld.idx.msk [tilespmem:v5+s15+$0x0], $0xffff;
	_ =	sdelay $0x2  }
0x377: {  	v6 =	vor.u32 s8, v34;
	_ =	sdelay $0x1  }
0x378: {  	v4 =	vmul.f32 v4, v1;
	_ =	sdelay $0x1  }
0x379: {  	[tilespmem:v5+s15+$0x0] =	vst.idx.msk $0xffff, v4  }
0x37a: {  	v4 =	vld.idx.msk [tilespmem:v6+s15+$0x0], $0xffff;
	_ =	sdelay $0x2  }
0x37b: {  	v5 =	vor.u32 s8, v35;
	_ =	sdelay $0x1  }
0x37c: {  	v4 =	vmul.f32 v4, v1;
	_ =	sdelay $0x1  }
0x37d: {  	[tilespmem:v6+s15+$0x0] =	vst.idx.msk $0xffff, v4  }
0x37e: {  	v4 =	vld.idx.msk [tilespmem:v5+s15+$0x0], $0xffff;
	_ =	sdelay $0x2  }
0x37f: {  	v6 =	vor.u32 s8, v36;
	_ =	sdelay $0x1  }
0x380: {  	v4 =	vmul.f32 v4, v1;
	_ =	sdelay $0x1  }
0x381: {  	[tilespmem:v5+s15+$0x0] =	vst.idx.msk $0xffff, v4  }
0x382: {  	v4 =	vld.idx.msk [tilespmem:v6+s15+$0x0], $0xffff;
	_ =	sdelay $0x2  }
0x383: {  	v5 =	vor.u32 s8, v37;
	_ =	sdelay $0x1  }
0x384: {  	v4 =	vmul.f32 v4, v1;
	_ =	sdelay $0x1  }
0x385: {  	[tilespmem:v6+s15+$0x0] =	vst.idx.msk $0xffff, v4  }
0x386: {  	v4 =	vld.idx.msk [tilespmem:v5+s15+$0x0], $0xffff;
	_ =	sdelay $0x2  }
0x387: {  	v6 =	vor.u32 s8, v38;
	_ =	sdelay $0x1  }
0x388: {  	v4 =	vmul.f32 v4, v1;
	_ =	sdelay $0x1  }
0x389: {  	[tilespmem:v5+s15+$0x0] =	vst.idx.msk $0xffff, v4  }
0x38a: {  	v4 =	vld.idx.msk [tilespmem:v6+s15+$0x0], $0xffff;
	_ =	sdelay $0x2  }
0x38b: {  	v5 =	vor.u32 s8, v2;
	_ =	sdelay $0x1  }
0x38c: {  	v4 =	vmul.f32 v4, v1;
	_ =	sdelay $0x1  }
0x38d: {  	[tilespmem:v6+s15+$0x0] =	vst.idx.msk $0xffff, v4  }
0x38e: {  	v4 =	vld.idx.msk [tilespmem:v5+s15+$0x0], $0xffff;
	_ =	sdelay $0x2  }
0x38f: {  	v6 =	vor.u32 s8, v3;
	_ =	sdelay $0x1  }
0x390: {  	v4 =	vmul.f32 v4, v1;
	_ =	sdelay $0x1  }
0x391: {  	[tilespmem:v5+s15+$0x0] =	vst.idx.msk $0xffff, v4  }
0x392: {  	v4 =	vld.idx.msk [tilespmem:v6+s15+$0x0], $0xffff;
	_ =	sdelay $0x3  }
0x393: {  	v5 =	vor.u32 s8, v10  }
0x394: {  	v1 =	vmul.f32 v4, v1;
	_ =	sdelay $0x1  }
0x395: {  	[tilespmem:v6+s15+$0x0] =	vst.idx.msk $0xffff, v1  }
0x396: {  	v1 =	vld [tilespmem:s20+$0x0]  }
0x397: {  	v4 =	vld.idx.msk [tilespmem:v5+s15+$0x0], $0xffff;
	_ =	sdelay $0x2  }
0x398: {  	v6 =	vor.u32 s8, v11;
	_ =	sdelay $0x1  }
0x399: {  	v4 =	vmul.f32 v4, v1;
	_ =	sdelay $0x1  }
0x39a: {  	[tilespmem:v5+s15+$0x0] =	vst.idx.msk $0xffff, v4  }
0x39b: {  	v4 =	vld.idx.msk [tilespmem:v6+s15+$0x0], $0xffff;
	_ =	sdelay $0x2  }
0x39c: {  	v5 =	vor.u32 s8, v12;
	_ =	sdelay $0x1  }
0x39d: {  	v4 =	vmul.f32 v4, v1;
	_ =	sdelay $0x1  }
0x39e: {  	[tilespmem:v6+s15+$0x0] =	vst.idx.msk $0xffff, v4  }
0x39f: {  	v4 =	vld.idx.msk [tilespmem:v5+s15+$0x0], $0xffff;
	_ =	sdelay $0x2  }
0x3a0: {  	v6 =	vor.u32 s8, v13;
	_ =	sdelay $0x1  }
0x3a1: {  	v4 =	vmul.f32 v4, v1;
	_ =	sdelay $0x1  }
0x3a2: {  	[tilespmem:v5+s15+$0x0] =	vst.idx.msk $0xffff, v4  }
0x3a3: {  	v4 =	vld.idx.msk [tilespmem:v6+s15+$0x0], $0xffff;
	_ =	sdelay $0x1  }
0x3a4: {  	v39 =	vor.u32 $0x204, v0  }
0x3a5: {  	v5 =	vor.u32 s8, v39;
	_ =	sdelay $0x1  }
0x3a6: {  	v4 =	vmul.f32 v4, v1;
	_ =	sdelay $0x1  }
0x3a7: {  	[tilespmem:v6+s15+$0x0] =	vst.idx.msk $0xffff, v4  }
0x3a8: {  	v4 =	vld.idx.msk [tilespmem:v5+s15+$0x0], $0xffff;
	_ =	sdelay $0x1  }
0x3a9: {  	v40 =	vor.u32 $0x205, v0  }
0x3aa: {  	v6 =	vor.u32 s8, v40;
	_ =	sdelay $0x1  }
0x3ab: {  	v4 =	vmul.f32 v4, v1;
	_ =	sdelay $0x1  }
0x3ac: {  	[tilespmem:v5+s15+$0x0] =	vst.idx.msk $0xffff, v4  }
0x3ad: {  	v4 =	vld.idx.msk [tilespmem:v6+s15+$0x0], $0xffff;
	_ =	sdelay $0x1  }
0x3ae: {  	v41 =	vor.u32 $0x206, v0  }
0x3af: {  	v5 =	vor.u32 s8, v41;
	_ =	sdelay $0x1  }
0x3b0: {  	v4 =	vmul.f32 v4, v1;
	_ =	sdelay $0x1  }
0x3b1: {  	[tilespmem:v6+s15+$0x0] =	vst.idx.msk $0xffff, v4  }
0x3b2: {  	v4 =	vld.idx.msk [tilespmem:v5+s15+$0x0], $0xffff;
	_ =	sdelay $0x1  }
0x3b3: {  	v42 =	vor.u32 $0x207, v0  }
0x3b4: {  	v6 =	vor.u32 s8, v42;
	_ =	sdelay $0x1  }
0x3b5: {  	v4 =	vmul.f32 v4, v1;
	_ =	sdelay $0x1  }
0x3b6: {  	[tilespmem:v5+s15+$0x0] =	vst.idx.msk $0xffff, v4  }
0x3b7: {  	v4 =	vld.idx.msk [tilespmem:v6+s15+$0x0], $0xffff;
	_ =	sdelay $0x2  }
0x3b8: {  	v43 =	vor.u32 $0x280, v0  }
0x3b9: {  	v5 =	vor.u32 s8, v43  }
0x3ba: {  	v1 =	vmul.f32 v4, v1;
	_ =	sdelay $0x1  }
0x3bb: {  	[tilespmem:v6+s15+$0x0] =	vst.idx.msk $0xffff, v1  }
0x3bc: {  	v1 =	vld [tilespmem:s20+$0x10]  }
0x3bd: {  	v4 =	vld.idx.msk [tilespmem:v5+s15+$0x0], $0xffff;
	_ =	sdelay $0x1  }
0x3be: {  	v44 =	vor.u32 $0x281, v0  }
0x3bf: {  	v6 =	vor.u32 s8, v44;
	_ =	sdelay $0x1  }
0x3c0: {  	v4 =	vmul.f32 v4, v1;
	_ =	sdelay $0x1  }
0x3c1: {  	[tilespmem:v5+s15+$0x0] =	vst.idx.msk $0xffff, v4  }
0x3c2: {  	v4 =	vld.idx.msk [tilespmem:v6+s15+$0x0], $0xffff;
	_ =	sdelay $0x1  }
0x3c3: {  	v45 =	vor.u32 $0x282, v0  }
0x3c4: {  	v5 =	vor.u32 s8, v45;
	_ =	sdelay $0x1  }
0x3c5: {  	v4 =	vmul.f32 v4, v1;
	_ =	sdelay $0x1  }
0x3c6: {  	[tilespmem:v6+s15+$0x0] =	vst.idx.msk $0xffff, v4  }
0x3c7: {  	v4 =	vld.idx.msk [tilespmem:v5+s15+$0x0], $0xffff;
	_ =	sdelay $0x1  }
0x3c8: {  	v46 =	vor.u32 $0x283, v0  }
0x3c9: {  	v6 =	vor.u32 s8, v46;
	_ =	sdelay $0x1  }
0x3ca: {  	v4 =	vmul.f32 v4, v1;
	_ =	sdelay $0x1  }
0x3cb: {  	[tilespmem:v5+s15+$0x0] =	vst.idx.msk $0xffff, v4  }
0x3cc: {  	v4 =	vld.idx.msk [tilespmem:v6+s15+$0x0], $0xffff;
	_ =	sdelay $0x1  }
0x3cd: {  	v47 =	vor.u32 $0x284, v0  }
0x3ce: {  	v5 =	vor.u32 s8, v47;
	_ =	sdelay $0x1  }
0x3cf: {  	v4 =	vmul.f32 v4, v1;
	_ =	sdelay $0x1  }
0x3d0: {  	[tilespmem:v6+s15+$0x0] =	vst.idx.msk $0xffff, v4  }
0x3d1: {  	v4 =	vld.idx.msk [tilespmem:v5+s15+$0x0], $0xffff;
	_ =	sdelay $0x1  }
0x3d2: {  	v48 =	vor.u32 $0x285, v0  }
0x3d3: {  	v6 =	vor.u32 s8, v48;
	_ =	sdelay $0x1  }
0x3d4: {  	v4 =	vmul.f32 v4, v1;
	_ =	sdelay $0x1  }
0x3d5: {  	[tilespmem:v5+s15+$0x0] =	vst.idx.msk $0xffff, v4  }
0x3d6: {  	v4 =	vld.idx.msk [tilespmem:v6+s15+$0x0], $0xffff;
	_ =	sdelay $0x1  }
0x3d7: {  	v49 =	vor.u32 $0x286, v0  }
0x3d8: {  	v5 =	vor.u32 s8, v49;
	_ =	sdelay $0x1  }
0x3d9: {  	v4 =	vmul.f32 v4, v1;
	_ =	sdelay $0x1  }
0x3da: {  	[tilespmem:v6+s15+$0x0] =	vst.idx.msk $0xffff, v4  }
0x3db: {  	v4 =	vld.idx.msk [tilespmem:v5+s15+$0x0], $0xffff;
	_ =	sdelay $0x1  }
0x3dc: {  	v50 =	vor.u32 $0x287, v0  }
0x3dd: {  	v6 =	vor.u32 s8, v50;
	_ =	sdelay $0x1  }
0x3de: {  	v4 =	vmul.f32 v4, v1;
	_ =	sdelay $0x1  }
0x3df: {  	[tilespmem:v5+s15+$0x0] =	vst.idx.msk $0xffff, v4  }
0x3e0: {  	v4 =	vld.idx.msk [tilespmem:v6+s15+$0x0], $0xffff;
	_ =	sdelay $0x2  }
0x3e1: {  	v51 =	vor.u32 $0x300, v0  }
0x3e2: {  	v5 =	vor.u32 s8, v51  }
0x3e3: {  	v1 =	vmul.f32 v4, v1;
	_ =	sdelay $0x1  }
0x3e4: {  	[tilespmem:v6+s15+$0x0] =	vst.idx.msk $0xffff, v1  }
0x3e5: {  	v1 =	vld [tilespmem:s20+$0x20]  }
0x3e6: {  	v4 =	vld.idx.msk [tilespmem:v5+s15+$0x0], $0xffff;
	_ =	sdelay $0x1  }
0x3e7: {  	v52 =	vor.u32 $0x301, v0  }
0x3e8: {  	v6 =	vor.u32 s8, v52;
	_ =	sdelay $0x1  }
0x3e9: {  	v4 =	vmul.f32 v4, v1;
	_ =	sdelay $0x1  }
0x3ea: {  	[tilespmem:v5+s15+$0x0] =	vst.idx.msk $0xffff, v4  }
0x3eb: {  	v4 =	vld.idx.msk [tilespmem:v6+s15+$0x0], $0xffff;
	_ =	sdelay $0x1  }
0x3ec: {  	v53 =	vor.u32 $0x302, v0  }
0x3ed: {  	v5 =	vor.u32 s8, v53;
	_ =	sdelay $0x1  }
0x3ee: {  	v4 =	vmul.f32 v4, v1;
	_ =	sdelay $0x1  }
0x3ef: {  	[tilespmem:v6+s15+$0x0] =	vst.idx.msk $0xffff, v4  }
0x3f0: {  	v4 =	vld.idx.msk [tilespmem:v5+s15+$0x0], $0xffff;
	_ =	sdelay $0x1  }
0x3f1: {  	v54 =	vor.u32 $0x303, v0  }
0x3f2: {  	v6 =	vor.u32 s8, v54;
	_ =	sdelay $0x1  }
0x3f3: {  	v4 =	vmul.f32 v4, v1;
	_ =	sdelay $0x1  }
0x3f4: {  	[tilespmem:v5+s15+$0x0] =	vst.idx.msk $0xffff, v4  }
0x3f5: {  	v4 =	vld.idx.msk [tilespmem:v6+s15+$0x0], $0xffff;
	_ =	sdelay $0x1  }
0x3f6: {  	v55 =	vor.u32 $0x304, v0  }
0x3f7: {  	v5 =	vor.u32 s8, v55;
	_ =	sdelay $0x1  }
0x3f8: {  	v4 =	vmul.f32 v4, v1;
	_ =	sdelay $0x1  }
0x3f9: {  	[tilespmem:v6+s15+$0x0] =	vst.idx.msk $0xffff, v4  }
0x3fa: {  	v4 =	vld.idx.msk [tilespmem:v5+s15+$0x0], $0xffff;
	_ =	sdelay $0x1  }
0x3fb: {  	v56 =	vor.u32 $0x305, v0  }
0x3fc: {  	v6 =	vor.u32 s8, v56;
	_ =	sdelay $0x1  }
0x3fd: {  	v4 =	vmul.f32 v4, v1;
	_ =	sdelay $0x1  }
0x3fe: {  	[tilespmem:v5+s15+$0x0] =	vst.idx.msk $0xffff, v4  }
0x3ff: {  	v4 =	vld.idx.msk [tilespmem:v6+s15+$0x0], $0xffff;
	_ =	sdelay $0x1  }
0x400: {  	v57 =	vor.u32 $0x306, v0  }
0x401: {  	v5 =	vor.u32 s8, v57;
	_ =	sdelay $0x1  }
0x402: {  	v4 =	vmul.f32 v4, v1;
	_ =	sdelay $0x1  }
0x403: {  	[tilespmem:v6+s15+$0x0] =	vst.idx.msk $0xffff, v4  }
0x404: {  	v4 =	vld.idx.msk [tilespmem:v5+s15+$0x0], $0xffff;
	_ =	sdelay $0x1  }
0x405: {  	v58 =	vor.u32 $0x307, v0  }
0x406: {  	v6 =	vor.u32 s8, v58;
	_ =	sdelay $0x1  }
0x407: {  	v4 =	vmul.f32 v4, v1;
	_ =	sdelay $0x1  }
0x408: {  	[tilespmem:v5+s15+$0x0] =	vst.idx.msk $0xffff, v4  }
0x409: {  	v4 =	vld.idx.msk [tilespmem:v6+s15+$0x0], $0xffff;
	_ =	sdelay $0x2  }
0x40a: {  	v59 =	vor.u32 $0x380, v0  }
0x40b: {  	v5 =	vor.u32 s8, v59  }
0x40c: {  	v1 =	vmul.f32 v4, v1;
	_ =	sdelay $0x1  }
0x40d: {  	[tilespmem:v6+s15+$0x0] =	vst.idx.msk $0xffff, v1  }
0x40e: {  	v6 =	vld [tilespmem:s20+$0x30]  }
0x40f: {  	v1 =	vld.idx.msk [tilespmem:v5+s15+$0x0], $0xffff;
	_ =	sdelay $0x1  }
0x410: {  	v60 =	vor.u32 $0x381, v0  }
0x411: {  	v4 =	vor.u32 s8, v60;
	_ =	sdelay $0x1  }
0x412: {  	v1 =	vmul.f32 v1, v6;
	_ =	sdelay $0x1  }
0x413: {  	[tilespmem:v5+s15+$0x0] =	vst.idx.msk $0xffff, v1  }
0x414: {  	v1 =	vld.idx.msk [tilespmem:v4+s15+$0x0], $0xffff;
	_ =	sdelay $0x1  }
0x415: {  	v61 =	vor.u32 $0x382, v0  }
0x416: {  	v5 =	vor.u32 s8, v61;
	_ =	sdelay $0x1  }
0x417: {  	v1 =	vmul.f32 v1, v6;
	_ =	sdelay $0x1  }
0x418: {  	[tilespmem:v4+s15+$0x0] =	vst.idx.msk $0xffff, v1  }
0x419: {  	v1 =	vld.idx.msk [tilespmem:v5+s15+$0x0], $0xffff;
	_ =	sdelay $0x1  }
0x41a: {  	v62 =	vor.u32 $0x383, v0  }
0x41b: {  	v4 =	vor.u32 s8, v62;
	_ =	sdelay $0x1  }
0x41c: {  	v1 =	vmul.f32 v1, v6;
	_ =	sdelay $0x1  }
0x41d: {  	[tilespmem:v5+s15+$0x0] =	vst.idx.msk $0xffff, v1  }
0x41e: {  	v1 =	vld.idx.msk [tilespmem:v4+s15+$0x0], $0xffff;
	_ =	sdelay $0x1  }
0x41f: {  	v63 =	vor.u32 $0x384, v0  }
0x420: {  	v5 =	vor.u32 s8, v63;
	_ =	sdelay $0x1  }
0x421: {  	v1 =	vmul.f32 v1, v6;
	_ =	sdelay $0x1  }
0x422: {  	[tilespmem:v4+s15+$0x0] =	vst.idx.msk $0xffff, v1  }
0x423: {  	v4 =	vld.idx.msk [tilespmem:v5+s15+$0x0], $0xffff;
	_ =	sdelay $0x1  }
0x424: {  	v1 =	vor.u32 $0x385, v0  }
0x425: {  	v7 =	vor.u32 s8, v1;
	_ =	sdelay $0x1  }
0x426: {  	v4 =	vmul.f32 v4, v6;
	_ =	sdelay $0x1  }
0x427: {  	[tilespmem:v5+s15+$0x0] =	vst.idx.msk $0xffff, v4  }
0x428: {  	v5 =	vld.idx.msk [tilespmem:v7+s15+$0x0], $0xffff;
	_ =	sdelay $0x1  }
0x429: {  	v4 =	vor.u32 $0x386, v0  }
0x42a: {  	v8 =	vor.u32 s8, v4;
	_ =	sdelay $0x1  }
0x42b: {  	v5 =	vmul.f32 v5, v6;
	_ =	sdelay $0x1  }
0x42c: {  	[tilespmem:v7+s15+$0x0] =	vst.idx.msk $0xffff, v5  }
0x42d: {  	v7 =	vld.idx.msk [tilespmem:v8+s15+$0x0], $0xffff;
	_ =	sdelay $0x1  }
0x42e: {  	v5 =	vor.u32 $0x387, v0  }
0x42f: {  	v9 =	vor.u32 s8, v5;
	_ =	sdelay $0x1  }
0x430: {  	v7 =	vmul.f32 v7, v6;
	_ =	sdelay $0x1  }
0x431: {  	[tilespmem:v8+s15+$0x0] =	vst.idx.msk $0xffff, v7  }
0x432: {  	v7 =	vld.idx.msk [tilespmem:v9+s15+$0x0], $0xffff;
	_ =	sdelay $0x3  }
0x433: {  	p0 =	sne.s32 s24, $0x1F  }
.Ltmp4:
0x434: {  	v6 =	vmul.f32 v7, v6;
	(pc) =	sbr.rel @p0 .LBB2_11-.Ltmp4, $4  }
0x435: {  	_ = 	snop  }
0x436: {  	s24 =	sadd.s32 $0x1, s24;
	[tilespmem:v9+s15+$0x0] =	vst.idx.msk $0xffff, v6  }
0x437: {  	[spmem:s3] =	stream.indirect.scatter.add.f32 [tilespmem:s19], [sflag:$0x2], $0x8, s13, s25, $0xb8;
	[tilespmem:$0x10790] =	vst v63  }
0x438: {  	s20 =	sadd.s32 $0x80, s20;
	s19 =	sadd.s32 $0x400, s19;
	s13 =	sadd.s32 $0x80, s13  }
0x439: {  	_ =	swait.ge [sflag:s26], $0x400  }
0x43a: {  	[sflag:s26] =	ssyncset.done $0x0  }
0x43b: {  	[sflag:s26] =	ssyncadd.s32 $0xFFFFFC00  }
0x43c: {  	_ =	swait.ge [sflag:s26], $0x400  }
0x43d: {  	[sflag:s26] =	ssyncset.done $0x0  }
0x43e: {  	[sflag:s26] =	ssyncadd.s32 $0xFFFFFC00  }
0x43f: {  	_ =	swait.ge [sflag:s26], $0x400  }
0x440: {  	[sflag:s26] =	ssyncset.done $0x0  }
0x441: {  	[sflag:s26] =	ssyncadd.s32 $0xFFFFFC00  }
0x442: {  	_ =	swait.ge [sflag:s26], $0x400  }
0x443: {  	[sflag:s26] =	ssyncset.done $0x0  }
0x444: {  	[sflag:s26] =	ssyncadd.s32 $0xFFFFFC00  }
0x445: {  	_ =	swait.ge [sflag:s26], $0x400  }
0x446: {  	[sflag:s26] =	ssyncset.done $0x0  }
0x447: {  	[sflag:s26] =	ssyncadd.s32 $0xFFFFFC00  }
0x448: {  	_ =	swait.ge [sflag:s26], $0x400  }
0x449: {  	[sflag:s26] =	ssyncset.done $0x0  }
0x44a: {  	[sflag:s26] =	ssyncadd.s32 $0xFFFFFC00  }
0x44b: {  	_ =	swait.ge [sflag:s26], $0x400  }
0x44c: {  	[sflag:s26] =	ssyncset.done $0x0  }
0x44d: {  	[sflag:s26] =	ssyncadd.s32 $0xFFFFFC00  }
0x44e: {  	_ =	swait.ge [sflag:s26], $0x400  }
0x44f: {  	[sflag:s26] =	ssyncset.done $0x0  }
0x450: {  	[sflag:s26] =	ssyncadd.s32 $0xFFFFFC00  }
0x451: {  	_ =	swait.ge [sflag:s26], $0x400  }
0x452: {  	[sflag:s26] =	ssyncset.done $0x0  }
0x453: {  	[sflag:s26] =	ssyncadd.s32 $0xFFFFFC00  }
0x454: {  	_ =	swait.ge [sflag:s26], $0x400  }
0x455: {  	[sflag:s26] =	ssyncset.done $0x0  }
0x456: {  	[sflag:s26] =	ssyncadd.s32 $0xFFFFFC00  }
0x457: {  	_ =	swait.ge [sflag:s26], $0x400  }
0x458: {  	[sflag:s26] =	ssyncset.done $0x0  }
0x459: {  	[sflag:s26] =	ssyncadd.s32 $0xFFFFFC00  }
0x45a: {  	_ =	swait.ge [sflag:s26], $0x400  }
0x45b: {  	[sflag:s26] =	ssyncset.done $0x0  }
0x45c: {  	[sflag:s26] =	ssyncadd.s32 $0xFFFFFC00  }
0x45d: {  	_ =	swait.ge [sflag:s26], $0x400  }
0x45e: {  	[sflag:s26] =	ssyncset.done $0x0  }
0x45f: {  	[sflag:s26] =	ssyncadd.s32 $0xFFFFFC00  }
0x460: {  	_ =	swait.ge [sflag:s26], $0x400  }
0x461: {  	[sflag:s26] =	ssyncset.done $0x0  }
0x462: {  	[sflag:s26] =	ssyncadd.s32 $0xFFFFFC00  }
0x463: {  	_ =	swait.ge [sflag:s26], $0x400  }
0x464: {  	[sflag:s26] =	ssyncset.done $0x0  }
0x465: {  	[sflag:s26] =	ssyncadd.s32 $0xFFFFFC00  }
0x466: {  	_ =	swait.ge [sflag:s26], $0x400  }
0x467: {  	[sflag:s26] =	ssyncset.done $0x0  }
0x468: {  	[sflag:s26] =	ssyncadd.s32 $0xFFFFFC00  }
0x469: {  	_ =	swait.ge [sflag:s26], $0x400  }
0x46a: {  	[sflag:s26] =	ssyncset.done $0x0  }
0x46b: {  	[sflag:s26] =	ssyncadd.s32 $0xFFFFFC00  }
0x46c: {  	_ =	swait.ge [sflag:s26], $0x400  }
0x46d: {  	[sflag:s26] =	ssyncset.done $0x0  }
0x46e: {  	[sflag:s26] =	ssyncadd.s32 $0xFFFFFC00  }
0x46f: {  	_ =	swait.ge [sflag:s26], $0x400  }
0x470: {  	[sflag:s26] =	ssyncset.done $0x0  }
0x471: {  	[sflag:s26] =	ssyncadd.s32 $0xFFFFFC00  }
0x472: {  	_ =	swait.ge [sflag:s26], $0x400  }
0x473: {  	[sflag:s26] =	ssyncset.done $0x0  }
0x474: {  	[sflag:s26] =	ssyncadd.s32 $0xFFFFFC00  }
0x475: {  	_ =	swait.ge [sflag:s26], $0x400  }
0x476: {  	[sflag:s26] =	ssyncset.done $0x0  }
0x477: {  	[sflag:s26] =	ssyncadd.s32 $0xFFFFFC00  }
0x478: {  	_ =	swait.ge [sflag:s26], $0x400  }
0x479: {  	[sflag:s26] =	ssyncset.done $0x0  }
0x47a: {  	[sflag:s26] =	ssyncadd.s32 $0xFFFFFC00  }
0x47b: {  	_ =	swait.ge [sflag:s26], $0x400  }
0x47c: {  	[sflag:s26] =	ssyncset.done $0x0  }
0x47d: {  	[sflag:s26] =	ssyncadd.s32 $0xFFFFFC00  }
0x47e: {  	_ =	swait.ge [sflag:s26], $0x400  }
0x47f: {  	[sflag:s26] =	ssyncset.done $0x0  }
0x480: {  	[sflag:s26] =	ssyncadd.s32 $0xFFFFFC00  }
0x481: {  	_ =	swait.ge [sflag:s26], $0x400  }
0x482: {  	[sflag:s26] =	ssyncset.done $0x0  }
0x483: {  	[sflag:s26] =	ssyncadd.s32 $0xFFFFFC00  }
0x484: {  	_ =	swait.ge [sflag:s26], $0x400  }
0x485: {  	[sflag:s26] =	ssyncset.done $0x0  }
0x486: {  	[sflag:s26] =	ssyncadd.s32 $0xFFFFFC00  }
0x487: {  	_ =	swait.ge [sflag:s26], $0x400  }
0x488: {  	[sflag:s26] =	ssyncset.done $0x0  }
0x489: {  	[sflag:s26] =	ssyncadd.s32 $0xFFFFFC00  }
0x48a: {  	_ =	swait.ge [sflag:s26], $0x400  }
0x48b: {  	[sflag:s26] =	ssyncset.done $0x0  }
0x48c: {  	[sflag:s26] =	ssyncadd.s32 $0xFFFFFC00  }
0x48d: {  	_ =	swait.ge [sflag:s26], $0x400  }
0x48e: {  	[sflag:s26] =	ssyncset.done $0x0  }
0x48f: {  	[sflag:s26] =	ssyncadd.s32 $0xFFFFFC00  }
0x490: {  	_ =	swait.ge [sflag:s26], $0x400  }
0x491: {  	[sflag:s26] =	ssyncset.done $0x0  }
0x492: {  	s9 =	sadd.s32 $0x1, s9;
	[sflag:s26] =	ssyncadd.s32 $0xFFFFFC00  }
0x493: {  	p0 =	sne.s32 s9, $0x5;
	_ =	swait.ge [sflag:s26], $0x400  }
.Ltmp5:
0x494: {  	[sflag:s26] =	ssyncset.done $0x0;
	(pc) =	sbr.rel @p0 .LBB2_10-.Ltmp5, $4  }
0x495: {  	[sflag:s26] =	ssyncadd.s32 $0xFFFFFC00  }
0x496: {  	_ =	swait.ge [sflag:s26], $0x400  }
0x497: {  	[sflag:s26] =	ssyncset.done $0x0  }
0x498: {  	[sflag:s26] =	ssyncadd.s32 $0xFFFFFC00  }
0x499: {  	v2 =	vld [tilespmem:$0x1FF90]  }
0x49a: {  	[bflag:$0x0] =	sbarrier.arrive $0xFFFF  }
0x49b: {  	v3 =	vld [tilespmem:$0x1FFB0];
	_ =	sdelay $0x1  }
0x49c: {  	s7 =	simm.s32 $0x0  }
0x49d: {  	v7 =	vor.u32 s7, v2  }
0x49e: {  	v6 =	vshll.u32 v7, $0x3  }
0x49f: {  	v6 =	vor.u32 v3, v6  }
0x4a0: {  	[tilespmem:s23], [sflag:$0x3] =	stream.linear.gather [spmem:s21], $0x1400, $0x38;
	[tilespmem:$0x10790] =	vst v63  }
0x4a1: {  	_ =	swait.ge [sflag:s17], $0x1400  }
0x4a2: {  	[sflag:s17] =	ssyncset.done $0x0  }
0x4a3: {  	[sflag:s17] =	ssyncadd.s32 $0xFFFFEC00  }
0x4a4: {  	v9 =	vld.idx.msk [tilespmem:v6+s28+$0x0], $0xffff  }
0x4a5: {  	v10 =	vld.idx.msk [tilespmem:v6+s23+$0x0], $0xffff;
	_ =	sdelay $0x1  }
0x4a6: {  	v8 =	vld.idx.msk [tilespmem:v7+s29+$0x0], $0xffff;
	_ =	sdelay $0x1  }
0x4a7: {  	v7 =	vld [tilespmem:$0xDD00]  }
0x4a8: {  	v9 =	vadd.f32 v9, v10;
	_ =	sdelay $0x1  }
0x4a9: {  	v9 =	vmul.f32 v9, v8;
	_ =	sdelay $0x1  }
0x4aa: {  	s24 =	simm.s32 $0x2;
	v10 =	vadd.f32 v9, v7  }
0x4ab: {  	v9 =	vor.u32 s24, v2  }
0x4ac: {  	s7 =	simm.s32 $0x4;
	v12 =	vshll.u32 v9, $0x3;
	v11 =	vmul.f32 $9.999999770e-03, v10  }
.LBB2_14:
0x4ad: {  	p0 =	sne.s32 s7, $0x27E;
	v12 =	vor.u32 v3, v12;
	vm0 =	vge.f32 v10, $0.0e+00  }
0x4ae: {  	v10 =	vsel vm0, v10, v11  }
0x4af: {  	v8 =	vmul.f32 v10, v8;
	_ =	sdelay $0x1  }
0x4b0: {  	[tilespmem:v6+s28+$0x0] =	vst.idx.msk $0xffff, v8;
	v6 =	vmov v12  }
0x4b1: {  	v10 =	vld.idx.msk [tilespmem:v12+s28+$0x0], $0xffff  }
0x4b2: {  	v11 =	vld.idx.msk [tilespmem:v12+s23+$0x0], $0xffff;
	_ =	sdelay $0x1  }
0x4b3: {  	v8 =	vld.idx.msk [tilespmem:v9+s29+$0x0], $0xffff;
	_ =	sdelay $0x3  }
0x4b4: {  	v9 =	vadd.f32 v10, v11;
	_ =	sdelay $0x1  }
.Ltmp6:
0x4b5: {  	v9 =	vmul.f32 v9, v8;
	(pc) =	sbr.rel @p0 .LBB2_14-.Ltmp6, $4  }
0x4b6: {  	_ = 	snop  }
0x4b7: {  	v10 =	vadd.f32 v9, v7  }
0x4b8: {  	v9 =	vor.u32 s7, v2  }
0x4b9: {  	s7 =	sadd.s32 $0x2, s7;
	v12 =	vshll.u32 v9, $0x3;
	v11 =	vmul.f32 $9.999999770e-03, v10  }
0x4ba: {  	v12 =	vor.u32 v3, v12;
	vm0 =	vge.f32 v10, $0.0e+00  }
0x4bb: {  	v10 =	vsel vm0, v10, v11  }
0x4bc: {  	v8 =	vmul.f32 v10, v8;
	_ =	sdelay $0x1  }
0x4bd: {  	[tilespmem:v6+s28+$0x0] =	vst.idx.msk $0xffff, v8  }
0x4be: {  	v6 =	vld.idx.msk [tilespmem:v12+s28+$0x0], $0xffff  }
0x4bf: {  	v8 =	vld.idx.msk [tilespmem:v12+s23+$0x0], $0xffff;
	_ =	sdelay $0x1  }
0x4c0: {  	v9 =	vld.idx.msk [tilespmem:v9+s29+$0x0], $0xffff;
	_ =	sdelay $0x2  }
0x4c1: {  	v6 =	vadd.f32 v6, v8;
	_ =	sdelay $0x1  }
0x4c2: {  	v6 =	vmul.f32 v6, v9;
	_ =	sdelay $0x1  }
0x4c3: {  	v6 =	vadd.f32 v6, v7;
	_ =	sdelay $0x1  }
0x4c4: {  	v7 =	vmul.f32 $9.999999770e-03, v6  }
0x4c5: {  	vm15 =	vge.f32 v6, $0.0e+00  }
0x4c6: {  	v6 =	vsel vm15, v6, v7  }
0x4c7: {  	s7 =	rddreg [dreg:$0x8];
	v6 =	vmul.f32 v6, v9  }
0x4c8: {  	s8 =	rddreg [dreg:$0xb]  }
0x4c9: {  	s9 =	rddreg [dreg:$0xc];
	[tilespmem:v12+s28+$0x0] =	vst.idx.msk $0xffff, v6  }
0x4ca: {  	[spmem:s9], [sflag:s8] =	dma.local [hbm:s7], $0x280  }
0x4cb: {  	_ =	swait.ge [sflag:s17], $0x280  }
0x4cc: {  	[sflag:s17] =	ssyncset.done $0x0  }
0x4cd: {  	s24 =	rddreg [dreg:$0x9];
	[sflag:s17] =	ssyncadd.s32 $0xFFFFFD80  }
0x4ce: {  	[spmem:s24] =	stream.linear.scatter [tilespmem:s28], [sflag:$0x3], $0x1400, $0x38;
	[tilespmem:$0x10790] =	vst v63  }
0x4cf: {  	_ =	swait.ge [sflag:s17], $0x1400  }
0x4d0: {  	[sflag:s17] =	ssyncset.done $0x0  }
0x4d1: {  	[sflag:s17] =	ssyncadd.s32 $0xFFFFEC00  }
0x4d2: {  	s7 =	simm.s32 $0x0;
	s9 =	simm.s32 $0x0;
	[bflag:$0x0] =	sbarrier.arrive $0xFFFF  }
.LBB2_16:
0x4d3: {  	s8 =	sshll.u32 s9, $0xC  }
0x4d4: {  	s8 =	sadd.s32 s11, s8  }
0x4d5: {  	s8 =	sshrl.u32 s8, $0x3  }
0x4d6: {  	s13 =	sadd.s32 s8, s14  }
0x4d7: {  	[tilespmem:s7], [sflag:$0x3] =	stream.linear.gather [hbm4b:s13+s7], $0x1000, $0x38;
	[tilespmem:$0x10790] =	vst v63  }
0x4d8: {  	_ =	swait.ge [sflag:s17], $0x1000  }
0x4d9: {  	[sflag:s17] =	ssyncset.done $0x0  }
0x4da: {  	s19 =	sadd.s32 s8, s10;
	s13 =	simm.s32 $0x1000;
	[sflag:s17] =	ssyncadd.s32 $0xFFFFF000  }
0x4db: {  	[tilespmem:s13], [sflag:$0x3] =	stream.linear.gather [hbm4b:s19+s7], $0x1000, $0x38;
	[tilespmem:$0x10790] =	vst v63  }
0x4dc: {  	_ =	swait.ge [sflag:s17], $0x1000  }
0x4dd: {  	[sflag:s17] =	ssyncset.done $0x0  }
0x4de: {  	s8 =	sadd.s32 s8, s12;
	[sflag:s17] =	ssyncadd.s32 $0xFFFFF000  }
0x4df: {  	[tilespmem:s22], [sflag:$0x3] =	stream.linear.gather [hbm4b:s8+s7], $0x1000, $0x38;
	[tilespmem:$0x10790] =	vst v63  }
0x4e0: {  	_ =	swait.ge [sflag:s17], $0x1000  }
0x4e1: {  	[sflag:s17] =	ssyncset.done $0x0  }
0x4e2: {  	s19 =	simm.s32 $0x3000;
	[sflag:s17] =	ssyncadd.s32 $0xFFFFF000  }
0x4e3: {  	[tilespmem:s19], [sflag:$0x1] =	stream.indirect.gather [spmem:s4], $0x8, s7, s25, $0xb8;
	[tilespmem:$0x10790] =	vst v63  }
0x4e4: {  	s20 =	simm.s32 $0x3400  }
0x4e5: {  	[tilespmem:s20], [sflag:$0x1] =	stream.indirect.gather [spmem:s4], $0x8, s25, s25, $0xb8;
	[tilespmem:$0x10790] =	vst v63  }
0x4e6: {  	s24 =	simm.s32 $0x100;
	s20 =	simm.s32 $0x3800  }
0x4e7: {  	[tilespmem:s20], [sflag:$0x1] =	stream.indirect.gather [spmem:s4], $0x8, s24, s25, $0xb8;
	[tilespmem:$0x10790] =	vst v63  }
0x4e8: {  	s20 =	simm.s32 $0x180;
	s24 =	simm.s32 $0x3C00  }
0x4e9: {  	[tilespmem:s24], [sflag:$0x1] =	stream.indirect.gather [spmem:s4], $0x8, s20, s25, $0xb8;
	[tilespmem:$0x10790] =	vst v63  }
0x4ea: {  	s20 =	simm.s32 $0x200;
	s24 =	simm.s32 $0x4000  }
0x4eb: {  	[tilespmem:s24], [sflag:$0x1] =	stream.indirect.gather [spmem:s4], $0x8, s20, s25, $0xb8;
	[tilespmem:$0x10790] =	vst v63  }
0x4ec: {  	s20 =	simm.s32 $0x280;
	s24 =	simm.s32 $0x4400  }
0x4ed: {  	[tilespmem:s24], [sflag:$0x1] =	stream.indirect.gather [spmem:s4], $0x8, s20, s25, $0xb8;
	[tilespmem:$0x10790] =	vst v63  }
0x4ee: {  	s20 =	simm.s32 $0x300;
	s24 =	simm.s32 $0x4800  }
0x4ef: {  	[tilespmem:s24], [sflag:$0x1] =	stream.indirect.gather [spmem:s4], $0x8, s20, s25, $0xb8;
	[tilespmem:$0x10790] =	vst v63  }
0x4f0: {  	s20 =	simm.s32 $0x380;
	s24 =	simm.s32 $0x4C00  }
0x4f1: {  	[tilespmem:s24], [sflag:$0x1] =	stream.indirect.gather [spmem:s4], $0x8, s20, s25, $0xb8;
	[tilespmem:$0x10790] =	vst v63  }
0x4f2: {  	s20 =	simm.s32 $0x400;
	s24 =	simm.s32 $0x5000  }
0x4f3: {  	[tilespmem:s24], [sflag:$0x1] =	stream.indirect.gather [spmem:s4], $0x8, s20, s25, $0xb8;
	[tilespmem:$0x10790] =	vst v63  }
0x4f4: {  	s20 =	simm.s32 $0x480;
	s24 =	simm.s32 $0x5400  }
0x4f5: {  	[tilespmem:s24], [sflag:$0x1] =	stream.indirect.gather [spmem:s4], $0x8, s20, s25, $0xb8;
	[tilespmem:$0x10790] =	vst v63  }
0x4f6: {  	s20 =	simm.s32 $0x500;
	s24 =	simm.s32 $0x5800  }
0x4f7: {  	[tilespmem:s24], [sflag:$0x1] =	stream.indirect.gather [spmem:s4], $0x8, s20, s25, $0xb8;
	[tilespmem:$0x10790] =	vst v63  }
0x4f8: {  	s20 =	simm.s32 $0x580;
	s24 =	simm.s32 $0x5C00  }
0x4f9: {  	[tilespmem:s24], [sflag:$0x1] =	stream.indirect.gather [spmem:s4], $0x8, s20, s25, $0xb8;
	[tilespmem:$0x10790] =	vst v63  }
0x4fa: {  	s20 =	simm.s32 $0x600;
	s24 =	simm.s32 $0x6000  }
0x4fb: {  	[tilespmem:s24], [sflag:$0x1] =	stream.indirect.gather [spmem:s4], $0x8, s20, s25, $0xb8;
	[tilespmem:$0x10790] =	vst v63  }
0x4fc: {  	s20 =	simm.s32 $0x680;
	s24 =	simm.s32 $0x6400  }
0x4fd: {  	[tilespmem:s24], [sflag:$0x1] =	stream.indirect.gather [spmem:s4], $0x8, s20, s25, $0xb8;
	[tilespmem:$0x10790] =	vst v63  }
0x4fe: {  	s20 =	simm.s32 $0x700;
	s24 =	simm.s32 $0x6800  }
0x4ff: {  	[tilespmem:s24], [sflag:$0x1] =	stream.indirect.gather [spmem:s4], $0x8, s20, s25, $0xb8;
	[tilespmem:$0x10790] =	vst v63  }
0x500: {  	s20 =	simm.s32 $0x780;
	s24 =	simm.s32 $0x6C00  }
0x501: {  	[tilespmem:s24], [sflag:$0x1] =	stream.indirect.gather [spmem:s4], $0x8, s20, s25, $0xb8;
	[tilespmem:$0x10790] =	vst v63  }
0x502: {  	s20 =	simm.s32 $0x800;
	s24 =	simm.s32 $0x7000  }
0x503: {  	[tilespmem:s24], [sflag:$0x1] =	stream.indirect.gather [spmem:s4], $0x8, s20, s25, $0xb8;
	[tilespmem:$0x10790] =	vst v63  }
0x504: {  	s20 =	simm.s32 $0x880;
	s24 =	simm.s32 $0x7400  }
0x505: {  	[tilespmem:s24], [sflag:$0x1] =	stream.indirect.gather [spmem:s4], $0x8, s20, s25, $0xb8;
	[tilespmem:$0x10790] =	vst v63  }
0x506: {  	s20 =	simm.s32 $0x900;
	s24 =	simm.s32 $0x7800  }
0x507: {  	[tilespmem:s24], [sflag:$0x1] =	stream.indirect.gather [spmem:s4], $0x8, s20, s25, $0xb8;
	[tilespmem:$0x10790] =	vst v63  }
0x508: {  	s20 =	simm.s32 $0x980;
	s24 =	simm.s32 $0x7C00  }
0x509: {  	[tilespmem:s24], [sflag:$0x1] =	stream.indirect.gather [spmem:s4], $0x8, s20, s25, $0xb8;
	[tilespmem:$0x10790] =	vst v63  }
0x50a: {  	s20 =	simm.s32 $0xA00;
	s24 =	simm.s32 $0x8000  }
0x50b: {  	[tilespmem:s24], [sflag:$0x1] =	stream.indirect.gather [spmem:s4], $0x8, s20, s25, $0xb8;
	[tilespmem:$0x10790] =	vst v63  }
0x50c: {  	s20 =	simm.s32 $0xA80;
	s24 =	simm.s32 $0x8400  }
0x50d: {  	[tilespmem:s24], [sflag:$0x1] =	stream.indirect.gather [spmem:s4], $0x8, s20, s25, $0xb8;
	[tilespmem:$0x10790] =	vst v63  }
0x50e: {  	s20 =	simm.s32 $0xB00;
	s24 =	simm.s32 $0x8800  }
0x50f: {  	[tilespmem:s24], [sflag:$0x1] =	stream.indirect.gather [spmem:s4], $0x8, s20, s25, $0xb8;
	[tilespmem:$0x10790] =	vst v63  }
0x510: {  	s20 =	simm.s32 $0xB80;
	s24 =	simm.s32 $0x8C00  }
0x511: {  	[tilespmem:s24], [sflag:$0x1] =	stream.indirect.gather [spmem:s4], $0x8, s20, s25, $0xb8;
	[tilespmem:$0x10790] =	vst v63  }
0x512: {  	s20 =	simm.s32 $0xC00;
	s24 =	simm.s32 $0x9000  }
0x513: {  	[tilespmem:s24], [sflag:$0x1] =	stream.indirect.gather [spmem:s4], $0x8, s20, s25, $0xb8;
	[tilespmem:$0x10790] =	vst v63  }
0x514: {  	s20 =	simm.s32 $0xC80;
	s24 =	simm.s32 $0x9400  }
0x515: {  	[tilespmem:s24], [sflag:$0x1] =	stream.indirect.gather [spmem:s4], $0x8, s20, s25, $0xb8;
	[tilespmem:$0x10790] =	vst v63  }
0x516: {  	s20 =	simm.s32 $0xD00;
	s24 =	simm.s32 $0x9800  }
0x517: {  	[tilespmem:s24], [sflag:$0x1] =	stream.indirect.gather [spmem:s4], $0x8, s20, s25, $0xb8;
	[tilespmem:$0x10790] =	vst v63  }
0x518: {  	s20 =	simm.s32 $0xD80;
	s24 =	simm.s32 $0x9C00  }
0x519: {  	[tilespmem:s24], [sflag:$0x1] =	stream.indirect.gather [spmem:s4], $0x8, s20, s25, $0xb8;
	[tilespmem:$0x10790] =	vst v63  }
0x51a: {  	s24 =	simm.s32 $0xE00  }
0x51b: {  	[tilespmem:s30], [sflag:$0x1] =	stream.indirect.gather [spmem:s4], $0x8, s24, s25, $0xb8;
	[tilespmem:$0x10790] =	vst v63  }
0x51c: {  	_ = 	snop  }
0x51d: {  	[tilespmem:s0], [sflag:$0x1] =	stream.indirect.gather [spmem:s4], $0x8, s31, s25, $0xb8;
	[tilespmem:$0x10790] =	vst v63  }
0x51e: {  	_ = 	snop  }
0x51f: {  	[tilespmem:s1], [sflag:$0x1] =	stream.indirect.gather [spmem:s4], $0x8, s5, s25, $0xb8;
	[tilespmem:$0x10790] =	vst v63  }
0x520: {  	_ = 	snop  }
0x521: {  	[tilespmem:s18], [sflag:$0x1] =	stream.indirect.gather [spmem:s4], $0x8, s16, s25, $0xb8;
	[tilespmem:$0x10790] =	vst v63  }
0x522: {  	_ =	swait.ge [sflag:s6], $0x400  }
0x523: {  	[sflag:s6] =	ssyncset.done $0x0  }
0x524: {  	[sflag:s6] =	ssyncadd.s32 $0xFFFFFC00  }
0x525: {  	_ =	swait.ge [sflag:s6], $0x400  }
0x526: {  	[sflag:s6] =	ssyncset.done $0x0  }
0x527: {  	[sflag:s6] =	ssyncadd.s32 $0xFFFFFC00  }
0x528: {  	_ =	swait.ge [sflag:s6], $0x400  }
0x529: {  	[sflag:s6] =	ssyncset.done $0x0  }
0x52a: {  	[sflag:s6] =	ssyncadd.s32 $0xFFFFFC00  }
0x52b: {  	_ =	swait.ge [sflag:s6], $0x400  }
0x52c: {  	[sflag:s6] =	ssyncset.done $0x0  }
0x52d: {  	[sflag:s6] =	ssyncadd.s32 $0xFFFFFC00  }
0x52e: {  	_ =	swait.ge [sflag:s6], $0x400  }
0x52f: {  	[sflag:s6] =	ssyncset.done $0x0  }
0x530: {  	[sflag:s6] =	ssyncadd.s32 $0xFFFFFC00  }
0x531: {  	_ =	swait.ge [sflag:s6], $0x400  }
0x532: {  	[sflag:s6] =	ssyncset.done $0x0  }
0x533: {  	[sflag:s6] =	ssyncadd.s32 $0xFFFFFC00  }
0x534: {  	_ =	swait.ge [sflag:s6], $0x400  }
0x535: {  	[sflag:s6] =	ssyncset.done $0x0  }
0x536: {  	[sflag:s6] =	ssyncadd.s32 $0xFFFFFC00  }
0x537: {  	_ =	swait.ge [sflag:s6], $0x400  }
0x538: {  	[sflag:s6] =	ssyncset.done $0x0  }
0x539: {  	[sflag:s6] =	ssyncadd.s32 $0xFFFFFC00  }
0x53a: {  	_ =	swait.ge [sflag:s6], $0x400  }
0x53b: {  	[sflag:s6] =	ssyncset.done $0x0  }
0x53c: {  	[sflag:s6] =	ssyncadd.s32 $0xFFFFFC00  }
0x53d: {  	_ =	swait.ge [sflag:s6], $0x400  }
0x53e: {  	[sflag:s6] =	ssyncset.done $0x0  }
0x53f: {  	[sflag:s6] =	ssyncadd.s32 $0xFFFFFC00  }
0x540: {  	_ =	swait.ge [sflag:s6], $0x400  }
0x541: {  	[sflag:s6] =	ssyncset.done $0x0  }
0x542: {  	[sflag:s6] =	ssyncadd.s32 $0xFFFFFC00  }
0x543: {  	_ =	swait.ge [sflag:s6], $0x400  }
0x544: {  	[sflag:s6] =	ssyncset.done $0x0  }
0x545: {  	[sflag:s6] =	ssyncadd.s32 $0xFFFFFC00  }
0x546: {  	_ =	swait.ge [sflag:s6], $0x400  }
0x547: {  	[sflag:s6] =	ssyncset.done $0x0  }
0x548: {  	[sflag:s6] =	ssyncadd.s32 $0xFFFFFC00  }
0x549: {  	_ =	swait.ge [sflag:s6], $0x400  }
0x54a: {  	[sflag:s6] =	ssyncset.done $0x0  }
0x54b: {  	[sflag:s6] =	ssyncadd.s32 $0xFFFFFC00  }
0x54c: {  	_ =	swait.ge [sflag:s6], $0x400  }
0x54d: {  	[sflag:s6] =	ssyncset.done $0x0  }
0x54e: {  	[sflag:s6] =	ssyncadd.s32 $0xFFFFFC00  }
0x54f: {  	_ =	swait.ge [sflag:s6], $0x400  }
0x550: {  	[sflag:s6] =	ssyncset.done $0x0  }
0x551: {  	[sflag:s6] =	ssyncadd.s32 $0xFFFFFC00  }
0x552: {  	_ =	swait.ge [sflag:s6], $0x400  }
0x553: {  	[sflag:s6] =	ssyncset.done $0x0  }
0x554: {  	[sflag:s6] =	ssyncadd.s32 $0xFFFFFC00  }
0x555: {  	_ =	swait.ge [sflag:s6], $0x400  }
0x556: {  	[sflag:s6] =	ssyncset.done $0x0  }
0x557: {  	[sflag:s6] =	ssyncadd.s32 $0xFFFFFC00  }
0x558: {  	_ =	swait.ge [sflag:s6], $0x400  }
0x559: {  	[sflag:s6] =	ssyncset.done $0x0  }
0x55a: {  	[sflag:s6] =	ssyncadd.s32 $0xFFFFFC00  }
0x55b: {  	_ =	swait.ge [sflag:s6], $0x400  }
0x55c: {  	[sflag:s6] =	ssyncset.done $0x0  }
0x55d: {  	[sflag:s6] =	ssyncadd.s32 $0xFFFFFC00  }
0x55e: {  	_ =	swait.ge [sflag:s6], $0x400  }
0x55f: {  	[sflag:s6] =	ssyncset.done $0x0  }
0x560: {  	[sflag:s6] =	ssyncadd.s32 $0xFFFFFC00  }
0x561: {  	_ =	swait.ge [sflag:s6], $0x400  }
0x562: {  	[sflag:s6] =	ssyncset.done $0x0  }
0x563: {  	[sflag:s6] =	ssyncadd.s32 $0xFFFFFC00  }
0x564: {  	_ =	swait.ge [sflag:s6], $0x400  }
0x565: {  	[sflag:s6] =	ssyncset.done $0x0  }
0x566: {  	[sflag:s6] =	ssyncadd.s32 $0xFFFFFC00  }
0x567: {  	_ =	swait.ge [sflag:s6], $0x400  }
0x568: {  	[sflag:s6] =	ssyncset.done $0x0  }
0x569: {  	[sflag:s6] =	ssyncadd.s32 $0xFFFFFC00  }
0x56a: {  	_ =	swait.ge [sflag:s6], $0x400  }
0x56b: {  	[sflag:s6] =	ssyncset.done $0x0  }
0x56c: {  	[sflag:s6] =	ssyncadd.s32 $0xFFFFFC00  }
0x56d: {  	_ =	swait.ge [sflag:s6], $0x400  }
0x56e: {  	[sflag:s6] =	ssyncset.done $0x0  }
0x56f: {  	[sflag:s6] =	ssyncadd.s32 $0xFFFFFC00  }
0x570: {  	_ =	swait.ge [sflag:s6], $0x400  }
0x571: {  	[sflag:s6] =	ssyncset.done $0x0  }
0x572: {  	[sflag:s6] =	ssyncadd.s32 $0xFFFFFC00  }
0x573: {  	_ =	swait.ge [sflag:s6], $0x400  }
0x574: {  	[sflag:s6] =	ssyncset.done $0x0  }
0x575: {  	[sflag:s6] =	ssyncadd.s32 $0xFFFFFC00  }
0x576: {  	_ =	swait.ge [sflag:s6], $0x400  }
0x577: {  	[sflag:s6] =	ssyncset.done $0x0  }
0x578: {  	[sflag:s6] =	ssyncadd.s32 $0xFFFFFC00  }
0x579: {  	_ =	swait.ge [sflag:s6], $0x400  }
0x57a: {  	[sflag:s6] =	ssyncset.done $0x0  }
0x57b: {  	[sflag:s6] =	ssyncadd.s32 $0xFFFFFC00  }
0x57c: {  	_ =	swait.ge [sflag:s6], $0x400  }
0x57d: {  	[sflag:s6] =	ssyncset.done $0x0  }
0x57e: {  	[sflag:s6] =	ssyncadd.s32 $0xFFFFFC00  }
0x57f: {  	_ =	swait.ge [sflag:s6], $0x400  }
0x580: {  	v17 =	vld [tilespmem:$0x1FE20]  }
0x581: {  	v18 =	vld [tilespmem:$0x1FE30]  }
0x582: {  	v19 =	vld [tilespmem:$0x1FE40]  }
0x583: {  	v20 =	vld [tilespmem:$0x1FE50]  }
0x584: {  	v21 =	vld [tilespmem:$0x1FE60]  }
0x585: {  	v22 =	vld [tilespmem:$0x1FE70]  }
0x586: {  	v23 =	vld [tilespmem:$0x1FE80]  }
0x587: {  	v24 =	vld [tilespmem:$0x1FE90]  }
0x588: {  	v25 =	vld [tilespmem:$0x1FEA0]  }
0x589: {  	v26 =	vld [tilespmem:$0x1FEB0]  }
0x58a: {  	v27 =	vld [tilespmem:$0x1FEC0]  }
0x58b: {  	v28 =	vld [tilespmem:$0x1FED0]  }
0x58c: {  	v29 =	vld [tilespmem:$0x1FEE0]  }
0x58d: {  	v30 =	vld [tilespmem:$0x1FEF0]  }
0x58e: {  	v31 =	vld [tilespmem:$0x1FF00]  }
0x58f: {  	v32 =	vld [tilespmem:$0x1FF10]  }
0x590: {  	v33 =	vld [tilespmem:$0x1FF20]  }
0x591: {  	v34 =	vld [tilespmem:$0x1FF30]  }
0x592: {  	v35 =	vld [tilespmem:$0x1FF40]  }
0x593: {  	v36 =	vld [tilespmem:$0x1FF50]  }
0x594: {  	v37 =	vld [tilespmem:$0x1FF60]  }
0x595: {  	v38 =	vld [tilespmem:$0x1FF70]  }
0x596: {  	v2 =	vld [tilespmem:$0x1FF80]  }
0x597: {  	v3 =	vld [tilespmem:$0x1FFA0]  }
0x598: {  	v10 =	vld [tilespmem:$0x1FFC0]  }
0x599: {  	v11 =	vld [tilespmem:$0x1FFD0]  }
0x59a: {  	v12 =	vld [tilespmem:$0x1FFE0]  }
0x59b: {  	v13 =	vld [tilespmem:$0x1FFF0]  }
0x59c: {  	v14 =	vld [tilespmem:$0x1FDB0]  }
0x59d: {  	[sflag:s6] =	ssyncset.done $0x0;
	v15 =	vld [tilespmem:$0x1FDC0]  }
0x59e: {  	s8 =	simm.s32 $0x2040;
	s20 =	simm.s32 $0x0;
	v16 =	vld [tilespmem:$0x1FDD0];
	[sflag:s6] =	ssyncadd.s32 $0xFFFFFC00  }
.LBB2_17:
0x59f: {  	s24 =	sshll.u32 s20, $0xA  }
0x5a0: {  	v6 =	vor.u32 s24, v0;
	_ =	sdelay $0x3  }
0x5a1: {  	v7 =	vld [tilespmem:s8+$0xFFFFFFC0]  }
0x5a2: {  	v8 =	vld.idx.msk [tilespmem:v6+s15+$0x0], $0xffff;
	_ =	sdelay $0x2  }
0x5a3: {  	v9 =	vor.u32 s24, v14;
	_ =	sdelay $0x1  }
0x5a4: {  	v8 =	vmul.f32 v8, v7;
	_ =	sdelay $0x1  }
0x5a5: {  	[tilespmem:v6+s15+$0x0] =	vst.idx.msk $0xffff, v8  }
0x5a6: {  	v6 =	vld.idx.msk [tilespmem:v9+s15+$0x0], $0xffff;
	_ =	sdelay $0x2  }
0x5a7: {  	v8 =	vor.u32 s24, v15;
	_ =	sdelay $0x1  }
0x5a8: {  	v6 =	vmul.f32 v6, v7;
	_ =	sdelay $0x1  }
0x5a9: {  	[tilespmem:v9+s15+$0x0] =	vst.idx.msk $0xffff, v6  }
0x5aa: {  	v6 =	vld.idx.msk [tilespmem:v8+s15+$0x0], $0xffff;
	_ =	sdelay $0x2  }
0x5ab: {  	v9 =	vor.u32 s24, v16;
	_ =	sdelay $0x1  }
0x5ac: {  	v6 =	vmul.f32 v6, v7;
	_ =	sdelay $0x1  }
0x5ad: {  	[tilespmem:v8+s15+$0x0] =	vst.idx.msk $0xffff, v6;
	v8 =	vld [tilespmem:$0x1FDE0]  }
0x5ae: {  	v6 =	vld.idx.msk [tilespmem:v9+s15+$0x0], $0xffff;
	_ =	sdelay $0x3  }
0x5af: {  	v8 =	vor.u32 s24, v8  }
0x5b0: {  	v6 =	vmul.f32 v6, v7;
	_ =	sdelay $0x1  }
0x5b1: {  	[tilespmem:v9+s15+$0x0] =	vst.idx.msk $0xffff, v6;
	v9 =	vld [tilespmem:$0x1FDF0];
	_ =	sdelay $0x1  }
0x5b2: {  	v6 =	vld.idx.msk [tilespmem:v8+s15+$0x0], $0xffff;
	_ =	sdelay $0x2  }
0x5b3: {  	v9 =	vor.u32 s24, v9;
	_ =	sdelay $0x1  }
0x5b4: {  	v6 =	vmul.f32 v6, v7;
	_ =	sdelay $0x1  }
0x5b5: {  	[tilespmem:v8+s15+$0x0] =	vst.idx.msk $0xffff, v6;
	v8 =	vld [tilespmem:$0x1FE00]  }
0x5b6: {  	v6 =	vld.idx.msk [tilespmem:v9+s15+$0x0], $0xffff;
	_ =	sdelay $0x3  }
0x5b7: {  	v8 =	vor.u32 s24, v8  }
0x5b8: {  	v6 =	vmul.f32 v6, v7;
	_ =	sdelay $0x1  }
0x5b9: {  	[tilespmem:v9+s15+$0x0] =	vst.idx.msk $0xffff, v6;
	v9 =	vld [tilespmem:$0x1FE10];
	_ =	sdelay $0x1  }
0x5ba: {  	v6 =	vld.idx.msk [tilespmem:v8+s15+$0x0], $0xffff;
	_ =	sdelay $0x2  }
0x5bb: {  	v9 =	vor.u32 s24, v9;
	_ =	sdelay $0x1  }
0x5bc: {  	v6 =	vmul.f32 v6, v7;
	_ =	sdelay $0x1  }
0x5bd: {  	[tilespmem:v8+s15+$0x0] =	vst.idx.msk $0xffff, v6  }
0x5be: {  	v6 =	vld.idx.msk [tilespmem:v9+s15+$0x0], $0xffff;
	_ =	sdelay $0x3  }
0x5bf: {  	v8 =	vor.u32 s24, v17  }
0x5c0: {  	v6 =	vmul.f32 v6, v7;
	_ =	sdelay $0x1  }
0x5c1: {  	[tilespmem:v9+s15+$0x0] =	vst.idx.msk $0xffff, v6  }
0x5c2: {  	v6 =	vld [tilespmem:s8+$0xFFFFFFD0]  }
0x5c3: {  	v7 =	vld.idx.msk [tilespmem:v8+s15+$0x0], $0xffff;
	_ =	sdelay $0x2  }
0x5c4: {  	v9 =	vor.u32 s24, v18;
	_ =	sdelay $0x1  }
0x5c5: {  	v7 =	vmul.f32 v7, v6;
	_ =	sdelay $0x1  }
0x5c6: {  	[tilespmem:v8+s15+$0x0] =	vst.idx.msk $0xffff, v7  }
0x5c7: {  	v7 =	vld.idx.msk [tilespmem:v9+s15+$0x0], $0xffff;
	_ =	sdelay $0x2  }
0x5c8: {  	v8 =	vor.u32 s24, v19;
	_ =	sdelay $0x1  }
0x5c9: {  	v7 =	vmul.f32 v7, v6;
	_ =	sdelay $0x1  }
0x5ca: {  	[tilespmem:v9+s15+$0x0] =	vst.idx.msk $0xffff, v7  }
0x5cb: {  	v7 =	vld.idx.msk [tilespmem:v8+s15+$0x0], $0xffff;
	_ =	sdelay $0x2  }
0x5cc: {  	v9 =	vor.u32 s24, v20;
	_ =	sdelay $0x1  }
0x5cd: {  	v7 =	vmul.f32 v7, v6;
	_ =	sdelay $0x1  }
0x5ce: {  	[tilespmem:v8+s15+$0x0] =	vst.idx.msk $0xffff, v7  }
0x5cf: {  	v7 =	vld.idx.msk [tilespmem:v9+s15+$0x0], $0xffff;
	_ =	sdelay $0x2  }
0x5d0: {  	v8 =	vor.u32 s24, v21;
	_ =	sdelay $0x1  }
0x5d1: {  	v7 =	vmul.f32 v7, v6;
	_ =	sdelay $0x1  }
0x5d2: {  	[tilespmem:v9+s15+$0x0] =	vst.idx.msk $0xffff, v7  }
0x5d3: {  	v7 =	vld.idx.msk [tilespmem:v8+s15+$0x0], $0xffff;
	_ =	sdelay $0x2  }
0x5d4: {  	v9 =	vor.u32 s24, v22;
	_ =	sdelay $0x1  }
0x5d5: {  	v7 =	vmul.f32 v7, v6;
	_ =	sdelay $0x1  }
0x5d6: {  	[tilespmem:v8+s15+$0x0] =	vst.idx.msk $0xffff, v7  }
0x5d7: {  	v7 =	vld.idx.msk [tilespmem:v9+s15+$0x0], $0xffff;
	_ =	sdelay $0x2  }
0x5d8: {  	v8 =	vor.u32 s24, v23;
	_ =	sdelay $0x1  }
0x5d9: {  	v7 =	vmul.f32 v7, v6;
	_ =	sdelay $0x1  }
0x5da: {  	[tilespmem:v9+s15+$0x0] =	vst.idx.msk $0xffff, v7  }
0x5db: {  	v7 =	vld.idx.msk [tilespmem:v8+s15+$0x0], $0xffff;
	_ =	sdelay $0x2  }
0x5dc: {  	v9 =	vor.u32 s24, v24;
	_ =	sdelay $0x1  }
0x5dd: {  	v7 =	vmul.f32 v7, v6;
	_ =	sdelay $0x1  }
0x5de: {  	[tilespmem:v8+s15+$0x0] =	vst.idx.msk $0xffff, v7  }
0x5df: {  	v7 =	vld.idx.msk [tilespmem:v9+s15+$0x0], $0xffff;
	_ =	sdelay $0x3  }
0x5e0: {  	v8 =	vor.u32 s24, v25  }
0x5e1: {  	v6 =	vmul.f32 v7, v6;
	_ =	sdelay $0x1  }
0x5e2: {  	[tilespmem:v9+s15+$0x0] =	vst.idx.msk $0xffff, v6  }
0x5e3: {  	v6 =	vld [tilespmem:s8+$0xFFFFFFE0]  }
0x5e4: {  	v7 =	vld.idx.msk [tilespmem:v8+s15+$0x0], $0xffff;
	_ =	sdelay $0x2  }
0x5e5: {  	v9 =	vor.u32 s24, v26;
	_ =	sdelay $0x1  }
0x5e6: {  	v7 =	vmul.f32 v7, v6;
	_ =	sdelay $0x1  }
0x5e7: {  	[tilespmem:v8+s15+$0x0] =	vst.idx.msk $0xffff, v7  }
0x5e8: {  	v7 =	vld.idx.msk [tilespmem:v9+s15+$0x0], $0xffff;
	_ =	sdelay $0x2  }
0x5e9: {  	v8 =	vor.u32 s24, v27;
	_ =	sdelay $0x1  }
0x5ea: {  	v7 =	vmul.f32 v7, v6;
	_ =	sdelay $0x1  }
0x5eb: {  	[tilespmem:v9+s15+$0x0] =	vst.idx.msk $0xffff, v7  }
0x5ec: {  	v7 =	vld.idx.msk [tilespmem:v8+s15+$0x0], $0xffff;
	_ =	sdelay $0x2  }
0x5ed: {  	v9 =	vor.u32 s24, v28;
	_ =	sdelay $0x1  }
0x5ee: {  	v7 =	vmul.f32 v7, v6;
	_ =	sdelay $0x1  }
0x5ef: {  	[tilespmem:v8+s15+$0x0] =	vst.idx.msk $0xffff, v7  }
0x5f0: {  	v7 =	vld.idx.msk [tilespmem:v9+s15+$0x0], $0xffff;
	_ =	sdelay $0x2  }
0x5f1: {  	v8 =	vor.u32 s24, v29;
	_ =	sdelay $0x1  }
0x5f2: {  	v7 =	vmul.f32 v7, v6;
	_ =	sdelay $0x1  }
0x5f3: {  	[tilespmem:v9+s15+$0x0] =	vst.idx.msk $0xffff, v7  }
0x5f4: {  	v7 =	vld.idx.msk [tilespmem:v8+s15+$0x0], $0xffff;
	_ =	sdelay $0x2  }
0x5f5: {  	v9 =	vor.u32 s24, v30;
	_ =	sdelay $0x1  }
0x5f6: {  	v7 =	vmul.f32 v7, v6;
	_ =	sdelay $0x1  }
0x5f7: {  	[tilespmem:v8+s15+$0x0] =	vst.idx.msk $0xffff, v7  }
0x5f8: {  	v7 =	vld.idx.msk [tilespmem:v9+s15+$0x0], $0xffff;
	_ =	sdelay $0x2  }
0x5f9: {  	v8 =	vor.u32 s24, v31;
	_ =	sdelay $0x1  }
0x5fa: {  	v7 =	vmul.f32 v7, v6;
	_ =	sdelay $0x1  }
0x5fb: {  	[tilespmem:v9+s15+$0x0] =	vst.idx.msk $0xffff, v7  }
0x5fc: {  	v7 =	vld.idx.msk [tilespmem:v8+s15+$0x0], $0xffff;
	_ =	sdelay $0x2  }
0x5fd: {  	v9 =	vor.u32 s24, v32;
	_ =	sdelay $0x1  }
0x5fe: {  	v7 =	vmul.f32 v7, v6;
	_ =	sdelay $0x1  }
0x5ff: {  	[tilespmem:v8+s15+$0x0] =	vst.idx.msk $0xffff, v7  }
0x600: {  	v7 =	vld.idx.msk [tilespmem:v9+s15+$0x0], $0xffff;
	_ =	sdelay $0x3  }
0x601: {  	v8 =	vor.u32 s24, v33  }
0x602: {  	v6 =	vmul.f32 v7, v6;
	_ =	sdelay $0x1  }
0x603: {  	[tilespmem:v9+s15+$0x0] =	vst.idx.msk $0xffff, v6  }
0x604: {  	v6 =	vld [tilespmem:s8+$0xFFFFFFF0]  }
0x605: {  	v7 =	vld.idx.msk [tilespmem:v8+s15+$0x0], $0xffff;
	_ =	sdelay $0x2  }
0x606: {  	v9 =	vor.u32 s24, v34;
	_ =	sdelay $0x1  }
0x607: {  	v7 =	vmul.f32 v7, v6;
	_ =	sdelay $0x1  }
0x608: {  	[tilespmem:v8+s15+$0x0] =	vst.idx.msk $0xffff, v7  }
0x609: {  	v7 =	vld.idx.msk [tilespmem:v9+s15+$0x0], $0xffff;
	_ =	sdelay $0x2  }
0x60a: {  	v8 =	vor.u32 s24, v35;
	_ =	sdelay $0x1  }
0x60b: {  	v7 =	vmul.f32 v7, v6;
	_ =	sdelay $0x1  }
0x60c: {  	[tilespmem:v9+s15+$0x0] =	vst.idx.msk $0xffff, v7  }
0x60d: {  	v7 =	vld.idx.msk [tilespmem:v8+s15+$0x0], $0xffff;
	_ =	sdelay $0x2  }
0x60e: {  	v9 =	vor.u32 s24, v36;
	_ =	sdelay $0x1  }
0x60f: {  	v7 =	vmul.f32 v7, v6;
	_ =	sdelay $0x1  }
0x610: {  	[tilespmem:v8+s15+$0x0] =	vst.idx.msk $0xffff, v7  }
0x611: {  	v7 =	vld.idx.msk [tilespmem:v9+s15+$0x0], $0xffff;
	_ =	sdelay $0x2  }
0x612: {  	v8 =	vor.u32 s24, v37;
	_ =	sdelay $0x1  }
0x613: {  	v7 =	vmul.f32 v7, v6;
	_ =	sdelay $0x1  }
0x614: {  	[tilespmem:v9+s15+$0x0] =	vst.idx.msk $0xffff, v7  }
0x615: {  	v7 =	vld.idx.msk [tilespmem:v8+s15+$0x0], $0xffff;
	_ =	sdelay $0x2  }
0x616: {  	v9 =	vor.u32 s24, v38;
	_ =	sdelay $0x1  }
0x617: {  	v7 =	vmul.f32 v7, v6;
	_ =	sdelay $0x1  }
0x618: {  	[tilespmem:v8+s15+$0x0] =	vst.idx.msk $0xffff, v7  }
0x619: {  	v7 =	vld.idx.msk [tilespmem:v9+s15+$0x0], $0xffff;
	_ =	sdelay $0x2  }
0x61a: {  	v8 =	vor.u32 s24, v2;
	_ =	sdelay $0x1  }
0x61b: {  	v7 =	vmul.f32 v7, v6;
	_ =	sdelay $0x1  }
0x61c: {  	[tilespmem:v9+s15+$0x0] =	vst.idx.msk $0xffff, v7  }
0x61d: {  	v7 =	vld.idx.msk [tilespmem:v8+s15+$0x0], $0xffff;
	_ =	sdelay $0x2  }
0x61e: {  	v9 =	vor.u32 s24, v3;
	_ =	sdelay $0x1  }
0x61f: {  	v7 =	vmul.f32 v7, v6;
	_ =	sdelay $0x1  }
0x620: {  	[tilespmem:v8+s15+$0x0] =	vst.idx.msk $0xffff, v7  }
0x621: {  	v7 =	vld.idx.msk [tilespmem:v9+s15+$0x0], $0xffff;
	_ =	sdelay $0x3  }
0x622: {  	v8 =	vor.u32 s24, v10  }
0x623: {  	v6 =	vmul.f32 v7, v6;
	_ =	sdelay $0x1  }
0x624: {  	[tilespmem:v9+s15+$0x0] =	vst.idx.msk $0xffff, v6  }
0x625: {  	v6 =	vld [tilespmem:s8+$0x0]  }
0x626: {  	v7 =	vld.idx.msk [tilespmem:v8+s15+$0x0], $0xffff;
	_ =	sdelay $0x2  }
0x627: {  	v9 =	vor.u32 s24, v11;
	_ =	sdelay $0x1  }
0x628: {  	v7 =	vmul.f32 v7, v6;
	_ =	sdelay $0x1  }
0x629: {  	[tilespmem:v8+s15+$0x0] =	vst.idx.msk $0xffff, v7  }
0x62a: {  	v7 =	vld.idx.msk [tilespmem:v9+s15+$0x0], $0xffff;
	_ =	sdelay $0x2  }
0x62b: {  	v8 =	vor.u32 s24, v12;
	_ =	sdelay $0x1  }
0x62c: {  	v7 =	vmul.f32 v7, v6;
	_ =	sdelay $0x1  }
0x62d: {  	[tilespmem:v9+s15+$0x0] =	vst.idx.msk $0xffff, v7  }
0x62e: {  	v7 =	vld.idx.msk [tilespmem:v8+s15+$0x0], $0xffff;
	_ =	sdelay $0x2  }
0x62f: {  	v9 =	vor.u32 s24, v13;
	_ =	sdelay $0x1  }
0x630: {  	v7 =	vmul.f32 v7, v6;
	_ =	sdelay $0x1  }
0x631: {  	[tilespmem:v8+s15+$0x0] =	vst.idx.msk $0xffff, v7  }
0x632: {  	v7 =	vld.idx.msk [tilespmem:v9+s15+$0x0], $0xffff;
	_ =	sdelay $0x2  }
0x633: {  	v8 =	vor.u32 s24, v39;
	_ =	sdelay $0x1  }
0x634: {  	v7 =	vmul.f32 v7, v6;
	_ =	sdelay $0x1  }
0x635: {  	[tilespmem:v9+s15+$0x0] =	vst.idx.msk $0xffff, v7  }
0x636: {  	v7 =	vld.idx.msk [tilespmem:v8+s15+$0x0], $0xffff;
	_ =	sdelay $0x2  }
0x637: {  	v9 =	vor.u32 s24, v40;
	_ =	sdelay $0x1  }
0x638: {  	v7 =	vmul.f32 v7, v6;
	_ =	sdelay $0x1  }
0x639: {  	[tilespmem:v8+s15+$0x0] =	vst.idx.msk $0xffff, v7  }
0x63a: {  	v7 =	vld.idx.msk [tilespmem:v9+s15+$0x0], $0xffff;
	_ =	sdelay $0x2  }
0x63b: {  	v8 =	vor.u32 s24, v41;
	_ =	sdelay $0x1  }
0x63c: {  	v7 =	vmul.f32 v7, v6;
	_ =	sdelay $0x1  }
0x63d: {  	[tilespmem:v9+s15+$0x0] =	vst.idx.msk $0xffff, v7  }
0x63e: {  	v7 =	vld.idx.msk [tilespmem:v8+s15+$0x0], $0xffff;
	_ =	sdelay $0x2  }
0x63f: {  	v9 =	vor.u32 s24, v42;
	_ =	sdelay $0x1  }
0x640: {  	v7 =	vmul.f32 v7, v6;
	_ =	sdelay $0x1  }
0x641: {  	[tilespmem:v8+s15+$0x0] =	vst.idx.msk $0xffff, v7  }
0x642: {  	v7 =	vld.idx.msk [tilespmem:v9+s15+$0x0], $0xffff;
	_ =	sdelay $0x3  }
0x643: {  	v8 =	vor.u32 s24, v43  }
0x644: {  	v6 =	vmul.f32 v7, v6;
	_ =	sdelay $0x1  }
0x645: {  	[tilespmem:v9+s15+$0x0] =	vst.idx.msk $0xffff, v6  }
0x646: {  	v6 =	vld [tilespmem:s8+$0x10]  }
0x647: {  	v7 =	vld.idx.msk [tilespmem:v8+s15+$0x0], $0xffff;
	_ =	sdelay $0x2  }
0x648: {  	v9 =	vor.u32 s24, v44;
	_ =	sdelay $0x1  }
0x649: {  	v7 =	vmul.f32 v7, v6;
	_ =	sdelay $0x1  }
0x64a: {  	[tilespmem:v8+s15+$0x0] =	vst.idx.msk $0xffff, v7  }
0x64b: {  	v7 =	vld.idx.msk [tilespmem:v9+s15+$0x0], $0xffff;
	_ =	sdelay $0x2  }
0x64c: {  	v8 =	vor.u32 s24, v45;
	_ =	sdelay $0x1  }
0x64d: {  	v7 =	vmul.f32 v7, v6;
	_ =	sdelay $0x1  }
0x64e: {  	[tilespmem:v9+s15+$0x0] =	vst.idx.msk $0xffff, v7  }
0x64f: {  	v7 =	vld.idx.msk [tilespmem:v8+s15+$0x0], $0xffff;
	_ =	sdelay $0x2  }
0x650: {  	v9 =	vor.u32 s24, v46;
	_ =	sdelay $0x1  }
0x651: {  	v7 =	vmul.f32 v7, v6;
	_ =	sdelay $0x1  }
0x652: {  	[tilespmem:v8+s15+$0x0] =	vst.idx.msk $0xffff, v7  }
0x653: {  	v7 =	vld.idx.msk [tilespmem:v9+s15+$0x0], $0xffff;
	_ =	sdelay $0x2  }
0x654: {  	v8 =	vor.u32 s24, v47;
	_ =	sdelay $0x1  }
0x655: {  	v7 =	vmul.f32 v7, v6;
	_ =	sdelay $0x1  }
0x656: {  	[tilespmem:v9+s15+$0x0] =	vst.idx.msk $0xffff, v7  }
0x657: {  	v7 =	vld.idx.msk [tilespmem:v8+s15+$0x0], $0xffff;
	_ =	sdelay $0x2  }
0x658: {  	v9 =	vor.u32 s24, v48;
	_ =	sdelay $0x1  }
0x659: {  	v7 =	vmul.f32 v7, v6;
	_ =	sdelay $0x1  }
0x65a: {  	[tilespmem:v8+s15+$0x0] =	vst.idx.msk $0xffff, v7  }
0x65b: {  	v7 =	vld.idx.msk [tilespmem:v9+s15+$0x0], $0xffff;
	_ =	sdelay $0x2  }
0x65c: {  	v8 =	vor.u32 s24, v49;
	_ =	sdelay $0x1  }
0x65d: {  	v7 =	vmul.f32 v7, v6;
	_ =	sdelay $0x1  }
0x65e: {  	[tilespmem:v9+s15+$0x0] =	vst.idx.msk $0xffff, v7  }
0x65f: {  	v7 =	vld.idx.msk [tilespmem:v8+s15+$0x0], $0xffff;
	_ =	sdelay $0x2  }
0x660: {  	v9 =	vor.u32 s24, v50;
	_ =	sdelay $0x1  }
0x661: {  	v7 =	vmul.f32 v7, v6;
	_ =	sdelay $0x1  }
0x662: {  	[tilespmem:v8+s15+$0x0] =	vst.idx.msk $0xffff, v7  }
0x663: {  	v7 =	vld.idx.msk [tilespmem:v9+s15+$0x0], $0xffff;
	_ =	sdelay $0x3  }
0x664: {  	v8 =	vor.u32 s24, v51  }
0x665: {  	v6 =	vmul.f32 v7, v6;
	_ =	sdelay $0x1  }
0x666: {  	[tilespmem:v9+s15+$0x0] =	vst.idx.msk $0xffff, v6  }
0x667: {  	v6 =	vld [tilespmem:s8+$0x20]  }
0x668: {  	v7 =	vld.idx.msk [tilespmem:v8+s15+$0x0], $0xffff;
	_ =	sdelay $0x2  }
0x669: {  	v9 =	vor.u32 s24, v52;
	_ =	sdelay $0x1  }
0x66a: {  	v7 =	vmul.f32 v7, v6;
	_ =	sdelay $0x1  }
0x66b: {  	[tilespmem:v8+s15+$0x0] =	vst.idx.msk $0xffff, v7  }
0x66c: {  	v7 =	vld.idx.msk [tilespmem:v9+s15+$0x0], $0xffff;
	_ =	sdelay $0x2  }
0x66d: {  	v8 =	vor.u32 s24, v53;
	_ =	sdelay $0x1  }
0x66e: {  	v7 =	vmul.f32 v7, v6;
	_ =	sdelay $0x1  }
0x66f: {  	[tilespmem:v9+s15+$0x0] =	vst.idx.msk $0xffff, v7  }
0x670: {  	v7 =	vld.idx.msk [tilespmem:v8+s15+$0x0], $0xffff;
	_ =	sdelay $0x2  }
0x671: {  	v9 =	vor.u32 s24, v54;
	_ =	sdelay $0x1  }
0x672: {  	v7 =	vmul.f32 v7, v6;
	_ =	sdelay $0x1  }
0x673: {  	[tilespmem:v8+s15+$0x0] =	vst.idx.msk $0xffff, v7  }
0x674: {  	v7 =	vld.idx.msk [tilespmem:v9+s15+$0x0], $0xffff;
	_ =	sdelay $0x2  }
0x675: {  	v8 =	vor.u32 s24, v55;
	_ =	sdelay $0x1  }
0x676: {  	v7 =	vmul.f32 v7, v6;
	_ =	sdelay $0x1  }
0x677: {  	[tilespmem:v9+s15+$0x0] =	vst.idx.msk $0xffff, v7  }
0x678: {  	v7 =	vld.idx.msk [tilespmem:v8+s15+$0x0], $0xffff;
	_ =	sdelay $0x2  }
0x679: {  	v9 =	vor.u32 s24, v56;
	_ =	sdelay $0x1  }
0x67a: {  	v7 =	vmul.f32 v7, v6;
	_ =	sdelay $0x1  }
0x67b: {  	[tilespmem:v8+s15+$0x0] =	vst.idx.msk $0xffff, v7  }
0x67c: {  	v7 =	vld.idx.msk [tilespmem:v9+s15+$0x0], $0xffff;
	_ =	sdelay $0x2  }
0x67d: {  	v8 =	vor.u32 s24, v57;
	_ =	sdelay $0x1  }
0x67e: {  	v7 =	vmul.f32 v7, v6;
	_ =	sdelay $0x1  }
0x67f: {  	[tilespmem:v9+s15+$0x0] =	vst.idx.msk $0xffff, v7  }
0x680: {  	v7 =	vld.idx.msk [tilespmem:v8+s15+$0x0], $0xffff;
	_ =	sdelay $0x2  }
0x681: {  	v9 =	vor.u32 s24, v58;
	_ =	sdelay $0x1  }
0x682: {  	v7 =	vmul.f32 v7, v6;
	_ =	sdelay $0x1  }
0x683: {  	[tilespmem:v8+s15+$0x0] =	vst.idx.msk $0xffff, v7  }
0x684: {  	v7 =	vld.idx.msk [tilespmem:v9+s15+$0x0], $0xffff;
	_ =	sdelay $0x3  }
0x685: {  	v8 =	vor.u32 s24, v59  }
0x686: {  	v6 =	vmul.f32 v7, v6;
	_ =	sdelay $0x1  }
0x687: {  	[tilespmem:v9+s15+$0x0] =	vst.idx.msk $0xffff, v6  }
0x688: {  	v6 =	vld [tilespmem:s8+$0x30]  }
0x689: {  	v7 =	vld.idx.msk [tilespmem:v8+s15+$0x0], $0xffff;
	_ =	sdelay $0x2  }
0x68a: {  	v9 =	vor.u32 s24, v60;
	_ =	sdelay $0x1  }
0x68b: {  	v7 =	vmul.f32 v7, v6;
	_ =	sdelay $0x1  }
0x68c: {  	[tilespmem:v8+s15+$0x0] =	vst.idx.msk $0xffff, v7  }
0x68d: {  	v7 =	vld.idx.msk [tilespmem:v9+s15+$0x0], $0xffff;
	_ =	sdelay $0x2  }
0x68e: {  	v8 =	vor.u32 s24, v61;
	_ =	sdelay $0x1  }
0x68f: {  	v7 =	vmul.f32 v7, v6;
	_ =	sdelay $0x1  }
0x690: {  	[tilespmem:v9+s15+$0x0] =	vst.idx.msk $0xffff, v7  }
0x691: {  	v7 =	vld.idx.msk [tilespmem:v8+s15+$0x0], $0xffff;
	_ =	sdelay $0x2  }
0x692: {  	v9 =	vor.u32 s24, v62;
	_ =	sdelay $0x1  }
0x693: {  	v7 =	vmul.f32 v7, v6;
	_ =	sdelay $0x1  }
0x694: {  	[tilespmem:v8+s15+$0x0] =	vst.idx.msk $0xffff, v7  }
0x695: {  	v7 =	vld.idx.msk [tilespmem:v9+s15+$0x0], $0xffff;
	_ =	sdelay $0x2  }
0x696: {  	v8 =	vor.u32 s24, v63;
	_ =	sdelay $0x1  }
0x697: {  	v7 =	vmul.f32 v7, v6;
	_ =	sdelay $0x1  }
0x698: {  	[tilespmem:v9+s15+$0x0] =	vst.idx.msk $0xffff, v7  }
0x699: {  	v7 =	vld.idx.msk [tilespmem:v8+s15+$0x0], $0xffff;
	_ =	sdelay $0x2  }
0x69a: {  	v9 =	vor.u32 s24, v1;
	_ =	sdelay $0x1  }
0x69b: {  	v7 =	vmul.f32 v7, v6;
	_ =	sdelay $0x1  }
0x69c: {  	[tilespmem:v8+s15+$0x0] =	vst.idx.msk $0xffff, v7  }
0x69d: {  	v7 =	vld.idx.msk [tilespmem:v9+s15+$0x0], $0xffff;
	_ =	sdelay $0x2  }
0x69e: {  	v8 =	vor.u32 s24, v4;
	_ =	sdelay $0x1  }
0x69f: {  	v7 =	vmul.f32 v7, v6;
	_ =	sdelay $0x1  }
0x6a0: {  	[tilespmem:v9+s15+$0x0] =	vst.idx.msk $0xffff, v7  }
0x6a1: {  	v7 =	vld.idx.msk [tilespmem:v8+s15+$0x0], $0xffff;
	_ =	sdelay $0x2  }
0x6a2: {  	v9 =	vor.u32 s24, v5;
	_ =	sdelay $0x1  }
0x6a3: {  	v7 =	vmul.f32 v7, v6;
	_ =	sdelay $0x1  }
0x6a4: {  	[tilespmem:v8+s15+$0x0] =	vst.idx.msk $0xffff, v7  }
0x6a5: {  	v7 =	vld.idx.msk [tilespmem:v9+s15+$0x0], $0xffff;
	_ =	sdelay $0x3  }
0x6a6: {  	p0 =	sne.s32 s20, $0x1F  }
.Ltmp7:
0x6a7: {  	v6 =	vmul.f32 v7, v6;
	(pc) =	sbr.rel @p0 .LBB2_17-.Ltmp7, $4  }
0x6a8: {  	_ = 	snop  }
0x6a9: {  	s20 =	sadd.s32 $0x1, s20;
	[tilespmem:v9+s15+$0x0] =	vst.idx.msk $0xffff, v6  }
0x6aa: {  	[spmem:s3] =	stream.indirect.scatter.add.f32 [tilespmem:s19], [sflag:$0x2], $0x8, s13, s25, $0xb8;
	[tilespmem:$0x10790] =	vst v63  }
0x6ab: {  	s8 =	sadd.s32 $0x80, s8;
	s19 =	sadd.s32 $0x400, s19;
	s13 =	sadd.s32 $0x80, s13  }
0x6ac: {  	_ =	swait.ge [sflag:s26], $0x400  }
0x6ad: {  	[sflag:s26] =	ssyncset.done $0x0  }
0x6ae: {  	[sflag:s26] =	ssyncadd.s32 $0xFFFFFC00  }
0x6af: {  	_ =	swait.ge [sflag:s26], $0x400  }
0x6b0: {  	[sflag:s26] =	ssyncset.done $0x0  }
0x6b1: {  	[sflag:s26] =	ssyncadd.s32 $0xFFFFFC00  }
0x6b2: {  	_ =	swait.ge [sflag:s26], $0x400  }
0x6b3: {  	[sflag:s26] =	ssyncset.done $0x0  }
0x6b4: {  	[sflag:s26] =	ssyncadd.s32 $0xFFFFFC00  }
0x6b5: {  	_ =	swait.ge [sflag:s26], $0x400  }
0x6b6: {  	[sflag:s26] =	ssyncset.done $0x0  }
0x6b7: {  	[sflag:s26] =	ssyncadd.s32 $0xFFFFFC00  }
0x6b8: {  	_ =	swait.ge [sflag:s26], $0x400  }
0x6b9: {  	[sflag:s26] =	ssyncset.done $0x0  }
0x6ba: {  	[sflag:s26] =	ssyncadd.s32 $0xFFFFFC00  }
0x6bb: {  	_ =	swait.ge [sflag:s26], $0x400  }
0x6bc: {  	[sflag:s26] =	ssyncset.done $0x0  }
0x6bd: {  	[sflag:s26] =	ssyncadd.s32 $0xFFFFFC00  }
0x6be: {  	_ =	swait.ge [sflag:s26], $0x400  }
0x6bf: {  	[sflag:s26] =	ssyncset.done $0x0  }
0x6c0: {  	[sflag:s26] =	ssyncadd.s32 $0xFFFFFC00  }
0x6c1: {  	_ =	swait.ge [sflag:s26], $0x400  }
0x6c2: {  	[sflag:s26] =	ssyncset.done $0x0  }
0x6c3: {  	[sflag:s26] =	ssyncadd.s32 $0xFFFFFC00  }
0x6c4: {  	_ =	swait.ge [sflag:s26], $0x400  }
0x6c5: {  	[sflag:s26] =	ssyncset.done $0x0  }
0x6c6: {  	[sflag:s26] =	ssyncadd.s32 $0xFFFFFC00  }
0x6c7: {  	_ =	swait.ge [sflag:s26], $0x400  }
0x6c8: {  	[sflag:s26] =	ssyncset.done $0x0  }
0x6c9: {  	[sflag:s26] =	ssyncadd.s32 $0xFFFFFC00  }
0x6ca: {  	_ =	swait.ge [sflag:s26], $0x400  }
0x6cb: {  	[sflag:s26] =	ssyncset.done $0x0  }
0x6cc: {  	[sflag:s26] =	ssyncadd.s32 $0xFFFFFC00  }
0x6cd: {  	_ =	swait.ge [sflag:s26], $0x400  }
0x6ce: {  	[sflag:s26] =	ssyncset.done $0x0  }
0x6cf: {  	[sflag:s26] =	ssyncadd.s32 $0xFFFFFC00  }
0x6d0: {  	_ =	swait.ge [sflag:s26], $0x400  }
0x6d1: {  	[sflag:s26] =	ssyncset.done $0x0  }
0x6d2: {  	[sflag:s26] =	ssyncadd.s32 $0xFFFFFC00  }
0x6d3: {  	_ =	swait.ge [sflag:s26], $0x400  }
0x6d4: {  	[sflag:s26] =	ssyncset.done $0x0  }
0x6d5: {  	[sflag:s26] =	ssyncadd.s32 $0xFFFFFC00  }
0x6d6: {  	_ =	swait.ge [sflag:s26], $0x400  }
0x6d7: {  	[sflag:s26] =	ssyncset.done $0x0  }
0x6d8: {  	[sflag:s26] =	ssyncadd.s32 $0xFFFFFC00  }
0x6d9: {  	_ =	swait.ge [sflag:s26], $0x400  }
0x6da: {  	[sflag:s26] =	ssyncset.done $0x0  }
0x6db: {  	[sflag:s26] =	ssyncadd.s32 $0xFFFFFC00  }
0x6dc: {  	_ =	swait.ge [sflag:s26], $0x400  }
0x6dd: {  	[sflag:s26] =	ssyncset.done $0x0  }
0x6de: {  	[sflag:s26] =	ssyncadd.s32 $0xFFFFFC00  }
0x6df: {  	_ =	swait.ge [sflag:s26], $0x400  }
0x6e0: {  	[sflag:s26] =	ssyncset.done $0x0  }
0x6e1: {  	[sflag:s26] =	ssyncadd.s32 $0xFFFFFC00  }
0x6e2: {  	_ =	swait.ge [sflag:s26], $0x400  }
0x6e3: {  	[sflag:s26] =	ssyncset.done $0x0  }
0x6e4: {  	[sflag:s26] =	ssyncadd.s32 $0xFFFFFC00  }
0x6e5: {  	_ =	swait.ge [sflag:s26], $0x400  }
0x6e6: {  	[sflag:s26] =	ssyncset.done $0x0  }
0x6e7: {  	[sflag:s26] =	ssyncadd.s32 $0xFFFFFC00  }
0x6e8: {  	_ =	swait.ge [sflag:s26], $0x400  }
0x6e9: {  	[sflag:s26] =	ssyncset.done $0x0  }
0x6ea: {  	[sflag:s26] =	ssyncadd.s32 $0xFFFFFC00  }
0x6eb: {  	_ =	swait.ge [sflag:s26], $0x400  }
0x6ec: {  	[sflag:s26] =	ssyncset.done $0x0  }
0x6ed: {  	[sflag:s26] =	ssyncadd.s32 $0xFFFFFC00  }
0x6ee: {  	_ =	swait.ge [sflag:s26], $0x400  }
0x6ef: {  	[sflag:s26] =	ssyncset.done $0x0  }
0x6f0: {  	[sflag:s26] =	ssyncadd.s32 $0xFFFFFC00  }
0x6f1: {  	_ =	swait.ge [sflag:s26], $0x400  }
0x6f2: {  	[sflag:s26] =	ssyncset.done $0x0  }
0x6f3: {  	[sflag:s26] =	ssyncadd.s32 $0xFFFFFC00  }
0x6f4: {  	_ =	swait.ge [sflag:s26], $0x400  }
0x6f5: {  	[sflag:s26] =	ssyncset.done $0x0  }
0x6f6: {  	[sflag:s26] =	ssyncadd.s32 $0xFFFFFC00  }
0x6f7: {  	_ =	swait.ge [sflag:s26], $0x400  }
0x6f8: {  	[sflag:s26] =	ssyncset.done $0x0  }
0x6f9: {  	[sflag:s26] =	ssyncadd.s32 $0xFFFFFC00  }
0x6fa: {  	_ =	swait.ge [sflag:s26], $0x400  }
0x6fb: {  	[sflag:s26] =	ssyncset.done $0x0  }
0x6fc: {  	[sflag:s26] =	ssyncadd.s32 $0xFFFFFC00  }
0x6fd: {  	_ =	swait.ge [sflag:s26], $0x400  }
0x6fe: {  	[sflag:s26] =	ssyncset.done $0x0  }
0x6ff: {  	[sflag:s26] =	ssyncadd.s32 $0xFFFFFC00  }
0x700: {  	_ =	swait.ge [sflag:s26], $0x400  }
0x701: {  	[sflag:s26] =	ssyncset.done $0x0  }
0x702: {  	[sflag:s26] =	ssyncadd.s32 $0xFFFFFC00  }
0x703: {  	_ =	swait.ge [sflag:s26], $0x400  }
0x704: {  	[sflag:s26] =	ssyncset.done $0x0  }
0x705: {  	s9 =	sadd.s32 $0x1, s9;
	[sflag:s26] =	ssyncadd.s32 $0xFFFFFC00  }
0x706: {  	p0 =	sne.s32 s9, $0x5;
	_ =	swait.ge [sflag:s26], $0x400  }
.Ltmp8:
0x707: {  	[sflag:s26] =	ssyncset.done $0x0;
	(pc) =	sbr.rel @p0 .LBB2_16-.Ltmp8, $4  }
0x708: {  	[sflag:s26] =	ssyncadd.s32 $0xFFFFFC00  }
0x709: {  	_ =	swait.ge [sflag:s26], $0x400  }
0x70a: {  	[sflag:s26] =	ssyncset.done $0x0  }
0x70b: {  	[sflag:s26] =	ssyncadd.s32 $0xFFFFFC00  }
0x70c: {  	v2 =	vld [tilespmem:$0x1FF90]  }
0x70d: {  	[bflag:$0x0] =	sbarrier.arrive $0xFFFF  }
0x70e: {  	v3 =	vld [tilespmem:$0x1FFB0];
	_ =	sdelay $0x1  }
0x70f: {  	s7 =	simm.s32 $0x0  }
0x710: {  	v7 =	vor.u32 s7, v2  }
0x711: {  	v1 =	vshll.u32 v7, $0x3  }
0x712: {  	v1 =	vor.u32 v3, v1  }
0x713: {  	[tilespmem:s23], [sflag:$0x3] =	stream.linear.gather [spmem:s21], $0x1400, $0x38;
	[tilespmem:$0x10790] =	vst v63  }
0x714: {  	_ =	swait.ge [sflag:s17], $0x1400  }
0x715: {  	[sflag:s17] =	ssyncset.done $0x0  }
0x716: {  	[sflag:s17] =	ssyncadd.s32 $0xFFFFEC00  }
0x717: {  	v5 =	vld.idx.msk [tilespmem:v1+s28+$0x0], $0xffff  }
0x718: {  	v6 =	vld.idx.msk [tilespmem:v1+s23+$0x0], $0xffff;
	_ =	sdelay $0x1  }
0x719: {  	s24 =	simm.s32 $0x2;
	v7 =	vld.idx.msk [tilespmem:v7+s29+$0x0], $0xffff  }
0x71a: {  	v4 =	vor.u32 s24, v2  }
0x71b: {  	s7 =	simm.s32 $0x4;
	v8 =	vshll.u32 v4, $0x3  }
.LBB2_20:
0x71c: {  	p0 =	sne.s32 s7, $0x27E;
	v8 =	vor.u32 v3, v8;
	v5 =	vadd.f32 v5, v6;
	_ =	sdelay $0x1  }
0x71d: {  	v5 =	vmul.f32 v5, v7;
	_ =	sdelay $0x1  }
0x71e: {  	[tilespmem:v1+s23+$0x0] =	vst.idx.msk $0xffff, v5;
	v1 =	vmov v8  }
0x71f: {  	v5 =	vld.idx.msk [tilespmem:v8+s28+$0x0], $0xffff  }
0x720: {  	v6 =	vld.idx.msk [tilespmem:v8+s23+$0x0], $0xffff  }
.Ltmp9:
0x721: {  	(pc) =	sbr.rel @p0 .LBB2_20-.Ltmp9, $3  }
0x722: {  	v7 =	vld.idx.msk [tilespmem:v4+s29+$0x0], $0xffff;
	_ =	sdelay $0x1  }
0x723: {  	v4 =	vor.u32 s7, v2  }
0x724: {  	s7 =	sadd.s32 $0x2, s7;
	v8 =	vshll.u32 v4, $0x3  }
0x725: {  	v8 =	vor.u32 v3, v8;
	v5 =	vadd.f32 v5, v6;
	_ =	sdelay $0x1  }
0x726: {  	v5 =	vmul.f32 v5, v7;
	_ =	sdelay $0x1  }
0x727: {  	[tilespmem:v1+s23+$0x0] =	vst.idx.msk $0xffff, v5  }
0x728: {  	v1 =	vld.idx.msk [tilespmem:v8+s28+$0x0], $0xffff  }
0x729: {  	v5 =	vld.idx.msk [tilespmem:v8+s23+$0x0], $0xffff;
	_ =	sdelay $0x1  }
0x72a: {  	v4 =	vld.idx.msk [tilespmem:v4+s29+$0x0], $0xffff;
	_ =	sdelay $0x2  }
0x72b: {  	v1 =	vadd.f32 v1, v5;
	_ =	sdelay $0x1  }
0x72c: {  	v1 =	vmul.f32 v1, v4;
	_ =	sdelay $0x1  }
0x72d: {  	s19 =	simm.s32 $0x0;
	s7 =	rddreg [dreg:$0xe];
	[tilespmem:v8+s23+$0x0] =	vst.idx.msk $0xffff, v1  }
0x72e: {  	[hbm4b:s7+s19] =	stream.linear.scatter [tilespmem:s23], [sflag:$0x3], $0x1400, $0x38;
	[tilespmem:$0x10790] =	vst v63  }
0x72f: {  	_ =	swait.ge [sflag:s17], $0x1400  }
0x730: {  	s8 =	rddreg [dreg:$0xf]  }
0x731: {  	s24 =	rddreg [dreg:$0xa];
	s8 =	sadd.s32 $0x1, s8  }
0x732: {  	p0 =	sne.s32 s8, s24  }
.Ltmp10:
0x733: {  	_ = 	snop;
	(pc) =	sbr.rel @p0 .LBB2_1-.Ltmp10, $3  }
0x734: {  	_ =	sdelay $0x1  }
0x735: {  	[sflag:s17] =	ssyncset.done $0x0  }
0x736: {  	s20 =	rddreg [dreg:$0x6];
	[sflag:s17] =	ssyncadd.s32 $0xFFFFEC00;
	s24 =	simm.s32 $0xD800  }
0x737: {  	_ =	sfence.sel $0x180000  }
0x738: {  	[bflag:$0x0] =	sbarrier.arrive $0xFFFF  }
0x739: {  	_ =	strace $0x90000047  }
0x73a: {  	s0 =	stileid.u32;
	[bflag:$0x2] =	sbarrier.arrive $0xFFFF  }
0x73b: {  	p0 =	sne.s32 s0, $0x0;
	s0 =	rddreg [dreg:$0x5]  }
0x73c: {  	s0 =	sadd.s32 @!p0 $0x100000, s0  }
0x73d: {  	[sflag:s0] =	ssyncadd.tile.s32 @!p0 $0x1;
	_ =	shalt  }
.Lfunc_end2:
_tile_overlayer_lowered:
.L_overlay_start_2:
0x73e: {  	(tag) =	ssettag $0x2  }
0x73f: {  	s0 =	rddreg [dreg:$0x0];
	s2 =	stileid.u32  }
0x740: {  	s1 =	rddreg [dreg:$0x1];
	p0 =	sne.s32 s2, $0x0  }
0x741: {  	s3 =	rddreg [dreg:$0x2];
	[bflag:$0x3] =	sbarrier.arrive $0xFFFF;
	s2 =	simm.s32 @!p0 $0x1C03  }
0x742: {  	[timem:s3], [sflag:s2] =	dma.local @!p0 [hbm:s0], s1  }
0x743: {  	s0 =	simm.s32 @!p0 $0x3  }
0x744: {  	_ =	swait.ge @!p0 [sflag:s0], s1  }
0x745: {  	s1 =	ssub.s32 @!p0 $0x0, s1;
	[sflag:s0] =	ssyncset.done @!p0 $0x0  }
0x746: {  	[sflag:s0] =	ssyncadd.s32 @!p0 s1  }
0x747: {  	[bflag:$0x3] =	sbarrier.arrive $0xFFFF  }
0x748: {  	_ =	shalt  }

</sc_bundles>
